<compile_context>
chip_gen: v7x
topology: tpu7x:2x2x1
jax: 0.10.2.dev20260603
libtpu: 0.0.44.dev20260713+nightly
codegen_flags: <defaults>
</compile_context>

<pallas_src>
import jax
import jax.numpy as jnp
from jax import lax
from jax.experimental import pallas as pl
from jax.experimental.pallas import tpu as pltpu
from jax.experimental.pallas import tpu_sc as plsc

N = 10000
E = 320000
H = 128
G = 64
OUT = 10
NC = 2
NS = 16
NW = NC * NS
EPT = E // NW
C = 100
NCHUNK = EPT // C
SUP = 5
NSUP = NCHUNK // SUP
NRING = 3
RPT = N // NS
WRT = 624
BN = 2000
NB = N // BN


def _agg_body(hf, ei_hbm, agg_hbm, srcb, dstb, rows_v, agg_sh, gsem, isem):
    c = lax.axis_index("c")
    s = lax.axis_index("s")
    w = c * NS + s

    def _zr(i, carry):
        for j in range(H // 16):
            rows_v[0, i, pl.ds(j * 16, 16)] = jnp.zeros((16,), jnp.float32)
        return carry
    lax.fori_loop(0, C, _zr, 0)
    for k in range(RPT // C):
        pltpu.sync_copy(rows_v.at[0], agg_sh.at[pl.ds(s * RPT + k * C, C)])
    _tail = RPT - (RPT // C) * C
    if _tail:
        pltpu.sync_copy(rows_v.at[0, pl.ds(0, _tail)],
                        agg_sh.at[pl.ds(s * RPT + (RPT // C) * C, _tail)])
    plsc.subcore_barrier()

    pltpu.sync_copy(ei_hbm.at[0, w, 0], srcb.at[0])
    pltpu.sync_copy(ei_hbm.at[1, w, 0], dstb.at[0])
    pltpu.sync_copy(ei_hbm.at[0, w, 1], srcb.at[1])
    pltpu.sync_copy(ei_hbm.at[1, w, 1], dstb.at[1])

    def _issue(i):
        m = lax.div(i, SUP)
        j = lax.rem(i, SUP)
        pltpu.async_copy(hf.at[srcb.at[lax.rem(m, 2), j]],
                         rows_v.at[lax.rem(i, NRING)], gsem)

    _issue(0)
    _issue(1)

    def _sup(m, carry):
        @pl.when(jnp.logical_and(m >= 1, m < NSUP - 1))
        def _():
            pltpu.make_async_copy(ei_hbm.at[0, w, 0], srcb.at[0], isem).wait()
            pltpu.make_async_copy(ei_hbm.at[1, w, 0], dstb.at[0], isem).wait()

        base = m * SUP
        for j in range(SUP):
            i = base + j
            nxt = i + 2

            @pl.when(nxt < NCHUNK)
            def _():
                _issue(nxt)

            slot = lax.rem(i, NRING)
            pltpu.make_async_copy(hf.at[srcb.at[0, 0]], rows_v.at[slot],
                                  gsem).wait()
            pltpu.sync_copy(rows_v.at[slot],
                            agg_sh.at[dstb.at[lax.rem(m, 2), j]], add=True)

        @pl.when(m + 2 < NSUP)
        def _():
            pltpu.async_copy(ei_hbm.at[0, w, m + 2], srcb.at[lax.rem(m, 2)],
                             isem)
            pltpu.async_copy(ei_hbm.at[1, w, m + 2], dstb.at[lax.rem(m, 2)],
                             isem)
        return carry
    lax.fori_loop(0, NSUP, _sup, 0)
    plsc.subcore_barrier()

    @pl.when(s < NS - 1)
    def _():
        pltpu.sync_copy(agg_sh.at[pl.ds(s * WRT, WRT)],
                        agg_hbm.at[c, pl.ds(s * WRT, WRT)])

    @pl.when(s == NS - 1)
    def _():
        pltpu.sync_copy(agg_sh.at[pl.ds((NS - 1) * WRT, N - (NS - 1) * WRT)],
                        agg_hbm.at[c, pl.ds((NS - 1) * WRT,
                                            N - (NS - 1) * WRT)])


_agg = pl.kernel(
    _agg_body,
    out_type=jax.ShapeDtypeStruct((NC, N, H), jnp.float32),
    mesh=plsc.VectorSubcoreMesh(core_axis_name="c", subcore_axis_name="s",
                                num_cores=NC, num_subcores=NS),
    scratch_types=[
        pltpu.VMEM((2, SUP, C), jnp.int32),
        pltpu.VMEM((2, SUP, C), jnp.int32),
        pltpu.VMEM((NRING, C, H), jnp.float32),
        pltpu.VMEM_SHARED((N, H), jnp.float32),
        pltpu.SemaphoreType.DMA,
        pltpu.SemaphoreType.DMA,
    ],
)


def _enc_body(x_ref, we_ref, be_ref, h_ref):
    h_ref[...] = jnp.dot(x_ref[...], we_ref[...],
                         preferred_element_type=jnp.float32) + be_ref[...]


_enc = pl.pallas_call(
    _enc_body,
    grid=(NB,),
    in_specs=[
        pl.BlockSpec((BN, H), lambda i: (i, 0)),
        pl.BlockSpec((H, H), lambda i: (0, 0)),
        pl.BlockSpec((1, H), lambda i: (0, 0)),
    ],
    out_specs=pl.BlockSpec((BN, H), lambda i: (i, 0)),
    out_shape=jax.ShapeDtypeStruct((N, H), jnp.float32),
)


def _self_body(h_ref, ws_ref, b_ref, s_ref):
    s_ref[...] = jnp.dot(h_ref[...], ws_ref[...],
                         preferred_element_type=jnp.float32) + b_ref[...]


_self = pl.pallas_call(
    _self_body,
    grid=(NB,),
    in_specs=[
        pl.BlockSpec((BN, H), lambda i: (i, 0)),
        pl.BlockSpec((H, H), lambda i: (0, 0)),
        pl.BlockSpec((1, H), lambda i: (0, 0)),
    ],
    out_specs=pl.BlockSpec((BN, H), lambda i: (i, 0)),
    out_shape=jax.ShapeDtypeStruct((N, H), jnp.float32),
)


def _combine_body(self_ref, a_ref, wn_ref, h_ref):
    agg = a_ref[0] + a_ref[1]
    h_ref[...] = jnp.maximum(
        self_ref[...] + jnp.dot(agg, wn_ref[...],
                                preferred_element_type=jnp.float32), 0.0)


_combine = pl.pallas_call(
    _combine_body,
    grid=(NB,),
    in_specs=[
        pl.BlockSpec((BN, H), lambda i: (i, 0)),
        pl.BlockSpec((NC, BN, H), lambda i: (0, i, 0)),
        pl.BlockSpec((H, H), lambda i: (0, 0)),
    ],
    out_specs=pl.BlockSpec((BN, H), lambda i: (i, 0)),
    out_shape=jax.ShapeDtypeStruct((N, H), jnp.float32),
)


def _last_body(self_ref, a_ref, wn_ref, batch_ref, wd_ref, bd_ref, o_ref):
    i = pl.program_id(0)
    agg = a_ref[0] + a_ref[1]
    h3 = self_ref[...] + jnp.dot(agg, wn_ref[...],
                                 preferred_element_type=jnp.float32)
    bvec = batch_ref[0]
    rows = lax.broadcasted_iota(jnp.int32, (G, BN), 0)
    m = (rows == bvec).astype(jnp.float32)
    g = jnp.dot(m, h3, preferred_element_type=jnp.float32)
    contrib = jnp.dot(g, wd_ref[...], preferred_element_type=jnp.float32)

    @pl.when(i == 0)
    def _():
        o_ref[...] = contrib + bd_ref[...]

    @pl.when(i > 0)
    def _():
        o_ref[...] += contrib


_last = pl.pallas_call(
    _last_body,
    grid=(NB,),
    in_specs=[
        pl.BlockSpec((BN, H), lambda i: (i, 0)),
        pl.BlockSpec((NC, BN, H), lambda i: (0, i, 0)),
        pl.BlockSpec((H, H), lambda i: (0, 0)),
        pl.BlockSpec((1, 1, BN), lambda i: (i, 0, 0)),
        pl.BlockSpec((H, OUT), lambda i: (0, 0)),
        pl.BlockSpec((1, OUT), lambda i: (0, 0)),
    ],
    out_specs=pl.BlockSpec((G, OUT), lambda i: (0, 0)),
    out_shape=jax.ShapeDtypeStruct((G, OUT), jnp.float32),
)


def kernel(x, edge_attr, edge_index, batch, W_enc, b_enc, W_self0, W_nbr0, b0,
           W_self1, W_nbr1, b1, W_self2, W_nbr2, b2, W_dec, b_dec):
    ei5 = edge_index.reshape(2, NW, NSUP, SUP, C)
    batch3 = batch.reshape(NB, 1, BN)

    h = _enc(x, W_enc, b_enc.reshape(1, H))
    a0 = _agg(h, ei5)
    self0 = _self(h, W_self0, b0.reshape(1, H))
    h = _combine(self0, a0, W_nbr0)
    a1 = _agg(h, ei5)
    self1 = _self(h, W_self1, b1.reshape(1, H))
    h = _combine(self1, a1, W_nbr1)
    a2 = _agg(h, ei5)
    self2 = _self(h, W_self2, b2.reshape(1, H))
    return _last(self2, a2, W_nbr2, batch3, W_dec, b_dec.reshape(1, OUT))

# --- scband reference (transcript-rebuilt; emitter-appended) ---
"""Pipeline reference for scband-gnn-31980326486103 (READ-ONLY COPY).

The authoritative reference and input builder live on the scoring server;
editing this copy changes nothing except your own understanding.
"""

import jax, jax.numpy as jnp
import numpy as np

N = 10000
E = 320000
D = 128
H = 128
OUT = 10
G = 64


def setup_inputs(seed: int = 0) -> dict:
    key = jax.random.key(seed)
    ks = jax.random.split(key, 20)
    x = jax.random.normal(ks[0], (N, D), dtype=jnp.float32)
    edge_index = jax.random.randint(ks[1], (2, E), 0, N, dtype=jnp.int32)
    edge_attr = jax.random.normal(ks[2], (E, 16), dtype=jnp.float32)
    batch = jnp.sort(jax.random.randint(ks[3], (N,), 0, G, dtype=jnp.int32))
    s_in = 1.0 / np.sqrt(D)
    s_h = 1.0 / np.sqrt(H)
    inp = {
        'x': x,
        'edge_attr': edge_attr,
        'edge_index': edge_index,
        'batch': batch,
        'W_enc': jax.random.normal(ks[4], (D, H), dtype=jnp.float32) * s_in,
        'b_enc': jnp.zeros((H,), dtype=jnp.float32),
        'W_self0': jax.random.normal(ks[5], (H, H), dtype=jnp.float32) * s_h,
        'W_nbr0': jax.random.normal(ks[6], (H, H), dtype=jnp.float32) * s_h,
        'b0': jnp.zeros((H,), dtype=jnp.float32),
        'W_self1': jax.random.normal(ks[7], (H, H), dtype=jnp.float32) * s_h,
        'W_nbr1': jax.random.normal(ks[8], (H, H), dtype=jnp.float32) * s_h,
        'b1': jnp.zeros((H,), dtype=jnp.float32),
        'W_self2': jax.random.normal(ks[9], (H, H), dtype=jnp.float32) * s_h,
        'W_nbr2': jax.random.normal(ks[10], (H, H), dtype=jnp.float32) * s_h,
        'b2': jnp.zeros((H,), dtype=jnp.float32),
        'W_dec': jax.random.normal(ks[11], (H, OUT), dtype=jnp.float32) * s_h,
        'b_dec': jnp.zeros((OUT,), dtype=jnp.float32),
    }
    return inp


def reference(x, edge_attr, edge_index, batch, W_enc, b_enc,
              W_self0, W_nbr0, b0, W_self1, W_nbr1, b1,
              W_self2, W_nbr2, b2, W_dec, b_dec):
    # node encoder (1 Linear layer; last encoder layer -> no nonlinearity after)
    h = x @ W_enc + b_enc
    src = edge_index[0]
    dst = edge_index[1]
    layers = [(W_self0, W_nbr0, b0), (W_self1, W_nbr1, b1), (W_self2, W_nbr2, b2)]
    n_layers = len(layers)
    for i, (Ws, Wn, b) in enumerate(layers):
        # message passing: gather from source nodes, scatter-add into destination nodes
        msg = jnp.take(h, src, axis=0)
        agg = jax.ops.segment_sum(msg, dst, num_segments=h.shape[0])
        h = h @ Ws + agg @ Wn + b
        # norm = Identity; relu between conv layers, not after the last one; dropout p=0
        if i != n_layers - 1:
            h = jax.nn.relu(h)
    # graph pooling: segment_csr with sorted batch ids and reduce='sum'
    g = jax.ops.segment_sum(h, batch, num_segments=G)
    # decoder (1 Linear layer)
    out = g @ W_dec + b_dec
    return out

if __name__ == "__main__":
    import jax
    _d = setup_inputs()
    print(jax.jit(kernel)(*tuple(_d.values())))

</pallas_src>

<mosaic_0001>
#map = affine_map<(d0, d1) -> (0, 0)>
#map1 = affine_map<(d0, d1) -> (0, 0, 0, 0, 0)>
#map2 = affine_map<(d0, d1) -> (0, 0, 0)>
module attributes {stable_mosaic.version = 14 : i64} {
  func.func @_agg_body(%arg0: i32, %arg1: i32, %arg2: memref<10000x128xf32, #tpu.memory_space<hbm>>, %arg3: memref<2x32x20x5x100xi32, #tpu.memory_space<hbm>>, %arg4: memref<2x10000x128xf32, #tpu.memory_space<hbm>>, %arg5: memref<2x5x100xi32, #tpu.memory_space<vmem>>, %arg6: memref<2x5x100xi32, #tpu.memory_space<vmem>>, %arg7: memref<3x100x128xf32, #tpu.memory_space<vmem>>, %arg8: memref<10000x128xf32, #tpu.memory_space<vmem_shared>>, %arg9: memref<!tpu.dma_semaphore, #tpu.memory_space<semaphore_mem>>, %arg10: memref<!tpu.dma_semaphore, #tpu.memory_space<semaphore_mem>>) attributes {dimension_semantics = [#tpu.dimension_semantics<core_parallel>, #tpu.dimension_semantics<subcore_parallel>], iteration_bounds = array<i64: 2, 16>, scalar_prefetch = 0 : i64, scratch_operands = 6 : i64, tpu.core_type = #tpu.core_type<sc_vector_subcore>, window_params = [{transform_indices = #map}, {transform_indices = #map1}, {transform_indices = #map2}]} {
    %mul3A = arith.constant 16 : i32
    %mul3A_0 = arith.muli %arg0, %mul3A : i32
    %add3A = arith.addi %mul3A_0, %arg1 : i32
    %scan3A = arith.constant 0 : i32
    %scan3A_1 = arith.constant 0 : i32
    %scan3A_2 = arith.constant 100 : i32
    %scan3A_3 = arith.addi %scan3A_1, %scan3A_2 : i32
    %scan3A_4 = arith.constant 1 : i32
    scf.for %scan3A_104 = %scan3A_1 to %scan3A_3 step %scan3A_4  : i32 {
      %broadcast_in_dim3A = arith.constant 0.000000e+00 : f32
      %broadcast_in_dim3A_105 = vector.broadcast %broadcast_in_dim3A : f32 to vector<16xf32>
      %swap3A = arith.constant 0 : i32
      %swap3A_106 = arith.index_cast %swap3A : i32 to index
      %swap3A_107 = arith.index_cast %scan3A_104 : i32 to index
      %swap3A_108 = arith.constant 0 : index
      %swap3A_109 = tpu.vector_load %arg7[%swap3A_106, %swap3A_107, %swap3A_108] {strides = array<i32>} : memref<3x100x128xf32, #tpu.memory_space<vmem>>, vector<1x1x16xf32>,
      %swap3A_110 = vector.shape_cast %swap3A_109 : vector<1x1x16xf32> to vector<16xf32>
      %swap3A_111 = vector.shape_cast %broadcast_in_dim3A_105 : vector<16xf32> to vector<1x1x16xf32>
      tpu.vector_store %arg7[%swap3A_106, %swap3A_107, %swap3A_108], %swap3A_111 {strides = array<i32>} : memref<3x100x128xf32, #tpu.memory_space<vmem>>, vector<1x1x16xf32>,
      %broadcast_in_dim3A_112 = arith.constant 0.000000e+00 : f32
      %broadcast_in_dim3A_113 = vector.broadcast %broadcast_in_dim3A_112 : f32 to vector<16xf32>
      %swap3A_114 = arith.constant 0 : i32
      %swap3A_115 = arith.index_cast %swap3A_114 : i32 to index
      %swap3A_116 = arith.index_cast %scan3A_104 : i32 to index
      %swap3A_117 = arith.constant 16 : index
      %swap3A_118 = tpu.vector_load %arg7[%swap3A_115, %swap3A_116, %swap3A_117] {strides = array<i32>} : memref<3x100x128xf32, #tpu.memory_space<vmem>>, vector<1x1x16xf32>,
      %swap3A_119 = vector.shape_cast %swap3A_118 : vector<1x1x16xf32> to vector<16xf32>
      %swap3A_120 = vector.shape_cast %broadcast_in_dim3A_113 : vector<16xf32> to vector<1x1x16xf32>
      tpu.vector_store %arg7[%swap3A_115, %swap3A_116, %swap3A_117], %swap3A_120 {strides = array<i32>} : memref<3x100x128xf32, #tpu.memory_space<vmem>>, vector<1x1x16xf32>,
      %broadcast_in_dim3A_121 = arith.constant 0.000000e+00 : f32
      %broadcast_in_dim3A_122 = vector.broadcast %broadcast_in_dim3A_121 : f32 to vector<16xf32>
      %swap3A_123 = arith.constant 0 : i32
      %swap3A_124 = arith.index_cast %swap3A_123 : i32 to index
      %swap3A_125 = arith.index_cast %scan3A_104 : i32 to index
      %swap3A_126 = arith.constant 32 : index
      %swap3A_127 = tpu.vector_load %arg7[%swap3A_124, %swap3A_125, %swap3A_126] {strides = array<i32>} : memref<3x100x128xf32, #tpu.memory_space<vmem>>, vector<1x1x16xf32>,
      %swap3A_128 = vector.shape_cast %swap3A_127 : vector<1x1x16xf32> to vector<16xf32>
      %swap3A_129 = vector.shape_cast %broadcast_in_dim3A_122 : vector<16xf32> to vector<1x1x16xf32>
      tpu.vector_store %arg7[%swap3A_124, %swap3A_125, %swap3A_126], %swap3A_129 {strides = array<i32>} : memref<3x100x128xf32, #tpu.memory_space<vmem>>, vector<1x1x16xf32>,
      %broadcast_in_dim3A_130 = arith.constant 0.000000e+00 : f32
      %broadcast_in_dim3A_131 = vector.broadcast %broadcast_in_dim3A_130 : f32 to vector<16xf32>
      %swap3A_132 = arith.constant 0 : i32
      %swap3A_133 = arith.index_cast %swap3A_132 : i32 to index
      %swap3A_134 = arith.index_cast %scan3A_104 : i32 to index
      %swap3A_135 = arith.constant 48 : index
      %swap3A_136 = tpu.vector_load %arg7[%swap3A_133, %swap3A_134, %swap3A_135] {strides = array<i32>} : memref<3x100x128xf32, #tpu.memory_space<vmem>>, vector<1x1x16xf32>,
      %swap3A_137 = vector.shape_cast %swap3A_136 : vector<1x1x16xf32> to vector<16xf32>
      %swap3A_138 = vector.shape_cast %broadcast_in_dim3A_131 : vector<16xf32> to vector<1x1x16xf32>
      tpu.vector_store %arg7[%swap3A_133, %swap3A_134, %swap3A_135], %swap3A_138 {strides = array<i32>} : memref<3x100x128xf32, #tpu.memory_space<vmem>>, vector<1x1x16xf32>,
      %broadcast_in_dim3A_139 = arith.constant 0.000000e+00 : f32
      %broadcast_in_dim3A_140 = vector.broadcast %broadcast_in_dim3A_139 : f32 to vector<16xf32>
      %swap3A_141 = arith.constant 0 : i32
      %swap3A_142 = arith.index_cast %swap3A_141 : i32 to index
      %swap3A_143 = arith.index_cast %scan3A_104 : i32 to index
      %swap3A_144 = arith.constant 64 : index
      %swap3A_145 = tpu.vector_load %arg7[%swap3A_142, %swap3A_143, %swap3A_144] {strides = array<i32>} : memref<3x100x128xf32, #tpu.memory_space<vmem>>, vector<1x1x16xf32>,
      %swap3A_146 = vector.shape_cast %swap3A_145 : vector<1x1x16xf32> to vector<16xf32>
      %swap3A_147 = vector.shape_cast %broadcast_in_dim3A_140 : vector<16xf32> to vector<1x1x16xf32>
      tpu.vector_store %arg7[%swap3A_142, %swap3A_143, %swap3A_144], %swap3A_147 {strides = array<i32>} : memref<3x100x128xf32, #tpu.memory_space<vmem>>, vector<1x1x16xf32>,
      %broadcast_in_dim3A_148 = arith.constant 0.000000e+00 : f32
      %broadcast_in_dim3A_149 = vector.broadcast %broadcast_in_dim3A_148 : f32 to vector<16xf32>
      %swap3A_150 = arith.constant 0 : i32
      %swap3A_151 = arith.index_cast %swap3A_150 : i32 to index
      %swap3A_152 = arith.index_cast %scan3A_104 : i32 to index
      %swap3A_153 = arith.constant 80 : index
      %swap3A_154 = tpu.vector_load %arg7[%swap3A_151, %swap3A_152, %swap3A_153] {strides = array<i32>} : memref<3x100x128xf32, #tpu.memory_space<vmem>>, vector<1x1x16xf32>,
      %swap3A_155 = vector.shape_cast %swap3A_154 : vector<1x1x16xf32> to vector<16xf32>
      %swap3A_156 = vector.shape_cast %broadcast_in_dim3A_149 : vector<16xf32> to vector<1x1x16xf32>
      tpu.vector_store %arg7[%swap3A_151, %swap3A_152, %swap3A_153], %swap3A_156 {strides = array<i32>} : memref<3x100x128xf32, #tpu.memory_space<vmem>>, vector<1x1x16xf32>,
      %broadcast_in_dim3A_157 = arith.constant 0.000000e+00 : f32
      %broadcast_in_dim3A_158 = vector.broadcast %broadcast_in_dim3A_157 : f32 to vector<16xf32>
      %swap3A_159 = arith.constant 0 : i32
      %swap3A_160 = arith.index_cast %swap3A_159 : i32 to index
      %swap3A_161 = arith.index_cast %scan3A_104 : i32 to index
      %swap3A_162 = arith.constant 96 : index
      %swap3A_163 = tpu.vector_load %arg7[%swap3A_160, %swap3A_161, %swap3A_162] {strides = array<i32>} : memref<3x100x128xf32, #tpu.memory_space<vmem>>, vector<1x1x16xf32>,
      %swap3A_164 = vector.shape_cast %swap3A_163 : vector<1x1x16xf32> to vector<16xf32>
      %swap3A_165 = vector.shape_cast %broadcast_in_dim3A_158 : vector<16xf32> to vector<1x1x16xf32>
      tpu.vector_store %arg7[%swap3A_160, %swap3A_161, %swap3A_162], %swap3A_165 {strides = array<i32>} : memref<3x100x128xf32, #tpu.memory_space<vmem>>, vector<1x1x16xf32>,
      %broadcast_in_dim3A_166 = arith.constant 0.000000e+00 : f32
      %broadcast_in_dim3A_167 = vector.broadcast %broadcast_in_dim3A_166 : f32 to vector<16xf32>
      %swap3A_168 = arith.constant 0 : i32
      %swap3A_169 = arith.index_cast %swap3A_168 : i32 to index
      %swap3A_170 = arith.index_cast %scan3A_104 : i32 to index
      %swap3A_171 = arith.constant 112 : index
      %swap3A_172 = tpu.vector_load %arg7[%swap3A_169, %swap3A_170, %swap3A_171] {strides = array<i32>} : memref<3x100x128xf32, #tpu.memory_space<vmem>>, vector<1x1x16xf32>,
      %swap3A_173 = vector.shape_cast %swap3A_172 : vector<1x1x16xf32> to vector<16xf32>
      %swap3A_174 = vector.shape_cast %broadcast_in_dim3A_167 : vector<16xf32> to vector<1x1x16xf32>
      tpu.vector_store %arg7[%swap3A_169, %swap3A_170, %swap3A_171], %swap3A_174 {strides = array<i32>} : memref<3x100x128xf32, #tpu.memory_space<vmem>>, vector<1x1x16xf32>,
    }
    %scan3A_5 = arith.constant 100 : i32
    %mul3A_6 = arith.constant 625 : i32
    %mul3A_7 = arith.muli %arg1, %mul3A_6 : i32
    %add3A_8 = arith.constant 0 : i32
    %add3A_9 = arith.addi %mul3A_7, %add3A_8 : i32
    %run_scoped3A = arith.constant 0 : i32
    "tpu.region"() ({
      %run_scoped3A_104 = tpu.sem_alloc : memref<!tpu.dma_semaphore, #tpu.memory_space<semaphore_mem>>
      %dma_start3A_105 = arith.constant 0 : i32
      %dma_start3A_106 = arith.constant 0 : i32
      %dma_start3A_107 = tpu.memref_slice %arg7[%run_scoped3A, %dma_start3A_105, %dma_start3A_106] : memref<3x100x128xf32, #tpu.memory_space<vmem>> -> memref<1x100x128xf32, #tpu.memory_space<vmem>>
      %dma_start3A_108 = tpu.memref_squeeze %dma_start3A_107 : memref<1x100x128xf32, #tpu.memory_space<vmem>> -> memref<100x128xf32, #tpu.memory_space<vmem>>
      %dma_start3A_109 = arith.constant 0 : i32
      %dma_start3A_110 = tpu.memref_slice %arg8[%add3A_9, %dma_start3A_109] : memref<10000x128xf32, #tpu.memory_space<vmem_shared>> -> memref<100x128xf32, #tpu.memory_space<vmem_shared>>
      %dma_start3A_111 = arith.constant 0 : i32
      %dma_start3A_112 = tpu.memref_slice %arg8[%add3A_9, %dma_start3A_111] : memref<10000x128xf32, #tpu.memory_space<vmem_shared>> -> memref<100x128xf32, #tpu.memory_space<vmem_shared>>
      %dma_start3A_113 = arith.constant 0 : i32
      %dma_start3A_114 = arith.constant 0 : i32
      %dma_start3A_115 = tpu.memref_slice %arg7[%run_scoped3A, %dma_start3A_113, %dma_start3A_114] : memref<3x100x128xf32, #tpu.memory_space<vmem>> -> memref<1x100x128xf32, #tpu.memory_space<vmem>>
      %dma_start3A_116 = tpu.memref_squeeze %dma_start3A_115 : memref<1x100x128xf32, #tpu.memory_space<vmem>> -> memref<100x128xf32, #tpu.memory_space<vmem>>
      tpu.enqueue_dma source(%dma_start3A_116 : memref<100x128xf32, #tpu.memory_space<vmem>>) target(%dma_start3A_112 : memref<100x128xf32, #tpu.memory_space<vmem_shared>>) target_semaphore(%run_scoped3A_104 : memref<!tpu.dma_semaphore, #tpu.memory_space<semaphore_mem>>)
      %dma_wait3A = arith.constant 0 : i32
      %dma_wait3A_117 = arith.constant 0 : i32
      %dma_wait3A_118 = tpu.memref_slice %arg7[%run_scoped3A, %dma_wait3A, %dma_wait3A_117] : memref<3x100x128xf32, #tpu.memory_space<vmem>> -> memref<1x100x128xf32, #tpu.memory_space<vmem>>
      %dma_wait3A_119 = tpu.memref_squeeze %dma_wait3A_118 : memref<1x100x128xf32, #tpu.memory_space<vmem>> -> memref<100x128xf32, #tpu.memory_space<vmem>>
      %dma_wait3A_120 = arith.constant 0 : i32
      %dma_wait3A_121 = tpu.memref_slice %arg8[%add3A_9, %dma_wait3A_120] : memref<10000x128xf32, #tpu.memory_space<vmem_shared>> -> memref<100x128xf32, #tpu.memory_space<vmem_shared>>
      %dma_wait3A_122 = arith.constant 0 : i32
      %dma_wait3A_123 = tpu.memref_slice %arg8[%add3A_9, %dma_wait3A_122] : memref<10000x128xf32, #tpu.memory_space<vmem_shared>> -> memref<100x128xf32, #tpu.memory_space<vmem_shared>>
      %dma_wait3A_124 = arith.constant 0 : i32
      %dma_wait3A_125 = arith.constant 0 : i32
      %dma_wait3A_126 = tpu.memref_slice %arg7[%run_scoped3A, %dma_wait3A_124, %dma_wait3A_125] : memref<3x100x128xf32, #tpu.memory_space<vmem>> -> memref<1x100x128xf32, #tpu.memory_space<vmem>>
      %dma_wait3A_127 = tpu.memref_squeeze %dma_wait3A_126 : memref<1x100x128xf32, #tpu.memory_space<vmem>> -> memref<100x128xf32, #tpu.memory_space<vmem>>
      tpu.wait_dma2 semaphore(%run_scoped3A_104 : memref<!tpu.dma_semaphore, #tpu.memory_space<semaphore_mem>>) src(%dma_wait3A_127 : memref<100x128xf32, #tpu.memory_space<vmem>>) dst(%dma_wait3A_123 : memref<100x128xf32, #tpu.memory_space<vmem_shared>>)
      tpu.yield
    }) : () -> ()
    %mul3A_10 = arith.constant 625 : i32
    %mul3A_11 = arith.muli %arg1, %mul3A_10 : i32
    %add3A_12 = arith.constant 100 : i32
    %add3A_13 = arith.addi %mul3A_11, %add3A_12 : i32
    %run_scoped3A_14 = arith.constant 0 : i32
    "tpu.region"() ({
      %run_scoped3A_104 = tpu.sem_alloc : memref<!tpu.dma_semaphore, #tpu.memory_space<semaphore_mem>>
      %dma_start3A_105 = arith.constant 0 : i32
      %dma_start3A_106 = arith.constant 0 : i32
      %dma_start3A_107 = tpu.memref_slice %arg7[%run_scoped3A_14, %dma_start3A_105, %dma_start3A_106] : memref<3x100x128xf32, #tpu.memory_space<vmem>> -> memref<1x100x128xf32, #tpu.memory_space<vmem>>
      %dma_start3A_108 = tpu.memref_squeeze %dma_start3A_107 : memref<1x100x128xf32, #tpu.memory_space<vmem>> -> memref<100x128xf32, #tpu.memory_space<vmem>>
      %dma_start3A_109 = arith.constant 0 : i32
      %dma_start3A_110 = tpu.memref_slice %arg8[%add3A_13, %dma_start3A_109] : memref<10000x128xf32, #tpu.memory_space<vmem_shared>> -> memref<100x128xf32, #tpu.memory_space<vmem_shared>>
      %dma_start3A_111 = arith.constant 0 : i32
      %dma_start3A_112 = tpu.memref_slice %arg8[%add3A_13, %dma_start3A_111] : memref<10000x128xf32, #tpu.memory_space<vmem_shared>> -> memref<100x128xf32, #tpu.memory_space<vmem_shared>>
      %dma_start3A_113 = arith.constant 0 : i32
      %dma_start3A_114 = arith.constant 0 : i32
      %dma_start3A_115 = tpu.memref_slice %arg7[%run_scoped3A_14, %dma_start3A_113, %dma_start3A_114] : memref<3x100x128xf32, #tpu.memory_space<vmem>> -> memref<1x100x128xf32, #tpu.memory_space<vmem>>
      %dma_start3A_116 = tpu.memref_squeeze %dma_start3A_115 : memref<1x100x128xf32, #tpu.memory_space<vmem>> -> memref<100x128xf32, #tpu.memory_space<vmem>>
      tpu.enqueue_dma source(%dma_start3A_116 : memref<100x128xf32, #tpu.memory_space<vmem>>) target(%dma_start3A_112 : memref<100x128xf32, #tpu.memory_space<vmem_shared>>) target_semaphore(%run_scoped3A_104 : memref<!tpu.dma_semaphore, #tpu.memory_space<semaphore_mem>>)
      %dma_wait3A = arith.constant 0 : i32
      %dma_wait3A_117 = arith.constant 0 : i32
      %dma_wait3A_118 = tpu.memref_slice %arg7[%run_scoped3A_14, %dma_wait3A, %dma_wait3A_117] : memref<3x100x128xf32, #tpu.memory_space<vmem>> -> memref<1x100x128xf32, #tpu.memory_space<vmem>>
      %dma_wait3A_119 = tpu.memref_squeeze %dma_wait3A_118 : memref<1x100x128xf32, #tpu.memory_space<vmem>> -> memref<100x128xf32, #tpu.memory_space<vmem>>
      %dma_wait3A_120 = arith.constant 0 : i32
      %dma_wait3A_121 = tpu.memref_slice %arg8[%add3A_13, %dma_wait3A_120] : memref<10000x128xf32, #tpu.memory_space<vmem_shared>> -> memref<100x128xf32, #tpu.memory_space<vmem_shared>>
      %dma_wait3A_122 = arith.constant 0 : i32
      %dma_wait3A_123 = tpu.memref_slice %arg8[%add3A_13, %dma_wait3A_122] : memref<10000x128xf32, #tpu.memory_space<vmem_shared>> -> memref<100x128xf32, #tpu.memory_space<vmem_shared>>
      %dma_wait3A_124 = arith.constant 0 : i32
      %dma_wait3A_125 = arith.constant 0 : i32
      %dma_wait3A_126 = tpu.memref_slice %arg7[%run_scoped3A_14, %dma_wait3A_124, %dma_wait3A_125] : memref<3x100x128xf32, #tpu.memory_space<vmem>> -> memref<1x100x128xf32, #tpu.memory_space<vmem>>
      %dma_wait3A_127 = tpu.memref_squeeze %dma_wait3A_126 : memref<1x100x128xf32, #tpu.memory_space<vmem>> -> memref<100x128xf32, #tpu.memory_space<vmem>>
      tpu.wait_dma2 semaphore(%run_scoped3A_104 : memref<!tpu.dma_semaphore, #tpu.memory_space<semaphore_mem>>) src(%dma_wait3A_127 : memref<100x128xf32, #tpu.memory_space<vmem>>) dst(%dma_wait3A_123 : memref<100x128xf32, #tpu.memory_space<vmem_shared>>)
      tpu.yield
    }) : () -> ()
    %mul3A_15 = arith.constant 625 : i32
    %mul3A_16 = arith.muli %arg1, %mul3A_15 : i32
    %add3A_17 = arith.constant 200 : i32
    %add3A_18 = arith.addi %mul3A_16, %add3A_17 : i32
    %run_scoped3A_19 = arith.constant 0 : i32
    "tpu.region"() ({
      %run_scoped3A_104 = tpu.sem_alloc : memref<!tpu.dma_semaphore, #tpu.memory_space<semaphore_mem>>
      %dma_start3A_105 = arith.constant 0 : i32
      %dma_start3A_106 = arith.constant 0 : i32
      %dma_start3A_107 = tpu.memref_slice %arg7[%run_scoped3A_19, %dma_start3A_105, %dma_start3A_106] : memref<3x100x128xf32, #tpu.memory_space<vmem>> -> memref<1x100x128xf32, #tpu.memory_space<vmem>>
      %dma_start3A_108 = tpu.memref_squeeze %dma_start3A_107 : memref<1x100x128xf32, #tpu.memory_space<vmem>> -> memref<100x128xf32, #tpu.memory_space<vmem>>
      %dma_start3A_109 = arith.constant 0 : i32
      %dma_start3A_110 = tpu.memref_slice %arg8[%add3A_18, %dma_start3A_109] : memref<10000x128xf32, #tpu.memory_space<vmem_shared>> -> memref<100x128xf32, #tpu.memory_space<vmem_shared>>
      %dma_start3A_111 = arith.constant 0 : i32
      %dma_start3A_112 = tpu.memref_slice %arg8[%add3A_18, %dma_start3A_111] : memref<10000x128xf32, #tpu.memory_space<vmem_shared>> -> memref<100x128xf32, #tpu.memory_space<vmem_shared>>
      %dma_start3A_113 = arith.constant 0 : i32
      %dma_start3A_114 = arith.constant 0 : i32
      %dma_start3A_115 = tpu.memref_slice %arg7[%run_scoped3A_19, %dma_start3A_113, %dma_start3A_114] : memref<3x100x128xf32, #tpu.memory_space<vmem>> -> memref<1x100x128xf32, #tpu.memory_space<vmem>>
      %dma_start3A_116 = tpu.memref_squeeze %dma_start3A_115 : memref<1x100x128xf32, #tpu.memory_space<vmem>> -> memref<100x128xf32, #tpu.memory_space<vmem>>
      tpu.enqueue_dma source(%dma_start3A_116 : memref<100x128xf32, #tpu.memory_space<vmem>>) target(%dma_start3A_112 : memref<100x128xf32, #tpu.memory_space<vmem_shared>>) target_semaphore(%run_scoped3A_104 : memref<!tpu.dma_semaphore, #tpu.memory_space<semaphore_mem>>)
      %dma_wait3A = arith.constant 0 : i32
      %dma_wait3A_117 = arith.constant 0 : i32
      %dma_wait3A_118 = tpu.memref_slice %arg7[%run_scoped3A_19, %dma_wait3A, %dma_wait3A_117] : memref<3x100x128xf32, #tpu.memory_space<vmem>> -> memref<1x100x128xf32, #tpu.memory_space<vmem>>
      %dma_wait3A_119 = tpu.memref_squeeze %dma_wait3A_118 : memref<1x100x128xf32, #tpu.memory_space<vmem>> -> memref<100x128xf32, #tpu.memory_space<vmem>>
      %dma_wait3A_120 = arith.constant 0 : i32
      %dma_wait3A_121 = tpu.memref_slice %arg8[%add3A_18, %dma_wait3A_120] : memref<10000x128xf32, #tpu.memory_space<vmem_shared>> -> memref<100x128xf32, #tpu.memory_space<vmem_shared>>
      %dma_wait3A_122 = arith.constant 0 : i32
      %dma_wait3A_123 = tpu.memref_slice %arg8[%add3A_18, %dma_wait3A_122] : memref<10000x128xf32, #tpu.memory_space<vmem_shared>> -> memref<100x128xf32, #tpu.memory_space<vmem_shared>>
      %dma_wait3A_124 = arith.constant 0 : i32
      %dma_wait3A_125 = arith.constant 0 : i32
      %dma_wait3A_126 = tpu.memref_slice %arg7[%run_scoped3A_19, %dma_wait3A_124, %dma_wait3A_125] : memref<3x100x128xf32, #tpu.memory_space<vmem>> -> memref<1x100x128xf32, #tpu.memory_space<vmem>>
      %dma_wait3A_127 = tpu.memref_squeeze %dma_wait3A_126 : memref<1x100x128xf32, #tpu.memory_space<vmem>> -> memref<100x128xf32, #tpu.memory_space<vmem>>
      tpu.wait_dma2 semaphore(%run_scoped3A_104 : memref<!tpu.dma_semaphore, #tpu.memory_space<semaphore_mem>>) src(%dma_wait3A_127 : memref<100x128xf32, #tpu.memory_space<vmem>>) dst(%dma_wait3A_123 : memref<100x128xf32, #tpu.memory_space<vmem_shared>>)
      tpu.yield
    }) : () -> ()
    %mul3A_20 = arith.constant 625 : i32
    %mul3A_21 = arith.muli %arg1, %mul3A_20 : i32
    %add3A_22 = arith.constant 300 : i32
    %add3A_23 = arith.addi %mul3A_21, %add3A_22 : i32
    %run_scoped3A_24 = arith.constant 0 : i32
    "tpu.region"() ({
      %run_scoped3A_104 = tpu.sem_alloc : memref<!tpu.dma_semaphore, #tpu.memory_space<semaphore_mem>>
      %dma_start3A_105 = arith.constant 0 : i32
      %dma_start3A_106 = arith.constant 0 : i32
      %dma_start3A_107 = tpu.memref_slice %arg7[%run_scoped3A_24, %dma_start3A_105, %dma_start3A_106] : memref<3x100x128xf32, #tpu.memory_space<vmem>> -> memref<1x100x128xf32, #tpu.memory_space<vmem>>
      %dma_start3A_108 = tpu.memref_squeeze %dma_start3A_107 : memref<1x100x128xf32, #tpu.memory_space<vmem>> -> memref<100x128xf32, #tpu.memory_space<vmem>>
      %dma_start3A_109 = arith.constant 0 : i32
      %dma_start3A_110 = tpu.memref_slice %arg8[%add3A_23, %dma_start3A_109] : memref<10000x128xf32, #tpu.memory_space<vmem_shared>> -> memref<100x128xf32, #tpu.memory_space<vmem_shared>>
      %dma_start3A_111 = arith.constant 0 : i32
      %dma_start3A_112 = tpu.memref_slice %arg8[%add3A_23, %dma_start3A_111] : memref<10000x128xf32, #tpu.memory_space<vmem_shared>> -> memref<100x128xf32, #tpu.memory_space<vmem_shared>>
      %dma_start3A_113 = arith.constant 0 : i32
      %dma_start3A_114 = arith.constant 0 : i32
      %dma_start3A_115 = tpu.memref_slice %arg7[%run_scoped3A_24, %dma_start3A_113, %dma_start3A_114] : memref<3x100x128xf32, #tpu.memory_space<vmem>> -> memref<1x100x128xf32, #tpu.memory_space<vmem>>
      %dma_start3A_116 = tpu.memref_squeeze %dma_start3A_115 : memref<1x100x128xf32, #tpu.memory_space<vmem>> -> memref<100x128xf32, #tpu.memory_space<vmem>>
      tpu.enqueue_dma source(%dma_start3A_116 : memref<100x128xf32, #tpu.memory_space<vmem>>) target(%dma_start3A_112 : memref<100x128xf32, #tpu.memory_space<vmem_shared>>) target_semaphore(%run_scoped3A_104 : memref<!tpu.dma_semaphore, #tpu.memory_space<semaphore_mem>>)
      %dma_wait3A = arith.constant 0 : i32
      %dma_wait3A_117 = arith.constant 0 : i32
      %dma_wait3A_118 = tpu.memref_slice %arg7[%run_scoped3A_24, %dma_wait3A, %dma_wait3A_117] : memref<3x100x128xf32, #tpu.memory_space<vmem>> -> memref<1x100x128xf32, #tpu.memory_space<vmem>>
      %dma_wait3A_119 = tpu.memref_squeeze %dma_wait3A_118 : memref<1x100x128xf32, #tpu.memory_space<vmem>> -> memref<100x128xf32, #tpu.memory_space<vmem>>
      %dma_wait3A_120 = arith.constant 0 : i32
      %dma_wait3A_121 = tpu.memref_slice %arg8[%add3A_23, %dma_wait3A_120] : memref<10000x128xf32, #tpu.memory_space<vmem_shared>> -> memref<100x128xf32, #tpu.memory_space<vmem_shared>>
      %dma_wait3A_122 = arith.constant 0 : i32
      %dma_wait3A_123 = tpu.memref_slice %arg8[%add3A_23, %dma_wait3A_122] : memref<10000x128xf32, #tpu.memory_space<vmem_shared>> -> memref<100x128xf32, #tpu.memory_space<vmem_shared>>
      %dma_wait3A_124 = arith.constant 0 : i32
      %dma_wait3A_125 = arith.constant 0 : i32
      %dma_wait3A_126 = tpu.memref_slice %arg7[%run_scoped3A_24, %dma_wait3A_124, %dma_wait3A_125] : memref<3x100x128xf32, #tpu.memory_space<vmem>> -> memref<1x100x128xf32, #tpu.memory_space<vmem>>
      %dma_wait3A_127 = tpu.memref_squeeze %dma_wait3A_126 : memref<1x100x128xf32, #tpu.memory_space<vmem>> -> memref<100x128xf32, #tpu.memory_space<vmem>>
      tpu.wait_dma2 semaphore(%run_scoped3A_104 : memref<!tpu.dma_semaphore, #tpu.memory_space<semaphore_mem>>) src(%dma_wait3A_127 : memref<100x128xf32, #tpu.memory_space<vmem>>) dst(%dma_wait3A_123 : memref<100x128xf32, #tpu.memory_space<vmem_shared>>)
      tpu.yield
    }) : () -> ()
    %mul3A_25 = arith.constant 625 : i32
    %mul3A_26 = arith.muli %arg1, %mul3A_25 : i32
    %add3A_27 = arith.constant 400 : i32
    %add3A_28 = arith.addi %mul3A_26, %add3A_27 : i32
    %run_scoped3A_29 = arith.constant 0 : i32
    "tpu.region"() ({
      %run_scoped3A_104 = tpu.sem_alloc : memref<!tpu.dma_semaphore, #tpu.memory_space<semaphore_mem>>
      %dma_start3A_105 = arith.constant 0 : i32
      %dma_start3A_106 = arith.constant 0 : i32
      %dma_start3A_107 = tpu.memref_slice %arg7[%run_scoped3A_29, %dma_start3A_105, %dma_start3A_106] : memref<3x100x128xf32, #tpu.memory_space<vmem>> -> memref<1x100x128xf32, #tpu.memory_space<vmem>>
      %dma_start3A_108 = tpu.memref_squeeze %dma_start3A_107 : memref<1x100x128xf32, #tpu.memory_space<vmem>> -> memref<100x128xf32, #tpu.memory_space<vmem>>
      %dma_start3A_109 = arith.constant 0 : i32
      %dma_start3A_110 = tpu.memref_slice %arg8[%add3A_28, %dma_start3A_109] : memref<10000x128xf32, #tpu.memory_space<vmem_shared>> -> memref<100x128xf32, #tpu.memory_space<vmem_shared>>
      %dma_start3A_111 = arith.constant 0 : i32
      %dma_start3A_112 = tpu.memref_slice %arg8[%add3A_28, %dma_start3A_111] : memref<10000x128xf32, #tpu.memory_space<vmem_shared>> -> memref<100x128xf32, #tpu.memory_space<vmem_shared>>
      %dma_start3A_113 = arith.constant 0 : i32
      %dma_start3A_114 = arith.constant 0 : i32
      %dma_start3A_115 = tpu.memref_slice %arg7[%run_scoped3A_29, %dma_start3A_113, %dma_start3A_114] : memref<3x100x128xf32, #tpu.memory_space<vmem>> -> memref<1x100x128xf32, #tpu.memory_space<vmem>>
      %dma_start3A_116 = tpu.memref_squeeze %dma_start3A_115 : memref<1x100x128xf32, #tpu.memory_space<vmem>> -> memref<100x128xf32, #tpu.memory_space<vmem>>
      tpu.enqueue_dma source(%dma_start3A_116 : memref<100x128xf32, #tpu.memory_space<vmem>>) target(%dma_start3A_112 : memref<100x128xf32, #tpu.memory_space<vmem_shared>>) target_semaphore(%run_scoped3A_104 : memref<!tpu.dma_semaphore, #tpu.memory_space<semaphore_mem>>)
      %dma_wait3A = arith.constant 0 : i32
      %dma_wait3A_117 = arith.constant 0 : i32
      %dma_wait3A_118 = tpu.memref_slice %arg7[%run_scoped3A_29, %dma_wait3A, %dma_wait3A_117] : memref<3x100x128xf32, #tpu.memory_space<vmem>> -> memref<1x100x128xf32, #tpu.memory_space<vmem>>
      %dma_wait3A_119 = tpu.memref_squeeze %dma_wait3A_118 : memref<1x100x128xf32, #tpu.memory_space<vmem>> -> memref<100x128xf32, #tpu.memory_space<vmem>>
      %dma_wait3A_120 = arith.constant 0 : i32
      %dma_wait3A_121 = tpu.memref_slice %arg8[%add3A_28, %dma_wait3A_120] : memref<10000x128xf32, #tpu.memory_space<vmem_shared>> -> memref<100x128xf32, #tpu.memory_space<vmem_shared>>
      %dma_wait3A_122 = arith.constant 0 : i32
      %dma_wait3A_123 = tpu.memref_slice %arg8[%add3A_28, %dma_wait3A_122] : memref<10000x128xf32, #tpu.memory_space<vmem_shared>> -> memref<100x128xf32, #tpu.memory_space<vmem_shared>>
      %dma_wait3A_124 = arith.constant 0 : i32
      %dma_wait3A_125 = arith.constant 0 : i32
      %dma_wait3A_126 = tpu.memref_slice %arg7[%run_scoped3A_29, %dma_wait3A_124, %dma_wait3A_125] : memref<3x100x128xf32, #tpu.memory_space<vmem>> -> memref<1x100x128xf32, #tpu.memory_space<vmem>>
      %dma_wait3A_127 = tpu.memref_squeeze %dma_wait3A_126 : memref<1x100x128xf32, #tpu.memory_space<vmem>> -> memref<100x128xf32, #tpu.memory_space<vmem>>
      tpu.wait_dma2 semaphore(%run_scoped3A_104 : memref<!tpu.dma_semaphore, #tpu.memory_space<semaphore_mem>>) src(%dma_wait3A_127 : memref<100x128xf32, #tpu.memory_space<vmem>>) dst(%dma_wait3A_123 : memref<100x128xf32, #tpu.memory_space<vmem_shared>>)
      tpu.yield
    }) : () -> ()
    %mul3A_30 = arith.constant 625 : i32
    %mul3A_31 = arith.muli %arg1, %mul3A_30 : i32
    %add3A_32 = arith.constant 500 : i32
    %add3A_33 = arith.addi %mul3A_31, %add3A_32 : i32
    %run_scoped3A_34 = arith.constant 0 : i32
    "tpu.region"() ({
      %run_scoped3A_104 = tpu.sem_alloc : memref<!tpu.dma_semaphore, #tpu.memory_space<semaphore_mem>>
      %dma_start3A_105 = arith.constant 0 : i32
      %dma_start3A_106 = arith.constant 0 : i32
      %dma_start3A_107 = tpu.memref_slice %arg7[%run_scoped3A_34, %dma_start3A_105, %dma_start3A_106] : memref<3x100x128xf32, #tpu.memory_space<vmem>> -> memref<1x100x128xf32, #tpu.memory_space<vmem>>
      %dma_start3A_108 = tpu.memref_squeeze %dma_start3A_107 : memref<1x100x128xf32, #tpu.memory_space<vmem>> -> memref<100x128xf32, #tpu.memory_space<vmem>>
      %dma_start3A_109 = arith.constant 0 : i32
      %dma_start3A_110 = tpu.memref_slice %arg8[%add3A_33, %dma_start3A_109] : memref<10000x128xf32, #tpu.memory_space<vmem_shared>> -> memref<100x128xf32, #tpu.memory_space<vmem_shared>>
      %dma_start3A_111 = arith.constant 0 : i32
      %dma_start3A_112 = tpu.memref_slice %arg8[%add3A_33, %dma_start3A_111] : memref<10000x128xf32, #tpu.memory_space<vmem_shared>> -> memref<100x128xf32, #tpu.memory_space<vmem_shared>>
      %dma_start3A_113 = arith.constant 0 : i32
      %dma_start3A_114 = arith.constant 0 : i32
      %dma_start3A_115 = tpu.memref_slice %arg7[%run_scoped3A_34, %dma_start3A_113, %dma_start3A_114] : memref<3x100x128xf32, #tpu.memory_space<vmem>> -> memref<1x100x128xf32, #tpu.memory_space<vmem>>
      %dma_start3A_116 = tpu.memref_squeeze %dma_start3A_115 : memref<1x100x128xf32, #tpu.memory_space<vmem>> -> memref<100x128xf32, #tpu.memory_space<vmem>>
      tpu.enqueue_dma source(%dma_start3A_116 : memref<100x128xf32, #tpu.memory_space<vmem>>) target(%dma_start3A_112 : memref<100x128xf32, #tpu.memory_space<vmem_shared>>) target_semaphore(%run_scoped3A_104 : memref<!tpu.dma_semaphore, #tpu.memory_space<semaphore_mem>>)
      %dma_wait3A = arith.constant 0 : i32
      %dma_wait3A_117 = arith.constant 0 : i32
      %dma_wait3A_118 = tpu.memref_slice %arg7[%run_scoped3A_34, %dma_wait3A, %dma_wait3A_117] : memref<3x100x128xf32, #tpu.memory_space<vmem>> -> memref<1x100x128xf32, #tpu.memory_space<vmem>>
      %dma_wait3A_119 = tpu.memref_squeeze %dma_wait3A_118 : memref<1x100x128xf32, #tpu.memory_space<vmem>> -> memref<100x128xf32, #tpu.memory_space<vmem>>
      %dma_wait3A_120 = arith.constant 0 : i32
      %dma_wait3A_121 = tpu.memref_slice %arg8[%add3A_33, %dma_wait3A_120] : memref<10000x128xf32, #tpu.memory_space<vmem_shared>> -> memref<100x128xf32, #tpu.memory_space<vmem_shared>>
      %dma_wait3A_122 = arith.constant 0 : i32
      %dma_wait3A_123 = tpu.memref_slice %arg8[%add3A_33, %dma_wait3A_122] : memref<10000x128xf32, #tpu.memory_space<vmem_shared>> -> memref<100x128xf32, #tpu.memory_space<vmem_shared>>
      %dma_wait3A_124 = arith.constant 0 : i32
      %dma_wait3A_125 = arith.constant 0 : i32
      %dma_wait3A_126 = tpu.memref_slice %arg7[%run_scoped3A_34, %dma_wait3A_124, %dma_wait3A_125] : memref<3x100x128xf32, #tpu.memory_space<vmem>> -> memref<1x100x128xf32, #tpu.memory_space<vmem>>
      %dma_wait3A_127 = tpu.memref_squeeze %dma_wait3A_126 : memref<1x100x128xf32, #tpu.memory_space<vmem>> -> memref<100x128xf32, #tpu.memory_space<vmem>>
      tpu.wait_dma2 semaphore(%run_scoped3A_104 : memref<!tpu.dma_semaphore, #tpu.memory_space<semaphore_mem>>) src(%dma_wait3A_127 : memref<100x128xf32, #tpu.memory_space<vmem>>) dst(%dma_wait3A_123 : memref<100x128xf32, #tpu.memory_space<vmem_shared>>)
      tpu.yield
    }) : () -> ()
    %mul3A_35 = arith.constant 625 : i32
    %mul3A_36 = arith.muli %arg1, %mul3A_35 : i32
    %add3A_37 = arith.constant 600 : i32
    %add3A_38 = arith.addi %mul3A_36, %add3A_37 : i32
    %run_scoped3A_39 = arith.constant 0 : i32
    "tpu.region"() ({
      %run_scoped3A_104 = tpu.sem_alloc : memref<!tpu.dma_semaphore, #tpu.memory_space<semaphore_mem>>
      %dma_start3A_105 = arith.constant 0 : i32
      %dma_start3A_106 = arith.constant 0 : i32
      %dma_start3A_107 = tpu.memref_slice %arg7[%run_scoped3A_39, %dma_start3A_105, %dma_start3A_106] : memref<3x100x128xf32, #tpu.memory_space<vmem>> -> memref<1x25x128xf32, #tpu.memory_space<vmem>>
      %dma_start3A_108 = tpu.memref_squeeze %dma_start3A_107 : memref<1x25x128xf32, #tpu.memory_space<vmem>> -> memref<25x128xf32, #tpu.memory_space<vmem>>
      %dma_start3A_109 = arith.constant 0 : i32
      %dma_start3A_110 = tpu.memref_slice %arg8[%add3A_38, %dma_start3A_109] : memref<10000x128xf32, #tpu.memory_space<vmem_shared>> -> memref<25x128xf32, #tpu.memory_space<vmem_shared>>
      %dma_start3A_111 = arith.constant 0 : i32
      %dma_start3A_112 = tpu.memref_slice %arg8[%add3A_38, %dma_start3A_111] : memref<10000x128xf32, #tpu.memory_space<vmem_shared>> -> memref<25x128xf32, #tpu.memory_space<vmem_shared>>
      %dma_start3A_113 = arith.constant 0 : i32
      %dma_start3A_114 = arith.constant 0 : i32
      %dma_start3A_115 = tpu.memref_slice %arg7[%run_scoped3A_39, %dma_start3A_113, %dma_start3A_114] : memref<3x100x128xf32, #tpu.memory_space<vmem>> -> memref<1x25x128xf32, #tpu.memory_space<vmem>>
      %dma_start3A_116 = tpu.memref_squeeze %dma_start3A_115 : memref<1x25x128xf32, #tpu.memory_space<vmem>> -> memref<25x128xf32, #tpu.memory_space<vmem>>
      tpu.enqueue_dma source(%dma_start3A_116 : memref<25x128xf32, #tpu.memory_space<vmem>>) target(%dma_start3A_112 : memref<25x128xf32, #tpu.memory_space<vmem_shared>>) target_semaphore(%run_scoped3A_104 : memref<!tpu.dma_semaphore, #tpu.memory_space<semaphore_mem>>)
      %dma_wait3A = arith.constant 0 : i32
      %dma_wait3A_117 = arith.constant 0 : i32
      %dma_wait3A_118 = tpu.memref_slice %arg7[%run_scoped3A_39, %dma_wait3A, %dma_wait3A_117] : memref<3x100x128xf32, #tpu.memory_space<vmem>> -> memref<1x25x128xf32, #tpu.memory_space<vmem>>
      %dma_wait3A_119 = tpu.memref_squeeze %dma_wait3A_118 : memref<1x25x128xf32, #tpu.memory_space<vmem>> -> memref<25x128xf32, #tpu.memory_space<vmem>>
      %dma_wait3A_120 = arith.constant 0 : i32
      %dma_wait3A_121 = tpu.memref_slice %arg8[%add3A_38, %dma_wait3A_120] : memref<10000x128xf32, #tpu.memory_space<vmem_shared>> -> memref<25x128xf32, #tpu.memory_space<vmem_shared>>
      %dma_wait3A_122 = arith.constant 0 : i32
      %dma_wait3A_123 = tpu.memref_slice %arg8[%add3A_38, %dma_wait3A_122] : memref<10000x128xf32, #tpu.memory_space<vmem_shared>> -> memref<25x128xf32, #tpu.memory_space<vmem_shared>>
      %dma_wait3A_124 = arith.constant 0 : i32
      %dma_wait3A_125 = arith.constant 0 : i32
      %dma_wait3A_126 = tpu.memref_slice %arg7[%run_scoped3A_39, %dma_wait3A_124, %dma_wait3A_125] : memref<3x100x128xf32, #tpu.memory_space<vmem>> -> memref<1x25x128xf32, #tpu.memory_space<vmem>>
      %dma_wait3A_127 = tpu.memref_squeeze %dma_wait3A_126 : memref<1x25x128xf32, #tpu.memory_space<vmem>> -> memref<25x128xf32, #tpu.memory_space<vmem>>
      tpu.wait_dma2 semaphore(%run_scoped3A_104 : memref<!tpu.dma_semaphore, #tpu.memory_space<semaphore_mem>>) src(%dma_wait3A_127 : memref<25x128xf32, #tpu.memory_space<vmem>>) dst(%dma_wait3A_123 : memref<25x128xf32, #tpu.memory_space<vmem_shared>>)
      tpu.yield
    }) : () -> ()
    %barrier3A = arith.constant 0 : index
    tpu.barrier barrier_id(%barrier3A)
    %run_scoped3A_40 = arith.constant 0 : i32
    %run_scoped3A_41 = arith.constant 0 : i32
    %run_scoped3A_42 = arith.constant 0 : i32
    "tpu.region"() ({
      %run_scoped3A_104 = tpu.sem_alloc : memref<!tpu.dma_semaphore, #tpu.memory_space<semaphore_mem>>
      %dma_start3A_105 = arith.constant 0 : i32
      %dma_start3A_106 = arith.constant 0 : i32
      %dma_start3A_107 = tpu.memref_slice %arg5[%run_scoped3A_42, %dma_start3A_105, %dma_start3A_106] : memref<2x5x100xi32, #tpu.memory_space<vmem>> -> memref<1x5x100xi32, #tpu.memory_space<vmem>>
      %dma_start3A_108 = tpu.memref_squeeze %dma_start3A_107 : memref<1x5x100xi32, #tpu.memory_space<vmem>> -> memref<5x100xi32, #tpu.memory_space<vmem>>
      %dma_start3A_109 = arith.constant 0 : i32
      %dma_start3A_110 = arith.constant 0 : i32
      %dma_start3A_111 = tpu.memref_slice %arg3[%run_scoped3A_40, %add3A, %run_scoped3A_41, %dma_start3A_109, %dma_start3A_110] : memref<2x32x20x5x100xi32, #tpu.memory_space<hbm>> -> memref<1x1x1x5x100xi32, #tpu.memory_space<hbm>>
      %dma_start3A_112 = tpu.memref_squeeze %dma_start3A_111 : memref<1x1x1x5x100xi32, #tpu.memory_space<hbm>> -> memref<5x100xi32, #tpu.memory_space<hbm>>
      %dma_start3A_113 = arith.constant 0 : i32
      %dma_start3A_114 = arith.constant 0 : i32
      %dma_start3A_115 = tpu.memref_slice %arg5[%run_scoped3A_42, %dma_start3A_113, %dma_start3A_114] : memref<2x5x100xi32, #tpu.memory_space<vmem>> -> memref<1x5x100xi32, #tpu.memory_space<vmem>>
      %dma_start3A_116 = tpu.memref_squeeze %dma_start3A_115 : memref<1x5x100xi32, #tpu.memory_space<vmem>> -> memref<5x100xi32, #tpu.memory_space<vmem>>
      %dma_start3A_117 = arith.constant 0 : i32
      %dma_start3A_118 = arith.constant 0 : i32
      %dma_start3A_119 = tpu.memref_slice %arg3[%run_scoped3A_40, %add3A, %run_scoped3A_41, %dma_start3A_117, %dma_start3A_118] : memref<2x32x20x5x100xi32, #tpu.memory_space<hbm>> -> memref<1x1x1x5x100xi32, #tpu.memory_space<hbm>>
      %dma_start3A_120 = tpu.memref_squeeze %dma_start3A_119 : memref<1x1x1x5x100xi32, #tpu.memory_space<hbm>> -> memref<5x100xi32, #tpu.memory_space<hbm>>
      tpu.enqueue_dma source(%dma_start3A_120 : memref<5x100xi32, #tpu.memory_space<hbm>>) target(%dma_start3A_116 : memref<5x100xi32, #tpu.memory_space<vmem>>) target_semaphore(%run_scoped3A_104 : memref<!tpu.dma_semaphore, #tpu.memory_space<semaphore_mem>>)
      %dma_wait3A = arith.constant 0 : i32
      %dma_wait3A_121 = arith.constant 0 : i32
      %dma_wait3A_122 = tpu.memref_slice %arg5[%run_scoped3A_42, %dma_wait3A, %dma_wait3A_121] : memref<2x5x100xi32, #tpu.memory_space<vmem>> -> memref<1x5x100xi32, #tpu.memory_space<vmem>>
      %dma_wait3A_123 = tpu.memref_squeeze %dma_wait3A_122 : memref<1x5x100xi32, #tpu.memory_space<vmem>> -> memref<5x100xi32, #tpu.memory_space<vmem>>
      %dma_wait3A_124 = arith.constant 0 : i32
      %dma_wait3A_125 = arith.constant 0 : i32
      %dma_wait3A_126 = tpu.memref_slice %arg3[%run_scoped3A_40, %add3A, %run_scoped3A_41, %dma_wait3A_124, %dma_wait3A_125] : memref<2x32x20x5x100xi32, #tpu.memory_space<hbm>> -> memref<1x1x1x5x100xi32, #tpu.memory_space<hbm>>
      %dma_wait3A_127 = tpu.memref_squeeze %dma_wait3A_126 : memref<1x1x1x5x100xi32, #tpu.memory_space<hbm>> -> memref<5x100xi32, #tpu.memory_space<hbm>>
      %dma_wait3A_128 = arith.constant 0 : i32
      %dma_wait3A_129 = arith.constant 0 : i32
      %dma_wait3A_130 = tpu.memref_slice %arg5[%run_scoped3A_42, %dma_wait3A_128, %dma_wait3A_129] : memref<2x5x100xi32, #tpu.memory_space<vmem>> -> memref<1x5x100xi32, #tpu.memory_space<vmem>>
      %dma_wait3A_131 = tpu.memref_squeeze %dma_wait3A_130 : memref<1x5x100xi32, #tpu.memory_space<vmem>> -> memref<5x100xi32, #tpu.memory_space<vmem>>
      %dma_wait3A_132 = arith.constant 0 : i32
      %dma_wait3A_133 = arith.constant 0 : i32
      %dma_wait3A_134 = tpu.memref_slice %arg3[%run_scoped3A_40, %add3A, %run_scoped3A_41, %dma_wait3A_132, %dma_wait3A_133] : memref<2x32x20x5x100xi32, #tpu.memory_space<hbm>> -> memref<1x1x1x5x100xi32, #tpu.memory_space<hbm>>
      %dma_wait3A_135 = tpu.memref_squeeze %dma_wait3A_134 : memref<1x1x1x5x100xi32, #tpu.memory_space<hbm>> -> memref<5x100xi32, #tpu.memory_space<hbm>>
      tpu.wait_dma2 semaphore(%run_scoped3A_104 : memref<!tpu.dma_semaphore, #tpu.memory_space<semaphore_mem>>) src(%dma_wait3A_135 : memref<5x100xi32, #tpu.memory_space<hbm>>) dst(%dma_wait3A_131 : memref<5x100xi32, #tpu.memory_space<vmem>>)
      tpu.yield
    }) : () -> ()
    %run_scoped3A_43 = arith.constant 1 : i32
    %run_scoped3A_44 = arith.constant 0 : i32
    %run_scoped3A_45 = arith.constant 0 : i32
    "tpu.region"() ({
      %run_scoped3A_104 = tpu.sem_alloc : memref<!tpu.dma_semaphore, #tpu.memory_space<semaphore_mem>>
      %dma_start3A_105 = arith.constant 0 : i32
      %dma_start3A_106 = arith.constant 0 : i32
      %dma_start3A_107 = tpu.memref_slice %arg6[%run_scoped3A_45, %dma_start3A_105, %dma_start3A_106] : memref<2x5x100xi32, #tpu.memory_space<vmem>> -> memref<1x5x100xi32, #tpu.memory_space<vmem>>
      %dma_start3A_108 = tpu.memref_squeeze %dma_start3A_107 : memref<1x5x100xi32, #tpu.memory_space<vmem>> -> memref<5x100xi32, #tpu.memory_space<vmem>>
      %dma_start3A_109 = arith.constant 0 : i32
      %dma_start3A_110 = arith.constant 0 : i32
      %dma_start3A_111 = tpu.memref_slice %arg3[%run_scoped3A_43, %add3A, %run_scoped3A_44, %dma_start3A_109, %dma_start3A_110] : memref<2x32x20x5x100xi32, #tpu.memory_space<hbm>> -> memref<1x1x1x5x100xi32, #tpu.memory_space<hbm>>
      %dma_start3A_112 = tpu.memref_squeeze %dma_start3A_111 : memref<1x1x1x5x100xi32, #tpu.memory_space<hbm>> -> memref<5x100xi32, #tpu.memory_space<hbm>>
      %dma_start3A_113 = arith.constant 0 : i32
      %dma_start3A_114 = arith.constant 0 : i32
      %dma_start3A_115 = tpu.memref_slice %arg6[%run_scoped3A_45, %dma_start3A_113, %dma_start3A_114] : memref<2x5x100xi32, #tpu.memory_space<vmem>> -> memref<1x5x100xi32, #tpu.memory_space<vmem>>
      %dma_start3A_116 = tpu.memref_squeeze %dma_start3A_115 : memref<1x5x100xi32, #tpu.memory_space<vmem>> -> memref<5x100xi32, #tpu.memory_space<vmem>>
      %dma_start3A_117 = arith.constant 0 : i32
      %dma_start3A_118 = arith.constant 0 : i32
      %dma_start3A_119 = tpu.memref_slice %arg3[%run_scoped3A_43, %add3A, %run_scoped3A_44, %dma_start3A_117, %dma_start3A_118] : memref<2x32x20x5x100xi32, #tpu.memory_space<hbm>> -> memref<1x1x1x5x100xi32, #tpu.memory_space<hbm>>
      %dma_start3A_120 = tpu.memref_squeeze %dma_start3A_119 : memref<1x1x1x5x100xi32, #tpu.memory_space<hbm>> -> memref<5x100xi32, #tpu.memory_space<hbm>>
      tpu.enqueue_dma source(%dma_start3A_120 : memref<5x100xi32, #tpu.memory_space<hbm>>) target(%dma_start3A_116 : memref<5x100xi32, #tpu.memory_space<vmem>>) target_semaphore(%run_scoped3A_104 : memref<!tpu.dma_semaphore, #tpu.memory_space<semaphore_mem>>)
      %dma_wait3A = arith.constant 0 : i32
      %dma_wait3A_121 = arith.constant 0 : i32
      %dma_wait3A_122 = tpu.memref_slice %arg6[%run_scoped3A_45, %dma_wait3A, %dma_wait3A_121] : memref<2x5x100xi32, #tpu.memory_space<vmem>> -> memref<1x5x100xi32, #tpu.memory_space<vmem>>
      %dma_wait3A_123 = tpu.memref_squeeze %dma_wait3A_122 : memref<1x5x100xi32, #tpu.memory_space<vmem>> -> memref<5x100xi32, #tpu.memory_space<vmem>>
      %dma_wait3A_124 = arith.constant 0 : i32
      %dma_wait3A_125 = arith.constant 0 : i32
      %dma_wait3A_126 = tpu.memref_slice %arg3[%run_scoped3A_43, %add3A, %run_scoped3A_44, %dma_wait3A_124, %dma_wait3A_125] : memref<2x32x20x5x100xi32, #tpu.memory_space<hbm>> -> memref<1x1x1x5x100xi32, #tpu.memory_space<hbm>>
      %dma_wait3A_127 = tpu.memref_squeeze %dma_wait3A_126 : memref<1x1x1x5x100xi32, #tpu.memory_space<hbm>> -> memref<5x100xi32, #tpu.memory_space<hbm>>
      %dma_wait3A_128 = arith.constant 0 : i32
      %dma_wait3A_129 = arith.constant 0 : i32
      %dma_wait3A_130 = tpu.memref_slice %arg6[%run_scoped3A_45, %dma_wait3A_128, %dma_wait3A_129] : memref<2x5x100xi32, #tpu.memory_space<vmem>> -> memref<1x5x100xi32, #tpu.memory_space<vmem>>
      %dma_wait3A_131 = tpu.memref_squeeze %dma_wait3A_130 : memref<1x5x100xi32, #tpu.memory_space<vmem>> -> memref<5x100xi32, #tpu.memory_space<vmem>>
      %dma_wait3A_132 = arith.constant 0 : i32
      %dma_wait3A_133 = arith.constant 0 : i32
      %dma_wait3A_134 = tpu.memref_slice %arg3[%run_scoped3A_43, %add3A, %run_scoped3A_44, %dma_wait3A_132, %dma_wait3A_133] : memref<2x32x20x5x100xi32, #tpu.memory_space<hbm>> -> memref<1x1x1x5x100xi32, #tpu.memory_space<hbm>>
      %dma_wait3A_135 = tpu.memref_squeeze %dma_wait3A_134 : memref<1x1x1x5x100xi32, #tpu.memory_space<hbm>> -> memref<5x100xi32, #tpu.memory_space<hbm>>
      tpu.wait_dma2 semaphore(%run_scoped3A_104 : memref<!tpu.dma_semaphore, #tpu.memory_space<semaphore_mem>>) src(%dma_wait3A_135 : memref<5x100xi32, #tpu.memory_space<hbm>>) dst(%dma_wait3A_131 : memref<5x100xi32, #tpu.memory_space<vmem>>)
      tpu.yield
    }) : () -> ()
    %run_scoped3A_46 = arith.constant 0 : i32
    %run_scoped3A_47 = arith.constant 1 : i32
    %run_scoped3A_48 = arith.constant 1 : i32
    "tpu.region"() ({
      %run_scoped3A_104 = tpu.sem_alloc : memref<!tpu.dma_semaphore, #tpu.memory_space<semaphore_mem>>
      %dma_start3A_105 = arith.constant 0 : i32
      %dma_start3A_106 = arith.constant 0 : i32
      %dma_start3A_107 = tpu.memref_slice %arg5[%run_scoped3A_48, %dma_start3A_105, %dma_start3A_106] : memref<2x5x100xi32, #tpu.memory_space<vmem>> -> memref<1x5x100xi32, #tpu.memory_space<vmem>>
      %dma_start3A_108 = tpu.memref_squeeze %dma_start3A_107 : memref<1x5x100xi32, #tpu.memory_space<vmem>> -> memref<5x100xi32, #tpu.memory_space<vmem>>
      %dma_start3A_109 = arith.constant 0 : i32
      %dma_start3A_110 = arith.constant 0 : i32
      %dma_start3A_111 = tpu.memref_slice %arg3[%run_scoped3A_46, %add3A, %run_scoped3A_47, %dma_start3A_109, %dma_start3A_110] : memref<2x32x20x5x100xi32, #tpu.memory_space<hbm>> -> memref<1x1x1x5x100xi32, #tpu.memory_space<hbm>>
      %dma_start3A_112 = tpu.memref_squeeze %dma_start3A_111 : memref<1x1x1x5x100xi32, #tpu.memory_space<hbm>> -> memref<5x100xi32, #tpu.memory_space<hbm>>
      %dma_start3A_113 = arith.constant 0 : i32
      %dma_start3A_114 = arith.constant 0 : i32
      %dma_start3A_115 = tpu.memref_slice %arg5[%run_scoped3A_48, %dma_start3A_113, %dma_start3A_114] : memref<2x5x100xi32, #tpu.memory_space<vmem>> -> memref<1x5x100xi32, #tpu.memory_space<vmem>>
      %dma_start3A_116 = tpu.memref_squeeze %dma_start3A_115 : memref<1x5x100xi32, #tpu.memory_space<vmem>> -> memref<5x100xi32, #tpu.memory_space<vmem>>
      %dma_start3A_117 = arith.constant 0 : i32
      %dma_start3A_118 = arith.constant 0 : i32
      %dma_start3A_119 = tpu.memref_slice %arg3[%run_scoped3A_46, %add3A, %run_scoped3A_47, %dma_start3A_117, %dma_start3A_118] : memref<2x32x20x5x100xi32, #tpu.memory_space<hbm>> -> memref<1x1x1x5x100xi32, #tpu.memory_space<hbm>>
      %dma_start3A_120 = tpu.memref_squeeze %dma_start3A_119 : memref<1x1x1x5x100xi32, #tpu.memory_space<hbm>> -> memref<5x100xi32, #tpu.memory_space<hbm>>
      tpu.enqueue_dma source(%dma_start3A_120 : memref<5x100xi32, #tpu.memory_space<hbm>>) target(%dma_start3A_116 : memref<5x100xi32, #tpu.memory_space<vmem>>) target_semaphore(%run_scoped3A_104 : memref<!tpu.dma_semaphore, #tpu.memory_space<semaphore_mem>>)
      %dma_wait3A = arith.constant 0 : i32
      %dma_wait3A_121 = arith.constant 0 : i32
      %dma_wait3A_122 = tpu.memref_slice %arg5[%run_scoped3A_48, %dma_wait3A, %dma_wait3A_121] : memref<2x5x100xi32, #tpu.memory_space<vmem>> -> memref<1x5x100xi32, #tpu.memory_space<vmem>>
      %dma_wait3A_123 = tpu.memref_squeeze %dma_wait3A_122 : memref<1x5x100xi32, #tpu.memory_space<vmem>> -> memref<5x100xi32, #tpu.memory_space<vmem>>
      %dma_wait3A_124 = arith.constant 0 : i32
      %dma_wait3A_125 = arith.constant 0 : i32
      %dma_wait3A_126 = tpu.memref_slice %arg3[%run_scoped3A_46, %add3A, %run_scoped3A_47, %dma_wait3A_124, %dma_wait3A_125] : memref<2x32x20x5x100xi32, #tpu.memory_space<hbm>> -> memref<1x1x1x5x100xi32, #tpu.memory_space<hbm>>
      %dma_wait3A_127 = tpu.memref_squeeze %dma_wait3A_126 : memref<1x1x1x5x100xi32, #tpu.memory_space<hbm>> -> memref<5x100xi32, #tpu.memory_space<hbm>>
      %dma_wait3A_128 = arith.constant 0 : i32
      %dma_wait3A_129 = arith.constant 0 : i32
      %dma_wait3A_130 = tpu.memref_slice %arg5[%run_scoped3A_48, %dma_wait3A_128, %dma_wait3A_129] : memref<2x5x100xi32, #tpu.memory_space<vmem>> -> memref<1x5x100xi32, #tpu.memory_space<vmem>>
      %dma_wait3A_131 = tpu.memref_squeeze %dma_wait3A_130 : memref<1x5x100xi32, #tpu.memory_space<vmem>> -> memref<5x100xi32, #tpu.memory_space<vmem>>
      %dma_wait3A_132 = arith.constant 0 : i32
      %dma_wait3A_133 = arith.constant 0 : i32
      %dma_wait3A_134 = tpu.memref_slice %arg3[%run_scoped3A_46, %add3A, %run_scoped3A_47, %dma_wait3A_132, %dma_wait3A_133] : memref<2x32x20x5x100xi32, #tpu.memory_space<hbm>> -> memref<1x1x1x5x100xi32, #tpu.memory_space<hbm>>
      %dma_wait3A_135 = tpu.memref_squeeze %dma_wait3A_134 : memref<1x1x1x5x100xi32, #tpu.memory_space<hbm>> -> memref<5x100xi32, #tpu.memory_space<hbm>>
      tpu.wait_dma2 semaphore(%run_scoped3A_104 : memref<!tpu.dma_semaphore, #tpu.memory_space<semaphore_mem>>) src(%dma_wait3A_135 : memref<5x100xi32, #tpu.memory_space<hbm>>) dst(%dma_wait3A_131 : memref<5x100xi32, #tpu.memory_space<vmem>>)
      tpu.yield
    }) : () -> ()
    %run_scoped3A_49 = arith.constant 1 : i32
    %run_scoped3A_50 = arith.constant 1 : i32
    %run_scoped3A_51 = arith.constant 1 : i32
    "tpu.region"() ({
      %run_scoped3A_104 = tpu.sem_alloc : memref<!tpu.dma_semaphore, #tpu.memory_space<semaphore_mem>>
      %dma_start3A_105 = arith.constant 0 : i32
      %dma_start3A_106 = arith.constant 0 : i32
      %dma_start3A_107 = tpu.memref_slice %arg6[%run_scoped3A_51, %dma_start3A_105, %dma_start3A_106] : memref<2x5x100xi32, #tpu.memory_space<vmem>> -> memref<1x5x100xi32, #tpu.memory_space<vmem>>
      %dma_start3A_108 = tpu.memref_squeeze %dma_start3A_107 : memref<1x5x100xi32, #tpu.memory_space<vmem>> -> memref<5x100xi32, #tpu.memory_space<vmem>>
      %dma_start3A_109 = arith.constant 0 : i32
      %dma_start3A_110 = arith.constant 0 : i32
      %dma_start3A_111 = tpu.memref_slice %arg3[%run_scoped3A_49, %add3A, %run_scoped3A_50, %dma_start3A_109, %dma_start3A_110] : memref<2x32x20x5x100xi32, #tpu.memory_space<hbm>> -> memref<1x1x1x5x100xi32, #tpu.memory_space<hbm>>
      %dma_start3A_112 = tpu.memref_squeeze %dma_start3A_111 : memref<1x1x1x5x100xi32, #tpu.memory_space<hbm>> -> memref<5x100xi32, #tpu.memory_space<hbm>>
      %dma_start3A_113 = arith.constant 0 : i32
      %dma_start3A_114 = arith.constant 0 : i32
      %dma_start3A_115 = tpu.memref_slice %arg6[%run_scoped3A_51, %dma_start3A_113, %dma_start3A_114] : memref<2x5x100xi32, #tpu.memory_space<vmem>> -> memref<1x5x100xi32, #tpu.memory_space<vmem>>
      %dma_start3A_116 = tpu.memref_squeeze %dma_start3A_115 : memref<1x5x100xi32, #tpu.memory_space<vmem>> -> memref<5x100xi32, #tpu.memory_space<vmem>>
      %dma_start3A_117 = arith.constant 0 : i32
      %dma_start3A_118 = arith.constant 0 : i32
      %dma_start3A_119 = tpu.memref_slice %arg3[%run_scoped3A_49, %add3A, %run_scoped3A_50, %dma_start3A_117, %dma_start3A_118] : memref<2x32x20x5x100xi32, #tpu.memory_space<hbm>> -> memref<1x1x1x5x100xi32, #tpu.memory_space<hbm>>
      %dma_start3A_120 = tpu.memref_squeeze %dma_start3A_119 : memref<1x1x1x5x100xi32, #tpu.memory_space<hbm>> -> memref<5x100xi32, #tpu.memory_space<hbm>>
      tpu.enqueue_dma source(%dma_start3A_120 : memref<5x100xi32, #tpu.memory_space<hbm>>) target(%dma_start3A_116 : memref<5x100xi32, #tpu.memory_space<vmem>>) target_semaphore(%run_scoped3A_104 : memref<!tpu.dma_semaphore, #tpu.memory_space<semaphore_mem>>)
      %dma_wait3A = arith.constant 0 : i32
      %dma_wait3A_121 = arith.constant 0 : i32
      %dma_wait3A_122 = tpu.memref_slice %arg6[%run_scoped3A_51, %dma_wait3A, %dma_wait3A_121] : memref<2x5x100xi32, #tpu.memory_space<vmem>> -> memref<1x5x100xi32, #tpu.memory_space<vmem>>
      %dma_wait3A_123 = tpu.memref_squeeze %dma_wait3A_122 : memref<1x5x100xi32, #tpu.memory_space<vmem>> -> memref<5x100xi32, #tpu.memory_space<vmem>>
      %dma_wait3A_124 = arith.constant 0 : i32
      %dma_wait3A_125 = arith.constant 0 : i32
      %dma_wait3A_126 = tpu.memref_slice %arg3[%run_scoped3A_49, %add3A, %run_scoped3A_50, %dma_wait3A_124, %dma_wait3A_125] : memref<2x32x20x5x100xi32, #tpu.memory_space<hbm>> -> memref<1x1x1x5x100xi32, #tpu.memory_space<hbm>>
      %dma_wait3A_127 = tpu.memref_squeeze %dma_wait3A_126 : memref<1x1x1x5x100xi32, #tpu.memory_space<hbm>> -> memref<5x100xi32, #tpu.memory_space<hbm>>
      %dma_wait3A_128 = arith.constant 0 : i32
      %dma_wait3A_129 = arith.constant 0 : i32
      %dma_wait3A_130 = tpu.memref_slice %arg6[%run_scoped3A_51, %dma_wait3A_128, %dma_wait3A_129] : memref<2x5x100xi32, #tpu.memory_space<vmem>> -> memref<1x5x100xi32, #tpu.memory_space<vmem>>
      %dma_wait3A_131 = tpu.memref_squeeze %dma_wait3A_130 : memref<1x5x100xi32, #tpu.memory_space<vmem>> -> memref<5x100xi32, #tpu.memory_space<vmem>>
      %dma_wait3A_132 = arith.constant 0 : i32
      %dma_wait3A_133 = arith.constant 0 : i32
      %dma_wait3A_134 = tpu.memref_slice %arg3[%run_scoped3A_49, %add3A, %run_scoped3A_50, %dma_wait3A_132, %dma_wait3A_133] : memref<2x32x20x5x100xi32, #tpu.memory_space<hbm>> -> memref<1x1x1x5x100xi32, #tpu.memory_space<hbm>>
      %dma_wait3A_135 = tpu.memref_squeeze %dma_wait3A_134 : memref<1x1x1x5x100xi32, #tpu.memory_space<hbm>> -> memref<5x100xi32, #tpu.memory_space<hbm>>
      tpu.wait_dma2 semaphore(%run_scoped3A_104 : memref<!tpu.dma_semaphore, #tpu.memory_space<semaphore_mem>>) src(%dma_wait3A_135 : memref<5x100xi32, #tpu.memory_space<hbm>>) dst(%dma_wait3A_131 : memref<5x100xi32, #tpu.memory_space<vmem>>)
      tpu.yield
    }) : () -> ()
    %div3A = arith.constant 0 : i32
    %div3A_52 = arith.constant 5 : i32
    %div3A_53 = arith.divsi %div3A, %div3A_52 : i32
    %rem3A = arith.constant 0 : i32
    %rem3A_54 = arith.constant 5 : i32
    %rem3A_55 = arith.remsi %rem3A, %rem3A_54 : i32
    %rem3A_56 = arith.constant 2 : i32
    %rem3A_57 = arith.remsi %div3A_53, %rem3A_56 : i32
    %rem3A_58 = arith.constant 0 : i32
    %rem3A_59 = arith.constant 3 : i32
    %rem3A_60 = arith.remsi %rem3A_58, %rem3A_59 : i32
    %dma_start3A = arith.constant 0 : i32
    %dma_start3A_61 = arith.constant 0 : i32
    %dma_start3A_62 = tpu.memref_slice %arg7[%rem3A_60, %dma_start3A, %dma_start3A_61] : memref<3x100x128xf32, #tpu.memory_space<vmem>> -> memref<1x100x128xf32, #tpu.memory_space<vmem>>
    %dma_start3A_63 = tpu.memref_squeeze %dma_start3A_62 : memref<1x100x128xf32, #tpu.memory_space<vmem>> -> memref<100x128xf32, #tpu.memory_space<vmem>>
    %dma_start3A_64 = arith.constant 0 : i32
    %dma_start3A_65 = tpu.memref_slice %arg5[%rem3A_57, %rem3A_55, %dma_start3A_64] : memref<2x5x100xi32, #tpu.memory_space<vmem>> -> memref<1x1x100xi32, #tpu.memory_space<vmem>>
    %dma_start3A_66 = tpu.memref_squeeze %dma_start3A_65 : memref<1x1x100xi32, #tpu.memory_space<vmem>> -> memref<100xi32, #tpu.memory_space<vmem>>
    %dma_start3A_67 = arith.constant 0 : i32
    %dma_start3A_68 = arith.constant 0 : i32
    %dma_start3A_69 = tpu.memref_slice %arg2[%dma_start3A_67, %dma_start3A_68] : memref<10000x128xf32, #tpu.memory_space<hbm>> -> memref<10000x128xf32, #tpu.memory_space<hbm>>
    tpu.enqueue_indirect_dma source(%dma_start3A_69 : memref<10000x128xf32, #tpu.memory_space<hbm>>) target(%dma_start3A_63 : memref<100x128xf32, #tpu.memory_space<vmem>>) offsets(%dma_start3A_66 : memref<100xi32, #tpu.memory_space<vmem>>) semaphore(%arg9 : memref<!tpu.dma_semaphore, #tpu.memory_space<semaphore_mem>>)
    %div3A_70 = arith.constant 1 : i32
    %div3A_71 = arith.constant 5 : i32
    %div3A_72 = arith.divsi %div3A_70, %div3A_71 : i32
    %rem3A_73 = arith.constant 1 : i32
    %rem3A_74 = arith.constant 5 : i32
    %rem3A_75 = arith.remsi %rem3A_73, %rem3A_74 : i32
    %rem3A_76 = arith.constant 2 : i32
    %rem3A_77 = arith.remsi %div3A_72, %rem3A_76 : i32
    %rem3A_78 = arith.constant 1 : i32
    %rem3A_79 = arith.constant 3 : i32
    %rem3A_80 = arith.remsi %rem3A_78, %rem3A_79 : i32
    %dma_start3A_81 = arith.constant 0 : i32
    %dma_start3A_82 = arith.constant 0 : i32
    %dma_start3A_83 = tpu.memref_slice %arg7[%rem3A_80, %dma_start3A_81, %dma_start3A_82] : memref<3x100x128xf32, #tpu.memory_space<vmem>> -> memref<1x100x128xf32, #tpu.memory_space<vmem>>
    %dma_start3A_84 = tpu.memref_squeeze %dma_start3A_83 : memref<1x100x128xf32, #tpu.memory_space<vmem>> -> memref<100x128xf32, #tpu.memory_space<vmem>>
    %dma_start3A_85 = arith.constant 0 : i32
    %dma_start3A_86 = tpu.memref_slice %arg5[%rem3A_77, %rem3A_75, %dma_start3A_85] : memref<2x5x100xi32, #tpu.memory_space<vmem>> -> memref<1x1x100xi32, #tpu.memory_space<vmem>>
    %dma_start3A_87 = tpu.memref_squeeze %dma_start3A_86 : memref<1x1x100xi32, #tpu.memory_space<vmem>> -> memref<100xi32, #tpu.memory_space<vmem>>
    %dma_start3A_88 = arith.constant 0 : i32
    %dma_start3A_89 = arith.constant 0 : i32
    %dma_start3A_90 = tpu.memref_slice %arg2[%dma_start3A_88, %dma_start3A_89] : memref<10000x128xf32, #tpu.memory_space<hbm>> -> memref<10000x128xf32, #tpu.memory_space<hbm>>
    tpu.enqueue_indirect_dma source(%dma_start3A_90 : memref<10000x128xf32, #tpu.memory_space<hbm>>) target(%dma_start3A_84 : memref<100x128xf32, #tpu.memory_space<vmem>>) offsets(%dma_start3A_87 : memref<100xi32, #tpu.memory_space<vmem>>) semaphore(%arg9 : memref<!tpu.dma_semaphore, #tpu.memory_space<semaphore_mem>>)
    %scan3A_91 = arith.constant 0 : i32
    %scan3A_92 = arith.constant 0 : i32
    %scan3A_93 = arith.constant 20 : i32
    %scan3A_94 = arith.addi %scan3A_92, %scan3A_93 : i32
    %scan3A_95 = arith.constant 1 : i32
    scf.for %scan3A_104 = %scan3A_92 to %scan3A_94 step %scan3A_95  : i32 {
      %ge3A = arith.constant 1 : i32
      %ge3A_105 = arith.cmpi sge, %scan3A_104, %ge3A : i32
      %lt3A_106 = arith.constant 19 : i32
      %lt3A_107 = arith.cmpi slt, %scan3A_104, %lt3A_106 : i32
      %and3A = arith.andi %ge3A_105, %lt3A_107 : i1
      %convert_element_type3A_108 = arith.extui %and3A : i1 to i32
      %cond3A_109 = arith.constant 0 : i32
      %cond3A_110 = arith.cmpi ne, %convert_element_type3A_108, %cond3A_109 : i32
      scf.if %cond3A_110 {
        %dma_wait3A_249 = arith.constant 0 : i32
        %dma_wait3A_250 = arith.constant 0 : i32
        %dma_wait3A_251 = arith.constant 0 : i32
        %dma_wait3A_252 = arith.constant 0 : i32
        %dma_wait3A_253 = arith.constant 0 : i32
        %dma_wait3A_254 = tpu.memref_slice %arg5[%dma_wait3A_251, %dma_wait3A_252, %dma_wait3A_253] : memref<2x5x100xi32, #tpu.memory_space<vmem>> -> memref<1x5x100xi32, #tpu.memory_space<vmem>>
        %dma_wait3A_255 = tpu.memref_squeeze %dma_wait3A_254 : memref<1x5x100xi32, #tpu.memory_space<vmem>> -> memref<5x100xi32, #tpu.memory_space<vmem>>
        %dma_wait3A_256 = arith.constant 0 : i32
        %dma_wait3A_257 = arith.constant 0 : i32
        %dma_wait3A_258 = tpu.memref_slice %arg3[%dma_wait3A_249, %add3A, %dma_wait3A_250, %dma_wait3A_256, %dma_wait3A_257] : memref<2x32x20x5x100xi32, #tpu.memory_space<hbm>> -> memref<1x1x1x5x100xi32, #tpu.memory_space<hbm>>
        %dma_wait3A_259 = tpu.memref_squeeze %dma_wait3A_258 : memref<1x1x1x5x100xi32, #tpu.memory_space<hbm>> -> memref<5x100xi32, #tpu.memory_space<hbm>>
        %dma_wait3A_260 = arith.constant 0 : i32
        %dma_wait3A_261 = arith.constant 0 : i32
        %dma_wait3A_262 = tpu.memref_slice %arg5[%dma_wait3A_251, %dma_wait3A_260, %dma_wait3A_261] : memref<2x5x100xi32, #tpu.memory_space<vmem>> -> memref<1x5x100xi32, #tpu.memory_space<vmem>>
        %dma_wait3A_263 = tpu.memref_squeeze %dma_wait3A_262 : memref<1x5x100xi32, #tpu.memory_space<vmem>> -> memref<5x100xi32, #tpu.memory_space<vmem>>
        %dma_wait3A_264 = arith.constant 0 : i32
        %dma_wait3A_265 = arith.constant 0 : i32
        %dma_wait3A_266 = tpu.memref_slice %arg3[%dma_wait3A_249, %add3A, %dma_wait3A_250, %dma_wait3A_264, %dma_wait3A_265] : memref<2x32x20x5x100xi32, #tpu.memory_space<hbm>> -> memref<1x1x1x5x100xi32, #tpu.memory_space<hbm>>
        %dma_wait3A_267 = tpu.memref_squeeze %dma_wait3A_266 : memref<1x1x1x5x100xi32, #tpu.memory_space<hbm>> -> memref<5x100xi32, #tpu.memory_space<hbm>>
        tpu.wait_dma2 semaphore(%arg10 : memref<!tpu.dma_semaphore, #tpu.memory_space<semaphore_mem>>) src(%dma_wait3A_267 : memref<5x100xi32, #tpu.memory_space<hbm>>) dst(%dma_wait3A_263 : memref<5x100xi32, #tpu.memory_space<vmem>>)
        %dma_wait3A_268 = arith.constant 1 : i32
        %dma_wait3A_269 = arith.constant 0 : i32
        %dma_wait3A_270 = arith.constant 0 : i32
        %dma_wait3A_271 = arith.constant 0 : i32
        %dma_wait3A_272 = arith.constant 0 : i32
        %dma_wait3A_273 = tpu.memref_slice %arg6[%dma_wait3A_270, %dma_wait3A_271, %dma_wait3A_272] : memref<2x5x100xi32, #tpu.memory_space<vmem>> -> memref<1x5x100xi32, #tpu.memory_space<vmem>>
        %dma_wait3A_274 = tpu.memref_squeeze %dma_wait3A_273 : memref<1x5x100xi32, #tpu.memory_space<vmem>> -> memref<5x100xi32, #tpu.memory_space<vmem>>
        %dma_wait3A_275 = arith.constant 0 : i32
        %dma_wait3A_276 = arith.constant 0 : i32
        %dma_wait3A_277 = tpu.memref_slice %arg3[%dma_wait3A_268, %add3A, %dma_wait3A_269, %dma_wait3A_275, %dma_wait3A_276] : memref<2x32x20x5x100xi32, #tpu.memory_space<hbm>> -> memref<1x1x1x5x100xi32, #tpu.memory_space<hbm>>
        %dma_wait3A_278 = tpu.memref_squeeze %dma_wait3A_277 : memref<1x1x1x5x100xi32, #tpu.memory_space<hbm>> -> memref<5x100xi32, #tpu.memory_space<hbm>>
        %dma_wait3A_279 = arith.constant 0 : i32
        %dma_wait3A_280 = arith.constant 0 : i32
        %dma_wait3A_281 = tpu.memref_slice %arg6[%dma_wait3A_270, %dma_wait3A_279, %dma_wait3A_280] : memref<2x5x100xi32, #tpu.memory_space<vmem>> -> memref<1x5x100xi32, #tpu.memory_space<vmem>>
        %dma_wait3A_282 = tpu.memref_squeeze %dma_wait3A_281 : memref<1x5x100xi32, #tpu.memory_space<vmem>> -> memref<5x100xi32, #tpu.memory_space<vmem>>
        %dma_wait3A_283 = arith.constant 0 : i32
        %dma_wait3A_284 = arith.constant 0 : i32
        %dma_wait3A_285 = tpu.memref_slice %arg3[%dma_wait3A_268, %add3A, %dma_wait3A_269, %dma_wait3A_283, %dma_wait3A_284] : memref<2x32x20x5x100xi32, #tpu.memory_space<hbm>> -> memref<1x1x1x5x100xi32, #tpu.memory_space<hbm>>
        %dma_wait3A_286 = tpu.memref_squeeze %dma_wait3A_285 : memref<1x1x1x5x100xi32, #tpu.memory_space<hbm>> -> memref<5x100xi32, #tpu.memory_space<hbm>>
        tpu.wait_dma2 semaphore(%arg10 : memref<!tpu.dma_semaphore, #tpu.memory_space<semaphore_mem>>) src(%dma_wait3A_286 : memref<5x100xi32, #tpu.memory_space<hbm>>) dst(%dma_wait3A_282 : memref<5x100xi32, #tpu.memory_space<vmem>>)
      } else {
      }
      %mul3A_111 = arith.constant 5 : i32
      %mul3A_112 = arith.muli %scan3A_104, %mul3A_111 : i32
      %add3A_113 = arith.constant 0 : i32
      %add3A_114 = arith.addi %mul3A_112, %add3A_113 : i32
      %add3A_115 = arith.constant 2 : i32
      %add3A_116 = arith.addi %add3A_114, %add3A_115 : i32
      %lt3A_117 = arith.constant 100 : i32
      %lt3A_118 = arith.cmpi slt, %add3A_116, %lt3A_117 : i32
      %convert_element_type3A_119 = arith.extui %lt3A_118 : i1 to i32
      %cond3A_120 = arith.constant 0 : i32
      %cond3A_121 = arith.cmpi ne, %convert_element_type3A_119, %cond3A_120 : i32
      scf.if %cond3A_121 {
        %div3A_249 = arith.constant 5 : i32
        %div3A_250 = arith.divsi %add3A_116, %div3A_249 : i32
        %rem3A_251 = arith.constant 5 : i32
        %rem3A_252 = arith.remsi %add3A_116, %rem3A_251 : i32
        %rem3A_253 = arith.constant 2 : i32
        %rem3A_254 = arith.remsi %div3A_250, %rem3A_253 : i32
        %rem3A_255 = arith.constant 3 : i32
        %rem3A_256 = arith.remsi %add3A_116, %rem3A_255 : i32
        %dma_start3A_257 = arith.constant 0 : i32
        %dma_start3A_258 = arith.constant 0 : i32
        %dma_start3A_259 = tpu.memref_slice %arg7[%rem3A_256, %dma_start3A_257, %dma_start3A_258] : memref<3x100x128xf32, #tpu.memory_space<vmem>> -> memref<1x100x128xf32, #tpu.memory_space<vmem>>
        %dma_start3A_260 = tpu.memref_squeeze %dma_start3A_259 : memref<1x100x128xf32, #tpu.memory_space<vmem>> -> memref<100x128xf32, #tpu.memory_space<vmem>>
        %dma_start3A_261 = arith.constant 0 : i32
        %dma_start3A_262 = tpu.memref_slice %arg5[%rem3A_254, %rem3A_252, %dma_start3A_261] : memref<2x5x100xi32, #tpu.memory_space<vmem>> -> memref<1x1x100xi32, #tpu.memory_space<vmem>>
        %dma_start3A_263 = tpu.memref_squeeze %dma_start3A_262 : memref<1x1x100xi32, #tpu.memory_space<vmem>> -> memref<100xi32, #tpu.memory_space<vmem>>
        %dma_start3A_264 = arith.constant 0 : i32
        %dma_start3A_265 = arith.constant 0 : i32
        %dma_start3A_266 = tpu.memref_slice %arg2[%dma_start3A_264, %dma_start3A_265] : memref<10000x128xf32, #tpu.memory_space<hbm>> -> memref<10000x128xf32, #tpu.memory_space<hbm>>
        tpu.enqueue_indirect_dma source(%dma_start3A_266 : memref<10000x128xf32, #tpu.memory_space<hbm>>) target(%dma_start3A_260 : memref<100x128xf32, #tpu.memory_space<vmem>>) offsets(%dma_start3A_263 : memref<100xi32, #tpu.memory_space<vmem>>) semaphore(%arg9 : memref<!tpu.dma_semaphore, #tpu.memory_space<semaphore_mem>>)
      } else {
      }
      %rem3A_122 = arith.constant 3 : i32
      %rem3A_123 = arith.remsi %add3A_114, %rem3A_122 : i32
      %dma_wait3A = arith.constant 0 : i32
      %dma_wait3A_124 = arith.constant 0 : i32
      %dma_wait3A_125 = arith.constant 0 : i32
      %dma_wait3A_126 = arith.constant 0 : i32
      %dma_wait3A_127 = tpu.memref_slice %arg7[%rem3A_123, %dma_wait3A_125, %dma_wait3A_126] : memref<3x100x128xf32, #tpu.memory_space<vmem>> -> memref<1x100x128xf32, #tpu.memory_space<vmem>>
      %dma_wait3A_128 = tpu.memref_squeeze %dma_wait3A_127 : memref<1x100x128xf32, #tpu.memory_space<vmem>> -> memref<100x128xf32, #tpu.memory_space<vmem>>
      %dma_wait3A_129 = arith.constant 0 : i32
      %dma_wait3A_130 = tpu.memref_slice %arg5[%dma_wait3A, %dma_wait3A_124, %dma_wait3A_129] : memref<2x5x100xi32, #tpu.memory_space<vmem>> -> memref<1x1x100xi32, #tpu.memory_space<vmem>>
      %dma_wait3A_131 = tpu.memref_squeeze %dma_wait3A_130 : memref<1x1x100xi32, #tpu.memory_space<vmem>> -> memref<100xi32, #tpu.memory_space<vmem>>
      %dma_wait3A_132 = arith.constant 0 : i32
      %dma_wait3A_133 = arith.constant 0 : i32
      %dma_wait3A_134 = tpu.memref_slice %arg2[%dma_wait3A_132, %dma_wait3A_133] : memref<10000x128xf32, #tpu.memory_space<hbm>> -> memref<10000x128xf32, #tpu.memory_space<hbm>>
      tpu.wait_indirect_dma semaphore(%arg9 : memref<!tpu.dma_semaphore, #tpu.memory_space<semaphore_mem>>) src(%dma_wait3A_134 : memref<10000x128xf32, #tpu.memory_space<hbm>>) dst(%dma_wait3A_128 : memref<100x128xf32, #tpu.memory_space<vmem>>)
      %rem3A_135 = arith.constant 2 : i32
      %rem3A_136 = arith.remsi %scan3A_104, %rem3A_135 : i32
      %run_scoped3A_137 = arith.constant 0 : i32
      "tpu.region"() ({
        %run_scoped3A_249 = tpu.sem_alloc : memref<!tpu.dma_semaphore, #tpu.memory_space<semaphore_mem>>
        %dma_start3A_250 = arith.constant 0 : i32
        %dma_start3A_251 = arith.constant 0 : i32
        %dma_start3A_252 = tpu.memref_slice %arg7[%rem3A_123, %dma_start3A_250, %dma_start3A_251] : memref<3x100x128xf32, #tpu.memory_space<vmem>> -> memref<1x100x128xf32, #tpu.memory_space<vmem>>
        %dma_start3A_253 = tpu.memref_squeeze %dma_start3A_252 : memref<1x100x128xf32, #tpu.memory_space<vmem>> -> memref<100x128xf32, #tpu.memory_space<vmem>>
        %dma_start3A_254 = arith.constant 0 : i32
        %dma_start3A_255 = tpu.memref_slice %arg6[%rem3A_136, %run_scoped3A_137, %dma_start3A_254] : memref<2x5x100xi32, #tpu.memory_space<vmem>> -> memref<1x1x100xi32, #tpu.memory_space<vmem>>
        %dma_start3A_256 = tpu.memref_squeeze %dma_start3A_255 : memref<1x1x100xi32, #tpu.memory_space<vmem>> -> memref<100xi32, #tpu.memory_space<vmem>>
        %dma_start3A_257 = arith.constant 0 : i32
        %dma_start3A_258 = arith.constant 0 : i32
        %dma_start3A_259 = tpu.memref_slice %arg8[%dma_start3A_257, %dma_start3A_258] : memref<10000x128xf32, #tpu.memory_space<vmem_shared>> -> memref<10000x128xf32, #tpu.memory_space<vmem_shared>>
        tpu.enqueue_indirect_dma source(%dma_start3A_253 : memref<100x128xf32, #tpu.memory_space<vmem>>) target(%dma_start3A_259 : memref<10000x128xf32, #tpu.memory_space<vmem_shared>>) offsets(%dma_start3A_256 : memref<100xi32, #tpu.memory_space<vmem>>) semaphore(%run_scoped3A_249 : memref<!tpu.dma_semaphore, #tpu.memory_space<semaphore_mem>>) {add = true}
        %dma_wait3A_260 = arith.constant 0 : i32
        %dma_wait3A_261 = arith.constant 0 : i32
        %dma_wait3A_262 = tpu.memref_slice %arg7[%rem3A_123, %dma_wait3A_260, %dma_wait3A_261] : memref<3x100x128xf32, #tpu.memory_space<vmem>> -> memref<1x100x128xf32, #tpu.memory_space<vmem>>
        %dma_wait3A_263 = tpu.memref_squeeze %dma_wait3A_262 : memref<1x100x128xf32, #tpu.memory_space<vmem>> -> memref<100x128xf32, #tpu.memory_space<vmem>>
        %dma_wait3A_264 = arith.constant 0 : i32
        %dma_wait3A_265 = tpu.memref_slice %arg6[%rem3A_136, %run_scoped3A_137, %dma_wait3A_264] : memref<2x5x100xi32, #tpu.memory_space<vmem>> -> memref<1x1x100xi32, #tpu.memory_space<vmem>>
        %dma_wait3A_266 = tpu.memref_squeeze %dma_wait3A_265 : memref<1x1x100xi32, #tpu.memory_space<vmem>> -> memref<100xi32, #tpu.memory_space<vmem>>
        %dma_wait3A_267 = arith.constant 0 : i32
        %dma_wait3A_268 = arith.constant 0 : i32
        %dma_wait3A_269 = tpu.memref_slice %arg8[%dma_wait3A_267, %dma_wait3A_268] : memref<10000x128xf32, #tpu.memory_space<vmem_shared>> -> memref<10000x128xf32, #tpu.memory_space<vmem_shared>>
        tpu.wait_indirect_dma semaphore(%run_scoped3A_249 : memref<!tpu.dma_semaphore, #tpu.memory_space<semaphore_mem>>) src(%dma_wait3A_263 : memref<100x128xf32, #tpu.memory_space<vmem>>) dst(%dma_wait3A_269 : memref<10000x128xf32, #tpu.memory_space<vmem_shared>>)
        tpu.yield
      }) : () -> ()
      %add3A_138 = arith.constant 1 : i32
      %add3A_139 = arith.addi %mul3A_112, %add3A_138 : i32
      %add3A_140 = arith.constant 2 : i32
      %add3A_141 = arith.addi %add3A_139, %add3A_140 : i32
      %lt3A_142 = arith.constant 100 : i32
      %lt3A_143 = arith.cmpi slt, %add3A_141, %lt3A_142 : i32
      %convert_element_type3A_144 = arith.extui %lt3A_143 : i1 to i32
      %cond3A_145 = arith.constant 0 : i32
      %cond3A_146 = arith.cmpi ne, %convert_element_type3A_144, %cond3A_145 : i32
      scf.if %cond3A_146 {
        %div3A_249 = arith.constant 5 : i32
        %div3A_250 = arith.divsi %add3A_141, %div3A_249 : i32
        %rem3A_251 = arith.constant 5 : i32
        %rem3A_252 = arith.remsi %add3A_141, %rem3A_251 : i32
        %rem3A_253 = arith.constant 2 : i32
        %rem3A_254 = arith.remsi %div3A_250, %rem3A_253 : i32
        %rem3A_255 = arith.constant 3 : i32
        %rem3A_256 = arith.remsi %add3A_141, %rem3A_255 : i32
        %dma_start3A_257 = arith.constant 0 : i32
        %dma_start3A_258 = arith.constant 0 : i32
        %dma_start3A_259 = tpu.memref_slice %arg7[%rem3A_256, %dma_start3A_257, %dma_start3A_258] : memref<3x100x128xf32, #tpu.memory_space<vmem>> -> memref<1x100x128xf32, #tpu.memory_space<vmem>>
        %dma_start3A_260 = tpu.memref_squeeze %dma_start3A_259 : memref<1x100x128xf32, #tpu.memory_space<vmem>> -> memref<100x128xf32, #tpu.memory_space<vmem>>
        %dma_start3A_261 = arith.constant 0 : i32
        %dma_start3A_262 = tpu.memref_slice %arg5[%rem3A_254, %rem3A_252, %dma_start3A_261] : memref<2x5x100xi32, #tpu.memory_space<vmem>> -> memref<1x1x100xi32, #tpu.memory_space<vmem>>
        %dma_start3A_263 = tpu.memref_squeeze %dma_start3A_262 : memref<1x1x100xi32, #tpu.memory_space<vmem>> -> memref<100xi32, #tpu.memory_space<vmem>>
        %dma_start3A_264 = arith.constant 0 : i32
        %dma_start3A_265 = arith.constant 0 : i32
        %dma_start3A_266 = tpu.memref_slice %arg2[%dma_start3A_264, %dma_start3A_265] : memref<10000x128xf32, #tpu.memory_space<hbm>> -> memref<10000x128xf32, #tpu.memory_space<hbm>>
        tpu.enqueue_indirect_dma source(%dma_start3A_266 : memref<10000x128xf32, #tpu.memory_space<hbm>>) target(%dma_start3A_260 : memref<100x128xf32, #tpu.memory_space<vmem>>) offsets(%dma_start3A_263 : memref<100xi32, #tpu.memory_space<vmem>>) semaphore(%arg9 : memref<!tpu.dma_semaphore, #tpu.memory_space<semaphore_mem>>)
      } else {
      }
      %rem3A_147 = arith.constant 3 : i32
      %rem3A_148 = arith.remsi %add3A_139, %rem3A_147 : i32
      %dma_wait3A_149 = arith.constant 0 : i32
      %dma_wait3A_150 = arith.constant 0 : i32
      %dma_wait3A_151 = arith.constant 0 : i32
      %dma_wait3A_152 = arith.constant 0 : i32
      %dma_wait3A_153 = tpu.memref_slice %arg7[%rem3A_148, %dma_wait3A_151, %dma_wait3A_152] : memref<3x100x128xf32, #tpu.memory_space<vmem>> -> memref<1x100x128xf32, #tpu.memory_space<vmem>>
      %dma_wait3A_154 = tpu.memref_squeeze %dma_wait3A_153 : memref<1x100x128xf32, #tpu.memory_space<vmem>> -> memref<100x128xf32, #tpu.memory_space<vmem>>
      %dma_wait3A_155 = arith.constant 0 : i32
      %dma_wait3A_156 = tpu.memref_slice %arg5[%dma_wait3A_149, %dma_wait3A_150, %dma_wait3A_155] : memref<2x5x100xi32, #tpu.memory_space<vmem>> -> memref<1x1x100xi32, #tpu.memory_space<vmem>>
      %dma_wait3A_157 = tpu.memref_squeeze %dma_wait3A_156 : memref<1x1x100xi32, #tpu.memory_space<vmem>> -> memref<100xi32, #tpu.memory_space<vmem>>
      %dma_wait3A_158 = arith.constant 0 : i32
      %dma_wait3A_159 = arith.constant 0 : i32
      %dma_wait3A_160 = tpu.memref_slice %arg2[%dma_wait3A_158, %dma_wait3A_159] : memref<10000x128xf32, #tpu.memory_space<hbm>> -> memref<10000x128xf32, #tpu.memory_space<hbm>>
      tpu.wait_indirect_dma semaphore(%arg9 : memref<!tpu.dma_semaphore, #tpu.memory_space<semaphore_mem>>) src(%dma_wait3A_160 : memref<10000x128xf32, #tpu.memory_space<hbm>>) dst(%dma_wait3A_154 : memref<100x128xf32, #tpu.memory_space<vmem>>)
      %rem3A_161 = arith.constant 2 : i32
      %rem3A_162 = arith.remsi %scan3A_104, %rem3A_161 : i32
      %run_scoped3A_163 = arith.constant 1 : i32
      "tpu.region"() ({
        %run_scoped3A_249 = tpu.sem_alloc : memref<!tpu.dma_semaphore, #tpu.memory_space<semaphore_mem>>
        %dma_start3A_250 = arith.constant 0 : i32
        %dma_start3A_251 = arith.constant 0 : i32
        %dma_start3A_252 = tpu.memref_slice %arg7[%rem3A_148, %dma_start3A_250, %dma_start3A_251] : memref<3x100x128xf32, #tpu.memory_space<vmem>> -> memref<1x100x128xf32, #tpu.memory_space<vmem>>
        %dma_start3A_253 = tpu.memref_squeeze %dma_start3A_252 : memref<1x100x128xf32, #tpu.memory_space<vmem>> -> memref<100x128xf32, #tpu.memory_space<vmem>>
        %dma_start3A_254 = arith.constant 0 : i32
        %dma_start3A_255 = tpu.memref_slice %arg6[%rem3A_162, %run_scoped3A_163, %dma_start3A_254] : memref<2x5x100xi32, #tpu.memory_space<vmem>> -> memref<1x1x100xi32, #tpu.memory_space<vmem>>
        %dma_start3A_256 = tpu.memref_squeeze %dma_start3A_255 : memref<1x1x100xi32, #tpu.memory_space<vmem>> -> memref<100xi32, #tpu.memory_space<vmem>>
        %dma_start3A_257 = arith.constant 0 : i32
        %dma_start3A_258 = arith.constant 0 : i32
        %dma_start3A_259 = tpu.memref_slice %arg8[%dma_start3A_257, %dma_start3A_258] : memref<10000x128xf32, #tpu.memory_space<vmem_shared>> -> memref<10000x128xf32, #tpu.memory_space<vmem_shared>>
        tpu.enqueue_indirect_dma source(%dma_start3A_253 : memref<100x128xf32, #tpu.memory_space<vmem>>) target(%dma_start3A_259 : memref<10000x128xf32, #tpu.memory_space<vmem_shared>>) offsets(%dma_start3A_256 : memref<100xi32, #tpu.memory_space<vmem>>) semaphore(%run_scoped3A_249 : memref<!tpu.dma_semaphore, #tpu.memory_space<semaphore_mem>>) {add = true}
        %dma_wait3A_260 = arith.constant 0 : i32
        %dma_wait3A_261 = arith.constant 0 : i32
        %dma_wait3A_262 = tpu.memref_slice %arg7[%rem3A_148, %dma_wait3A_260, %dma_wait3A_261] : memref<3x100x128xf32, #tpu.memory_space<vmem>> -> memref<1x100x128xf32, #tpu.memory_space<vmem>>
        %dma_wait3A_263 = tpu.memref_squeeze %dma_wait3A_262 : memref<1x100x128xf32, #tpu.memory_space<vmem>> -> memref<100x128xf32, #tpu.memory_space<vmem>>
        %dma_wait3A_264 = arith.constant 0 : i32
        %dma_wait3A_265 = tpu.memref_slice %arg6[%rem3A_162, %run_scoped3A_163, %dma_wait3A_264] : memref<2x5x100xi32, #tpu.memory_space<vmem>> -> memref<1x1x100xi32, #tpu.memory_space<vmem>>
        %dma_wait3A_266 = tpu.memref_squeeze %dma_wait3A_265 : memref<1x1x100xi32, #tpu.memory_space<vmem>> -> memref<100xi32, #tpu.memory_space<vmem>>
        %dma_wait3A_267 = arith.constant 0 : i32
        %dma_wait3A_268 = arith.constant 0 : i32
        %dma_wait3A_269 = tpu.memref_slice %arg8[%dma_wait3A_267, %dma_wait3A_268] : memref<10000x128xf32, #tpu.memory_space<vmem_shared>> -> memref<10000x128xf32, #tpu.memory_space<vmem_shared>>
        tpu.wait_indirect_dma semaphore(%run_scoped3A_249 : memref<!tpu.dma_semaphore, #tpu.memory_space<semaphore_mem>>) src(%dma_wait3A_263 : memref<100x128xf32, #tpu.memory_space<vmem>>) dst(%dma_wait3A_269 : memref<10000x128xf32, #tpu.memory_space<vmem_shared>>)
        tpu.yield
      }) : () -> ()
      %add3A_164 = arith.constant 2 : i32
      %add3A_165 = arith.addi %mul3A_112, %add3A_164 : i32
      %add3A_166 = arith.constant 2 : i32
      %add3A_167 = arith.addi %add3A_165, %add3A_166 : i32
      %lt3A_168 = arith.constant 100 : i32
      %lt3A_169 = arith.cmpi slt, %add3A_167, %lt3A_168 : i32
      %convert_element_type3A_170 = arith.extui %lt3A_169 : i1 to i32
      %cond3A_171 = arith.constant 0 : i32
      %cond3A_172 = arith.cmpi ne, %convert_element_type3A_170, %cond3A_171 : i32
      scf.if %cond3A_172 {
        %div3A_249 = arith.constant 5 : i32
        %div3A_250 = arith.divsi %add3A_167, %div3A_249 : i32
        %rem3A_251 = arith.constant 5 : i32
        %rem3A_252 = arith.remsi %add3A_167, %rem3A_251 : i32
        %rem3A_253 = arith.constant 2 : i32
        %rem3A_254 = arith.remsi %div3A_250, %rem3A_253 : i32
        %rem3A_255 = arith.constant 3 : i32
        %rem3A_256 = arith.remsi %add3A_167, %rem3A_255 : i32
        %dma_start3A_257 = arith.constant 0 : i32
        %dma_start3A_258 = arith.constant 0 : i32
        %dma_start3A_259 = tpu.memref_slice %arg7[%rem3A_256, %dma_start3A_257, %dma_start3A_258] : memref<3x100x128xf32, #tpu.memory_space<vmem>> -> memref<1x100x128xf32, #tpu.memory_space<vmem>>
        %dma_start3A_260 = tpu.memref_squeeze %dma_start3A_259 : memref<1x100x128xf32, #tpu.memory_space<vmem>> -> memref<100x128xf32, #tpu.memory_space<vmem>>
        %dma_start3A_261 = arith.constant 0 : i32
        %dma_start3A_262 = tpu.memref_slice %arg5[%rem3A_254, %rem3A_252, %dma_start3A_261] : memref<2x5x100xi32, #tpu.memory_space<vmem>> -> memref<1x1x100xi32, #tpu.memory_space<vmem>>
        %dma_start3A_263 = tpu.memref_squeeze %dma_start3A_262 : memref<1x1x100xi32, #tpu.memory_space<vmem>> -> memref<100xi32, #tpu.memory_space<vmem>>
        %dma_start3A_264 = arith.constant 0 : i32
        %dma_start3A_265 = arith.constant 0 : i32
        %dma_start3A_266 = tpu.memref_slice %arg2[%dma_start3A_264, %dma_start3A_265] : memref<10000x128xf32, #tpu.memory_space<hbm>> -> memref<10000x128xf32, #tpu.memory_space<hbm>>
        tpu.enqueue_indirect_dma source(%dma_start3A_266 : memref<10000x128xf32, #tpu.memory_space<hbm>>) target(%dma_start3A_260 : memref<100x128xf32, #tpu.memory_space<vmem>>) offsets(%dma_start3A_263 : memref<100xi32, #tpu.memory_space<vmem>>) semaphore(%arg9 : memref<!tpu.dma_semaphore, #tpu.memory_space<semaphore_mem>>)
      } else {
      }
      %rem3A_173 = arith.constant 3 : i32
      %rem3A_174 = arith.remsi %add3A_165, %rem3A_173 : i32
      %dma_wait3A_175 = arith.constant 0 : i32
      %dma_wait3A_176 = arith.constant 0 : i32
      %dma_wait3A_177 = arith.constant 0 : i32
      %dma_wait3A_178 = arith.constant 0 : i32
      %dma_wait3A_179 = tpu.memref_slice %arg7[%rem3A_174, %dma_wait3A_177, %dma_wait3A_178] : memref<3x100x128xf32, #tpu.memory_space<vmem>> -> memref<1x100x128xf32, #tpu.memory_space<vmem>>
      %dma_wait3A_180 = tpu.memref_squeeze %dma_wait3A_179 : memref<1x100x128xf32, #tpu.memory_space<vmem>> -> memref<100x128xf32, #tpu.memory_space<vmem>>
      %dma_wait3A_181 = arith.constant 0 : i32
      %dma_wait3A_182 = tpu.memref_slice %arg5[%dma_wait3A_175, %dma_wait3A_176, %dma_wait3A_181] : memref<2x5x100xi32, #tpu.memory_space<vmem>> -> memref<1x1x100xi32, #tpu.memory_space<vmem>>
      %dma_wait3A_183 = tpu.memref_squeeze %dma_wait3A_182 : memref<1x1x100xi32, #tpu.memory_space<vmem>> -> memref<100xi32, #tpu.memory_space<vmem>>
      %dma_wait3A_184 = arith.constant 0 : i32
      %dma_wait3A_185 = arith.constant 0 : i32
      %dma_wait3A_186 = tpu.memref_slice %arg2[%dma_wait3A_184, %dma_wait3A_185] : memref<10000x128xf32, #tpu.memory_space<hbm>> -> memref<10000x128xf32, #tpu.memory_space<hbm>>
      tpu.wait_indirect_dma semaphore(%arg9 : memref<!tpu.dma_semaphore, #tpu.memory_space<semaphore_mem>>) src(%dma_wait3A_186 : memref<10000x128xf32, #tpu.memory_space<hbm>>) dst(%dma_wait3A_180 : memref<100x128xf32, #tpu.memory_space<vmem>>)
      %rem3A_187 = arith.constant 2 : i32
      %rem3A_188 = arith.remsi %scan3A_104, %rem3A_187 : i32
      %run_scoped3A_189 = arith.constant 2 : i32
      "tpu.region"() ({
        %run_scoped3A_249 = tpu.sem_alloc : memref<!tpu.dma_semaphore, #tpu.memory_space<semaphore_mem>>
        %dma_start3A_250 = arith.constant 0 : i32
        %dma_start3A_251 = arith.constant 0 : i32
        %dma_start3A_252 = tpu.memref_slice %arg7[%rem3A_174, %dma_start3A_250, %dma_start3A_251] : memref<3x100x128xf32, #tpu.memory_space<vmem>> -> memref<1x100x128xf32, #tpu.memory_space<vmem>>
        %dma_start3A_253 = tpu.memref_squeeze %dma_start3A_252 : memref<1x100x128xf32, #tpu.memory_space<vmem>> -> memref<100x128xf32, #tpu.memory_space<vmem>>
        %dma_start3A_254 = arith.constant 0 : i32
        %dma_start3A_255 = tpu.memref_slice %arg6[%rem3A_188, %run_scoped3A_189, %dma_start3A_254] : memref<2x5x100xi32, #tpu.memory_space<vmem>> -> memref<1x1x100xi32, #tpu.memory_space<vmem>>
        %dma_start3A_256 = tpu.memref_squeeze %dma_start3A_255 : memref<1x1x100xi32, #tpu.memory_space<vmem>> -> memref<100xi32, #tpu.memory_space<vmem>>
        %dma_start3A_257 = arith.constant 0 : i32
        %dma_start3A_258 = arith.constant 0 : i32
        %dma_start3A_259 = tpu.memref_slice %arg8[%dma_start3A_257, %dma_start3A_258] : memref<10000x128xf32, #tpu.memory_space<vmem_shared>> -> memref<10000x128xf32, #tpu.memory_space<vmem_shared>>
        tpu.enqueue_indirect_dma source(%dma_start3A_253 : memref<100x128xf32, #tpu.memory_space<vmem>>) target(%dma_start3A_259 : memref<10000x128xf32, #tpu.memory_space<vmem_shared>>) offsets(%dma_start3A_256 : memref<100xi32, #tpu.memory_space<vmem>>) semaphore(%run_scoped3A_249 : memref<!tpu.dma_semaphore, #tpu.memory_space<semaphore_mem>>) {add = true}
        %dma_wait3A_260 = arith.constant 0 : i32
        %dma_wait3A_261 = arith.constant 0 : i32
        %dma_wait3A_262 = tpu.memref_slice %arg7[%rem3A_174, %dma_wait3A_260, %dma_wait3A_261] : memref<3x100x128xf32, #tpu.memory_space<vmem>> -> memref<1x100x128xf32, #tpu.memory_space<vmem>>
        %dma_wait3A_263 = tpu.memref_squeeze %dma_wait3A_262 : memref<1x100x128xf32, #tpu.memory_space<vmem>> -> memref<100x128xf32, #tpu.memory_space<vmem>>
        %dma_wait3A_264 = arith.constant 0 : i32
        %dma_wait3A_265 = tpu.memref_slice %arg6[%rem3A_188, %run_scoped3A_189, %dma_wait3A_264] : memref<2x5x100xi32, #tpu.memory_space<vmem>> -> memref<1x1x100xi32, #tpu.memory_space<vmem>>
        %dma_wait3A_266 = tpu.memref_squeeze %dma_wait3A_265 : memref<1x1x100xi32, #tpu.memory_space<vmem>> -> memref<100xi32, #tpu.memory_space<vmem>>
        %dma_wait3A_267 = arith.constant 0 : i32
        %dma_wait3A_268 = arith.constant 0 : i32
        %dma_wait3A_269 = tpu.memref_slice %arg8[%dma_wait3A_267, %dma_wait3A_268] : memref<10000x128xf32, #tpu.memory_space<vmem_shared>> -> memref<10000x128xf32, #tpu.memory_space<vmem_shared>>
        tpu.wait_indirect_dma semaphore(%run_scoped3A_249 : memref<!tpu.dma_semaphore, #tpu.memory_space<semaphore_mem>>) src(%dma_wait3A_263 : memref<100x128xf32, #tpu.memory_space<vmem>>) dst(%dma_wait3A_269 : memref<10000x128xf32, #tpu.memory_space<vmem_shared>>)
        tpu.yield
      }) : () -> ()
      %add3A_190 = arith.constant 3 : i32
      %add3A_191 = arith.addi %mul3A_112, %add3A_190 : i32
      %add3A_192 = arith.constant 2 : i32
      %add3A_193 = arith.addi %add3A_191, %add3A_192 : i32
      %lt3A_194 = arith.constant 100 : i32
      %lt3A_195 = arith.cmpi slt, %add3A_193, %lt3A_194 : i32
      %convert_element_type3A_196 = arith.extui %lt3A_195 : i1 to i32
      %cond3A_197 = arith.constant 0 : i32
      %cond3A_198 = arith.cmpi ne, %convert_element_type3A_196, %cond3A_197 : i32
      scf.if %cond3A_198 {
        %div3A_249 = arith.constant 5 : i32
        %div3A_250 = arith.divsi %add3A_193, %div3A_249 : i32
        %rem3A_251 = arith.constant 5 : i32
        %rem3A_252 = arith.remsi %add3A_193, %rem3A_251 : i32
        %rem3A_253 = arith.constant 2 : i32
        %rem3A_254 = arith.remsi %div3A_250, %rem3A_253 : i32
        %rem3A_255 = arith.constant 3 : i32
        %rem3A_256 = arith.remsi %add3A_193, %rem3A_255 : i32
        %dma_start3A_257 = arith.constant 0 : i32
        %dma_start3A_258 = arith.constant 0 : i32
        %dma_start3A_259 = tpu.memref_slice %arg7[%rem3A_256, %dma_start3A_257, %dma_start3A_258] : memref<3x100x128xf32, #tpu.memory_space<vmem>> -> memref<1x100x128xf32, #tpu.memory_space<vmem>>
        %dma_start3A_260 = tpu.memref_squeeze %dma_start3A_259 : memref<1x100x128xf32, #tpu.memory_space<vmem>> -> memref<100x128xf32, #tpu.memory_space<vmem>>
        %dma_start3A_261 = arith.constant 0 : i32
        %dma_start3A_262 = tpu.memref_slice %arg5[%rem3A_254, %rem3A_252, %dma_start3A_261] : memref<2x5x100xi32, #tpu.memory_space<vmem>> -> memref<1x1x100xi32, #tpu.memory_space<vmem>>
        %dma_start3A_263 = tpu.memref_squeeze %dma_start3A_262 : memref<1x1x100xi32, #tpu.memory_space<vmem>> -> memref<100xi32, #tpu.memory_space<vmem>>
        %dma_start3A_264 = arith.constant 0 : i32
        %dma_start3A_265 = arith.constant 0 : i32
        %dma_start3A_266 = tpu.memref_slice %arg2[%dma_start3A_264, %dma_start3A_265] : memref<10000x128xf32, #tpu.memory_space<hbm>> -> memref<10000x128xf32, #tpu.memory_space<hbm>>
        tpu.enqueue_indirect_dma source(%dma_start3A_266 : memref<10000x128xf32, #tpu.memory_space<hbm>>) target(%dma_start3A_260 : memref<100x128xf32, #tpu.memory_space<vmem>>) offsets(%dma_start3A_263 : memref<100xi32, #tpu.memory_space<vmem>>) semaphore(%arg9 : memref<!tpu.dma_semaphore, #tpu.memory_space<semaphore_mem>>)
      } else {
      }
      %rem3A_199 = arith.constant 3 : i32
      %rem3A_200 = arith.remsi %add3A_191, %rem3A_199 : i32
      %dma_wait3A_201 = arith.constant 0 : i32
      %dma_wait3A_202 = arith.constant 0 : i32
      %dma_wait3A_203 = arith.constant 0 : i32
      %dma_wait3A_204 = arith.constant 0 : i32
      %dma_wait3A_205 = tpu.memref_slice %arg7[%rem3A_200, %dma_wait3A_203, %dma_wait3A_204] : memref<3x100x128xf32, #tpu.memory_space<vmem>> -> memref<1x100x128xf32, #tpu.memory_space<vmem>>
      %dma_wait3A_206 = tpu.memref_squeeze %dma_wait3A_205 : memref<1x100x128xf32, #tpu.memory_space<vmem>> -> memref<100x128xf32, #tpu.memory_space<vmem>>
      %dma_wait3A_207 = arith.constant 0 : i32
      %dma_wait3A_208 = tpu.memref_slice %arg5[%dma_wait3A_201, %dma_wait3A_202, %dma_wait3A_207] : memref<2x5x100xi32, #tpu.memory_space<vmem>> -> memref<1x1x100xi32, #tpu.memory_space<vmem>>
      %dma_wait3A_209 = tpu.memref_squeeze %dma_wait3A_208 : memref<1x1x100xi32, #tpu.memory_space<vmem>> -> memref<100xi32, #tpu.memory_space<vmem>>
      %dma_wait3A_210 = arith.constant 0 : i32
      %dma_wait3A_211 = arith.constant 0 : i32
      %dma_wait3A_212 = tpu.memref_slice %arg2[%dma_wait3A_210, %dma_wait3A_211] : memref<10000x128xf32, #tpu.memory_space<hbm>> -> memref<10000x128xf32, #tpu.memory_space<hbm>>
      tpu.wait_indirect_dma semaphore(%arg9 : memref<!tpu.dma_semaphore, #tpu.memory_space<semaphore_mem>>) src(%dma_wait3A_212 : memref<10000x128xf32, #tpu.memory_space<hbm>>) dst(%dma_wait3A_206 : memref<100x128xf32, #tpu.memory_space<vmem>>)
      %rem3A_213 = arith.constant 2 : i32
      %rem3A_214 = arith.remsi %scan3A_104, %rem3A_213 : i32
      %run_scoped3A_215 = arith.constant 3 : i32
      "tpu.region"() ({
        %run_scoped3A_249 = tpu.sem_alloc : memref<!tpu.dma_semaphore, #tpu.memory_space<semaphore_mem>>
        %dma_start3A_250 = arith.constant 0 : i32
        %dma_start3A_251 = arith.constant 0 : i32
        %dma_start3A_252 = tpu.memref_slice %arg7[%rem3A_200, %dma_start3A_250, %dma_start3A_251] : memref<3x100x128xf32, #tpu.memory_space<vmem>> -> memref<1x100x128xf32, #tpu.memory_space<vmem>>
        %dma_start3A_253 = tpu.memref_squeeze %dma_start3A_252 : memref<1x100x128xf32, #tpu.memory_space<vmem>> -> memref<100x128xf32, #tpu.memory_space<vmem>>
        %dma_start3A_254 = arith.constant 0 : i32
        %dma_start3A_255 = tpu.memref_slice %arg6[%rem3A_214, %run_scoped3A_215, %dma_start3A_254] : memref<2x5x100xi32, #tpu.memory_space<vmem>> -> memref<1x1x100xi32, #tpu.memory_space<vmem>>
        %dma_start3A_256 = tpu.memref_squeeze %dma_start3A_255 : memref<1x1x100xi32, #tpu.memory_space<vmem>> -> memref<100xi32, #tpu.memory_space<vmem>>
        %dma_start3A_257 = arith.constant 0 : i32
        %dma_start3A_258 = arith.constant 0 : i32
        %dma_start3A_259 = tpu.memref_slice %arg8[%dma_start3A_257, %dma_start3A_258] : memref<10000x128xf32, #tpu.memory_space<vmem_shared>> -> memref<10000x128xf32, #tpu.memory_space<vmem_shared>>
        tpu.enqueue_indirect_dma source(%dma_start3A_253 : memref<100x128xf32, #tpu.memory_space<vmem>>) target(%dma_start3A_259 : memref<10000x128xf32, #tpu.memory_space<vmem_shared>>) offsets(%dma_start3A_256 : memref<100xi32, #tpu.memory_space<vmem>>) semaphore(%run_scoped3A_249 : memref<!tpu.dma_semaphore, #tpu.memory_space<semaphore_mem>>) {add = true}
        %dma_wait3A_260 = arith.constant 0 : i32
        %dma_wait3A_261 = arith.constant 0 : i32
        %dma_wait3A_262 = tpu.memref_slice %arg7[%rem3A_200, %dma_wait3A_260, %dma_wait3A_261] : memref<3x100x128xf32, #tpu.memory_space<vmem>> -> memref<1x100x128xf32, #tpu.memory_space<vmem>>
        %dma_wait3A_263 = tpu.memref_squeeze %dma_wait3A_262 : memref<1x100x128xf32, #tpu.memory_space<vmem>> -> memref<100x128xf32, #tpu.memory_space<vmem>>
        %dma_wait3A_264 = arith.constant 0 : i32
        %dma_wait3A_265 = tpu.memref_slice %arg6[%rem3A_214, %run_scoped3A_215, %dma_wait3A_264] : memref<2x5x100xi32, #tpu.memory_space<vmem>> -> memref<1x1x100xi32, #tpu.memory_space<vmem>>
        %dma_wait3A_266 = tpu.memref_squeeze %dma_wait3A_265 : memref<1x1x100xi32, #tpu.memory_space<vmem>> -> memref<100xi32, #tpu.memory_space<vmem>>
        %dma_wait3A_267 = arith.constant 0 : i32
        %dma_wait3A_268 = arith.constant 0 : i32
        %dma_wait3A_269 = tpu.memref_slice %arg8[%dma_wait3A_267, %dma_wait3A_268] : memref<10000x128xf32, #tpu.memory_space<vmem_shared>> -> memref<10000x128xf32, #tpu.memory_space<vmem_shared>>
        tpu.wait_indirect_dma semaphore(%run_scoped3A_249 : memref<!tpu.dma_semaphore, #tpu.memory_space<semaphore_mem>>) src(%dma_wait3A_263 : memref<100x128xf32, #tpu.memory_space<vmem>>) dst(%dma_wait3A_269 : memref<10000x128xf32, #tpu.memory_space<vmem_shared>>)
        tpu.yield
      }) : () -> ()
      %add3A_216 = arith.constant 4 : i32
      %add3A_217 = arith.addi %mul3A_112, %add3A_216 : i32
      %add3A_218 = arith.constant 2 : i32
      %add3A_219 = arith.addi %add3A_217, %add3A_218 : i32
      %lt3A_220 = arith.constant 100 : i32
      %lt3A_221 = arith.cmpi slt, %add3A_219, %lt3A_220 : i32
      %convert_element_type3A_222 = arith.extui %lt3A_221 : i1 to i32
      %cond3A_223 = arith.constant 0 : i32
      %cond3A_224 = arith.cmpi ne, %convert_element_type3A_222, %cond3A_223 : i32
      scf.if %cond3A_224 {
        %div3A_249 = arith.constant 5 : i32
        %div3A_250 = arith.divsi %add3A_219, %div3A_249 : i32
        %rem3A_251 = arith.constant 5 : i32
        %rem3A_252 = arith.remsi %add3A_219, %rem3A_251 : i32
        %rem3A_253 = arith.constant 2 : i32
        %rem3A_254 = arith.remsi %div3A_250, %rem3A_253 : i32
        %rem3A_255 = arith.constant 3 : i32
        %rem3A_256 = arith.remsi %add3A_219, %rem3A_255 : i32
        %dma_start3A_257 = arith.constant 0 : i32
        %dma_start3A_258 = arith.constant 0 : i32
        %dma_start3A_259 = tpu.memref_slice %arg7[%rem3A_256, %dma_start3A_257, %dma_start3A_258] : memref<3x100x128xf32, #tpu.memory_space<vmem>> -> memref<1x100x128xf32, #tpu.memory_space<vmem>>
        %dma_start3A_260 = tpu.memref_squeeze %dma_start3A_259 : memref<1x100x128xf32, #tpu.memory_space<vmem>> -> memref<100x128xf32, #tpu.memory_space<vmem>>
        %dma_start3A_261 = arith.constant 0 : i32
        %dma_start3A_262 = tpu.memref_slice %arg5[%rem3A_254, %rem3A_252, %dma_start3A_261] : memref<2x5x100xi32, #tpu.memory_space<vmem>> -> memref<1x1x100xi32, #tpu.memory_space<vmem>>
        %dma_start3A_263 = tpu.memref_squeeze %dma_start3A_262 : memref<1x1x100xi32, #tpu.memory_space<vmem>> -> memref<100xi32, #tpu.memory_space<vmem>>
        %dma_start3A_264 = arith.constant 0 : i32
        %dma_start3A_265 = arith.constant 0 : i32
        %dma_start3A_266 = tpu.memref_slice %arg2[%dma_start3A_264, %dma_start3A_265] : memref<10000x128xf32, #tpu.memory_space<hbm>> -> memref<10000x128xf32, #tpu.memory_space<hbm>>
        tpu.enqueue_indirect_dma source(%dma_start3A_266 : memref<10000x128xf32, #tpu.memory_space<hbm>>) target(%dma_start3A_260 : memref<100x128xf32, #tpu.memory_space<vmem>>) offsets(%dma_start3A_263 : memref<100xi32, #tpu.memory_space<vmem>>) semaphore(%arg9 : memref<!tpu.dma_semaphore, #tpu.memory_space<semaphore_mem>>)
      } else {
      }
      %rem3A_225 = arith.constant 3 : i32
      %rem3A_226 = arith.remsi %add3A_217, %rem3A_225 : i32
      %dma_wait3A_227 = arith.constant 0 : i32
      %dma_wait3A_228 = arith.constant 0 : i32
      %dma_wait3A_229 = arith.constant 0 : i32
      %dma_wait3A_230 = arith.constant 0 : i32
      %dma_wait3A_231 = tpu.memref_slice %arg7[%rem3A_226, %dma_wait3A_229, %dma_wait3A_230] : memref<3x100x128xf32, #tpu.memory_space<vmem>> -> memref<1x100x128xf32, #tpu.memory_space<vmem>>
      %dma_wait3A_232 = tpu.memref_squeeze %dma_wait3A_231 : memref<1x100x128xf32, #tpu.memory_space<vmem>> -> memref<100x128xf32, #tpu.memory_space<vmem>>
      %dma_wait3A_233 = arith.constant 0 : i32
      %dma_wait3A_234 = tpu.memref_slice %arg5[%dma_wait3A_227, %dma_wait3A_228, %dma_wait3A_233] : memref<2x5x100xi32, #tpu.memory_space<vmem>> -> memref<1x1x100xi32, #tpu.memory_space<vmem>>
      %dma_wait3A_235 = tpu.memref_squeeze %dma_wait3A_234 : memref<1x1x100xi32, #tpu.memory_space<vmem>> -> memref<100xi32, #tpu.memory_space<vmem>>
      %dma_wait3A_236 = arith.constant 0 : i32
      %dma_wait3A_237 = arith.constant 0 : i32
      %dma_wait3A_238 = tpu.memref_slice %arg2[%dma_wait3A_236, %dma_wait3A_237] : memref<10000x128xf32, #tpu.memory_space<hbm>> -> memref<10000x128xf32, #tpu.memory_space<hbm>>
      tpu.wait_indirect_dma semaphore(%arg9 : memref<!tpu.dma_semaphore, #tpu.memory_space<semaphore_mem>>) src(%dma_wait3A_238 : memref<10000x128xf32, #tpu.memory_space<hbm>>) dst(%dma_wait3A_232 : memref<100x128xf32, #tpu.memory_space<vmem>>)
      %rem3A_239 = arith.constant 2 : i32
      %rem3A_240 = arith.remsi %scan3A_104, %rem3A_239 : i32
      %run_scoped3A_241 = arith.constant 4 : i32
      "tpu.region"() ({
        %run_scoped3A_249 = tpu.sem_alloc : memref<!tpu.dma_semaphore, #tpu.memory_space<semaphore_mem>>
        %dma_start3A_250 = arith.constant 0 : i32
        %dma_start3A_251 = arith.constant 0 : i32
        %dma_start3A_252 = tpu.memref_slice %arg7[%rem3A_226, %dma_start3A_250, %dma_start3A_251] : memref<3x100x128xf32, #tpu.memory_space<vmem>> -> memref<1x100x128xf32, #tpu.memory_space<vmem>>
        %dma_start3A_253 = tpu.memref_squeeze %dma_start3A_252 : memref<1x100x128xf32, #tpu.memory_space<vmem>> -> memref<100x128xf32, #tpu.memory_space<vmem>>
        %dma_start3A_254 = arith.constant 0 : i32
        %dma_start3A_255 = tpu.memref_slice %arg6[%rem3A_240, %run_scoped3A_241, %dma_start3A_254] : memref<2x5x100xi32, #tpu.memory_space<vmem>> -> memref<1x1x100xi32, #tpu.memory_space<vmem>>
        %dma_start3A_256 = tpu.memref_squeeze %dma_start3A_255 : memref<1x1x100xi32, #tpu.memory_space<vmem>> -> memref<100xi32, #tpu.memory_space<vmem>>
        %dma_start3A_257 = arith.constant 0 : i32
        %dma_start3A_258 = arith.constant 0 : i32
        %dma_start3A_259 = tpu.memref_slice %arg8[%dma_start3A_257, %dma_start3A_258] : memref<10000x128xf32, #tpu.memory_space<vmem_shared>> -> memref<10000x128xf32, #tpu.memory_space<vmem_shared>>
        tpu.enqueue_indirect_dma source(%dma_start3A_253 : memref<100x128xf32, #tpu.memory_space<vmem>>) target(%dma_start3A_259 : memref<10000x128xf32, #tpu.memory_space<vmem_shared>>) offsets(%dma_start3A_256 : memref<100xi32, #tpu.memory_space<vmem>>) semaphore(%run_scoped3A_249 : memref<!tpu.dma_semaphore, #tpu.memory_space<semaphore_mem>>) {add = true}
        %dma_wait3A_260 = arith.constant 0 : i32
        %dma_wait3A_261 = arith.constant 0 : i32
        %dma_wait3A_262 = tpu.memref_slice %arg7[%rem3A_226, %dma_wait3A_260, %dma_wait3A_261] : memref<3x100x128xf32, #tpu.memory_space<vmem>> -> memref<1x100x128xf32, #tpu.memory_space<vmem>>
        %dma_wait3A_263 = tpu.memref_squeeze %dma_wait3A_262 : memref<1x100x128xf32, #tpu.memory_space<vmem>> -> memref<100x128xf32, #tpu.memory_space<vmem>>
        %dma_wait3A_264 = arith.constant 0 : i32
        %dma_wait3A_265 = tpu.memref_slice %arg6[%rem3A_240, %run_scoped3A_241, %dma_wait3A_264] : memref<2x5x100xi32, #tpu.memory_space<vmem>> -> memref<1x1x100xi32, #tpu.memory_space<vmem>>
        %dma_wait3A_266 = tpu.memref_squeeze %dma_wait3A_265 : memref<1x1x100xi32, #tpu.memory_space<vmem>> -> memref<100xi32, #tpu.memory_space<vmem>>
        %dma_wait3A_267 = arith.constant 0 : i32
        %dma_wait3A_268 = arith.constant 0 : i32
        %dma_wait3A_269 = tpu.memref_slice %arg8[%dma_wait3A_267, %dma_wait3A_268] : memref<10000x128xf32, #tpu.memory_space<vmem_shared>> -> memref<10000x128xf32, #tpu.memory_space<vmem_shared>>
        tpu.wait_indirect_dma semaphore(%run_scoped3A_249 : memref<!tpu.dma_semaphore, #tpu.memory_space<semaphore_mem>>) src(%dma_wait3A_263 : memref<100x128xf32, #tpu.memory_space<vmem>>) dst(%dma_wait3A_269 : memref<10000x128xf32, #tpu.memory_space<vmem_shared>>)
        tpu.yield
      }) : () -> ()
      %add3A_242 = arith.constant 2 : i32
      %add3A_243 = arith.addi %scan3A_104, %add3A_242 : i32
      %lt3A_244 = arith.constant 20 : i32
      %lt3A_245 = arith.cmpi slt, %add3A_243, %lt3A_244 : i32
      %convert_element_type3A_246 = arith.extui %lt3A_245 : i1 to i32
      %cond3A_247 = arith.constant 0 : i32
      %cond3A_248 = arith.cmpi ne, %convert_element_type3A_246, %cond3A_247 : i32
      scf.if %cond3A_248 {
        %add3A_249 = arith.constant 2 : i32
        %add3A_250 = arith.addi %scan3A_104, %add3A_249 : i32
        %rem3A_251 = arith.constant 2 : i32
        %rem3A_252 = arith.remsi %scan3A_104, %rem3A_251 : i32
        %dma_start3A_253 = arith.constant 0 : i32
        %dma_start3A_254 = arith.constant 0 : i32
        %dma_start3A_255 = arith.constant 0 : i32
        %dma_start3A_256 = tpu.memref_slice %arg5[%rem3A_252, %dma_start3A_254, %dma_start3A_255] : memref<2x5x100xi32, #tpu.memory_space<vmem>> -> memref<1x5x100xi32, #tpu.memory_space<vmem>>
        %dma_start3A_257 = tpu.memref_squeeze %dma_start3A_256 : memref<1x5x100xi32, #tpu.memory_space<vmem>> -> memref<5x100xi32, #tpu.memory_space<vmem>>
        %dma_start3A_258 = arith.constant 0 : i32
        %dma_start3A_259 = arith.constant 0 : i32
        %dma_start3A_260 = tpu.memref_slice %arg3[%dma_start3A_253, %add3A, %add3A_250, %dma_start3A_258, %dma_start3A_259] : memref<2x32x20x5x100xi32, #tpu.memory_space<hbm>> -> memref<1x1x1x5x100xi32, #tpu.memory_space<hbm>>
        %dma_start3A_261 = tpu.memref_squeeze %dma_start3A_260 : memref<1x1x1x5x100xi32, #tpu.memory_space<hbm>> -> memref<5x100xi32, #tpu.memory_space<hbm>>
        %dma_start3A_262 = arith.constant 0 : i32
        %dma_start3A_263 = arith.constant 0 : i32
        %dma_start3A_264 = tpu.memref_slice %arg5[%rem3A_252, %dma_start3A_262, %dma_start3A_263] : memref<2x5x100xi32, #tpu.memory_space<vmem>> -> memref<1x5x100xi32, #tpu.memory_space<vmem>>
        %dma_start3A_265 = tpu.memref_squeeze %dma_start3A_264 : memref<1x5x100xi32, #tpu.memory_space<vmem>> -> memref<5x100xi32, #tpu.memory_space<vmem>>
        %dma_start3A_266 = arith.constant 0 : i32
        %dma_start3A_267 = arith.constant 0 : i32
        %dma_start3A_268 = tpu.memref_slice %arg3[%dma_start3A_253, %add3A, %add3A_250, %dma_start3A_266, %dma_start3A_267] : memref<2x32x20x5x100xi32, #tpu.memory_space<hbm>> -> memref<1x1x1x5x100xi32, #tpu.memory_space<hbm>>
        %dma_start3A_269 = tpu.memref_squeeze %dma_start3A_268 : memref<1x1x1x5x100xi32, #tpu.memory_space<hbm>> -> memref<5x100xi32, #tpu.memory_space<hbm>>
        tpu.enqueue_dma source(%dma_start3A_269 : memref<5x100xi32, #tpu.memory_space<hbm>>) target(%dma_start3A_265 : memref<5x100xi32, #tpu.memory_space<vmem>>) target_semaphore(%arg10 : memref<!tpu.dma_semaphore, #tpu.memory_space<semaphore_mem>>)
        %add3A_270 = arith.constant 2 : i32
        %add3A_271 = arith.addi %scan3A_104, %add3A_270 : i32
        %rem3A_272 = arith.constant 2 : i32
        %rem3A_273 = arith.remsi %scan3A_104, %rem3A_272 : i32
        %dma_start3A_274 = arith.constant 1 : i32
        %dma_start3A_275 = arith.constant 0 : i32
        %dma_start3A_276 = arith.constant 0 : i32
        %dma_start3A_277 = tpu.memref_slice %arg6[%rem3A_273, %dma_start3A_275, %dma_start3A_276] : memref<2x5x100xi32, #tpu.memory_space<vmem>> -> memref<1x5x100xi32, #tpu.memory_space<vmem>>
        %dma_start3A_278 = tpu.memref_squeeze %dma_start3A_277 : memref<1x5x100xi32, #tpu.memory_space<vmem>> -> memref<5x100xi32, #tpu.memory_space<vmem>>
        %dma_start3A_279 = arith.constant 0 : i32
        %dma_start3A_280 = arith.constant 0 : i32
        %dma_start3A_281 = tpu.memref_slice %arg3[%dma_start3A_274, %add3A, %add3A_271, %dma_start3A_279, %dma_start3A_280] : memref<2x32x20x5x100xi32, #tpu.memory_space<hbm>> -> memref<1x1x1x5x100xi32, #tpu.memory_space<hbm>>
        %dma_start3A_282 = tpu.memref_squeeze %dma_start3A_281 : memref<1x1x1x5x100xi32, #tpu.memory_space<hbm>> -> memref<5x100xi32, #tpu.memory_space<hbm>>
        %dma_start3A_283 = arith.constant 0 : i32
        %dma_start3A_284 = arith.constant 0 : i32
        %dma_start3A_285 = tpu.memref_slice %arg6[%rem3A_273, %dma_start3A_283, %dma_start3A_284] : memref<2x5x100xi32, #tpu.memory_space<vmem>> -> memref<1x5x100xi32, #tpu.memory_space<vmem>>
        %dma_start3A_286 = tpu.memref_squeeze %dma_start3A_285 : memref<1x5x100xi32, #tpu.memory_space<vmem>> -> memref<5x100xi32, #tpu.memory_space<vmem>>
        %dma_start3A_287 = arith.constant 0 : i32
        %dma_start3A_288 = arith.constant 0 : i32
        %dma_start3A_289 = tpu.memref_slice %arg3[%dma_start3A_274, %add3A, %add3A_271, %dma_start3A_287, %dma_start3A_288] : memref<2x32x20x5x100xi32, #tpu.memory_space<hbm>> -> memref<1x1x1x5x100xi32, #tpu.memory_space<hbm>>
        %dma_start3A_290 = tpu.memref_squeeze %dma_start3A_289 : memref<1x1x1x5x100xi32, #tpu.memory_space<hbm>> -> memref<5x100xi32, #tpu.memory_space<hbm>>
        tpu.enqueue_dma source(%dma_start3A_290 : memref<5x100xi32, #tpu.memory_space<hbm>>) target(%dma_start3A_286 : memref<5x100xi32, #tpu.memory_space<vmem>>) target_semaphore(%arg10 : memref<!tpu.dma_semaphore, #tpu.memory_space<semaphore_mem>>)
      } else {
      }
    }
    %scan3A_96 = arith.constant 20 : i32
    %barrier3A_97 = arith.constant 0 : index
    tpu.barrier barrier_id(%barrier3A_97)
    %lt3A = arith.constant 15 : i32
    %lt3A_98 = arith.cmpi slt, %arg1, %lt3A : i32
    %convert_element_type3A = arith.extui %lt3A_98 : i1 to i32
    %cond3A = arith.constant 0 : i32
    %cond3A_99 = arith.cmpi ne, %convert_element_type3A, %cond3A : i32
    scf.if %cond3A_99 {
      %mul3A_104 = arith.constant 624 : i32
      %mul3A_105 = arith.muli %arg1, %mul3A_104 : i32
      %mul3A_106 = arith.constant 624 : i32
      %mul3A_107 = arith.muli %arg1, %mul3A_106 : i32
      "tpu.region"() ({
        %run_scoped3A_108 = tpu.sem_alloc : memref<!tpu.dma_semaphore, #tpu.memory_space<semaphore_mem>>
        %dma_start3A_109 = arith.constant 0 : i32
        %dma_start3A_110 = tpu.memref_slice %arg4[%arg0, %mul3A_107, %dma_start3A_109] : memref<2x10000x128xf32, #tpu.memory_space<hbm>> -> memref<1x624x128xf32, #tpu.memory_space<hbm>>
        %dma_start3A_111 = tpu.memref_squeeze %dma_start3A_110 : memref<1x624x128xf32, #tpu.memory_space<hbm>> -> memref<624x128xf32, #tpu.memory_space<hbm>>
        %dma_start3A_112 = arith.constant 0 : i32
        %dma_start3A_113 = tpu.memref_slice %arg8[%mul3A_105, %dma_start3A_112] : memref<10000x128xf32, #tpu.memory_space<vmem_shared>> -> memref<624x128xf32, #tpu.memory_space<vmem_shared>>
        tpu.enqueue_dma source(%dma_start3A_113 : memref<624x128xf32, #tpu.memory_space<vmem_shared>>) target(%dma_start3A_111 : memref<624x128xf32, #tpu.memory_space<hbm>>) target_semaphore(%run_scoped3A_108 : memref<!tpu.dma_semaphore, #tpu.memory_space<semaphore_mem>>)
        %dma_wait3A = arith.constant 0 : i32
        %dma_wait3A_114 = tpu.memref_slice %arg4[%arg0, %mul3A_107, %dma_wait3A] : memref<2x10000x128xf32, #tpu.memory_space<hbm>> -> memref<1x624x128xf32, #tpu.memory_space<hbm>>
        %dma_wait3A_115 = tpu.memref_squeeze %dma_wait3A_114 : memref<1x624x128xf32, #tpu.memory_space<hbm>> -> memref<624x128xf32, #tpu.memory_space<hbm>>
        %dma_wait3A_116 = arith.constant 0 : i32
        %dma_wait3A_117 = tpu.memref_slice %arg8[%mul3A_105, %dma_wait3A_116] : memref<10000x128xf32, #tpu.memory_space<vmem_shared>> -> memref<624x128xf32, #tpu.memory_space<vmem_shared>>
        tpu.wait_dma2 semaphore(%run_scoped3A_108 : memref<!tpu.dma_semaphore, #tpu.memory_space<semaphore_mem>>) src(%dma_wait3A_117 : memref<624x128xf32, #tpu.memory_space<vmem_shared>>) dst(%dma_wait3A_115 : memref<624x128xf32, #tpu.memory_space<hbm>>)
        tpu.yield
      }) : () -> ()
    } else {
    }
    %eq3A = arith.constant 15 : i32
    %eq3A_100 = arith.cmpi eq, %arg1, %eq3A : i32
    %convert_element_type3A_101 = arith.extui %eq3A_100 : i1 to i32
    %cond3A_102 = arith.constant 0 : i32
    %cond3A_103 = arith.cmpi ne, %convert_element_type3A_101, %cond3A_102 : i32
    scf.if %cond3A_103 {
      "tpu.region"() ({
        %run_scoped3A_104 = tpu.sem_alloc : memref<!tpu.dma_semaphore, #tpu.memory_space<semaphore_mem>>
        %dma_start3A_105 = arith.constant 9360 : i32
        %dma_start3A_106 = arith.constant 0 : i32
        %dma_start3A_107 = tpu.memref_slice %arg4[%arg0, %dma_start3A_105, %dma_start3A_106] : memref<2x10000x128xf32, #tpu.memory_space<hbm>> -> memref<1x640x128xf32, #tpu.memory_space<hbm>>
        %dma_start3A_108 = tpu.memref_squeeze %dma_start3A_107 : memref<1x640x128xf32, #tpu.memory_space<hbm>> -> memref<640x128xf32, #tpu.memory_space<hbm>>
        %dma_start3A_109 = arith.constant 9360 : i32
        %dma_start3A_110 = arith.constant 0 : i32
        %dma_start3A_111 = tpu.memref_slice %arg8[%dma_start3A_109, %dma_start3A_110] : memref<10000x128xf32, #tpu.memory_space<vmem_shared>> -> memref<640x128xf32, #tpu.memory_space<vmem_shared>>
        tpu.enqueue_dma source(%dma_start3A_111 : memref<640x128xf32, #tpu.memory_space<vmem_shared>>) target(%dma_start3A_108 : memref<640x128xf32, #tpu.memory_space<hbm>>) target_semaphore(%run_scoped3A_104 : memref<!tpu.dma_semaphore, #tpu.memory_space<semaphore_mem>>)
        %dma_wait3A = arith.constant 9360 : i32
        %dma_wait3A_112 = arith.constant 0 : i32
        %dma_wait3A_113 = tpu.memref_slice %arg4[%arg0, %dma_wait3A, %dma_wait3A_112] : memref<2x10000x128xf32, #tpu.memory_space<hbm>> -> memref<1x640x128xf32, #tpu.memory_space<hbm>>
        %dma_wait3A_114 = tpu.memref_squeeze %dma_wait3A_113 : memref<1x640x128xf32, #tpu.memory_space<hbm>> -> memref<640x128xf32, #tpu.memory_space<hbm>>
        %dma_wait3A_115 = arith.constant 9360 : i32
        %dma_wait3A_116 = arith.constant 0 : i32
        %dma_wait3A_117 = tpu.memref_slice %arg8[%dma_wait3A_115, %dma_wait3A_116] : memref<10000x128xf32, #tpu.memory_space<vmem_shared>> -> memref<640x128xf32, #tpu.memory_space<vmem_shared>>
        tpu.wait_dma2 semaphore(%run_scoped3A_104 : memref<!tpu.dma_semaphore, #tpu.memory_space<semaphore_mem>>) src(%dma_wait3A_117 : memref<640x128xf32, #tpu.memory_space<vmem_shared>>) dst(%dma_wait3A_114 : memref<640x128xf32, #tpu.memory_space<hbm>>)
        tpu.yield
      }) : () -> ()
    } else {
    }
    return
  }
}

#map = affine_map<(d0, d1) -> (0, 0)>
#map1 = affine_map<(d0, d1) -> (0, 0, 0, 0, 0)>
#map2 = affine_map<(d0, d1) -> (0, 0, 0)>
module attributes {stable_mosaic.version = 14 : i64} {
  func.func @_agg_body(%arg0: i32, %arg1: i32, %arg2: memref<10000x128xf32, #tpu.memory_space<hbm>>, %arg3: memref<2x32x20x5x100xi32, #tpu.memory_space<hbm>>, %arg4: memref<2x10000x128xf32, #tpu.memory_space<hbm>>, %arg5: memref<2x5x100xi32, #tpu.memory_space<vmem>>, %arg6: memref<2x5x100xi32, #tpu.memory_space<vmem>>, %arg7: memref<3x100x128xf32, #tpu.memory_space<vmem>>, %arg8: memref<10000x128xf32, #tpu.memory_space<vmem_shared>>, %arg9: memref<!tpu.dma_semaphore, #tpu.memory_space<semaphore_mem>>, %arg10: memref<!tpu.dma_semaphore, #tpu.memory_space<semaphore_mem>>) attributes {dimension_semantics = [#tpu.dimension_semantics<core_parallel>, #tpu.dimension_semantics<subcore_parallel>], iteration_bounds = array<i64: 2, 16>, scalar_prefetch = 0 : i64, scratch_operands = 6 : i64, tpu.core_type = #tpu.core_type<sc_vector_subcore>, window_params = [{transform_indices = #map}, {transform_indices = #map1}, {transform_indices = #map2}]} {
    %mul3A = arith.constant 16 : i32
    %mul3A_0 = arith.muli %arg0, %mul3A : i32
    %add3A = arith.addi %mul3A_0, %arg1 : i32
    %scan3A = arith.constant 0 : i32
    %scan3A_1 = arith.constant 0 : i32
    %scan3A_2 = arith.constant 100 : i32
    %scan3A_3 = arith.addi %scan3A_1, %scan3A_2 : i32
    %scan3A_4 = arith.constant 1 : i32
    scf.for %scan3A_104 = %scan3A_1 to %scan3A_3 step %scan3A_4  : i32 {
      %broadcast_in_dim3A = arith.constant 0.000000e+00 : f32
      %broadcast_in_dim3A_105 = vector.broadcast %broadcast_in_dim3A : f32 to vector<16xf32>
      %swap3A = arith.constant 0 : i32
      %swap3A_106 = arith.index_cast %swap3A : i32 to index
      %swap3A_107 = arith.index_cast %scan3A_104 : i32 to index
      %swap3A_108 = arith.constant 0 : index
      %swap3A_109 = tpu.vector_load %arg7[%swap3A_106, %swap3A_107, %swap3A_108] {strides = array<i32>} : memref<3x100x128xf32, #tpu.memory_space<vmem>>, vector<1x1x16xf32>,
      %swap3A_110 = vector.shape_cast %swap3A_109 : vector<1x1x16xf32> to vector<16xf32>
      %swap3A_111 = vector.shape_cast %broadcast_in_dim3A_105 : vector<16xf32> to vector<1x1x16xf32>
      tpu.vector_store %arg7[%swap3A_106, %swap3A_107, %swap3A_108], %swap3A_111 {strides = array<i32>} : memref<3x100x128xf32, #tpu.memory_space<vmem>>, vector<1x1x16xf32>,
      %broadcast_in_dim3A_112 = arith.constant 0.000000e+00 : f32
      %broadcast_in_dim3A_113 = vector.broadcast %broadcast_in_dim3A_112 : f32 to vector<16xf32>
      %swap3A_114 = arith.constant 0 : i32
      %swap3A_115 = arith.index_cast %swap3A_114 : i32 to index
      %swap3A_116 = arith.index_cast %scan3A_104 : i32 to index
      %swap3A_117 = arith.constant 16 : index
      %swap3A_118 = tpu.vector_load %arg7[%swap3A_115, %swap3A_116, %swap3A_117] {strides = array<i32>} : memref<3x100x128xf32, #tpu.memory_space<vmem>>, vector<1x1x16xf32>,
      %swap3A_119 = vector.shape_cast %swap3A_118 : vector<1x1x16xf32> to vector<16xf32>
      %swap3A_120 = vector.shape_cast %broadcast_in_dim3A_113 : vector<16xf32> to vector<1x1x16xf32>
      tpu.vector_store %arg7[%swap3A_115, %swap3A_116, %swap3A_117], %swap3A_120 {strides = array<i32>} : memref<3x100x128xf32, #tpu.memory_space<vmem>>, vector<1x1x16xf32>,
      %broadcast_in_dim3A_121 = arith.constant 0.000000e+00 : f32
      %broadcast_in_dim3A_122 = vector.broadcast %broadcast_in_dim3A_121 : f32 to vector<16xf32>
      %swap3A_123 = arith.constant 0 : i32
      %swap3A_124 = arith.index_cast %swap3A_123 : i32 to index
      %swap3A_125 = arith.index_cast %scan3A_104 : i32 to index
      %swap3A_126 = arith.constant 32 : index
      %swap3A_127 = tpu.vector_load %arg7[%swap3A_124, %swap3A_125, %swap3A_126] {strides = array<i32>} : memref<3x100x128xf32, #tpu.memory_space<vmem>>, vector<1x1x16xf32>,
      %swap3A_128 = vector.shape_cast %swap3A_127 : vector<1x1x16xf32> to vector<16xf32>
      %swap3A_129 = vector.shape_cast %broadcast_in_dim3A_122 : vector<16xf32> to vector<1x1x16xf32>
      tpu.vector_store %arg7[%swap3A_124, %swap3A_125, %swap3A_126], %swap3A_129 {strides = array<i32>} : memref<3x100x128xf32, #tpu.memory_space<vmem>>, vector<1x1x16xf32>,
      %broadcast_in_dim3A_130 = arith.constant 0.000000e+00 : f32
      %broadcast_in_dim3A_131 = vector.broadcast %broadcast_in_dim3A_130 : f32 to vector<16xf32>
      %swap3A_132 = arith.constant 0 : i32
      %swap3A_133 = arith.index_cast %swap3A_132 : i32 to index
      %swap3A_134 = arith.index_cast %scan3A_104 : i32 to index
      %swap3A_135 = arith.constant 48 : index
      %swap3A_136 = tpu.vector_load %arg7[%swap3A_133, %swap3A_134, %swap3A_135] {strides = array<i32>} : memref<3x100x128xf32, #tpu.memory_space<vmem>>, vector<1x1x16xf32>,
      %swap3A_137 = vector.shape_cast %swap3A_136 : vector<1x1x16xf32> to vector<16xf32>
      %swap3A_138 = vector.shape_cast %broadcast_in_dim3A_131 : vector<16xf32> to vector<1x1x16xf32>
      tpu.vector_store %arg7[%swap3A_133, %swap3A_134, %swap3A_135], %swap3A_138 {strides = array<i32>} : memref<3x100x128xf32, #tpu.memory_space<vmem>>, vector<1x1x16xf32>,
      %broadcast_in_dim3A_139 = arith.constant 0.000000e+00 : f32
      %broadcast_in_dim3A_140 = vector.broadcast %broadcast_in_dim3A_139 : f32 to vector<16xf32>
      %swap3A_141 = arith.constant 0 : i32
      %swap3A_142 = arith.index_cast %swap3A_141 : i32 to index
      %swap3A_143 = arith.index_cast %scan3A_104 : i32 to index
      %swap3A_144 = arith.constant 64 : index
      %swap3A_145 = tpu.vector_load %arg7[%swap3A_142, %swap3A_143, %swap3A_144] {strides = array<i32>} : memref<3x100x128xf32, #tpu.memory_space<vmem>>, vector<1x1x16xf32>,
      %swap3A_146 = vector.shape_cast %swap3A_145 : vector<1x1x16xf32> to vector<16xf32>
      %swap3A_147 = vector.shape_cast %broadcast_in_dim3A_140 : vector<16xf32> to vector<1x1x16xf32>
      tpu.vector_store %arg7[%swap3A_142, %swap3A_143, %swap3A_144], %swap3A_147 {strides = array<i32>} : memref<3x100x128xf32, #tpu.memory_space<vmem>>, vector<1x1x16xf32>,
      %broadcast_in_dim3A_148 = arith.constant 0.000000e+00 : f32
      %broadcast_in_dim3A_149 = vector.broadcast %broadcast_in_dim3A_148 : f32 to vector<16xf32>
      %swap3A_150 = arith.constant 0 : i32
      %swap3A_151 = arith.index_cast %swap3A_150 : i32 to index
      %swap3A_152 = arith.index_cast %scan3A_104 : i32 to index
      %swap3A_153 = arith.constant 80 : index
      %swap3A_154 = tpu.vector_load %arg7[%swap3A_151, %swap3A_152, %swap3A_153] {strides = array<i32>} : memref<3x100x128xf32, #tpu.memory_space<vmem>>, vector<1x1x16xf32>,
      %swap3A_155 = vector.shape_cast %swap3A_154 : vector<1x1x16xf32> to vector<16xf32>
      %swap3A_156 = vector.shape_cast %broadcast_in_dim3A_149 : vector<16xf32> to vector<1x1x16xf32>
      tpu.vector_store %arg7[%swap3A_151, %swap3A_152, %swap3A_153], %swap3A_156 {strides = array<i32>} : memref<3x100x128xf32, #tpu.memory_space<vmem>>, vector<1x1x16xf32>,
      %broadcast_in_dim3A_157 = arith.constant 0.000000e+00 : f32
      %broadcast_in_dim3A_158 = vector.broadcast %broadcast_in_dim3A_157 : f32 to vector<16xf32>
      %swap3A_159 = arith.constant 0 : i32
      %swap3A_160 = arith.index_cast %swap3A_159 : i32 to index
      %swap3A_161 = arith.index_cast %scan3A_104 : i32 to index
      %swap3A_162 = arith.constant 96 : index
      %swap3A_163 = tpu.vector_load %arg7[%swap3A_160, %swap3A_161, %swap3A_162] {strides = array<i32>} : memref<3x100x128xf32, #tpu.memory_space<vmem>>, vector<1x1x16xf32>,
      %swap3A_164 = vector.shape_cast %swap3A_163 : vector<1x1x16xf32> to vector<16xf32>
      %swap3A_165 = vector.shape_cast %broadcast_in_dim3A_158 : vector<16xf32> to vector<1x1x16xf32>
      tpu.vector_store %arg7[%swap3A_160, %swap3A_161, %swap3A_162], %swap3A_165 {strides = array<i32>} : memref<3x100x128xf32, #tpu.memory_space<vmem>>, vector<1x1x16xf32>,
      %broadcast_in_dim3A_166 = arith.constant 0.000000e+00 : f32
      %broadcast_in_dim3A_167 = vector.broadcast %broadcast_in_dim3A_166 : f32 to vector<16xf32>
      %swap3A_168 = arith.constant 0 : i32
      %swap3A_169 = arith.index_cast %swap3A_168 : i32 to index
      %swap3A_170 = arith.index_cast %scan3A_104 : i32 to index
      %swap3A_171 = arith.constant 112 : index
      %swap3A_172 = tpu.vector_load %arg7[%swap3A_169, %swap3A_170, %swap3A_171] {strides = array<i32>} : memref<3x100x128xf32, #tpu.memory_space<vmem>>, vector<1x1x16xf32>,
      %swap3A_173 = vector.shape_cast %swap3A_172 : vector<1x1x16xf32> to vector<16xf32>
      %swap3A_174 = vector.shape_cast %broadcast_in_dim3A_167 : vector<16xf32> to vector<1x1x16xf32>
      tpu.vector_store %arg7[%swap3A_169, %swap3A_170, %swap3A_171], %swap3A_174 {strides = array<i32>} : memref<3x100x128xf32, #tpu.memory_space<vmem>>, vector<1x1x16xf32>,
    }
    %scan3A_5 = arith.constant 100 : i32
    %mul3A_6 = arith.constant 625 : i32
    %mul3A_7 = arith.muli %arg1, %mul3A_6 : i32
    %add3A_8 = arith.constant 0 : i32
    %add3A_9 = arith.addi %mul3A_7, %add3A_8 : i32
    %run_scoped3A = arith.constant 0 : i32
    "tpu.region"() ({
      %run_scoped3A_104 = tpu.sem_alloc : memref<!tpu.dma_semaphore, #tpu.memory_space<semaphore_mem>>
      %dma_start3A_105 = arith.constant 0 : i32
      %dma_start3A_106 = arith.constant 0 : i32
      %dma_start3A_107 = tpu.memref_slice %arg7[%run_scoped3A, %dma_start3A_105, %dma_start3A_106] : memref<3x100x128xf32, #tpu.memory_space<vmem>> -> memref<1x100x128xf32, #tpu.memory_space<vmem>>
      %dma_start3A_108 = tpu.memref_squeeze %dma_start3A_107 : memref<1x100x128xf32, #tpu.memory_space<vmem>> -> memref<100x128xf32, #tpu.memory_space<vmem>>
      %dma_start3A_109 = arith.constant 0 : i32
      %dma_start3A_110 = tpu.memref_slice %arg8[%add3A_9, %dma_start3A_109] : memref<10000x128xf32, #tpu.memory_space<vmem_shared>> -> memref<100x128xf32, #tpu.memory_space<vmem_shared>>
      %dma_start3A_111 = arith.constant 0 : i32
      %dma_start3A_112 = tpu.memref_slice %arg8[%add3A_9, %dma_start3A_111] : memref<10000x128xf32, #tpu.memory_space<vmem_shared>> -> memref<100x128xf32, #tpu.memory_space<vmem_shared>>
      %dma_start3A_113 = arith.constant 0 : i32
      %dma_start3A_114 = arith.constant 0 : i32
      %dma_start3A_115 = tpu.memref_slice %arg7[%run_scoped3A, %dma_start3A_113, %dma_start3A_114] : memref<3x100x128xf32, #tpu.memory_space<vmem>> -> memref<1x100x128xf32, #tpu.memory_space<vmem>>
      %dma_start3A_116 = tpu.memref_squeeze %dma_start3A_115 : memref<1x100x128xf32, #tpu.memory_space<vmem>> -> memref<100x128xf32, #tpu.memory_space<vmem>>
      tpu.enqueue_dma source(%dma_start3A_116 : memref<100x128xf32, #tpu.memory_space<vmem>>) target(%dma_start3A_112 : memref<100x128xf32, #tpu.memory_space<vmem_shared>>) target_semaphore(%run_scoped3A_104 : memref<!tpu.dma_semaphore, #tpu.memory_space<semaphore_mem>>)
      %dma_wait3A = arith.constant 0 : i32
      %dma_wait3A_117 = arith.constant 0 : i32
      %dma_wait3A_118 = tpu.memref_slice %arg7[%run_scoped3A, %dma_wait3A, %dma_wait3A_117] : memref<3x100x128xf32, #tpu.memory_space<vmem>> -> memref<1x100x128xf32, #tpu.memory_space<vmem>>
      %dma_wait3A_119 = tpu.memref_squeeze %dma_wait3A_118 : memref<1x100x128xf32, #tpu.memory_space<vmem>> -> memref<100x128xf32, #tpu.memory_space<vmem>>
      %dma_wait3A_120 = arith.constant 0 : i32
      %dma_wait3A_121 = tpu.memref_slice %arg8[%add3A_9, %dma_wait3A_120] : memref<10000x128xf32, #tpu.memory_space<vmem_shared>> -> memref<100x128xf32, #tpu.memory_space<vmem_shared>>
      %dma_wait3A_122 = arith.constant 0 : i32
      %dma_wait3A_123 = tpu.memref_slice %arg8[%add3A_9, %dma_wait3A_122] : memref<10000x128xf32, #tpu.memory_space<vmem_shared>> -> memref<100x128xf32, #tpu.memory_space<vmem_shared>>
      %dma_wait3A_124 = arith.constant 0 : i32
      %dma_wait3A_125 = arith.constant 0 : i32
      %dma_wait3A_126 = tpu.memref_slice %arg7[%run_scoped3A, %dma_wait3A_124, %dma_wait3A_125] : memref<3x100x128xf32, #tpu.memory_space<vmem>> -> memref<1x100x128xf32, #tpu.memory_space<vmem>>
      %dma_wait3A_127 = tpu.memref_squeeze %dma_wait3A_126 : memref<1x100x128xf32, #tpu.memory_space<vmem>> -> memref<100x128xf32, #tpu.memory_space<vmem>>
      tpu.wait_dma2 semaphore(%run_scoped3A_104 : memref<!tpu.dma_semaphore, #tpu.memory_space<semaphore_mem>>) src(%dma_wait3A_127 : memref<100x128xf32, #tpu.memory_space<vmem>>) dst(%dma_wait3A_123 : memref<100x128xf32, #tpu.memory_space<vmem_shared>>)
      tpu.yield
    }) : () -> ()
    %mul3A_10 = arith.constant 625 : i32
    %mul3A_11 = arith.muli %arg1, %mul3A_10 : i32
    %add3A_12 = arith.constant 100 : i32
    %add3A_13 = arith.addi %mul3A_11, %add3A_12 : i32
    %run_scoped3A_14 = arith.constant 0 : i32
    "tpu.region"() ({
      %run_scoped3A_104 = tpu.sem_alloc : memref<!tpu.dma_semaphore, #tpu.memory_space<semaphore_mem>>
      %dma_start3A_105 = arith.constant 0 : i32
      %dma_start3A_106 = arith.constant 0 : i32
      %dma_start3A_107 = tpu.memref_slice %arg7[%run_scoped3A_14, %dma_start3A_105, %dma_start3A_106] : memref<3x100x128xf32, #tpu.memory_space<vmem>> -> memref<1x100x128xf32, #tpu.memory_space<vmem>>
      %dma_start3A_108 = tpu.memref_squeeze %dma_start3A_107 : memref<1x100x128xf32, #tpu.memory_space<vmem>> -> memref<100x128xf32, #tpu.memory_space<vmem>>
      %dma_start3A_109 = arith.constant 0 : i32
      %dma_start3A_110 = tpu.memref_slice %arg8[%add3A_13, %dma_start3A_109] : memref<10000x128xf32, #tpu.memory_space<vmem_shared>> -> memref<100x128xf32, #tpu.memory_space<vmem_shared>>
      %dma_start3A_111 = arith.constant 0 : i32
      %dma_start3A_112 = tpu.memref_slice %arg8[%add3A_13, %dma_start3A_111] : memref<10000x128xf32, #tpu.memory_space<vmem_shared>> -> memref<100x128xf32, #tpu.memory_space<vmem_shared>>
      %dma_start3A_113 = arith.constant 0 : i32
      %dma_start3A_114 = arith.constant 0 : i32
      %dma_start3A_115 = tpu.memref_slice %arg7[%run_scoped3A_14, %dma_start3A_113, %dma_start3A_114] : memref<3x100x128xf32, #tpu.memory_space<vmem>> -> memref<1x100x128xf32, #tpu.memory_space<vmem>>
      %dma_start3A_116 = tpu.memref_squeeze %dma_start3A_115 : memref<1x100x128xf32, #tpu.memory_space<vmem>> -> memref<100x128xf32, #tpu.memory_space<vmem>>
      tpu.enqueue_dma source(%dma_start3A_116 : memref<100x128xf32, #tpu.memory_space<vmem>>) target(%dma_start3A_112 : memref<100x128xf32, #tpu.memory_space<vmem_shared>>) target_semaphore(%run_scoped3A_104 : memref<!tpu.dma_semaphore, #tpu.memory_space<semaphore_mem>>)
      %dma_wait3A = arith.constant 0 : i32
      %dma_wait3A_117 = arith.constant 0 : i32
      %dma_wait3A_118 = tpu.memref_slice %arg7[%run_scoped3A_14, %dma_wait3A, %dma_wait3A_117] : memref<3x100x128xf32, #tpu.memory_space<vmem>> -> memref<1x100x128xf32, #tpu.memory_space<vmem>>
      %dma_wait3A_119 = tpu.memref_squeeze %dma_wait3A_118 : memref<1x100x128xf32, #tpu.memory_space<vmem>> -> memref<100x128xf32, #tpu.memory_space<vmem>>
      %dma_wait3A_120 = arith.constant 0 : i32
      %dma_wait3A_121 = tpu.memref_slice %arg8[%add3A_13, %dma_wait3A_120] : memref<10000x128xf32, #tpu.memory_space<vmem_shared>> -> memref<100x128xf32, #tpu.memory_space<vmem_shared>>
      %dma_wait3A_122 = arith.constant 0 : i32
      %dma_wait3A_123 = tpu.memref_slice %arg8[%add3A_13, %dma_wait3A_122] : memref<10000x128xf32, #tpu.memory_space<vmem_shared>> -> memref<100x128xf32, #tpu.memory_space<vmem_shared>>
      %dma_wait3A_124 = arith.constant 0 : i32
      %dma_wait3A_125 = arith.constant 0 : i32
      %dma_wait3A_126 = tpu.memref_slice %arg7[%run_scoped3A_14, %dma_wait3A_124, %dma_wait3A_125] : memref<3x100x128xf32, #tpu.memory_space<vmem>> -> memref<1x100x128xf32, #tpu.memory_space<vmem>>
      %dma_wait3A_127 = tpu.memref_squeeze %dma_wait3A_126 : memref<1x100x128xf32, #tpu.memory_space<vmem>> -> memref<100x128xf32, #tpu.memory_space<vmem>>
      tpu.wait_dma2 semaphore(%run_scoped3A_104 : memref<!tpu.dma_semaphore, #tpu.memory_space<semaphore_mem>>) src(%dma_wait3A_127 : memref<100x128xf32, #tpu.memory_space<vmem>>) dst(%dma_wait3A_123 : memref<100x128xf32, #tpu.memory_space<vmem_shared>>)
      tpu.yield
    }) : () -> ()
    %mul3A_15 = arith.constant 625 : i32
    %mul3A_16 = arith.muli %arg1, %mul3A_15 : i32
    %add3A_17 = arith.constant 200 : i32
    %add3A_18 = arith.addi %mul3A_16, %add3A_17 : i32
    %run_scoped3A_19 = arith.constant 0 : i32
    "tpu.region"() ({
      %run_scoped3A_104 = tpu.sem_alloc : memref<!tpu.dma_semaphore, #tpu.memory_space<semaphore_mem>>
      %dma_start3A_105 = arith.constant 0 : i32
      %dma_start3A_106 = arith.constant 0 : i32
      %dma_start3A_107 = tpu.memref_slice %arg7[%run_scoped3A_19, %dma_start3A_105, %dma_start3A_106] : memref<3x100x128xf32, #tpu.memory_space<vmem>> -> memref<1x100x128xf32, #tpu.memory_space<vmem>>
      %dma_start3A_108 = tpu.memref_squeeze %dma_start3A_107 : memref<1x100x128xf32, #tpu.memory_space<vmem>> -> memref<100x128xf32, #tpu.memory_space<vmem>>
      %dma_start3A_109 = arith.constant 0 : i32
      %dma_start3A_110 = tpu.memref_slice %arg8[%add3A_18, %dma_start3A_109] : memref<10000x128xf32, #tpu.memory_space<vmem_shared>> -> memref<100x128xf32, #tpu.memory_space<vmem_shared>>
      %dma_start3A_111 = arith.constant 0 : i32
      %dma_start3A_112 = tpu.memref_slice %arg8[%add3A_18, %dma_start3A_111] : memref<10000x128xf32, #tpu.memory_space<vmem_shared>> -> memref<100x128xf32, #tpu.memory_space<vmem_shared>>
      %dma_start3A_113 = arith.constant 0 : i32
      %dma_start3A_114 = arith.constant 0 : i32
      %dma_start3A_115 = tpu.memref_slice %arg7[%run_scoped3A_19, %dma_start3A_113, %dma_start3A_114] : memref<3x100x128xf32, #tpu.memory_space<vmem>> -> memref<1x100x128xf32, #tpu.memory_space<vmem>>
      %dma_start3A_116 = tpu.memref_squeeze %dma_start3A_115 : memref<1x100x128xf32, #tpu.memory_space<vmem>> -> memref<100x128xf32, #tpu.memory_space<vmem>>
      tpu.enqueue_dma source(%dma_start3A_116 : memref<100x128xf32, #tpu.memory_space<vmem>>) target(%dma_start3A_112 : memref<100x128xf32, #tpu.memory_space<vmem_shared>>) target_semaphore(%run_scoped3A_104 : memref<!tpu.dma_semaphore, #tpu.memory_space<semaphore_mem>>)
      %dma_wait3A = arith.constant 0 : i32
      %dma_wait3A_117 = arith.constant 0 : i32
      %dma_wait3A_118 = tpu.memref_slice %arg7[%run_scoped3A_19, %dma_wait3A, %dma_wait3A_117] : memref<3x100x128xf32, #tpu.memory_space<vmem>> -> memref<1x100x128xf32, #tpu.memory_space<vmem>>
      %dma_wait3A_119 = tpu.memref_squeeze %dma_wait3A_118 : memref<1x100x128xf32, #tpu.memory_space<vmem>> -> memref<100x128xf32, #tpu.memory_space<vmem>>
      %dma_wait3A_120 = arith.constant 0 : i32
      %dma_wait3A_121 = tpu.memref_slice %arg8[%add3A_18, %dma_wait3A_120] : memref<10000x128xf32, #tpu.memory_space<vmem_shared>> -> memref<100x128xf32, #tpu.memory_space<vmem_shared>>
      %dma_wait3A_122 = arith.constant 0 : i32
      %dma_wait3A_123 = tpu.memref_slice %arg8[%add3A_18, %dma_wait3A_122] : memref<10000x128xf32, #tpu.memory_space<vmem_shared>> -> memref<100x128xf32, #tpu.memory_space<vmem_shared>>
      %dma_wait3A_124 = arith.constant 0 : i32
      %dma_wait3A_125 = arith.constant 0 : i32
      %dma_wait3A_126 = tpu.memref_slice %arg7[%run_scoped3A_19, %dma_wait3A_124, %dma_wait3A_125] : memref<3x100x128xf32, #tpu.memory_space<vmem>> -> memref<1x100x128xf32, #tpu.memory_space<vmem>>
      %dma_wait3A_127 = tpu.memref_squeeze %dma_wait3A_126 : memref<1x100x128xf32, #tpu.memory_space<vmem>> -> memref<100x128xf32, #tpu.memory_space<vmem>>
      tpu.wait_dma2 semaphore(%run_scoped3A_104 : memref<!tpu.dma_semaphore, #tpu.memory_space<semaphore_mem>>) src(%dma_wait3A_127 : memref<100x128xf32, #tpu.memory_space<vmem>>) dst(%dma_wait3A_123 : memref<100x128xf32, #tpu.memory_space<vmem_shared>>)
      tpu.yield
    }) : () -> ()
    %mul3A_20 = arith.constant 625 : i32
    %mul3A_21 = arith.muli %arg1, %mul3A_20 : i32
    %add3A_22 = arith.constant 300 : i32
    %add3A_23 = arith.addi %mul3A_21, %add3A_22 : i32
    %run_scoped3A_24 = arith.constant 0 : i32
    "tpu.region"() ({
      %run_scoped3A_104 = tpu.sem_alloc : memref<!tpu.dma_semaphore, #tpu.memory_space<semaphore_mem>>
      %dma_start3A_105 = arith.constant 0 : i32
      %dma_start3A_106 = arith.constant 0 : i32
      %dma_start3A_107 = tpu.memref_slice %arg7[%run_scoped3A_24, %dma_start3A_105, %dma_start3A_106] : memref<3x100x128xf32, #tpu.memory_space<vmem>> -> memref<1x100x128xf32, #tpu.memory_space<vmem>>
      %dma_start3A_108 = tpu.memref_squeeze %dma_start3A_107 : memref<1x100x128xf32, #tpu.memory_space<vmem>> -> memref<100x128xf32, #tpu.memory_space<vmem>>
      %dma_start3A_109 = arith.constant 0 : i32
      %dma_start3A_110 = tpu.memref_slice %arg8[%add3A_23, %dma_start3A_109] : memref<10000x128xf32, #tpu.memory_space<vmem_shared>> -> memref<100x128xf32, #tpu.memory_space<vmem_shared>>
      %dma_start3A_111 = arith.constant 0 : i32
      %dma_start3A_112 = tpu.memref_slice %arg8[%add3A_23, %dma_start3A_111] : memref<10000x128xf32, #tpu.memory_space<vmem_shared>> -> memref<100x128xf32, #tpu.memory_space<vmem_shared>>
      %dma_start3A_113 = arith.constant 0 : i32
      %dma_start3A_114 = arith.constant 0 : i32
      %dma_start3A_115 = tpu.memref_slice %arg7[%run_scoped3A_24, %dma_start3A_113, %dma_start3A_114] : memref<3x100x128xf32, #tpu.memory_space<vmem>> -> memref<1x100x128xf32, #tpu.memory_space<vmem>>
      %dma_start3A_116 = tpu.memref_squeeze %dma_start3A_115 : memref<1x100x128xf32, #tpu.memory_space<vmem>> -> memref<100x128xf32, #tpu.memory_space<vmem>>
      tpu.enqueue_dma source(%dma_start3A_116 : memref<100x128xf32, #tpu.memory_space<vmem>>) target(%dma_start3A_112 : memref<100x128xf32, #tpu.memory_space<vmem_shared>>) target_semaphore(%run_scoped3A_104 : memref<!tpu.dma_semaphore, #tpu.memory_space<semaphore_mem>>)
      %dma_wait3A = arith.constant 0 : i32
      %dma_wait3A_117 = arith.constant 0 : i32
      %dma_wait3A_118 = tpu.memref_slice %arg7[%run_scoped3A_24, %dma_wait3A, %dma_wait3A_117] : memref<3x100x128xf32, #tpu.memory_space<vmem>> -> memref<1x100x128xf32, #tpu.memory_space<vmem>>
      %dma_wait3A_119 = tpu.memref_squeeze %dma_wait3A_118 : memref<1x100x128xf32, #tpu.memory_space<vmem>> -> memref<100x128xf32, #tpu.memory_space<vmem>>
      %dma_wait3A_120 = arith.constant 0 : i32
      %dma_wait3A_121 = tpu.memref_slice %arg8[%add3A_23, %dma_wait3A_120] : memref<10000x128xf32, #tpu.memory_space<vmem_shared>> -> memref<100x128xf32, #tpu.memory_space<vmem_shared>>
      %dma_wait3A_122 = arith.constant 0 : i32
      %dma_wait3A_123 = tpu.memref_slice %arg8[%add3A_23, %dma_wait3A_122] : memref<10000x128xf32, #tpu.memory_space<vmem_shared>> -> memref<100x128xf32, #tpu.memory_space<vmem_shared>>
      %dma_wait3A_124 = arith.constant 0 : i32
      %dma_wait3A_125 = arith.constant 0 : i32
      %dma_wait3A_126 = tpu.memref_slice %arg7[%run_scoped3A_24, %dma_wait3A_124, %dma_wait3A_125] : memref<3x100x128xf32, #tpu.memory_space<vmem>> -> memref<1x100x128xf32, #tpu.memory_space<vmem>>
      %dma_wait3A_127 = tpu.memref_squeeze %dma_wait3A_126 : memref<1x100x128xf32, #tpu.memory_space<vmem>> -> memref<100x128xf32, #tpu.memory_space<vmem>>
      tpu.wait_dma2 semaphore(%run_scoped3A_104 : memref<!tpu.dma_semaphore, #tpu.memory_space<semaphore_mem>>) src(%dma_wait3A_127 : memref<100x128xf32, #tpu.memory_space<vmem>>) dst(%dma_wait3A_123 : memref<100x128xf32, #tpu.memory_space<vmem_shared>>)
      tpu.yield
    }) : () -> ()
    %mul3A_25 = arith.constant 625 : i32
    %mul3A_26 = arith.muli %arg1, %mul3A_25 : i32
    %add3A_27 = arith.constant 400 : i32
    %add3A_28 = arith.addi %mul3A_26, %add3A_27 : i32
    %run_scoped3A_29 = arith.constant 0 : i32
    "tpu.region"() ({
      %run_scoped3A_104 = tpu.sem_alloc : memref<!tpu.dma_semaphore, #tpu.memory_space<semaphore_mem>>
      %dma_start3A_105 = arith.constant 0 : i32
      %dma_start3A_106 = arith.constant 0 : i32
      %dma_start3A_107 = tpu.memref_slice %arg7[%run_scoped3A_29, %dma_start3A_105, %dma_start3A_106] : memref<3x100x128xf32, #tpu.memory_space<vmem>> -> memref<1x100x128xf32, #tpu.memory_space<vmem>>
      %dma_start3A_108 = tpu.memref_squeeze %dma_start3A_107 : memref<1x100x128xf32, #tpu.memory_space<vmem>> -> memref<100x128xf32, #tpu.memory_space<vmem>>
      %dma_start3A_109 = arith.constant 0 : i32
      %dma_start3A_110 = tpu.memref_slice %arg8[%add3A_28, %dma_start3A_109] : memref<10000x128xf32, #tpu.memory_space<vmem_shared>> -> memref<100x128xf32, #tpu.memory_space<vmem_shared>>
      %dma_start3A_111 = arith.constant 0 : i32
      %dma_start3A_112 = tpu.memref_slice %arg8[%add3A_28, %dma_start3A_111] : memref<10000x128xf32, #tpu.memory_space<vmem_shared>> -> memref<100x128xf32, #tpu.memory_space<vmem_shared>>
      %dma_start3A_113 = arith.constant 0 : i32
      %dma_start3A_114 = arith.constant 0 : i32
      %dma_start3A_115 = tpu.memref_slice %arg7[%run_scoped3A_29, %dma_start3A_113, %dma_start3A_114] : memref<3x100x128xf32, #tpu.memory_space<vmem>> -> memref<1x100x128xf32, #tpu.memory_space<vmem>>
      %dma_start3A_116 = tpu.memref_squeeze %dma_start3A_115 : memref<1x100x128xf32, #tpu.memory_space<vmem>> -> memref<100x128xf32, #tpu.memory_space<vmem>>
      tpu.enqueue_dma source(%dma_start3A_116 : memref<100x128xf32, #tpu.memory_space<vmem>>) target(%dma_start3A_112 : memref<100x128xf32, #tpu.memory_space<vmem_shared>>) target_semaphore(%run_scoped3A_104 : memref<!tpu.dma_semaphore, #tpu.memory_space<semaphore_mem>>)
      %dma_wait3A = arith.constant 0 : i32
      %dma_wait3A_117 = arith.constant 0 : i32
      %dma_wait3A_118 = tpu.memref_slice %arg7[%run_scoped3A_29, %dma_wait3A, %dma_wait3A_117] : memref<3x100x128xf32, #tpu.memory_space<vmem>> -> memref<1x100x128xf32, #tpu.memory_space<vmem>>
      %dma_wait3A_119 = tpu.memref_squeeze %dma_wait3A_118 : memref<1x100x128xf32, #tpu.memory_space<vmem>> -> memref<100x128xf32, #tpu.memory_space<vmem>>
      %dma_wait3A_120 = arith.constant 0 : i32
      %dma_wait3A_121 = tpu.memref_slice %arg8[%add3A_28, %dma_wait3A_120] : memref<10000x128xf32, #tpu.memory_space<vmem_shared>> -> memref<100x128xf32, #tpu.memory_space<vmem_shared>>
      %dma_wait3A_122 = arith.constant 0 : i32
      %dma_wait3A_123 = tpu.memref_slice %arg8[%add3A_28, %dma_wait3A_122] : memref<10000x128xf32, #tpu.memory_space<vmem_shared>> -> memref<100x128xf32, #tpu.memory_space<vmem_shared>>
      %dma_wait3A_124 = arith.constant 0 : i32
      %dma_wait3A_125 = arith.constant 0 : i32
      %dma_wait3A_126 = tpu.memref_slice %arg7[%run_scoped3A_29, %dma_wait3A_124, %dma_wait3A_125] : memref<3x100x128xf32, #tpu.memory_space<vmem>> -> memref<1x100x128xf32, #tpu.memory_space<vmem>>
      %dma_wait3A_127 = tpu.memref_squeeze %dma_wait3A_126 : memref<1x100x128xf32, #tpu.memory_space<vmem>> -> memref<100x128xf32, #tpu.memory_space<vmem>>
      tpu.wait_dma2 semaphore(%run_scoped3A_104 : memref<!tpu.dma_semaphore, #tpu.memory_space<semaphore_mem>>) src(%dma_wait3A_127 : memref<100x128xf32, #tpu.memory_space<vmem>>) dst(%dma_wait3A_123 : memref<100x128xf32, #tpu.memory_space<vmem_shared>>)
      tpu.yield
    }) : () -> ()
    %mul3A_30 = arith.constant 625 : i32
    %mul3A_31 = arith.muli %arg1, %mul3A_30 : i32
    %add3A_32 = arith.constant 500 : i32
    %add3A_33 = arith.addi %mul3A_31, %add3A_32 : i32
    %run_scoped3A_34 = arith.constant 0 : i32
    "tpu.region"() ({
      %run_scoped3A_104 = tpu.sem_alloc : memref<!tpu.dma_semaphore, #tpu.memory_space<semaphore_mem>>
      %dma_start3A_105 = arith.constant 0 : i32
      %dma_start3A_106 = arith.constant 0 : i32
      %dma_start3A_107 = tpu.memref_slice %arg7[%run_scoped3A_34, %dma_start3A_105, %dma_start3A_106] : memref<3x100x128xf32, #tpu.memory_space<vmem>> -> memref<1x100x128xf32, #tpu.memory_space<vmem>>
      %dma_start3A_108 = tpu.memref_squeeze %dma_start3A_107 : memref<1x100x128xf32, #tpu.memory_space<vmem>> -> memref<100x128xf32, #tpu.memory_space<vmem>>
      %dma_start3A_109 = arith.constant 0 : i32
      %dma_start3A_110 = tpu.memref_slice %arg8[%add3A_33, %dma_start3A_109] : memref<10000x128xf32, #tpu.memory_space<vmem_shared>> -> memref<100x128xf32, #tpu.memory_space<vmem_shared>>
      %dma_start3A_111 = arith.constant 0 : i32
      %dma_start3A_112 = tpu.memref_slice %arg8[%add3A_33, %dma_start3A_111] : memref<10000x128xf32, #tpu.memory_space<vmem_shared>> -> memref<100x128xf32, #tpu.memory_space<vmem_shared>>
      %dma_start3A_113 = arith.constant 0 : i32
      %dma_start3A_114 = arith.constant 0 : i32
      %dma_start3A_115 = tpu.memref_slice %arg7[%run_scoped3A_34, %dma_start3A_113, %dma_start3A_114] : memref<3x100x128xf32, #tpu.memory_space<vmem>> -> memref<1x100x128xf32, #tpu.memory_space<vmem>>
      %dma_start3A_116 = tpu.memref_squeeze %dma_start3A_115 : memref<1x100x128xf32, #tpu.memory_space<vmem>> -> memref<100x128xf32, #tpu.memory_space<vmem>>
      tpu.enqueue_dma source(%dma_start3A_116 : memref<100x128xf32, #tpu.memory_space<vmem>>) target(%dma_start3A_112 : memref<100x128xf32, #tpu.memory_space<vmem_shared>>) target_semaphore(%run_scoped3A_104 : memref<!tpu.dma_semaphore, #tpu.memory_space<semaphore_mem>>)
      %dma_wait3A = arith.constant 0 : i32
      %dma_wait3A_117 = arith.constant 0 : i32
      %dma_wait3A_118 = tpu.memref_slice %arg7[%run_scoped3A_34, %dma_wait3A, %dma_wait3A_117] : memref<3x100x128xf32, #tpu.memory_space<vmem>> -> memref<1x100x128xf32, #tpu.memory_space<vmem>>
      %dma_wait3A_119 = tpu.memref_squeeze %dma_wait3A_118 : memref<1x100x128xf32, #tpu.memory_space<vmem>> -> memref<100x128xf32, #tpu.memory_space<vmem>>
      %dma_wait3A_120 = arith.constant 0 : i32
      %dma_wait3A_121 = tpu.memref_slice %arg8[%add3A_33, %dma_wait3A_120] : memref<10000x128xf32, #tpu.memory_space<vmem_shared>> -> memref<100x128xf32, #tpu.memory_space<vmem_shared>>
      %dma_wait3A_122 = arith.constant 0 : i32
      %dma_wait3A_123 = tpu.memref_slice %arg8[%add3A_33, %dma_wait3A_122] : memref<10000x128xf32, #tpu.memory_space<vmem_shared>> -> memref<100x128xf32, #tpu.memory_space<vmem_shared>>
      %dma_wait3A_124 = arith.constant 0 : i32
      %dma_wait3A_125 = arith.constant 0 : i32
      %dma_wait3A_126 = tpu.memref_slice %arg7[%run_scoped3A_34, %dma_wait3A_124, %dma_wait3A_125] : memref<3x100x128xf32, #tpu.memory_space<vmem>> -> memref<1x100x128xf32, #tpu.memory_space<vmem>>
      %dma_wait3A_127 = tpu.memref_squeeze %dma_wait3A_126 : memref<1x100x128xf32, #tpu.memory_space<vmem>> -> memref<100x128xf32, #tpu.memory_space<vmem>>
      tpu.wait_dma2 semaphore(%run_scoped3A_104 : memref<!tpu.dma_semaphore, #tpu.memory_space<semaphore_mem>>) src(%dma_wait3A_127 : memref<100x128xf32, #tpu.memory_space<vmem>>) dst(%dma_wait3A_123 : memref<100x128xf32, #tpu.memory_space<vmem_shared>>)
      tpu.yield
    }) : () -> ()
    %mul3A_35 = arith.constant 625 : i32
    %mul3A_36 = arith.muli %arg1, %mul3A_35 : i32
    %add3A_37 = arith.constant 600 : i32
    %add3A_38 = arith.addi %mul3A_36, %add3A_37 : i32
    %run_scoped3A_39 = arith.constant 0 : i32
    "tpu.region"() ({
      %run_scoped3A_104 = tpu.sem_alloc : memref<!tpu.dma_semaphore, #tpu.memory_space<semaphore_mem>>
      %dma_start3A_105 = arith.constant 0 : i32
      %dma_start3A_106 = arith.constant 0 : i32
      %dma_start3A_107 = tpu.memref_slice %arg7[%run_scoped3A_39, %dma_start3A_105, %dma_start3A_106] : memref<3x100x128xf32, #tpu.memory_space<vmem>> -> memref<1x25x128xf32, #tpu.memory_space<vmem>>
      %dma_start3A_108 = tpu.memref_squeeze %dma_start3A_107 : memref<1x25x128xf32, #tpu.memory_space<vmem>> -> memref<25x128xf32, #tpu.memory_space<vmem>>
      %dma_start3A_109 = arith.constant 0 : i32
      %dma_start3A_110 = tpu.memref_slice %arg8[%add3A_38, %dma_start3A_109] : memref<10000x128xf32, #tpu.memory_space<vmem_shared>> -> memref<25x128xf32, #tpu.memory_space<vmem_shared>>
      %dma_start3A_111 = arith.constant 0 : i32
      %dma_start3A_112 = tpu.memref_slice %arg8[%add3A_38, %dma_start3A_111] : memref<10000x128xf32, #tpu.memory_space<vmem_shared>> -> memref<25x128xf32, #tpu.memory_space<vmem_shared>>
      %dma_start3A_113 = arith.constant 0 : i32
      %dma_start3A_114 = arith.constant 0 : i32
      %dma_start3A_115 = tpu.memref_slice %arg7[%run_scoped3A_39, %dma_start3A_113, %dma_start3A_114] : memref<3x100x128xf32, #tpu.memory_space<vmem>> -> memref<1x25x128xf32, #tpu.memory_space<vmem>>
      %dma_start3A_116 = tpu.memref_squeeze %dma_start3A_115 : memref<1x25x128xf32, #tpu.memory_space<vmem>> -> memref<25x128xf32, #tpu.memory_space<vmem>>
      tpu.enqueue_dma source(%dma_start3A_116 : memref<25x128xf32, #tpu.memory_space<vmem>>) target(%dma_start3A_112 : memref<25x128xf32, #tpu.memory_space<vmem_shared>>) target_semaphore(%run_scoped3A_104 : memref<!tpu.dma_semaphore, #tpu.memory_space<semaphore_mem>>)
      %dma_wait3A = arith.constant 0 : i32
      %dma_wait3A_117 = arith.constant 0 : i32
      %dma_wait3A_118 = tpu.memref_slice %arg7[%run_scoped3A_39, %dma_wait3A, %dma_wait3A_117] : memref<3x100x128xf32, #tpu.memory_space<vmem>> -> memref<1x25x128xf32, #tpu.memory_space<vmem>>
      %dma_wait3A_119 = tpu.memref_squeeze %dma_wait3A_118 : memref<1x25x128xf32, #tpu.memory_space<vmem>> -> memref<25x128xf32, #tpu.memory_space<vmem>>
      %dma_wait3A_120 = arith.constant 0 : i32
      %dma_wait3A_121 = tpu.memref_slice %arg8[%add3A_38, %dma_wait3A_120] : memref<10000x128xf32, #tpu.memory_space<vmem_shared>> -> memref<25x128xf32, #tpu.memory_space<vmem_shared>>
      %dma_wait3A_122 = arith.constant 0 : i32
      %dma_wait3A_123 = tpu.memref_slice %arg8[%add3A_38, %dma_wait3A_122] : memref<10000x128xf32, #tpu.memory_space<vmem_shared>> -> memref<25x128xf32, #tpu.memory_space<vmem_shared>>
      %dma_wait3A_124 = arith.constant 0 : i32
      %dma_wait3A_125 = arith.constant 0 : i32
      %dma_wait3A_126 = tpu.memref_slice %arg7[%run_scoped3A_39, %dma_wait3A_124, %dma_wait3A_125] : memref<3x100x128xf32, #tpu.memory_space<vmem>> -> memref<1x25x128xf32, #tpu.memory_space<vmem>>
      %dma_wait3A_127 = tpu.memref_squeeze %dma_wait3A_126 : memref<1x25x128xf32, #tpu.memory_space<vmem>> -> memref<25x128xf32, #tpu.memory_space<vmem>>
      tpu.wait_dma2 semaphore(%run_scoped3A_104 : memref<!tpu.dma_semaphore, #tpu.memory_space<semaphore_mem>>) src(%dma_wait3A_127 : memref<25x128xf32, #tpu.memory_space<vmem>>) dst(%dma_wait3A_123 : memref<25x128xf32, #tpu.memory_space<vmem_shared>>)
      tpu.yield
    }) : () -> ()
    %barrier3A = arith.constant 0 : index
    tpu.barrier barrier_id(%barrier3A)
    %run_scoped3A_40 = arith.constant 0 : i32
    %run_scoped3A_41 = arith.constant 0 : i32
    %run_scoped3A_42 = arith.constant 0 : i32
    "tpu.region"() ({
      %run_scoped3A_104 = tpu.sem_alloc : memref<!tpu.dma_semaphore, #tpu.memory_space<semaphore_mem>>
      %dma_start3A_105 = arith.constant 0 : i32
      %dma_start3A_106 = arith.constant 0 : i32
      %dma_start3A_107 = tpu.memref_slice %arg5[%run_scoped3A_42, %dma_start3A_105, %dma_start3A_106] : memref<2x5x100xi32, #tpu.memory_space<vmem>> -> memref<1x5x100xi32, #tpu.memory_space<vmem>>
      %dma_start3A_108 = tpu.memref_squeeze %dma_start3A_107 : memref<1x5x100xi32, #tpu.memory_space<vmem>> -> memref<5x100xi32, #tpu.memory_space<vmem>>
      %dma_start3A_109 = arith.constant 0 : i32
      %dma_start3A_110 = arith.constant 0 : i32
      %dma_start3A_111 = tpu.memref_slice %arg3[%run_scoped3A_40, %add3A, %run_scoped3A_41, %dma_start3A_109, %dma_start3A_110] : memref<2x32x20x5x100xi32, #tpu.memory_space<hbm>> -> memref<1x1x1x5x100xi32, #tpu.memory_space<hbm>>
      %dma_start3A_112 = tpu.memref_squeeze %dma_start3A_111 : memref<1x1x1x5x100xi32, #tpu.memory_space<hbm>> -> memref<5x100xi32, #tpu.memory_space<hbm>>
      %dma_start3A_113 = arith.constant 0 : i32
      %dma_start3A_114 = arith.constant 0 : i32
      %dma_start3A_115 = tpu.memref_slice %arg5[%run_scoped3A_42, %dma_start3A_113, %dma_start3A_114] : memref<2x5x100xi32, #tpu.memory_space<vmem>> -> memref<1x5x100xi32, #tpu.memory_space<vmem>>
      %dma_start3A_116 = tpu.memref_squeeze %dma_start3A_115 : memref<1x5x100xi32, #tpu.memory_space<vmem>> -> memref<5x100xi32, #tpu.memory_space<vmem>>
      %dma_start3A_117 = arith.constant 0 : i32
      %dma_start3A_118 = arith.constant 0 : i32
      %dma_start3A_119 = tpu.memref_slice %arg3[%run_scoped3A_40, %add3A, %run_scoped3A_41, %dma_start3A_117, %dma_start3A_118] : memref<2x32x20x5x100xi32, #tpu.memory_space<hbm>> -> memref<1x1x1x5x100xi32, #tpu.memory_space<hbm>>
      %dma_start3A_120 = tpu.memref_squeeze %dma_start3A_119 : memref<1x1x1x5x100xi32, #tpu.memory_space<hbm>> -> memref<5x100xi32, #tpu.memory_space<hbm>>
      tpu.enqueue_dma source(%dma_start3A_120 : memref<5x100xi32, #tpu.memory_space<hbm>>) target(%dma_start3A_116 : memref<5x100xi32, #tpu.memory_space<vmem>>) target_semaphore(%run_scoped3A_104 : memref<!tpu.dma_semaphore, #tpu.memory_space<semaphore_mem>>)
      %dma_wait3A = arith.constant 0 : i32
      %dma_wait3A_121 = arith.constant 0 : i32
      %dma_wait3A_122 = tpu.memref_slice %arg5[%run_scoped3A_42, %dma_wait3A, %dma_wait3A_121] : memref<2x5x100xi32, #tpu.memory_space<vmem>> -> memref<1x5x100xi32, #tpu.memory_space<vmem>>
      %dma_wait3A_123 = tpu.memref_squeeze %dma_wait3A_122 : memref<1x5x100xi32, #tpu.memory_space<vmem>> -> memref<5x100xi32, #tpu.memory_space<vmem>>
      %dma_wait3A_124 = arith.constant 0 : i32
      %dma_wait3A_125 = arith.constant 0 : i32
      %dma_wait3A_126 = tpu.memref_slice %arg3[%run_scoped3A_40, %add3A, %run_scoped3A_41, %dma_wait3A_124, %dma_wait3A_125] : memref<2x32x20x5x100xi32, #tpu.memory_space<hbm>> -> memref<1x1x1x5x100xi32, #tpu.memory_space<hbm>>
      %dma_wait3A_127 = tpu.memref_squeeze %dma_wait3A_126 : memref<1x1x1x5x100xi32, #tpu.memory_space<hbm>> -> memref<5x100xi32, #tpu.memory_space<hbm>>
      %dma_wait3A_128 = arith.constant 0 : i32
      %dma_wait3A_129 = arith.constant 0 : i32
      %dma_wait3A_130 = tpu.memref_slice %arg5[%run_scoped3A_42, %dma_wait3A_128, %dma_wait3A_129] : memref<2x5x100xi32, #tpu.memory_space<vmem>> -> memref<1x5x100xi32, #tpu.memory_space<vmem>>
      %dma_wait3A_131 = tpu.memref_squeeze %dma_wait3A_130 : memref<1x5x100xi32, #tpu.memory_space<vmem>> -> memref<5x100xi32, #tpu.memory_space<vmem>>
      %dma_wait3A_132 = arith.constant 0 : i32
      %dma_wait3A_133 = arith.constant 0 : i32
      %dma_wait3A_134 = tpu.memref_slice %arg3[%run_scoped3A_40, %add3A, %run_scoped3A_41, %dma_wait3A_132, %dma_wait3A_133] : memref<2x32x20x5x100xi32, #tpu.memory_space<hbm>> -> memref<1x1x1x5x100xi32, #tpu.memory_space<hbm>>
      %dma_wait3A_135 = tpu.memref_squeeze %dma_wait3A_134 : memref<1x1x1x5x100xi32, #tpu.memory_space<hbm>> -> memref<5x100xi32, #tpu.memory_space<hbm>>
      tpu.wait_dma2 semaphore(%run_scoped3A_104 : memref<!tpu.dma_semaphore, #tpu.memory_space<semaphore_mem>>) src(%dma_wait3A_135 : memref<5x100xi32, #tpu.memory_space<hbm>>) dst(%dma_wait3A_131 : memref<5x100xi32, #tpu.memory_space<vmem>>)
      tpu.yield
    }) : () -> ()
    %run_scoped3A_43 = arith.constant 1 : i32
    %run_scoped3A_44 = arith.constant 0 : i32
    %run_scoped3A_45 = arith.constant 0 : i32
    "tpu.region"() ({
      %run_scoped3A_104 = tpu.sem_alloc : memref<!tpu.dma_semaphore, #tpu.memory_space<semaphore_mem>>
      %dma_start3A_105 = arith.constant 0 : i32
      %dma_start3A_106 = arith.constant 0 : i32
      %dma_start3A_107 = tpu.memref_slice %arg6[%run_scoped3A_45, %dma_start3A_105, %dma_start3A_106] : memref<2x5x100xi32, #tpu.memory_space<vmem>> -> memref<1x5x100xi32, #tpu.memory_space<vmem>>
      %dma_start3A_108 = tpu.memref_squeeze %dma_start3A_107 : memref<1x5x100xi32, #tpu.memory_space<vmem>> -> memref<5x100xi32, #tpu.memory_space<vmem>>
      %dma_start3A_109 = arith.constant 0 : i32
      %dma_start3A_110 = arith.constant 0 : i32
      %dma_start3A_111 = tpu.memref_slice %arg3[%run_scoped3A_43, %add3A, %run_scoped3A_44, %dma_start3A_109, %dma_start3A_110] : memref<2x32x20x5x100xi32, #tpu.memory_space<hbm>> -> memref<1x1x1x5x100xi32, #tpu.memory_space<hbm>>
      %dma_start3A_112 = tpu.memref_squeeze %dma_start3A_111 : memref<1x1x1x5x100xi32, #tpu.memory_space<hbm>> -> memref<5x100xi32, #tpu.memory_space<hbm>>
      %dma_start3A_113 = arith.constant 0 : i32
      %dma_start3A_114 = arith.constant 0 : i32
      %dma_start3A_115 = tpu.memref_slice %arg6[%run_scoped3A_45, %dma_start3A_113, %dma_start3A_114] : memref<2x5x100xi32, #tpu.memory_space<vmem>> -> memref<1x5x100xi32, #tpu.memory_space<vmem>>
      %dma_start3A_116 = tpu.memref_squeeze %dma_start3A_115 : memref<1x5x100xi32, #tpu.memory_space<vmem>> -> memref<5x100xi32, #tpu.memory_space<vmem>>
      %dma_start3A_117 = arith.constant 0 : i32
      %dma_start3A_118 = arith.constant 0 : i32
      %dma_start3A_119 = tpu.memref_slice %arg3[%run_scoped3A_43, %add3A, %run_scoped3A_44, %dma_start3A_117, %dma_start3A_118] : memref<2x32x20x5x100xi32, #tpu.memory_space<hbm>> -> memref<1x1x1x5x100xi32, #tpu.memory_space<hbm>>
      %dma_start3A_120 = tpu.memref_squeeze %dma_start3A_119 : memref<1x1x1x5x100xi32, #tpu.memory_space<hbm>> -> memref<5x100xi32, #tpu.memory_space<hbm>>
      tpu.enqueue_dma source(%dma_start3A_120 : memref<5x100xi32, #tpu.memory_space<hbm>>) target(%dma_start3A_116 : memref<5x100xi32, #tpu.memory_space<vmem>>) target_semaphore(%run_scoped3A_104 : memref<!tpu.dma_semaphore, #tpu.memory_space<semaphore_mem>>)
      %dma_wait3A = arith.constant 0 : i32
      %dma_wait3A_121 = arith.constant 0 : i32
      %dma_wait3A_122 = tpu.memref_slice %arg6[%run_scoped3A_45, %dma_wait3A, %dma_wait3A_121] : memref<2x5x100xi32, #tpu.memory_space<vmem>> -> memref<1x5x100xi32, #tpu.memory_space<vmem>>
      %dma_wait3A_123 = tpu.memref_squeeze %dma_wait3A_122 : memref<1x5x100xi32, #tpu.memory_space<vmem>> -> memref<5x100xi32, #tpu.memory_space<vmem>>
      %dma_wait3A_124 = arith.constant 0 : i32
      %dma_wait3A_125 = arith.constant 0 : i32
      %dma_wait3A_126 = tpu.memref_slice %arg3[%run_scoped3A_43, %add3A, %run_scoped3A_44, %dma_wait3A_124, %dma_wait3A_125] : memref<2x32x20x5x100xi32, #tpu.memory_space<hbm>> -> memref<1x1x1x5x100xi32, #tpu.memory_space<hbm>>
      %dma_wait3A_127 = tpu.memref_squeeze %dma_wait3A_126 : memref<1x1x1x5x100xi32, #tpu.memory_space<hbm>> -> memref<5x100xi32, #tpu.memory_space<hbm>>
      %dma_wait3A_128 = arith.constant 0 : i32
      %dma_wait3A_129 = arith.constant 0 : i32
      %dma_wait3A_130 = tpu.memref_slice %arg6[%run_scoped3A_45, %dma_wait3A_128, %dma_wait3A_129] : memref<2x5x100xi32, #tpu.memory_space<vmem>> -> memref<1x5x100xi32, #tpu.memory_space<vmem>>
      %dma_wait3A_131 = tpu.memref_squeeze %dma_wait3A_130 : memref<1x5x100xi32, #tpu.memory_space<vmem>> -> memref<5x100xi32, #tpu.memory_space<vmem>>
      %dma_wait3A_132 = arith.constant 0 : i32
      %dma_wait3A_133 = arith.constant 0 : i32
      %dma_wait3A_134 = tpu.memref_slice %arg3[%run_scoped3A_43, %add3A, %run_scoped3A_44, %dma_wait3A_132, %dma_wait3A_133] : memref<2x32x20x5x100xi32, #tpu.memory_space<hbm>> -> memref<1x1x1x5x100xi32, #tpu.memory_space<hbm>>
      %dma_wait3A_135 = tpu.memref_squeeze %dma_wait3A_134 : memref<1x1x1x5x100xi32, #tpu.memory_space<hbm>> -> memref<5x100xi32, #tpu.memory_space<hbm>>
      tpu.wait_dma2 semaphore(%run_scoped3A_104 : memref<!tpu.dma_semaphore, #tpu.memory_space<semaphore_mem>>) src(%dma_wait3A_135 : memref<5x100xi32, #tpu.memory_space<hbm>>) dst(%dma_wait3A_131 : memref<5x100xi32, #tpu.memory_space<vmem>>)
      tpu.yield
    }) : () -> ()
    %run_scoped3A_46 = arith.constant 0 : i32
    %run_scoped3A_47 = arith.constant 1 : i32
    %run_scoped3A_48 = arith.constant 1 : i32
    "tpu.region"() ({
      %run_scoped3A_104 = tpu.sem_alloc : memref<!tpu.dma_semaphore, #tpu.memory_space<semaphore_mem>>
      %dma_start3A_105 = arith.constant 0 : i32
      %dma_start3A_106 = arith.constant 0 : i32
      %dma_start3A_107 = tpu.memref_slice %arg5[%run_scoped3A_48, %dma_start3A_105, %dma_start3A_106] : memref<2x5x100xi32, #tpu.memory_space<vmem>> -> memref<1x5x100xi32, #tpu.memory_space<vmem>>
      %dma_start3A_108 = tpu.memref_squeeze %dma_start3A_107 : memref<1x5x100xi32, #tpu.memory_space<vmem>> -> memref<5x100xi32, #tpu.memory_space<vmem>>
      %dma_start3A_109 = arith.constant 0 : i32
      %dma_start3A_110 = arith.constant 0 : i32
      %dma_start3A_111 = tpu.memref_slice %arg3[%run_scoped3A_46, %add3A, %run_scoped3A_47, %dma_start3A_109, %dma_start3A_110] : memref<2x32x20x5x100xi32, #tpu.memory_space<hbm>> -> memref<1x1x1x5x100xi32, #tpu.memory_space<hbm>>
      %dma_start3A_112 = tpu.memref_squeeze %dma_start3A_111 : memref<1x1x1x5x100xi32, #tpu.memory_space<hbm>> -> memref<5x100xi32, #tpu.memory_space<hbm>>
      %dma_start3A_113 = arith.constant 0 : i32
      %dma_start3A_114 = arith.constant 0 : i32
      %dma_start3A_115 = tpu.memref_slice %arg5[%run_scoped3A_48, %dma_start3A_113, %dma_start3A_114] : memref<2x5x100xi32, #tpu.memory_space<vmem>> -> memref<1x5x100xi32, #tpu.memory_space<vmem>>
      %dma_start3A_116 = tpu.memref_squeeze %dma_start3A_115 : memref<1x5x100xi32, #tpu.memory_space<vmem>> -> memref<5x100xi32, #tpu.memory_space<vmem>>
      %dma_start3A_117 = arith.constant 0 : i32
      %dma_start3A_118 = arith.constant 0 : i32
      %dma_start3A_119 = tpu.memref_slice %arg3[%run_scoped3A_46, %add3A, %run_scoped3A_47, %dma_start3A_117, %dma_start3A_118] : memref<2x32x20x5x100xi32, #tpu.memory_space<hbm>> -> memref<1x1x1x5x100xi32, #tpu.memory_space<hbm>>
      %dma_start3A_120 = tpu.memref_squeeze %dma_start3A_119 : memref<1x1x1x5x100xi32, #tpu.memory_space<hbm>> -> memref<5x100xi32, #tpu.memory_space<hbm>>
      tpu.enqueue_dma source(%dma_start3A_120 : memref<5x100xi32, #tpu.memory_space<hbm>>) target(%dma_start3A_116 : memref<5x100xi32, #tpu.memory_space<vmem>>) target_semaphore(%run_scoped3A_104 : memref<!tpu.dma_semaphore, #tpu.memory_space<semaphore_mem>>)
      %dma_wait3A = arith.constant 0 : i32
      %dma_wait3A_121 = arith.constant 0 : i32
      %dma_wait3A_122 = tpu.memref_slice %arg5[%run_scoped3A_48, %dma_wait3A, %dma_wait3A_121] : memref<2x5x100xi32, #tpu.memory_space<vmem>> -> memref<1x5x100xi32, #tpu.memory_space<vmem>>
      %dma_wait3A_123 = tpu.memref_squeeze %dma_wait3A_122 : memref<1x5x100xi32, #tpu.memory_space<vmem>> -> memref<5x100xi32, #tpu.memory_space<vmem>>
      %dma_wait3A_124 = arith.constant 0 : i32
      %dma_wait3A_125 = arith.constant 0 : i32
      %dma_wait3A_126 = tpu.memref_slice %arg3[%run_scoped3A_46, %add3A, %run_scoped3A_47, %dma_wait3A_124, %dma_wait3A_125] : memref<2x32x20x5x100xi32, #tpu.memory_space<hbm>> -> memref<1x1x1x5x100xi32, #tpu.memory_space<hbm>>
      %dma_wait3A_127 = tpu.memref_squeeze %dma_wait3A_126 : memref<1x1x1x5x100xi32, #tpu.memory_space<hbm>> -> memref<5x100xi32, #tpu.memory_space<hbm>>
      %dma_wait3A_128 = arith.constant 0 : i32
      %dma_wait3A_129 = arith.constant 0 : i32
      %dma_wait3A_130 = tpu.memref_slice %arg5[%run_scoped3A_48, %dma_wait3A_128, %dma_wait3A_129] : memref<2x5x100xi32, #tpu.memory_space<vmem>> -> memref<1x5x100xi32, #tpu.memory_space<vmem>>
      %dma_wait3A_131 = tpu.memref_squeeze %dma_wait3A_130 : memref<1x5x100xi32, #tpu.memory_space<vmem>> -> memref<5x100xi32, #tpu.memory_space<vmem>>
      %dma_wait3A_132 = arith.constant 0 : i32
      %dma_wait3A_133 = arith.constant 0 : i32
      %dma_wait3A_134 = tpu.memref_slice %arg3[%run_scoped3A_46, %add3A, %run_scoped3A_47, %dma_wait3A_132, %dma_wait3A_133] : memref<2x32x20x5x100xi32, #tpu.memory_space<hbm>> -> memref<1x1x1x5x100xi32, #tpu.memory_space<hbm>>
      %dma_wait3A_135 = tpu.memref_squeeze %dma_wait3A_134 : memref<1x1x1x5x100xi32, #tpu.memory_space<hbm>> -> memref<5x100xi32, #tpu.memory_space<hbm>>
      tpu.wait_dma2 semaphore(%run_scoped3A_104 : memref<!tpu.dma_semaphore, #tpu.memory_space<semaphore_mem>>) src(%dma_wait3A_135 : memref<5x100xi32, #tpu.memory_space<hbm>>) dst(%dma_wait3A_131 : memref<5x100xi32, #tpu.memory_space<vmem>>)
      tpu.yield
    }) : () -> ()
    %run_scoped3A_49 = arith.constant 1 : i32
    %run_scoped3A_50 = arith.constant 1 : i32
    %run_scoped3A_51 = arith.constant 1 : i32
    "tpu.region"() ({
      %run_scoped3A_104 = tpu.sem_alloc : memref<!tpu.dma_semaphore, #tpu.memory_space<semaphore_mem>>
      %dma_start3A_105 = arith.constant 0 : i32
      %dma_start3A_106 = arith.constant 0 : i32
      %dma_start3A_107 = tpu.memref_slice %arg6[%run_scoped3A_51, %dma_start3A_105, %dma_start3A_106] : memref<2x5x100xi32, #tpu.memory_space<vmem>> -> memref<1x5x100xi32, #tpu.memory_space<vmem>>
      %dma_start3A_108 = tpu.memref_squeeze %dma_start3A_107 : memref<1x5x100xi32, #tpu.memory_space<vmem>> -> memref<5x100xi32, #tpu.memory_space<vmem>>
      %dma_start3A_109 = arith.constant 0 : i32
      %dma_start3A_110 = arith.constant 0 : i32
      %dma_start3A_111 = tpu.memref_slice %arg3[%run_scoped3A_49, %add3A, %run_scoped3A_50, %dma_start3A_109, %dma_start3A_110] : memref<2x32x20x5x100xi32, #tpu.memory_space<hbm>> -> memref<1x1x1x5x100xi32, #tpu.memory_space<hbm>>
      %dma_start3A_112 = tpu.memref_squeeze %dma_start3A_111 : memref<1x1x1x5x100xi32, #tpu.memory_space<hbm>> -> memref<5x100xi32, #tpu.memory_space<hbm>>
      %dma_start3A_113 = arith.constant 0 : i32
      %dma_start3A_114 = arith.constant 0 : i32
      %dma_start3A_115 = tpu.memref_slice %arg6[%run_scoped3A_51, %dma_start3A_113, %dma_start3A_114] : memref<2x5x100xi32, #tpu.memory_space<vmem>> -> memref<1x5x100xi32, #tpu.memory_space<vmem>>
      %dma_start3A_116 = tpu.memref_squeeze %dma_start3A_115 : memref<1x5x100xi32, #tpu.memory_space<vmem>> -> memref<5x100xi32, #tpu.memory_space<vmem>>
      %dma_start3A_117 = arith.constant 0 : i32
      %dma_start3A_118 = arith.constant 0 : i32
      %dma_start3A_119 = tpu.memref_slice %arg3[%run_scoped3A_49, %add3A, %run_scoped3A_50, %dma_start3A_117, %dma_start3A_118] : memref<2x32x20x5x100xi32, #tpu.memory_space<hbm>> -> memref<1x1x1x5x100xi32, #tpu.memory_space<hbm>>
      %dma_start3A_120 = tpu.memref_squeeze %dma_start3A_119 : memref<1x1x1x5x100xi32, #tpu.memory_space<hbm>> -> memref<5x100xi32, #tpu.memory_space<hbm>>
      tpu.enqueue_dma source(%dma_start3A_120 : memref<5x100xi32, #tpu.memory_space<hbm>>) target(%dma_start3A_116 : memref<5x100xi32, #tpu.memory_space<vmem>>) target_semaphore(%run_scoped3A_104 : memref<!tpu.dma_semaphore, #tpu.memory_space<semaphore_mem>>)
      %dma_wait3A = arith.constant 0 : i32
      %dma_wait3A_121 = arith.constant 0 : i32
      %dma_wait3A_122 = tpu.memref_slice %arg6[%run_scoped3A_51, %dma_wait3A, %dma_wait3A_121] : memref<2x5x100xi32, #tpu.memory_space<vmem>> -> memref<1x5x100xi32, #tpu.memory_space<vmem>>
      %dma_wait3A_123 = tpu.memref_squeeze %dma_wait3A_122 : memref<1x5x100xi32, #tpu.memory_space<vmem>> -> memref<5x100xi32, #tpu.memory_space<vmem>>
      %dma_wait3A_124 = arith.constant 0 : i32
      %dma_wait3A_125 = arith.constant 0 : i32
      %dma_wait3A_126 = tpu.memref_slice %arg3[%run_scoped3A_49, %add3A, %run_scoped3A_50, %dma_wait3A_124, %dma_wait3A_125] : memref<2x32x20x5x100xi32, #tpu.memory_space<hbm>> -> memref<1x1x1x5x100xi32, #tpu.memory_space<hbm>>
      %dma_wait3A_127 = tpu.memref_squeeze %dma_wait3A_126 : memref<1x1x1x5x100xi32, #tpu.memory_space<hbm>> -> memref<5x100xi32, #tpu.memory_space<hbm>>
      %dma_wait3A_128 = arith.constant 0 : i32
      %dma_wait3A_129 = arith.constant 0 : i32
      %dma_wait3A_130 = tpu.memref_slice %arg6[%run_scoped3A_51, %dma_wait3A_128, %dma_wait3A_129] : memref<2x5x100xi32, #tpu.memory_space<vmem>> -> memref<1x5x100xi32, #tpu.memory_space<vmem>>
      %dma_wait3A_131 = tpu.memref_squeeze %dma_wait3A_130 : memref<1x5x100xi32, #tpu.memory_space<vmem>> -> memref<5x100xi32, #tpu.memory_space<vmem>>
      %dma_wait3A_132 = arith.constant 0 : i32
      %dma_wait3A_133 = arith.constant 0 : i32
      %dma_wait3A_134 = tpu.memref_slice %arg3[%run_scoped3A_49, %add3A, %run_scoped3A_50, %dma_wait3A_132, %dma_wait3A_133] : memref<2x32x20x5x100xi32, #tpu.memory_space<hbm>> -> memref<1x1x1x5x100xi32, #tpu.memory_space<hbm>>
      %dma_wait3A_135 = tpu.memref_squeeze %dma_wait3A_134 : memref<1x1x1x5x100xi32, #tpu.memory_space<hbm>> -> memref<5x100xi32, #tpu.memory_space<hbm>>
      tpu.wait_dma2 semaphore(%run_scoped3A_104 : memref<!tpu.dma_semaphore, #tpu.memory_space<semaphore_mem>>) src(%dma_wait3A_135 : memref<5x100xi32, #tpu.memory_space<hbm>>) dst(%dma_wait3A_131 : memref<5x100xi32, #tpu.memory_space<vmem>>)
      tpu.yield
    }) : () -> ()
    %div3A = arith.constant 0 : i32
    %div3A_52 = arith.constant 5 : i32
    %div3A_53 = arith.divsi %div3A, %div3A_52 : i32
    %rem3A = arith.constant 0 : i32
    %rem3A_54 = arith.constant 5 : i32
    %rem3A_55 = arith.remsi %rem3A, %rem3A_54 : i32
    %rem3A_56 = arith.constant 2 : i32
    %rem3A_57 = arith.remsi %div3A_53, %rem3A_56 : i32
    %rem3A_58 = arith.constant 0 : i32
    %rem3A_59 = arith.constant 3 : i32
    %rem3A_60 = arith.remsi %rem3A_58, %rem3A_59 : i32
    %dma_start3A = arith.constant 0 : i32
    %dma_start3A_61 = arith.constant 0 : i32
    %dma_start3A_62 = tpu.memref_slice %arg7[%rem3A_60, %dma_start3A, %dma_start3A_61] : memref<3x100x128xf32, #tpu.memory_space<vmem>> -> memref<1x100x128xf32, #tpu.memory_space<vmem>>
    %dma_start3A_63 = tpu.memref_squeeze %dma_start3A_62 : memref<1x100x128xf32, #tpu.memory_space<vmem>> -> memref<100x128xf32, #tpu.memory_space<vmem>>
    %dma_start3A_64 = arith.constant 0 : i32
    %dma_start3A_65 = tpu.memref_slice %arg5[%rem3A_57, %rem3A_55, %dma_start3A_64] : memref<2x5x100xi32, #tpu.memory_space<vmem>> -> memref<1x1x100xi32, #tpu.memory_space<vmem>>
    %dma_start3A_66 = tpu.memref_squeeze %dma_start3A_65 : memref<1x1x100xi32, #tpu.memory_space<vmem>> -> memref<100xi32, #tpu.memory_space<vmem>>
    %dma_start3A_67 = arith.constant 0 : i32
    %dma_start3A_68 = arith.constant 0 : i32
    %dma_start3A_69 = tpu.memref_slice %arg2[%dma_start3A_67, %dma_start3A_68] : memref<10000x128xf32, #tpu.memory_space<hbm>> -> memref<10000x128xf32, #tpu.memory_space<hbm>>
    tpu.enqueue_indirect_dma source(%dma_start3A_69 : memref<10000x128xf32, #tpu.memory_space<hbm>>) target(%dma_start3A_63 : memref<100x128xf32, #tpu.memory_space<vmem>>) offsets(%dma_start3A_66 : memref<100xi32, #tpu.memory_space<vmem>>) semaphore(%arg9 : memref<!tpu.dma_semaphore, #tpu.memory_space<semaphore_mem>>)
    %div3A_70 = arith.constant 1 : i32
    %div3A_71 = arith.constant 5 : i32
    %div3A_72 = arith.divsi %div3A_70, %div3A_71 : i32
    %rem3A_73 = arith.constant 1 : i32
    %rem3A_74 = arith.constant 5 : i32
    %rem3A_75 = arith.remsi %rem3A_73, %rem3A_74 : i32
    %rem3A_76 = arith.constant 2 : i32
    %rem3A_77 = arith.remsi %div3A_72, %rem3A_76 : i32
    %rem3A_78 = arith.constant 1 : i32
    %rem3A_79 = arith.constant 3 : i32
    %rem3A_80 = arith.remsi %rem3A_78, %rem3A_79 : i32
    %dma_start3A_81 = arith.constant 0 : i32
    %dma_start3A_82 = arith.constant 0 : i32
    %dma_start3A_83 = tpu.memref_slice %arg7[%rem3A_80, %dma_start3A_81, %dma_start3A_82] : memref<3x100x128xf32, #tpu.memory_space<vmem>> -> memref<1x100x128xf32, #tpu.memory_space<vmem>>
    %dma_start3A_84 = tpu.memref_squeeze %dma_start3A_83 : memref<1x100x128xf32, #tpu.memory_space<vmem>> -> memref<100x128xf32, #tpu.memory_space<vmem>>
    %dma_start3A_85 = arith.constant 0 : i32
    %dma_start3A_86 = tpu.memref_slice %arg5[%rem3A_77, %rem3A_75, %dma_start3A_85] : memref<2x5x100xi32, #tpu.memory_space<vmem>> -> memref<1x1x100xi32, #tpu.memory_space<vmem>>
    %dma_start3A_87 = tpu.memref_squeeze %dma_start3A_86 : memref<1x1x100xi32, #tpu.memory_space<vmem>> -> memref<100xi32, #tpu.memory_space<vmem>>
    %dma_start3A_88 = arith.constant 0 : i32
    %dma_start3A_89 = arith.constant 0 : i32
    %dma_start3A_90 = tpu.memref_slice %arg2[%dma_start3A_88, %dma_start3A_89] : memref<10000x128xf32, #tpu.memory_space<hbm>> -> memref<10000x128xf32, #tpu.memory_space<hbm>>
    tpu.enqueue_indirect_dma source(%dma_start3A_90 : memref<10000x128xf32, #tpu.memory_space<hbm>>) target(%dma_start3A_84 : memref<100x128xf32, #tpu.memory_space<vmem>>) offsets(%dma_start3A_87 : memref<100xi32, #tpu.memory_space<vmem>>) semaphore(%arg9 : memref<!tpu.dma_semaphore, #tpu.memory_space<semaphore_mem>>)
    %scan3A_91 = arith.constant 0 : i32
    %scan3A_92 = arith.constant 0 : i32
    %scan3A_93 = arith.constant 20 : i32
    %scan3A_94 = arith.addi %scan3A_92, %scan3A_93 : i32
    %scan3A_95 = arith.constant 1 : i32
    scf.for %scan3A_104 = %scan3A_92 to %scan3A_94 step %scan3A_95  : i32 {
      %ge3A = arith.constant 1 : i32
      %ge3A_105 = arith.cmpi sge, %scan3A_104, %ge3A : i32
      %lt3A_106 = arith.constant 19 : i32
      %lt3A_107 = arith.cmpi slt, %scan3A_104, %lt3A_106 : i32
      %and3A = arith.andi %ge3A_105, %lt3A_107 : i1
      %convert_element_type3A_108 = arith.extui %and3A : i1 to i32
      %cond3A_109 = arith.constant 0 : i32
      %cond3A_110 = arith.cmpi ne, %convert_element_type3A_108, %cond3A_109 : i32
      scf.if %cond3A_110 {
        %dma_wait3A_249 = arith.constant 0 : i32
        %dma_wait3A_250 = arith.constant 0 : i32
        %dma_wait3A_251 = arith.constant 0 : i32
        %dma_wait3A_252 = arith.constant 0 : i32
        %dma_wait3A_253 = arith.constant 0 : i32
        %dma_wait3A_254 = tpu.memref_slice %arg5[%dma_wait3A_251, %dma_wait3A_252, %dma_wait3A_253] : memref<2x5x100xi32, #tpu.memory_space<vmem>> -> memref<1x5x100xi32, #tpu.memory_space<vmem>>
        %dma_wait3A_255 = tpu.memref_squeeze %dma_wait3A_254 : memref<1x5x100xi32, #tpu.memory_space<vmem>> -> memref<5x100xi32, #tpu.memory_space<vmem>>
        %dma_wait3A_256 = arith.constant 0 : i32
        %dma_wait3A_257 = arith.constant 0 : i32
        %dma_wait3A_258 = tpu.memref_slice %arg3[%dma_wait3A_249, %add3A, %dma_wait3A_250, %dma_wait3A_256, %dma_wait3A_257] : memref<2x32x20x5x100xi32, #tpu.memory_space<hbm>> -> memref<1x1x1x5x100xi32, #tpu.memory_space<hbm>>
        %dma_wait3A_259 = tpu.memref_squeeze %dma_wait3A_258 : memref<1x1x1x5x100xi32, #tpu.memory_space<hbm>> -> memref<5x100xi32, #tpu.memory_space<hbm>>
        %dma_wait3A_260 = arith.constant 0 : i32
        %dma_wait3A_261 = arith.constant 0 : i32
        %dma_wait3A_262 = tpu.memref_slice %arg5[%dma_wait3A_251, %dma_wait3A_260, %dma_wait3A_261] : memref<2x5x100xi32, #tpu.memory_space<vmem>> -> memref<1x5x100xi32, #tpu.memory_space<vmem>>
        %dma_wait3A_263 = tpu.memref_squeeze %dma_wait3A_262 : memref<1x5x100xi32, #tpu.memory_space<vmem>> -> memref<5x100xi32, #tpu.memory_space<vmem>>
        %dma_wait3A_264 = arith.constant 0 : i32
        %dma_wait3A_265 = arith.constant 0 : i32
        %dma_wait3A_266 = tpu.memref_slice %arg3[%dma_wait3A_249, %add3A, %dma_wait3A_250, %dma_wait3A_264, %dma_wait3A_265] : memref<2x32x20x5x100xi32, #tpu.memory_space<hbm>> -> memref<1x1x1x5x100xi32, #tpu.memory_space<hbm>>
        %dma_wait3A_267 = tpu.memref_squeeze %dma_wait3A_266 : memref<1x1x1x5x100xi32, #tpu.memory_space<hbm>> -> memref<5x100xi32, #tpu.memory_space<hbm>>
        tpu.wait_dma2 semaphore(%arg10 : memref<!tpu.dma_semaphore, #tpu.memory_space<semaphore_mem>>) src(%dma_wait3A_267 : memref<5x100xi32, #tpu.memory_space<hbm>>) dst(%dma_wait3A_263 : memref<5x100xi32, #tpu.memory_space<vmem>>)
        %dma_wait3A_268 = arith.constant 1 : i32
        %dma_wait3A_269 = arith.constant 0 : i32
        %dma_wait3A_270 = arith.constant 0 : i32
        %dma_wait3A_271 = arith.constant 0 : i32
        %dma_wait3A_272 = arith.constant 0 : i32
        %dma_wait3A_273 = tpu.memref_slice %arg6[%dma_wait3A_270, %dma_wait3A_271, %dma_wait3A_272] : memref<2x5x100xi32, #tpu.memory_space<vmem>> -> memref<1x5x100xi32, #tpu.memory_space<vmem>>
        %dma_wait3A_274 = tpu.memref_squeeze %dma_wait3A_273 : memref<1x5x100xi32, #tpu.memory_space<vmem>> -> memref<5x100xi32, #tpu.memory_space<vmem>>
        %dma_wait3A_275 = arith.constant 0 : i32
        %dma_wait3A_276 = arith.constant 0 : i32
        %dma_wait3A_277 = tpu.memref_slice %arg3[%dma_wait3A_268, %add3A, %dma_wait3A_269, %dma_wait3A_275, %dma_wait3A_276] : memref<2x32x20x5x100xi32, #tpu.memory_space<hbm>> -> memref<1x1x1x5x100xi32, #tpu.memory_space<hbm>>
        %dma_wait3A_278 = tpu.memref_squeeze %dma_wait3A_277 : memref<1x1x1x5x100xi32, #tpu.memory_space<hbm>> -> memref<5x100xi32, #tpu.memory_space<hbm>>
        %dma_wait3A_279 = arith.constant 0 : i32
        %dma_wait3A_280 = arith.constant 0 : i32
        %dma_wait3A_281 = tpu.memref_slice %arg6[%dma_wait3A_270, %dma_wait3A_279, %dma_wait3A_280] : memref<2x5x100xi32, #tpu.memory_space<vmem>> -> memref<1x5x100xi32, #tpu.memory_space<vmem>>
        %dma_wait3A_282 = tpu.memref_squeeze %dma_wait3A_281 : memref<1x5x100xi32, #tpu.memory_space<vmem>> -> memref<5x100xi32, #tpu.memory_space<vmem>>
        %dma_wait3A_283 = arith.constant 0 : i32
        %dma_wait3A_284 = arith.constant 0 : i32
        %dma_wait3A_285 = tpu.memref_slice %arg3[%dma_wait3A_268, %add3A, %dma_wait3A_269, %dma_wait3A_283, %dma_wait3A_284] : memref<2x32x20x5x100xi32, #tpu.memory_space<hbm>> -> memref<1x1x1x5x100xi32, #tpu.memory_space<hbm>>
        %dma_wait3A_286 = tpu.memref_squeeze %dma_wait3A_285 : memref<1x1x1x5x100xi32, #tpu.memory_space<hbm>> -> memref<5x100xi32, #tpu.memory_space<hbm>>
        tpu.wait_dma2 semaphore(%arg10 : memref<!tpu.dma_semaphore, #tpu.memory_space<semaphore_mem>>) src(%dma_wait3A_286 : memref<5x100xi32, #tpu.memory_space<hbm>>) dst(%dma_wait3A_282 : memref<5x100xi32, #tpu.memory_space<vmem>>)
      } else {
      }
      %mul3A_111 = arith.constant 5 : i32
      %mul3A_112 = arith.muli %scan3A_104, %mul3A_111 : i32
      %add3A_113 = arith.constant 0 : i32
      %add3A_114 = arith.addi %mul3A_112, %add3A_113 : i32
      %add3A_115 = arith.constant 2 : i32
      %add3A_116 = arith.addi %add3A_114, %add3A_115 : i32
      %lt3A_117 = arith.constant 100 : i32
      %lt3A_118 = arith.cmpi slt, %add3A_116, %lt3A_117 : i32
      %convert_element_type3A_119 = arith.extui %lt3A_118 : i1 to i32
      %cond3A_120 = arith.constant 0 : i32
      %cond3A_121 = arith.cmpi ne, %convert_element_type3A_119, %cond3A_120 : i32
      scf.if %cond3A_121 {
        %div3A_249 = arith.constant 5 : i32
        %div3A_250 = arith.divsi %add3A_116, %div3A_249 : i32
        %rem3A_251 = arith.constant 5 : i32
        %rem3A_252 = arith.remsi %add3A_116, %rem3A_251 : i32
        %rem3A_253 = arith.constant 2 : i32
        %rem3A_254 = arith.remsi %div3A_250, %rem3A_253 : i32
        %rem3A_255 = arith.constant 3 : i32
        %rem3A_256 = arith.remsi %add3A_116, %rem3A_255 : i32
        %dma_start3A_257 = arith.constant 0 : i32
        %dma_start3A_258 = arith.constant 0 : i32
        %dma_start3A_259 = tpu.memref_slice %arg7[%rem3A_256, %dma_start3A_257, %dma_start3A_258] : memref<3x100x128xf32, #tpu.memory_space<vmem>> -> memref<1x100x128xf32, #tpu.memory_space<vmem>>
        %dma_start3A_260 = tpu.memref_squeeze %dma_start3A_259 : memref<1x100x128xf32, #tpu.memory_space<vmem>> -> memref<100x128xf32, #tpu.memory_space<vmem>>
        %dma_start3A_261 = arith.constant 0 : i32
        %dma_start3A_262 = tpu.memref_slice %arg5[%rem3A_254, %rem3A_252, %dma_start3A_261] : memref<2x5x100xi32, #tpu.memory_space<vmem>> -> memref<1x1x100xi32, #tpu.memory_space<vmem>>
        %dma_start3A_263 = tpu.memref_squeeze %dma_start3A_262 : memref<1x1x100xi32, #tpu.memory_space<vmem>> -> memref<100xi32, #tpu.memory_space<vmem>>
        %dma_start3A_264 = arith.constant 0 : i32
        %dma_start3A_265 = arith.constant 0 : i32
        %dma_start3A_266 = tpu.memref_slice %arg2[%dma_start3A_264, %dma_start3A_265] : memref<10000x128xf32, #tpu.memory_space<hbm>> -> memref<10000x128xf32, #tpu.memory_space<hbm>>
        tpu.enqueue_indirect_dma source(%dma_start3A_266 : memref<10000x128xf32, #tpu.memory_space<hbm>>) target(%dma_start3A_260 : memref<100x128xf32, #tpu.memory_space<vmem>>) offsets(%dma_start3A_263 : memref<100xi32, #tpu.memory_space<vmem>>) semaphore(%arg9 : memref<!tpu.dma_semaphore, #tpu.memory_space<semaphore_mem>>)
      } else {
      }
      %rem3A_122 = arith.constant 3 : i32
      %rem3A_123 = arith.remsi %add3A_114, %rem3A_122 : i32
      %dma_wait3A = arith.constant 0 : i32
      %dma_wait3A_124 = arith.constant 0 : i32
      %dma_wait3A_125 = arith.constant 0 : i32
      %dma_wait3A_126 = arith.constant 0 : i32
      %dma_wait3A_127 = tpu.memref_slice %arg7[%rem3A_123, %dma_wait3A_125, %dma_wait3A_126] : memref<3x100x128xf32, #tpu.memory_space<vmem>> -> memref<1x100x128xf32, #tpu.memory_space<vmem>>
      %dma_wait3A_128 = tpu.memref_squeeze %dma_wait3A_127 : memref<1x100x128xf32, #tpu.memory_space<vmem>> -> memref<100x128xf32, #tpu.memory_space<vmem>>
      %dma_wait3A_129 = arith.constant 0 : i32
      %dma_wait3A_130 = tpu.memref_slice %arg5[%dma_wait3A, %dma_wait3A_124, %dma_wait3A_129] : memref<2x5x100xi32, #tpu.memory_space<vmem>> -> memref<1x1x100xi32, #tpu.memory_space<vmem>>
      %dma_wait3A_131 = tpu.memref_squeeze %dma_wait3A_130 : memref<1x1x100xi32, #tpu.memory_space<vmem>> -> memref<100xi32, #tpu.memory_space<vmem>>
      %dma_wait3A_132 = arith.constant 0 : i32
      %dma_wait3A_133 = arith.constant 0 : i32
      %dma_wait3A_134 = tpu.memref_slice %arg2[%dma_wait3A_132, %dma_wait3A_133] : memref<10000x128xf32, #tpu.memory_space<hbm>> -> memref<10000x128xf32, #tpu.memory_space<hbm>>
      tpu.wait_indirect_dma semaphore(%arg9 : memref<!tpu.dma_semaphore, #tpu.memory_space<semaphore_mem>>) src(%dma_wait3A_134 : memref<10000x128xf32, #tpu.memory_space<hbm>>) dst(%dma_wait3A_128 : memref<100x128xf32, #tpu.memory_space<vmem>>)
      %rem3A_135 = arith.constant 2 : i32
      %rem3A_136 = arith.remsi %scan3A_104, %rem3A_135 : i32
      %run_scoped3A_137 = arith.constant 0 : i32
      "tpu.region"() ({
        %run_scoped3A_249 = tpu.sem_alloc : memref<!tpu.dma_semaphore, #tpu.memory_space<semaphore_mem>>
        %dma_start3A_250 = arith.constant 0 : i32
        %dma_start3A_251 = arith.constant 0 : i32
        %dma_start3A_252 = tpu.memref_slice %arg7[%rem3A_123, %dma_start3A_250, %dma_start3A_251] : memref<3x100x128xf32, #tpu.memory_space<vmem>> -> memref<1x100x128xf32, #tpu.memory_space<vmem>>
        %dma_start3A_253 = tpu.memref_squeeze %dma_start3A_252 : memref<1x100x128xf32, #tpu.memory_space<vmem>> -> memref<100x128xf32, #tpu.memory_space<vmem>>
        %dma_start3A_254 = arith.constant 0 : i32
        %dma_start3A_255 = tpu.memref_slice %arg6[%rem3A_136, %run_scoped3A_137, %dma_start3A_254] : memref<2x5x100xi32, #tpu.memory_space<vmem>> -> memref<1x1x100xi32, #tpu.memory_space<vmem>>
        %dma_start3A_256 = tpu.memref_squeeze %dma_start3A_255 : memref<1x1x100xi32, #tpu.memory_space<vmem>> -> memref<100xi32, #tpu.memory_space<vmem>>
        %dma_start3A_257 = arith.constant 0 : i32
        %dma_start3A_258 = arith.constant 0 : i32
        %dma_start3A_259 = tpu.memref_slice %arg8[%dma_start3A_257, %dma_start3A_258] : memref<10000x128xf32, #tpu.memory_space<vmem_shared>> -> memref<10000x128xf32, #tpu.memory_space<vmem_shared>>
        tpu.enqueue_indirect_dma source(%dma_start3A_253 : memref<100x128xf32, #tpu.memory_space<vmem>>) target(%dma_start3A_259 : memref<10000x128xf32, #tpu.memory_space<vmem_shared>>) offsets(%dma_start3A_256 : memref<100xi32, #tpu.memory_space<vmem>>) semaphore(%run_scoped3A_249 : memref<!tpu.dma_semaphore, #tpu.memory_space<semaphore_mem>>) {add = true}
        %dma_wait3A_260 = arith.constant 0 : i32
        %dma_wait3A_261 = arith.constant 0 : i32
        %dma_wait3A_262 = tpu.memref_slice %arg7[%rem3A_123, %dma_wait3A_260, %dma_wait3A_261] : memref<3x100x128xf32, #tpu.memory_space<vmem>> -> memref<1x100x128xf32, #tpu.memory_space<vmem>>
        %dma_wait3A_263 = tpu.memref_squeeze %dma_wait3A_262 : memref<1x100x128xf32, #tpu.memory_space<vmem>> -> memref<100x128xf32, #tpu.memory_space<vmem>>
        %dma_wait3A_264 = arith.constant 0 : i32
        %dma_wait3A_265 = tpu.memref_slice %arg6[%rem3A_136, %run_scoped3A_137, %dma_wait3A_264] : memref<2x5x100xi32, #tpu.memory_space<vmem>> -> memref<1x1x100xi32, #tpu.memory_space<vmem>>
        %dma_wait3A_266 = tpu.memref_squeeze %dma_wait3A_265 : memref<1x1x100xi32, #tpu.memory_space<vmem>> -> memref<100xi32, #tpu.memory_space<vmem>>
        %dma_wait3A_267 = arith.constant 0 : i32
        %dma_wait3A_268 = arith.constant 0 : i32
        %dma_wait3A_269 = tpu.memref_slice %arg8[%dma_wait3A_267, %dma_wait3A_268] : memref<10000x128xf32, #tpu.memory_space<vmem_shared>> -> memref<10000x128xf32, #tpu.memory_space<vmem_shared>>
        tpu.wait_indirect_dma semaphore(%run_scoped3A_249 : memref<!tpu.dma_semaphore, #tpu.memory_space<semaphore_mem>>) src(%dma_wait3A_263 : memref<100x128xf32, #tpu.memory_space<vmem>>) dst(%dma_wait3A_269 : memref<10000x128xf32, #tpu.memory_space<vmem_shared>>)
        tpu.yield
      }) : () -> ()
      %add3A_138 = arith.constant 1 : i32
      %add3A_139 = arith.addi %mul3A_112, %add3A_138 : i32
      %add3A_140 = arith.constant 2 : i32
      %add3A_141 = arith.addi %add3A_139, %add3A_140 : i32
      %lt3A_142 = arith.constant 100 : i32
      %lt3A_143 = arith.cmpi slt, %add3A_141, %lt3A_142 : i32
      %convert_element_type3A_144 = arith.extui %lt3A_143 : i1 to i32
      %cond3A_145 = arith.constant 0 : i32
      %cond3A_146 = arith.cmpi ne, %convert_element_type3A_144, %cond3A_145 : i32
      scf.if %cond3A_146 {
        %div3A_249 = arith.constant 5 : i32
        %div3A_250 = arith.divsi %add3A_141, %div3A_249 : i32
        %rem3A_251 = arith.constant 5 : i32
        %rem3A_252 = arith.remsi %add3A_141, %rem3A_251 : i32
        %rem3A_253 = arith.constant 2 : i32
        %rem3A_254 = arith.remsi %div3A_250, %rem3A_253 : i32
        %rem3A_255 = arith.constant 3 : i32
        %rem3A_256 = arith.remsi %add3A_141, %rem3A_255 : i32
        %dma_start3A_257 = arith.constant 0 : i32
        %dma_start3A_258 = arith.constant 0 : i32
        %dma_start3A_259 = tpu.memref_slice %arg7[%rem3A_256, %dma_start3A_257, %dma_start3A_258] : memref<3x100x128xf32, #tpu.memory_space<vmem>> -> memref<1x100x128xf32, #tpu.memory_space<vmem>>
        %dma_start3A_260 = tpu.memref_squeeze %dma_start3A_259 : memref<1x100x128xf32, #tpu.memory_space<vmem>> -> memref<100x128xf32, #tpu.memory_space<vmem>>
        %dma_start3A_261 = arith.constant 0 : i32
        %dma_start3A_262 = tpu.memref_slice %arg5[%rem3A_254, %rem3A_252, %dma_start3A_261] : memref<2x5x100xi32, #tpu.memory_space<vmem>> -> memref<1x1x100xi32, #tpu.memory_space<vmem>>
        %dma_start3A_263 = tpu.memref_squeeze %dma_start3A_262 : memref<1x1x100xi32, #tpu.memory_space<vmem>> -> memref<100xi32, #tpu.memory_space<vmem>>
        %dma_start3A_264 = arith.constant 0 : i32
        %dma_start3A_265 = arith.constant 0 : i32
        %dma_start3A_266 = tpu.memref_slice %arg2[%dma_start3A_264, %dma_start3A_265] : memref<10000x128xf32, #tpu.memory_space<hbm>> -> memref<10000x128xf32, #tpu.memory_space<hbm>>
        tpu.enqueue_indirect_dma source(%dma_start3A_266 : memref<10000x128xf32, #tpu.memory_space<hbm>>) target(%dma_start3A_260 : memref<100x128xf32, #tpu.memory_space<vmem>>) offsets(%dma_start3A_263 : memref<100xi32, #tpu.memory_space<vmem>>) semaphore(%arg9 : memref<!tpu.dma_semaphore, #tpu.memory_space<semaphore_mem>>)
      } else {
      }
      %rem3A_147 = arith.constant 3 : i32
      %rem3A_148 = arith.remsi %add3A_139, %rem3A_147 : i32
      %dma_wait3A_149 = arith.constant 0 : i32
      %dma_wait3A_150 = arith.constant 0 : i32
      %dma_wait3A_151 = arith.constant 0 : i32
      %dma_wait3A_152 = arith.constant 0 : i32
      %dma_wait3A_153 = tpu.memref_slice %arg7[%rem3A_148, %dma_wait3A_151, %dma_wait3A_152] : memref<3x100x128xf32, #tpu.memory_space<vmem>> -> memref<1x100x128xf32, #tpu.memory_space<vmem>>
      %dma_wait3A_154 = tpu.memref_squeeze %dma_wait3A_153 : memref<1x100x128xf32, #tpu.memory_space<vmem>> -> memref<100x128xf32, #tpu.memory_space<vmem>>
      %dma_wait3A_155 = arith.constant 0 : i32
      %dma_wait3A_156 = tpu.memref_slice %arg5[%dma_wait3A_149, %dma_wait3A_150, %dma_wait3A_155] : memref<2x5x100xi32, #tpu.memory_space<vmem>> -> memref<1x1x100xi32, #tpu.memory_space<vmem>>
      %dma_wait3A_157 = tpu.memref_squeeze %dma_wait3A_156 : memref<1x1x100xi32, #tpu.memory_space<vmem>> -> memref<100xi32, #tpu.memory_space<vmem>>
      %dma_wait3A_158 = arith.constant 0 : i32
      %dma_wait3A_159 = arith.constant 0 : i32
      %dma_wait3A_160 = tpu.memref_slice %arg2[%dma_wait3A_158, %dma_wait3A_159] : memref<10000x128xf32, #tpu.memory_space<hbm>> -> memref<10000x128xf32, #tpu.memory_space<hbm>>
      tpu.wait_indirect_dma semaphore(%arg9 : memref<!tpu.dma_semaphore, #tpu.memory_space<semaphore_mem>>) src(%dma_wait3A_160 : memref<10000x128xf32, #tpu.memory_space<hbm>>) dst(%dma_wait3A_154 : memref<100x128xf32, #tpu.memory_space<vmem>>)
      %rem3A_161 = arith.constant 2 : i32
      %rem3A_162 = arith.remsi %scan3A_104, %rem3A_161 : i32
      %run_scoped3A_163 = arith.constant 1 : i32
      "tpu.region"() ({
        %run_scoped3A_249 = tpu.sem_alloc : memref<!tpu.dma_semaphore, #tpu.memory_space<semaphore_mem>>
        %dma_start3A_250 = arith.constant 0 : i32
        %dma_start3A_251 = arith.constant 0 : i32
        %dma_start3A_252 = tpu.memref_slice %arg7[%rem3A_148, %dma_start3A_250, %dma_start3A_251] : memref<3x100x128xf32, #tpu.memory_space<vmem>> -> memref<1x100x128xf32, #tpu.memory_space<vmem>>
        %dma_start3A_253 = tpu.memref_squeeze %dma_start3A_252 : memref<1x100x128xf32, #tpu.memory_space<vmem>> -> memref<100x128xf32, #tpu.memory_space<vmem>>
        %dma_start3A_254 = arith.constant 0 : i32
        %dma_start3A_255 = tpu.memref_slice %arg6[%rem3A_162, %run_scoped3A_163, %dma_start3A_254] : memref<2x5x100xi32, #tpu.memory_space<vmem>> -> memref<1x1x100xi32, #tpu.memory_space<vmem>>
        %dma_start3A_256 = tpu.memref_squeeze %dma_start3A_255 : memref<1x1x100xi32, #tpu.memory_space<vmem>> -> memref<100xi32, #tpu.memory_space<vmem>>
        %dma_start3A_257 = arith.constant 0 : i32
        %dma_start3A_258 = arith.constant 0 : i32
        %dma_start3A_259 = tpu.memref_slice %arg8[%dma_start3A_257, %dma_start3A_258] : memref<10000x128xf32, #tpu.memory_space<vmem_shared>> -> memref<10000x128xf32, #tpu.memory_space<vmem_shared>>
        tpu.enqueue_indirect_dma source(%dma_start3A_253 : memref<100x128xf32, #tpu.memory_space<vmem>>) target(%dma_start3A_259 : memref<10000x128xf32, #tpu.memory_space<vmem_shared>>) offsets(%dma_start3A_256 : memref<100xi32, #tpu.memory_space<vmem>>) semaphore(%run_scoped3A_249 : memref<!tpu.dma_semaphore, #tpu.memory_space<semaphore_mem>>) {add = true}
        %dma_wait3A_260 = arith.constant 0 : i32
        %dma_wait3A_261 = arith.constant 0 : i32
        %dma_wait3A_262 = tpu.memref_slice %arg7[%rem3A_148, %dma_wait3A_260, %dma_wait3A_261] : memref<3x100x128xf32, #tpu.memory_space<vmem>> -> memref<1x100x128xf32, #tpu.memory_space<vmem>>
        %dma_wait3A_263 = tpu.memref_squeeze %dma_wait3A_262 : memref<1x100x128xf32, #tpu.memory_space<vmem>> -> memref<100x128xf32, #tpu.memory_space<vmem>>
        %dma_wait3A_264 = arith.constant 0 : i32
        %dma_wait3A_265 = tpu.memref_slice %arg6[%rem3A_162, %run_scoped3A_163, %dma_wait3A_264] : memref<2x5x100xi32, #tpu.memory_space<vmem>> -> memref<1x1x100xi32, #tpu.memory_space<vmem>>
        %dma_wait3A_266 = tpu.memref_squeeze %dma_wait3A_265 : memref<1x1x100xi32, #tpu.memory_space<vmem>> -> memref<100xi32, #tpu.memory_space<vmem>>
        %dma_wait3A_267 = arith.constant 0 : i32
        %dma_wait3A_268 = arith.constant 0 : i32
        %dma_wait3A_269 = tpu.memref_slice %arg8[%dma_wait3A_267, %dma_wait3A_268] : memref<10000x128xf32, #tpu.memory_space<vmem_shared>> -> memref<10000x128xf32, #tpu.memory_space<vmem_shared>>
        tpu.wait_indirect_dma semaphore(%run_scoped3A_249 : memref<!tpu.dma_semaphore, #tpu.memory_space<semaphore_mem>>) src(%dma_wait3A_263 : memref<100x128xf32, #tpu.memory_space<vmem>>) dst(%dma_wait3A_269 : memref<10000x128xf32, #tpu.memory_space<vmem_shared>>)
        tpu.yield
      }) : () -> ()
      %add3A_164 = arith.constant 2 : i32
      %add3A_165 = arith.addi %mul3A_112, %add3A_164 : i32
      %add3A_166 = arith.constant 2 : i32
      %add3A_167 = arith.addi %add3A_165, %add3A_166 : i32
      %lt3A_168 = arith.constant 100 : i32
      %lt3A_169 = arith.cmpi slt, %add3A_167, %lt3A_168 : i32
      %convert_element_type3A_170 = arith.extui %lt3A_169 : i1 to i32
      %cond3A_171 = arith.constant 0 : i32
      %cond3A_172 = arith.cmpi ne, %convert_element_type3A_170, %cond3A_171 : i32
      scf.if %cond3A_172 {
        %div3A_249 = arith.constant 5 : i32
        %div3A_250 = arith.divsi %add3A_167, %div3A_249 : i32
        %rem3A_251 = arith.constant 5 : i32
        %rem3A_252 = arith.remsi %add3A_167, %rem3A_251 : i32
        %rem3A_253 = arith.constant 2 : i32
        %rem3A_254 = arith.remsi %div3A_250, %rem3A_253 : i32
        %rem3A_255 = arith.constant 3 : i32
        %rem3A_256 = arith.remsi %add3A_167, %rem3A_255 : i32
        %dma_start3A_257 = arith.constant 0 : i32
        %dma_start3A_258 = arith.constant 0 : i32
        %dma_start3A_259 = tpu.memref_slice %arg7[%rem3A_256, %dma_start3A_257, %dma_start3A_258] : memref<3x100x128xf32, #tpu.memory_space<vmem>> -> memref<1x100x128xf32, #tpu.memory_space<vmem>>
        %dma_start3A_260 = tpu.memref_squeeze %dma_start3A_259 : memref<1x100x128xf32, #tpu.memory_space<vmem>> -> memref<100x128xf32, #tpu.memory_space<vmem>>
        %dma_start3A_261 = arith.constant 0 : i32
        %dma_start3A_262 = tpu.memref_slice %arg5[%rem3A_254, %rem3A_252, %dma_start3A_261] : memref<2x5x100xi32, #tpu.memory_space<vmem>> -> memref<1x1x100xi32, #tpu.memory_space<vmem>>
        %dma_start3A_263 = tpu.memref_squeeze %dma_start3A_262 : memref<1x1x100xi32, #tpu.memory_space<vmem>> -> memref<100xi32, #tpu.memory_space<vmem>>
        %dma_start3A_264 = arith.constant 0 : i32
        %dma_start3A_265 = arith.constant 0 : i32
        %dma_start3A_266 = tpu.memref_slice %arg2[%dma_start3A_264, %dma_start3A_265] : memref<10000x128xf32, #tpu.memory_space<hbm>> -> memref<10000x128xf32, #tpu.memory_space<hbm>>
        tpu.enqueue_indirect_dma source(%dma_start3A_266 : memref<10000x128xf32, #tpu.memory_space<hbm>>) target(%dma_start3A_260 : memref<100x128xf32, #tpu.memory_space<vmem>>) offsets(%dma_start3A_263 : memref<100xi32, #tpu.memory_space<vmem>>) semaphore(%arg9 : memref<!tpu.dma_semaphore, #tpu.memory_space<semaphore_mem>>)
      } else {
      }
      %rem3A_173 = arith.constant 3 : i32
      %rem3A_174 = arith.remsi %add3A_165, %rem3A_173 : i32
      %dma_wait3A_175 = arith.constant 0 : i32
      %dma_wait3A_176 = arith.constant 0 : i32
      %dma_wait3A_177 = arith.constant 0 : i32
      %dma_wait3A_178 = arith.constant 0 : i32
      %dma_wait3A_179 = tpu.memref_slice %arg7[%rem3A_174, %dma_wait3A_177, %dma_wait3A_178] : memref<3x100x128xf32, #tpu.memory_space<vmem>> -> memref<1x100x128xf32, #tpu.memory_space<vmem>>
      %dma_wait3A_180 = tpu.memref_squeeze %dma_wait3A_179 : memref<1x100x128xf32, #tpu.memory_space<vmem>> -> memref<100x128xf32, #tpu.memory_space<vmem>>
      %dma_wait3A_181 = arith.constant 0 : i32
      %dma_wait3A_182 = tpu.memref_slice %arg5[%dma_wait3A_175, %dma_wait3A_176, %dma_wait3A_181] : memref<2x5x100xi32, #tpu.memory_space<vmem>> -> memref<1x1x100xi32, #tpu.memory_space<vmem>>
      %dma_wait3A_183 = tpu.memref_squeeze %dma_wait3A_182 : memref<1x1x100xi32, #tpu.memory_space<vmem>> -> memref<100xi32, #tpu.memory_space<vmem>>
      %dma_wait3A_184 = arith.constant 0 : i32
      %dma_wait3A_185 = arith.constant 0 : i32
      %dma_wait3A_186 = tpu.memref_slice %arg2[%dma_wait3A_184, %dma_wait3A_185] : memref<10000x128xf32, #tpu.memory_space<hbm>> -> memref<10000x128xf32, #tpu.memory_space<hbm>>
      tpu.wait_indirect_dma semaphore(%arg9 : memref<!tpu.dma_semaphore, #tpu.memory_space<semaphore_mem>>) src(%dma_wait3A_186 : memref<10000x128xf32, #tpu.memory_space<hbm>>) dst(%dma_wait3A_180 : memref<100x128xf32, #tpu.memory_space<vmem>>)
      %rem3A_187 = arith.constant 2 : i32
      %rem3A_188 = arith.remsi %scan3A_104, %rem3A_187 : i32
      %run_scoped3A_189 = arith.constant 2 : i32
      "tpu.region"() ({
        %run_scoped3A_249 = tpu.sem_alloc : memref<!tpu.dma_semaphore, #tpu.memory_space<semaphore_mem>>
        %dma_start3A_250 = arith.constant 0 : i32
        %dma_start3A_251 = arith.constant 0 : i32
        %dma_start3A_252 = tpu.memref_slice %arg7[%rem3A_174, %dma_start3A_250, %dma_start3A_251] : memref<3x100x128xf32, #tpu.memory_space<vmem>> -> memref<1x100x128xf32, #tpu.memory_space<vmem>>
        %dma_start3A_253 = tpu.memref_squeeze %dma_start3A_252 : memref<1x100x128xf32, #tpu.memory_space<vmem>> -> memref<100x128xf32, #tpu.memory_space<vmem>>
        %dma_start3A_254 = arith.constant 0 : i32
        %dma_start3A_255 = tpu.memref_slice %arg6[%rem3A_188, %run_scoped3A_189, %dma_start3A_254] : memref<2x5x100xi32, #tpu.memory_space<vmem>> -> memref<1x1x100xi32, #tpu.memory_space<vmem>>
        %dma_start3A_256 = tpu.memref_squeeze %dma_start3A_255 : memref<1x1x100xi32, #tpu.memory_space<vmem>> -> memref<100xi32, #tpu.memory_space<vmem>>
        %dma_start3A_257 = arith.constant 0 : i32
        %dma_start3A_258 = arith.constant 0 : i32
        %dma_start3A_259 = tpu.memref_slice %arg8[%dma_start3A_257, %dma_start3A_258] : memref<10000x128xf32, #tpu.memory_space<vmem_shared>> -> memref<10000x128xf32, #tpu.memory_space<vmem_shared>>
        tpu.enqueue_indirect_dma source(%dma_start3A_253 : memref<100x128xf32, #tpu.memory_space<vmem>>) target(%dma_start3A_259 : memref<10000x128xf32, #tpu.memory_space<vmem_shared>>) offsets(%dma_start3A_256 : memref<100xi32, #tpu.memory_space<vmem>>) semaphore(%run_scoped3A_249 : memref<!tpu.dma_semaphore, #tpu.memory_space<semaphore_mem>>) {add = true}
        %dma_wait3A_260 = arith.constant 0 : i32
        %dma_wait3A_261 = arith.constant 0 : i32
        %dma_wait3A_262 = tpu.memref_slice %arg7[%rem3A_174, %dma_wait3A_260, %dma_wait3A_261] : memref<3x100x128xf32, #tpu.memory_space<vmem>> -> memref<1x100x128xf32, #tpu.memory_space<vmem>>
        %dma_wait3A_263 = tpu.memref_squeeze %dma_wait3A_262 : memref<1x100x128xf32, #tpu.memory_space<vmem>> -> memref<100x128xf32, #tpu.memory_space<vmem>>
        %dma_wait3A_264 = arith.constant 0 : i32
        %dma_wait3A_265 = tpu.memref_slice %arg6[%rem3A_188, %run_scoped3A_189, %dma_wait3A_264] : memref<2x5x100xi32, #tpu.memory_space<vmem>> -> memref<1x1x100xi32, #tpu.memory_space<vmem>>
        %dma_wait3A_266 = tpu.memref_squeeze %dma_wait3A_265 : memref<1x1x100xi32, #tpu.memory_space<vmem>> -> memref<100xi32, #tpu.memory_space<vmem>>
        %dma_wait3A_267 = arith.constant 0 : i32
        %dma_wait3A_268 = arith.constant 0 : i32
        %dma_wait3A_269 = tpu.memref_slice %arg8[%dma_wait3A_267, %dma_wait3A_268] : memref<10000x128xf32, #tpu.memory_space<vmem_shared>> -> memref<10000x128xf32, #tpu.memory_space<vmem_shared>>
        tpu.wait_indirect_dma semaphore(%run_scoped3A_249 : memref<!tpu.dma_semaphore, #tpu.memory_space<semaphore_mem>>) src(%dma_wait3A_263 : memref<100x128xf32, #tpu.memory_space<vmem>>) dst(%dma_wait3A_269 : memref<10000x128xf32, #tpu.memory_space<vmem_shared>>)
        tpu.yield
      }) : () -> ()
      %add3A_190 = arith.constant 3 : i32
      %add3A_191 = arith.addi %mul3A_112, %add3A_190 : i32
      %add3A_192 = arith.constant 2 : i32
      %add3A_193 = arith.addi %add3A_191, %add3A_192 : i32
      %lt3A_194 = arith.constant 100 : i32
      %lt3A_195 = arith.cmpi slt, %add3A_193, %lt3A_194 : i32
      %convert_element_type3A_196 = arith.extui %lt3A_195 : i1 to i32
      %cond3A_197 = arith.constant 0 : i32
      %cond3A_198 = arith.cmpi ne, %convert_element_type3A_196, %cond3A_197 : i32
      scf.if %cond3A_198 {
        %div3A_249 = arith.constant 5 : i32
        %div3A_250 = arith.divsi %add3A_193, %div3A_249 : i32
        %rem3A_251 = arith.constant 5 : i32
        %rem3A_252 = arith.remsi %add3A_193, %rem3A_251 : i32
        %rem3A_253 = arith.constant 2 : i32
        %rem3A_254 = arith.remsi %div3A_250, %rem3A_253 : i32
        %rem3A_255 = arith.constant 3 : i32
        %rem3A_256 = arith.remsi %add3A_193, %rem3A_255 : i32
        %dma_start3A_257 = arith.constant 0 : i32
        %dma_start3A_258 = arith.constant 0 : i32
        %dma_start3A_259 = tpu.memref_slice %arg7[%rem3A_256, %dma_start3A_257, %dma_start3A_258] : memref<3x100x128xf32, #tpu.memory_space<vmem>> -> memref<1x100x128xf32, #tpu.memory_space<vmem>>
        %dma_start3A_260 = tpu.memref_squeeze %dma_start3A_259 : memref<1x100x128xf32, #tpu.memory_space<vmem>> -> memref<100x128xf32, #tpu.memory_space<vmem>>
        %dma_start3A_261 = arith.constant 0 : i32
        %dma_start3A_262 = tpu.memref_slice %arg5[%rem3A_254, %rem3A_252, %dma_start3A_261] : memref<2x5x100xi32, #tpu.memory_space<vmem>> -> memref<1x1x100xi32, #tpu.memory_space<vmem>>
        %dma_start3A_263 = tpu.memref_squeeze %dma_start3A_262 : memref<1x1x100xi32, #tpu.memory_space<vmem>> -> memref<100xi32, #tpu.memory_space<vmem>>
        %dma_start3A_264 = arith.constant 0 : i32
        %dma_start3A_265 = arith.constant 0 : i32
        %dma_start3A_266 = tpu.memref_slice %arg2[%dma_start3A_264, %dma_start3A_265] : memref<10000x128xf32, #tpu.memory_space<hbm>> -> memref<10000x128xf32, #tpu.memory_space<hbm>>
        tpu.enqueue_indirect_dma source(%dma_start3A_266 : memref<10000x128xf32, #tpu.memory_space<hbm>>) target(%dma_start3A_260 : memref<100x128xf32, #tpu.memory_space<vmem>>) offsets(%dma_start3A_263 : memref<100xi32, #tpu.memory_space<vmem>>) semaphore(%arg9 : memref<!tpu.dma_semaphore, #tpu.memory_space<semaphore_mem>>)
      } else {
      }
      %rem3A_199 = arith.constant 3 : i32
      %rem3A_200 = arith.remsi %add3A_191, %rem3A_199 : i32
      %dma_wait3A_201 = arith.constant 0 : i32
      %dma_wait3A_202 = arith.constant 0 : i32
      %dma_wait3A_203 = arith.constant 0 : i32
      %dma_wait3A_204 = arith.constant 0 : i32
      %dma_wait3A_205 = tpu.memref_slice %arg7[%rem3A_200, %dma_wait3A_203, %dma_wait3A_204] : memref<3x100x128xf32, #tpu.memory_space<vmem>> -> memref<1x100x128xf32, #tpu.memory_space<vmem>>
      %dma_wait3A_206 = tpu.memref_squeeze %dma_wait3A_205 : memref<1x100x128xf32, #tpu.memory_space<vmem>> -> memref<100x128xf32, #tpu.memory_space<vmem>>
      %dma_wait3A_207 = arith.constant 0 : i32
      %dma_wait3A_208 = tpu.memref_slice %arg5[%dma_wait3A_201, %dma_wait3A_202, %dma_wait3A_207] : memref<2x5x100xi32, #tpu.memory_space<vmem>> -> memref<1x1x100xi32, #tpu.memory_space<vmem>>
      %dma_wait3A_209 = tpu.memref_squeeze %dma_wait3A_208 : memref<1x1x100xi32, #tpu.memory_space<vmem>> -> memref<100xi32, #tpu.memory_space<vmem>>
      %dma_wait3A_210 = arith.constant 0 : i32
      %dma_wait3A_211 = arith.constant 0 : i32
      %dma_wait3A_212 = tpu.memref_slice %arg2[%dma_wait3A_210, %dma_wait3A_211] : memref<10000x128xf32, #tpu.memory_space<hbm>> -> memref<10000x128xf32, #tpu.memory_space<hbm>>
      tpu.wait_indirect_dma semaphore(%arg9 : memref<!tpu.dma_semaphore, #tpu.memory_space<semaphore_mem>>) src(%dma_wait3A_212 : memref<10000x128xf32, #tpu.memory_space<hbm>>) dst(%dma_wait3A_206 : memref<100x128xf32, #tpu.memory_space<vmem>>)
      %rem3A_213 = arith.constant 2 : i32
      %rem3A_214 = arith.remsi %scan3A_104, %rem3A_213 : i32
      %run_scoped3A_215 = arith.constant 3 : i32
      "tpu.region"() ({
        %run_scoped3A_249 = tpu.sem_alloc : memref<!tpu.dma_semaphore, #tpu.memory_space<semaphore_mem>>
        %dma_start3A_250 = arith.constant 0 : i32
        %dma_start3A_251 = arith.constant 0 : i32
        %dma_start3A_252 = tpu.memref_slice %arg7[%rem3A_200, %dma_start3A_250, %dma_start3A_251] : memref<3x100x128xf32, #tpu.memory_space<vmem>> -> memref<1x100x128xf32, #tpu.memory_space<vmem>>
        %dma_start3A_253 = tpu.memref_squeeze %dma_start3A_252 : memref<1x100x128xf32, #tpu.memory_space<vmem>> -> memref<100x128xf32, #tpu.memory_space<vmem>>
        %dma_start3A_254 = arith.constant 0 : i32
        %dma_start3A_255 = tpu.memref_slice %arg6[%rem3A_214, %run_scoped3A_215, %dma_start3A_254] : memref<2x5x100xi32, #tpu.memory_space<vmem>> -> memref<1x1x100xi32, #tpu.memory_space<vmem>>
        %dma_start3A_256 = tpu.memref_squeeze %dma_start3A_255 : memref<1x1x100xi32, #tpu.memory_space<vmem>> -> memref<100xi32, #tpu.memory_space<vmem>>
        %dma_start3A_257 = arith.constant 0 : i32
        %dma_start3A_258 = arith.constant 0 : i32
        %dma_start3A_259 = tpu.memref_slice %arg8[%dma_start3A_257, %dma_start3A_258] : memref<10000x128xf32, #tpu.memory_space<vmem_shared>> -> memref<10000x128xf32, #tpu.memory_space<vmem_shared>>
        tpu.enqueue_indirect_dma source(%dma_start3A_253 : memref<100x128xf32, #tpu.memory_space<vmem>>) target(%dma_start3A_259 : memref<10000x128xf32, #tpu.memory_space<vmem_shared>>) offsets(%dma_start3A_256 : memref<100xi32, #tpu.memory_space<vmem>>) semaphore(%run_scoped3A_249 : memref<!tpu.dma_semaphore, #tpu.memory_space<semaphore_mem>>) {add = true}
        %dma_wait3A_260 = arith.constant 0 : i32
        %dma_wait3A_261 = arith.constant 0 : i32
        %dma_wait3A_262 = tpu.memref_slice %arg7[%rem3A_200, %dma_wait3A_260, %dma_wait3A_261] : memref<3x100x128xf32, #tpu.memory_space<vmem>> -> memref<1x100x128xf32, #tpu.memory_space<vmem>>
        %dma_wait3A_263 = tpu.memref_squeeze %dma_wait3A_262 : memref<1x100x128xf32, #tpu.memory_space<vmem>> -> memref<100x128xf32, #tpu.memory_space<vmem>>
        %dma_wait3A_264 = arith.constant 0 : i32
        %dma_wait3A_265 = tpu.memref_slice %arg6[%rem3A_214, %run_scoped3A_215, %dma_wait3A_264] : memref<2x5x100xi32, #tpu.memory_space<vmem>> -> memref<1x1x100xi32, #tpu.memory_space<vmem>>
        %dma_wait3A_266 = tpu.memref_squeeze %dma_wait3A_265 : memref<1x1x100xi32, #tpu.memory_space<vmem>> -> memref<100xi32, #tpu.memory_space<vmem>>
        %dma_wait3A_267 = arith.constant 0 : i32
        %dma_wait3A_268 = arith.constant 0 : i32
        %dma_wait3A_269 = tpu.memref_slice %arg8[%dma_wait3A_267, %dma_wait3A_268] : memref<10000x128xf32, #tpu.memory_space<vmem_shared>> -> memref<10000x128xf32, #tpu.memory_space<vmem_shared>>
        tpu.wait_indirect_dma semaphore(%run_scoped3A_249 : memref<!tpu.dma_semaphore, #tpu.memory_space<semaphore_mem>>) src(%dma_wait3A_263 : memref<100x128xf32, #tpu.memory_space<vmem>>) dst(%dma_wait3A_269 : memref<10000x128xf32, #tpu.memory_space<vmem_shared>>)
        tpu.yield
      }) : () -> ()
      %add3A_216 = arith.constant 4 : i32
      %add3A_217 = arith.addi %mul3A_112, %add3A_216 : i32
      %add3A_218 = arith.constant 2 : i32
      %add3A_219 = arith.addi %add3A_217, %add3A_218 : i32
      %lt3A_220 = arith.constant 100 : i32
      %lt3A_221 = arith.cmpi slt, %add3A_219, %lt3A_220 : i32
      %convert_element_type3A_222 = arith.extui %lt3A_221 : i1 to i32
      %cond3A_223 = arith.constant 0 : i32
      %cond3A_224 = arith.cmpi ne, %convert_element_type3A_222, %cond3A_223 : i32
      scf.if %cond3A_224 {
        %div3A_249 = arith.constant 5 : i32
        %div3A_250 = arith.divsi %add3A_219, %div3A_249 : i32
        %rem3A_251 = arith.constant 5 : i32
        %rem3A_252 = arith.remsi %add3A_219, %rem3A_251 : i32
        %rem3A_253 = arith.constant 2 : i32
        %rem3A_254 = arith.remsi %div3A_250, %rem3A_253 : i32
        %rem3A_255 = arith.constant 3 : i32
        %rem3A_256 = arith.remsi %add3A_219, %rem3A_255 : i32
        %dma_start3A_257 = arith.constant 0 : i32
        %dma_start3A_258 = arith.constant 0 : i32
        %dma_start3A_259 = tpu.memref_slice %arg7[%rem3A_256, %dma_start3A_257, %dma_start3A_258] : memref<3x100x128xf32, #tpu.memory_space<vmem>> -> memref<1x100x128xf32, #tpu.memory_space<vmem>>
        %dma_start3A_260 = tpu.memref_squeeze %dma_start3A_259 : memref<1x100x128xf32, #tpu.memory_space<vmem>> -> memref<100x128xf32, #tpu.memory_space<vmem>>
        %dma_start3A_261 = arith.constant 0 : i32
        %dma_start3A_262 = tpu.memref_slice %arg5[%rem3A_254, %rem3A_252, %dma_start3A_261] : memref<2x5x100xi32, #tpu.memory_space<vmem>> -> memref<1x1x100xi32, #tpu.memory_space<vmem>>
        %dma_start3A_263 = tpu.memref_squeeze %dma_start3A_262 : memref<1x1x100xi32, #tpu.memory_space<vmem>> -> memref<100xi32, #tpu.memory_space<vmem>>
        %dma_start3A_264 = arith.constant 0 : i32
        %dma_start3A_265 = arith.constant 0 : i32
        %dma_start3A_266 = tpu.memref_slice %arg2[%dma_start3A_264, %dma_start3A_265] : memref<10000x128xf32, #tpu.memory_space<hbm>> -> memref<10000x128xf32, #tpu.memory_space<hbm>>
        tpu.enqueue_indirect_dma source(%dma_start3A_266 : memref<10000x128xf32, #tpu.memory_space<hbm>>) target(%dma_start3A_260 : memref<100x128xf32, #tpu.memory_space<vmem>>) offsets(%dma_start3A_263 : memref<100xi32, #tpu.memory_space<vmem>>) semaphore(%arg9 : memref<!tpu.dma_semaphore, #tpu.memory_space<semaphore_mem>>)
      } else {
      }
      %rem3A_225 = arith.constant 3 : i32
      %rem3A_226 = arith.remsi %add3A_217, %rem3A_225 : i32
      %dma_wait3A_227 = arith.constant 0 : i32
      %dma_wait3A_228 = arith.constant 0 : i32
      %dma_wait3A_229 = arith.constant 0 : i32
      %dma_wait3A_230 = arith.constant 0 : i32
      %dma_wait3A_231 = tpu.memref_slice %arg7[%rem3A_226, %dma_wait3A_229, %dma_wait3A_230] : memref<3x100x128xf32, #tpu.memory_space<vmem>> -> memref<1x100x128xf32, #tpu.memory_space<vmem>>
      %dma_wait3A_232 = tpu.memref_squeeze %dma_wait3A_231 : memref<1x100x128xf32, #tpu.memory_space<vmem>> -> memref<100x128xf32, #tpu.memory_space<vmem>>
      %dma_wait3A_233 = arith.constant 0 : i32
      %dma_wait3A_234 = tpu.memref_slice %arg5[%dma_wait3A_227, %dma_wait3A_228, %dma_wait3A_233] : memref<2x5x100xi32, #tpu.memory_space<vmem>> -> memref<1x1x100xi32, #tpu.memory_space<vmem>>
      %dma_wait3A_235 = tpu.memref_squeeze %dma_wait3A_234 : memref<1x1x100xi32, #tpu.memory_space<vmem>> -> memref<100xi32, #tpu.memory_space<vmem>>
      %dma_wait3A_236 = arith.constant 0 : i32
      %dma_wait3A_237 = arith.constant 0 : i32
      %dma_wait3A_238 = tpu.memref_slice %arg2[%dma_wait3A_236, %dma_wait3A_237] : memref<10000x128xf32, #tpu.memory_space<hbm>> -> memref<10000x128xf32, #tpu.memory_space<hbm>>
      tpu.wait_indirect_dma semaphore(%arg9 : memref<!tpu.dma_semaphore, #tpu.memory_space<semaphore_mem>>) src(%dma_wait3A_238 : memref<10000x128xf32, #tpu.memory_space<hbm>>) dst(%dma_wait3A_232 : memref<100x128xf32, #tpu.memory_space<vmem>>)
      %rem3A_239 = arith.constant 2 : i32
      %rem3A_240 = arith.remsi %scan3A_104, %rem3A_239 : i32
      %run_scoped3A_241 = arith.constant 4 : i32
      "tpu.region"() ({
        %run_scoped3A_249 = tpu.sem_alloc : memref<!tpu.dma_semaphore, #tpu.memory_space<semaphore_mem>>
        %dma_start3A_250 = arith.constant 0 : i32
        %dma_start3A_251 = arith.constant 0 : i32
        %dma_start3A_252 = tpu.memref_slice %arg7[%rem3A_226, %dma_start3A_250, %dma_start3A_251] : memref<3x100x128xf32, #tpu.memory_space<vmem>> -> memref<1x100x128xf32, #tpu.memory_space<vmem>>
        %dma_start3A_253 = tpu.memref_squeeze %dma_start3A_252 : memref<1x100x128xf32, #tpu.memory_space<vmem>> -> memref<100x128xf32, #tpu.memory_space<vmem>>
        %dma_start3A_254 = arith.constant 0 : i32
        %dma_start3A_255 = tpu.memref_slice %arg6[%rem3A_240, %run_scoped3A_241, %dma_start3A_254] : memref<2x5x100xi32, #tpu.memory_space<vmem>> -> memref<1x1x100xi32, #tpu.memory_space<vmem>>
        %dma_start3A_256 = tpu.memref_squeeze %dma_start3A_255 : memref<1x1x100xi32, #tpu.memory_space<vmem>> -> memref<100xi32, #tpu.memory_space<vmem>>
        %dma_start3A_257 = arith.constant 0 : i32
        %dma_start3A_258 = arith.constant 0 : i32
        %dma_start3A_259 = tpu.memref_slice %arg8[%dma_start3A_257, %dma_start3A_258] : memref<10000x128xf32, #tpu.memory_space<vmem_shared>> -> memref<10000x128xf32, #tpu.memory_space<vmem_shared>>
        tpu.enqueue_indirect_dma source(%dma_start3A_253 : memref<100x128xf32, #tpu.memory_space<vmem>>) target(%dma_start3A_259 : memref<10000x128xf32, #tpu.memory_space<vmem_shared>>) offsets(%dma_start3A_256 : memref<100xi32, #tpu.memory_space<vmem>>) semaphore(%run_scoped3A_249 : memref<!tpu.dma_semaphore, #tpu.memory_space<semaphore_mem>>) {add = true}
        %dma_wait3A_260 = arith.constant 0 : i32
        %dma_wait3A_261 = arith.constant 0 : i32
        %dma_wait3A_262 = tpu.memref_slice %arg7[%rem3A_226, %dma_wait3A_260, %dma_wait3A_261] : memref<3x100x128xf32, #tpu.memory_space<vmem>> -> memref<1x100x128xf32, #tpu.memory_space<vmem>>
        %dma_wait3A_263 = tpu.memref_squeeze %dma_wait3A_262 : memref<1x100x128xf32, #tpu.memory_space<vmem>> -> memref<100x128xf32, #tpu.memory_space<vmem>>
        %dma_wait3A_264 = arith.constant 0 : i32
        %dma_wait3A_265 = tpu.memref_slice %arg6[%rem3A_240, %run_scoped3A_241, %dma_wait3A_264] : memref<2x5x100xi32, #tpu.memory_space<vmem>> -> memref<1x1x100xi32, #tpu.memory_space<vmem>>
        %dma_wait3A_266 = tpu.memref_squeeze %dma_wait3A_265 : memref<1x1x100xi32, #tpu.memory_space<vmem>> -> memref<100xi32, #tpu.memory_space<vmem>>
        %dma_wait3A_267 = arith.constant 0 : i32
        %dma_wait3A_268 = arith.constant 0 : i32
        %dma_wait3A_269 = tpu.memref_slice %arg8[%dma_wait3A_267, %dma_wait3A_268] : memref<10000x128xf32, #tpu.memory_space<vmem_shared>> -> memref<10000x128xf32, #tpu.memory_space<vmem_shared>>
        tpu.wait_indirect_dma semaphore(%run_scoped3A_249 : memref<!tpu.dma_semaphore, #tpu.memory_space<semaphore_mem>>) src(%dma_wait3A_263 : memref<100x128xf32, #tpu.memory_space<vmem>>) dst(%dma_wait3A_269 : memref<10000x128xf32, #tpu.memory_space<vmem_shared>>)
        tpu.yield
      }) : () -> ()
      %add3A_242 = arith.constant 2 : i32
      %add3A_243 = arith.addi %scan3A_104, %add3A_242 : i32
      %lt3A_244 = arith.constant 20 : i32
      %lt3A_245 = arith.cmpi slt, %add3A_243, %lt3A_244 : i32
      %convert_element_type3A_246 = arith.extui %lt3A_245 : i1 to i32
      %cond3A_247 = arith.constant 0 : i32
      %cond3A_248 = arith.cmpi ne, %convert_element_type3A_246, %cond3A_247 : i32
      scf.if %cond3A_248 {
        %add3A_249 = arith.constant 2 : i32
        %add3A_250 = arith.addi %scan3A_104, %add3A_249 : i32
        %rem3A_251 = arith.constant 2 : i32
        %rem3A_252 = arith.remsi %scan3A_104, %rem3A_251 : i32
        %dma_start3A_253 = arith.constant 0 : i32
        %dma_start3A_254 = arith.constant 0 : i32
        %dma_start3A_255 = arith.constant 0 : i32
        %dma_start3A_256 = tpu.memref_slice %arg5[%rem3A_252, %dma_start3A_254, %dma_start3A_255] : memref<2x5x100xi32, #tpu.memory_space<vmem>> -> memref<1x5x100xi32, #tpu.memory_space<vmem>>
        %dma_start3A_257 = tpu.memref_squeeze %dma_start3A_256 : memref<1x5x100xi32, #tpu.memory_space<vmem>> -> memref<5x100xi32, #tpu.memory_space<vmem>>
        %dma_start3A_258 = arith.constant 0 : i32
        %dma_start3A_259 = arith.constant 0 : i32
        %dma_start3A_260 = tpu.memref_slice %arg3[%dma_start3A_253, %add3A, %add3A_250, %dma_start3A_258, %dma_start3A_259] : memref<2x32x20x5x100xi32, #tpu.memory_space<hbm>> -> memref<1x1x1x5x100xi32, #tpu.memory_space<hbm>>
        %dma_start3A_261 = tpu.memref_squeeze %dma_start3A_260 : memref<1x1x1x5x100xi32, #tpu.memory_space<hbm>> -> memref<5x100xi32, #tpu.memory_space<hbm>>
        %dma_start3A_262 = arith.constant 0 : i32
        %dma_start3A_263 = arith.constant 0 : i32
        %dma_start3A_264 = tpu.memref_slice %arg5[%rem3A_252, %dma_start3A_262, %dma_start3A_263] : memref<2x5x100xi32, #tpu.memory_space<vmem>> -> memref<1x5x100xi32, #tpu.memory_space<vmem>>
        %dma_start3A_265 = tpu.memref_squeeze %dma_start3A_264 : memref<1x5x100xi32, #tpu.memory_space<vmem>> -> memref<5x100xi32, #tpu.memory_space<vmem>>
        %dma_start3A_266 = arith.constant 0 : i32
        %dma_start3A_267 = arith.constant 0 : i32
        %dma_start3A_268 = tpu.memref_slice %arg3[%dma_start3A_253, %add3A, %add3A_250, %dma_start3A_266, %dma_start3A_267] : memref<2x32x20x5x100xi32, #tpu.memory_space<hbm>> -> memref<1x1x1x5x100xi32, #tpu.memory_space<hbm>>
        %dma_start3A_269 = tpu.memref_squeeze %dma_start3A_268 : memref<1x1x1x5x100xi32, #tpu.memory_space<hbm>> -> memref<5x100xi32, #tpu.memory_space<hbm>>
        tpu.enqueue_dma source(%dma_start3A_269 : memref<5x100xi32, #tpu.memory_space<hbm>>) target(%dma_start3A_265 : memref<5x100xi32, #tpu.memory_space<vmem>>) target_semaphore(%arg10 : memref<!tpu.dma_semaphore, #tpu.memory_space<semaphore_mem>>)
        %add3A_270 = arith.constant 2 : i32
        %add3A_271 = arith.addi %scan3A_104, %add3A_270 : i32
        %rem3A_272 = arith.constant 2 : i32
        %rem3A_273 = arith.remsi %scan3A_104, %rem3A_272 : i32
        %dma_start3A_274 = arith.constant 1 : i32
        %dma_start3A_275 = arith.constant 0 : i32
        %dma_start3A_276 = arith.constant 0 : i32
        %dma_start3A_277 = tpu.memref_slice %arg6[%rem3A_273, %dma_start3A_275, %dma_start3A_276] : memref<2x5x100xi32, #tpu.memory_space<vmem>> -> memref<1x5x100xi32, #tpu.memory_space<vmem>>
        %dma_start3A_278 = tpu.memref_squeeze %dma_start3A_277 : memref<1x5x100xi32, #tpu.memory_space<vmem>> -> memref<5x100xi32, #tpu.memory_space<vmem>>
        %dma_start3A_279 = arith.constant 0 : i32
        %dma_start3A_280 = arith.constant 0 : i32
        %dma_start3A_281 = tpu.memref_slice %arg3[%dma_start3A_274, %add3A, %add3A_271, %dma_start3A_279, %dma_start3A_280] : memref<2x32x20x5x100xi32, #tpu.memory_space<hbm>> -> memref<1x1x1x5x100xi32, #tpu.memory_space<hbm>>
        %dma_start3A_282 = tpu.memref_squeeze %dma_start3A_281 : memref<1x1x1x5x100xi32, #tpu.memory_space<hbm>> -> memref<5x100xi32, #tpu.memory_space<hbm>>
        %dma_start3A_283 = arith.constant 0 : i32
        %dma_start3A_284 = arith.constant 0 : i32
        %dma_start3A_285 = tpu.memref_slice %arg6[%rem3A_273, %dma_start3A_283, %dma_start3A_284] : memref<2x5x100xi32, #tpu.memory_space<vmem>> -> memref<1x5x100xi32, #tpu.memory_space<vmem>>
        %dma_start3A_286 = tpu.memref_squeeze %dma_start3A_285 : memref<1x5x100xi32, #tpu.memory_space<vmem>> -> memref<5x100xi32, #tpu.memory_space<vmem>>
        %dma_start3A_287 = arith.constant 0 : i32
        %dma_start3A_288 = arith.constant 0 : i32
        %dma_start3A_289 = tpu.memref_slice %arg3[%dma_start3A_274, %add3A, %add3A_271, %dma_start3A_287, %dma_start3A_288] : memref<2x32x20x5x100xi32, #tpu.memory_space<hbm>> -> memref<1x1x1x5x100xi32, #tpu.memory_space<hbm>>
        %dma_start3A_290 = tpu.memref_squeeze %dma_start3A_289 : memref<1x1x1x5x100xi32, #tpu.memory_space<hbm>> -> memref<5x100xi32, #tpu.memory_space<hbm>>
        tpu.enqueue_dma source(%dma_start3A_290 : memref<5x100xi32, #tpu.memory_space<hbm>>) target(%dma_start3A_286 : memref<5x100xi32, #tpu.memory_space<vmem>>) target_semaphore(%arg10 : memref<!tpu.dma_semaphore, #tpu.memory_space<semaphore_mem>>)
      } else {
      }
    }
    %scan3A_96 = arith.constant 20 : i32
    %barrier3A_97 = arith.constant 0 : index
    tpu.barrier barrier_id(%barrier3A_97)
    %lt3A = arith.constant 15 : i32
    %lt3A_98 = arith.cmpi slt, %arg1, %lt3A : i32
    %convert_element_type3A = arith.extui %lt3A_98 : i1 to i32
    %cond3A = arith.constant 0 : i32
    %cond3A_99 = arith.cmpi ne, %convert_element_type3A, %cond3A : i32
    scf.if %cond3A_99 {
      %mul3A_104 = arith.constant 624 : i32
      %mul3A_105 = arith.muli %arg1, %mul3A_104 : i32
      %mul3A_106 = arith.constant 624 : i32
      %mul3A_107 = arith.muli %arg1, %mul3A_106 : i32
      "tpu.region"() ({
        %run_scoped3A_108 = tpu.sem_alloc : memref<!tpu.dma_semaphore, #tpu.memory_space<semaphore_mem>>
        %dma_start3A_109 = arith.constant 0 : i32
        %dma_start3A_110 = tpu.memref_slice %arg4[%arg0, %mul3A_107, %dma_start3A_109] : memref<2x10000x128xf32, #tpu.memory_space<hbm>> -> memref<1x624x128xf32, #tpu.memory_space<hbm>>
        %dma_start3A_111 = tpu.memref_squeeze %dma_start3A_110 : memref<1x624x128xf32, #tpu.memory_space<hbm>> -> memref<624x128xf32, #tpu.memory_space<hbm>>
        %dma_start3A_112 = arith.constant 0 : i32
        %dma_start3A_113 = tpu.memref_slice %arg8[%mul3A_105, %dma_start3A_112] : memref<10000x128xf32, #tpu.memory_space<vmem_shared>> -> memref<624x128xf32, #tpu.memory_space<vmem_shared>>
        tpu.enqueue_dma source(%dma_start3A_113 : memref<624x128xf32, #tpu.memory_space<vmem_shared>>) target(%dma_start3A_111 : memref<624x128xf32, #tpu.memory_space<hbm>>) target_semaphore(%run_scoped3A_108 : memref<!tpu.dma_semaphore, #tpu.memory_space<semaphore_mem>>)
        %dma_wait3A = arith.constant 0 : i32
        %dma_wait3A_114 = tpu.memref_slice %arg4[%arg0, %mul3A_107, %dma_wait3A] : memref<2x10000x128xf32, #tpu.memory_space<hbm>> -> memref<1x624x128xf32, #tpu.memory_space<hbm>>
        %dma_wait3A_115 = tpu.memref_squeeze %dma_wait3A_114 : memref<1x624x128xf32, #tpu.memory_space<hbm>> -> memref<624x128xf32, #tpu.memory_space<hbm>>
        %dma_wait3A_116 = arith.constant 0 : i32
        %dma_wait3A_117 = tpu.memref_slice %arg8[%mul3A_105, %dma_wait3A_116] : memref<10000x128xf32, #tpu.memory_space<vmem_shared>> -> memref<624x128xf32, #tpu.memory_space<vmem_shared>>
        tpu.wait_dma2 semaphore(%run_scoped3A_108 : memref<!tpu.dma_semaphore, #tpu.memory_space<semaphore_mem>>) src(%dma_wait3A_117 : memref<624x128xf32, #tpu.memory_space<vmem_shared>>) dst(%dma_wait3A_115 : memref<624x128xf32, #tpu.memory_space<hbm>>)
        tpu.yield
      }) : () -> ()
    } else {
    }
    %eq3A = arith.constant 15 : i32
    %eq3A_100 = arith.cmpi eq, %arg1, %eq3A : i32
    %convert_element_type3A_101 = arith.extui %eq3A_100 : i1 to i32
    %cond3A_102 = arith.constant 0 : i32
    %cond3A_103 = arith.cmpi ne, %convert_element_type3A_101, %cond3A_102 : i32
    scf.if %cond3A_103 {
      "tpu.region"() ({
        %run_scoped3A_104 = tpu.sem_alloc : memref<!tpu.dma_semaphore, #tpu.memory_space<semaphore_mem>>
        %dma_start3A_105 = arith.constant 9360 : i32
        %dma_start3A_106 = arith.constant 0 : i32
        %dma_start3A_107 = tpu.memref_slice %arg4[%arg0, %dma_start3A_105, %dma_start3A_106] : memref<2x10000x128xf32, #tpu.memory_space<hbm>> -> memref<1x640x128xf32, #tpu.memory_space<hbm>>
        %dma_start3A_108 = tpu.memref_squeeze %dma_start3A_107 : memref<1x640x128xf32, #tpu.memory_space<hbm>> -> memref<640x128xf32, #tpu.memory_space<hbm>>
        %dma_start3A_109 = arith.constant 9360 : i32
        %dma_start3A_110 = arith.constant 0 : i32
        %dma_start3A_111 = tpu.memref_slice %arg8[%dma_start3A_109, %dma_start3A_110] : memref<10000x128xf32, #tpu.memory_space<vmem_shared>> -> memref<640x128xf32, #tpu.memory_space<vmem_shared>>
        tpu.enqueue_dma source(%dma_start3A_111 : memref<640x128xf32, #tpu.memory_space<vmem_shared>>) target(%dma_start3A_108 : memref<640x128xf32, #tpu.memory_space<hbm>>) target_semaphore(%run_scoped3A_104 : memref<!tpu.dma_semaphore, #tpu.memory_space<semaphore_mem>>)
        %dma_wait3A = arith.constant 9360 : i32
        %dma_wait3A_112 = arith.constant 0 : i32
        %dma_wait3A_113 = tpu.memref_slice %arg4[%arg0, %dma_wait3A, %dma_wait3A_112] : memref<2x10000x128xf32, #tpu.memory_space<hbm>> -> memref<1x640x128xf32, #tpu.memory_space<hbm>>
        %dma_wait3A_114 = tpu.memref_squeeze %dma_wait3A_113 : memref<1x640x128xf32, #tpu.memory_space<hbm>> -> memref<640x128xf32, #tpu.memory_space<hbm>>
        %dma_wait3A_115 = arith.constant 9360 : i32
        %dma_wait3A_116 = arith.constant 0 : i32
        %dma_wait3A_117 = tpu.memref_slice %arg8[%dma_wait3A_115, %dma_wait3A_116] : memref<10000x128xf32, #tpu.memory_space<vmem_shared>> -> memref<640x128xf32, #tpu.memory_space<vmem_shared>>
        tpu.wait_dma2 semaphore(%run_scoped3A_104 : memref<!tpu.dma_semaphore, #tpu.memory_space<semaphore_mem>>) src(%dma_wait3A_117 : memref<640x128xf32, #tpu.memory_space<vmem_shared>>) dst(%dma_wait3A_114 : memref<640x128xf32, #tpu.memory_space<hbm>>)
        tpu.yield
      }) : () -> ()
    } else {
    }
    return
  }
}

#map = affine_map<(d0, d1) -> (0, 0)>
#map1 = affine_map<(d0, d1) -> (0, 0, 0, 0, 0)>
#map2 = affine_map<(d0, d1) -> (0, 0, 0)>
module attributes {stable_mosaic.version = 14 : i64} {
  func.func @_agg_body(%arg0: i32, %arg1: i32, %arg2: memref<10000x128xf32, #tpu.memory_space<hbm>>, %arg3: memref<2x32x20x5x100xi32, #tpu.memory_space<hbm>>, %arg4: memref<2x10000x128xf32, #tpu.memory_space<hbm>>, %arg5: memref<2x5x100xi32, #tpu.memory_space<vmem>>, %arg6: memref<2x5x100xi32, #tpu.memory_space<vmem>>, %arg7: memref<3x100x128xf32, #tpu.memory_space<vmem>>, %arg8: memref<10000x128xf32, #tpu.memory_space<vmem_shared>>, %arg9: memref<!tpu.dma_semaphore, #tpu.memory_space<semaphore_mem>>, %arg10: memref<!tpu.dma_semaphore, #tpu.memory_space<semaphore_mem>>) attributes {dimension_semantics = [#tpu.dimension_semantics<core_parallel>, #tpu.dimension_semantics<subcore_parallel>], iteration_bounds = array<i64: 2, 16>, scalar_prefetch = 0 : i64, scratch_operands = 6 : i64, tpu.core_type = #tpu.core_type<sc_vector_subcore>, window_params = [{transform_indices = #map}, {transform_indices = #map1}, {transform_indices = #map2}]} {
    %mul3A = arith.constant 16 : i32
    %mul3A_0 = arith.muli %arg0, %mul3A : i32
    %add3A = arith.addi %mul3A_0, %arg1 : i32
    %scan3A = arith.constant 0 : i32
    %scan3A_1 = arith.constant 0 : i32
    %scan3A_2 = arith.constant 100 : i32
    %scan3A_3 = arith.addi %scan3A_1, %scan3A_2 : i32
    %scan3A_4 = arith.constant 1 : i32
    scf.for %scan3A_104 = %scan3A_1 to %scan3A_3 step %scan3A_4  : i32 {
      %broadcast_in_dim3A = arith.constant 0.000000e+00 : f32
      %broadcast_in_dim3A_105 = vector.broadcast %broadcast_in_dim3A : f32 to vector<16xf32>
      %swap3A = arith.constant 0 : i32
      %swap3A_106 = arith.index_cast %swap3A : i32 to index
      %swap3A_107 = arith.index_cast %scan3A_104 : i32 to index
      %swap3A_108 = arith.constant 0 : index
      %swap3A_109 = tpu.vector_load %arg7[%swap3A_106, %swap3A_107, %swap3A_108] {strides = array<i32>} : memref<3x100x128xf32, #tpu.memory_space<vmem>>, vector<1x1x16xf32>,
      %swap3A_110 = vector.shape_cast %swap3A_109 : vector<1x1x16xf32> to vector<16xf32>
      %swap3A_111 = vector.shape_cast %broadcast_in_dim3A_105 : vector<16xf32> to vector<1x1x16xf32>
      tpu.vector_store %arg7[%swap3A_106, %swap3A_107, %swap3A_108], %swap3A_111 {strides = array<i32>} : memref<3x100x128xf32, #tpu.memory_space<vmem>>, vector<1x1x16xf32>,
      %broadcast_in_dim3A_112 = arith.constant 0.000000e+00 : f32
      %broadcast_in_dim3A_113 = vector.broadcast %broadcast_in_dim3A_112 : f32 to vector<16xf32>
      %swap3A_114 = arith.constant 0 : i32
      %swap3A_115 = arith.index_cast %swap3A_114 : i32 to index
      %swap3A_116 = arith.index_cast %scan3A_104 : i32 to index
      %swap3A_117 = arith.constant 16 : index
      %swap3A_118 = tpu.vector_load %arg7[%swap3A_115, %swap3A_116, %swap3A_117] {strides = array<i32>} : memref<3x100x128xf32, #tpu.memory_space<vmem>>, vector<1x1x16xf32>,
      %swap3A_119 = vector.shape_cast %swap3A_118 : vector<1x1x16xf32> to vector<16xf32>
      %swap3A_120 = vector.shape_cast %broadcast_in_dim3A_113 : vector<16xf32> to vector<1x1x16xf32>
      tpu.vector_store %arg7[%swap3A_115, %swap3A_116, %swap3A_117], %swap3A_120 {strides = array<i32>} : memref<3x100x128xf32, #tpu.memory_space<vmem>>, vector<1x1x16xf32>,
      %broadcast_in_dim3A_121 = arith.constant 0.000000e+00 : f32
      %broadcast_in_dim3A_122 = vector.broadcast %broadcast_in_dim3A_121 : f32 to vector<16xf32>
      %swap3A_123 = arith.constant 0 : i32
      %swap3A_124 = arith.index_cast %swap3A_123 : i32 to index
      %swap3A_125 = arith.index_cast %scan3A_104 : i32 to index
      %swap3A_126 = arith.constant 32 : index
      %swap3A_127 = tpu.vector_load %arg7[%swap3A_124, %swap3A_125, %swap3A_126] {strides = array<i32>} : memref<3x100x128xf32, #tpu.memory_space<vmem>>, vector<1x1x16xf32>,
      %swap3A_128 = vector.shape_cast %swap3A_127 : vector<1x1x16xf32> to vector<16xf32>
      %swap3A_129 = vector.shape_cast %broadcast_in_dim3A_122 : vector<16xf32> to vector<1x1x16xf32>
      tpu.vector_store %arg7[%swap3A_124, %swap3A_125, %swap3A_126], %swap3A_129 {strides = array<i32>} : memref<3x100x128xf32, #tpu.memory_space<vmem>>, vector<1x1x16xf32>,
      %broadcast_in_dim3A_130 = arith.constant 0.000000e+00 : f32
      %broadcast_in_dim3A_131 = vector.broadcast %broadcast_in_dim3A_130 : f32 to vector<16xf32>
      %swap3A_132 = arith.constant 0 : i32
      %swap3A_133 = arith.index_cast %swap3A_132 : i32 to index
      %swap3A_134 = arith.index_cast %scan3A_104 : i32 to index
      %swap3A_135 = arith.constant 48 : index
      %swap3A_136 = tpu.vector_load %arg7[%swap3A_133, %swap3A_134, %swap3A_135] {strides = array<i32>} : memref<3x100x128xf32, #tpu.memory_space<vmem>>, vector<1x1x16xf32>,
      %swap3A_137 = vector.shape_cast %swap3A_136 : vector<1x1x16xf32> to vector<16xf32>
      %swap3A_138 = vector.shape_cast %broadcast_in_dim3A_131 : vector<16xf32> to vector<1x1x16xf32>
      tpu.vector_store %arg7[%swap3A_133, %swap3A_134, %swap3A_135], %swap3A_138 {strides = array<i32>} : memref<3x100x128xf32, #tpu.memory_space<vmem>>, vector<1x1x16xf32>,
      %broadcast_in_dim3A_139 = arith.constant 0.000000e+00 : f32
      %broadcast_in_dim3A_140 = vector.broadcast %broadcast_in_dim3A_139 : f32 to vector<16xf32>
      %swap3A_141 = arith.constant 0 : i32
      %swap3A_142 = arith.index_cast %swap3A_141 : i32 to index
      %swap3A_143 = arith.index_cast %scan3A_104 : i32 to index
      %swap3A_144 = arith.constant 64 : index
      %swap3A_145 = tpu.vector_load %arg7[%swap3A_142, %swap3A_143, %swap3A_144] {strides = array<i32>} : memref<3x100x128xf32, #tpu.memory_space<vmem>>, vector<1x1x16xf32>,
      %swap3A_146 = vector.shape_cast %swap3A_145 : vector<1x1x16xf32> to vector<16xf32>
      %swap3A_147 = vector.shape_cast %broadcast_in_dim3A_140 : vector<16xf32> to vector<1x1x16xf32>
      tpu.vector_store %arg7[%swap3A_142, %swap3A_143, %swap3A_144], %swap3A_147 {strides = array<i32>} : memref<3x100x128xf32, #tpu.memory_space<vmem>>, vector<1x1x16xf32>,
      %broadcast_in_dim3A_148 = arith.constant 0.000000e+00 : f32
      %broadcast_in_dim3A_149 = vector.broadcast %broadcast_in_dim3A_148 : f32 to vector<16xf32>
      %swap3A_150 = arith.constant 0 : i32
      %swap3A_151 = arith.index_cast %swap3A_150 : i32 to index
      %swap3A_152 = arith.index_cast %scan3A_104 : i32 to index
      %swap3A_153 = arith.constant 80 : index
      %swap3A_154 = tpu.vector_load %arg7[%swap3A_151, %swap3A_152, %swap3A_153] {strides = array<i32>} : memref<3x100x128xf32, #tpu.memory_space<vmem>>, vector<1x1x16xf32>,
      %swap3A_155 = vector.shape_cast %swap3A_154 : vector<1x1x16xf32> to vector<16xf32>
      %swap3A_156 = vector.shape_cast %broadcast_in_dim3A_149 : vector<16xf32> to vector<1x1x16xf32>
      tpu.vector_store %arg7[%swap3A_151, %swap3A_152, %swap3A_153], %swap3A_156 {strides = array<i32>} : memref<3x100x128xf32, #tpu.memory_space<vmem>>, vector<1x1x16xf32>,
      %broadcast_in_dim3A_157 = arith.constant 0.000000e+00 : f32
      %broadcast_in_dim3A_158 = vector.broadcast %broadcast_in_dim3A_157 : f32 to vector<16xf32>
      %swap3A_159 = arith.constant 0 : i32
      %swap3A_160 = arith.index_cast %swap3A_159 : i32 to index
      %swap3A_161 = arith.index_cast %scan3A_104 : i32 to index
      %swap3A_162 = arith.constant 96 : index
      %swap3A_163 = tpu.vector_load %arg7[%swap3A_160, %swap3A_161, %swap3A_162] {strides = array<i32>} : memref<3x100x128xf32, #tpu.memory_space<vmem>>, vector<1x1x16xf32>,
      %swap3A_164 = vector.shape_cast %swap3A_163 : vector<1x1x16xf32> to vector<16xf32>
      %swap3A_165 = vector.shape_cast %broadcast_in_dim3A_158 : vector<16xf32> to vector<1x1x16xf32>
      tpu.vector_store %arg7[%swap3A_160, %swap3A_161, %swap3A_162], %swap3A_165 {strides = array<i32>} : memref<3x100x128xf32, #tpu.memory_space<vmem>>, vector<1x1x16xf32>,
      %broadcast_in_dim3A_166 = arith.constant 0.000000e+00 : f32
      %broadcast_in_dim3A_167 = vector.broadcast %broadcast_in_dim3A_166 : f32 to vector<16xf32>
      %swap3A_168 = arith.constant 0 : i32
      %swap3A_169 = arith.index_cast %swap3A_168 : i32 to index
      %swap3A_170 = arith.index_cast %scan3A_104 : i32 to index
      %swap3A_171 = arith.constant 112 : index
      %swap3A_172 = tpu.vector_load %arg7[%swap3A_169, %swap3A_170, %swap3A_171] {strides = array<i32>} : memref<3x100x128xf32, #tpu.memory_space<vmem>>, vector<1x1x16xf32>,
      %swap3A_173 = vector.shape_cast %swap3A_172 : vector<1x1x16xf32> to vector<16xf32>
      %swap3A_174 = vector.shape_cast %broadcast_in_dim3A_167 : vector<16xf32> to vector<1x1x16xf32>
      tpu.vector_store %arg7[%swap3A_169, %swap3A_170, %swap3A_171], %swap3A_174 {strides = array<i32>} : memref<3x100x128xf32, #tpu.memory_space<vmem>>, vector<1x1x16xf32>,
    }
    %scan3A_5 = arith.constant 100 : i32
    %mul3A_6 = arith.constant 625 : i32
    %mul3A_7 = arith.muli %arg1, %mul3A_6 : i32
    %add3A_8 = arith.constant 0 : i32
    %add3A_9 = arith.addi %mul3A_7, %add3A_8 : i32
    %run_scoped3A = arith.constant 0 : i32
    "tpu.region"() ({
      %run_scoped3A_104 = tpu.sem_alloc : memref<!tpu.dma_semaphore, #tpu.memory_space<semaphore_mem>>
      %dma_start3A_105 = arith.constant 0 : i32
      %dma_start3A_106 = arith.constant 0 : i32
      %dma_start3A_107 = tpu.memref_slice %arg7[%run_scoped3A, %dma_start3A_105, %dma_start3A_106] : memref<3x100x128xf32, #tpu.memory_space<vmem>> -> memref<1x100x128xf32, #tpu.memory_space<vmem>>
      %dma_start3A_108 = tpu.memref_squeeze %dma_start3A_107 : memref<1x100x128xf32, #tpu.memory_space<vmem>> -> memref<100x128xf32, #tpu.memory_space<vmem>>
      %dma_start3A_109 = arith.constant 0 : i32
      %dma_start3A_110 = tpu.memref_slice %arg8[%add3A_9, %dma_start3A_109] : memref<10000x128xf32, #tpu.memory_space<vmem_shared>> -> memref<100x128xf32, #tpu.memory_space<vmem_shared>>
      %dma_start3A_111 = arith.constant 0 : i32
      %dma_start3A_112 = tpu.memref_slice %arg8[%add3A_9, %dma_start3A_111] : memref<10000x128xf32, #tpu.memory_space<vmem_shared>> -> memref<100x128xf32, #tpu.memory_space<vmem_shared>>
      %dma_start3A_113 = arith.constant 0 : i32
      %dma_start3A_114 = arith.constant 0 : i32
      %dma_start3A_115 = tpu.memref_slice %arg7[%run_scoped3A, %dma_start3A_113, %dma_start3A_114] : memref<3x100x128xf32, #tpu.memory_space<vmem>> -> memref<1x100x128xf32, #tpu.memory_space<vmem>>
      %dma_start3A_116 = tpu.memref_squeeze %dma_start3A_115 : memref<1x100x128xf32, #tpu.memory_space<vmem>> -> memref<100x128xf32, #tpu.memory_space<vmem>>
      tpu.enqueue_dma source(%dma_start3A_116 : memref<100x128xf32, #tpu.memory_space<vmem>>) target(%dma_start3A_112 : memref<100x128xf32, #tpu.memory_space<vmem_shared>>) target_semaphore(%run_scoped3A_104 : memref<!tpu.dma_semaphore, #tpu.memory_space<semaphore_mem>>)
      %dma_wait3A = arith.constant 0 : i32
      %dma_wait3A_117 = arith.constant 0 : i32
      %dma_wait3A_118 = tpu.memref_slice %arg7[%run_scoped3A, %dma_wait3A, %dma_wait3A_117] : memref<3x100x128xf32, #tpu.memory_space<vmem>> -> memref<1x100x128xf32, #tpu.memory_space<vmem>>
      %dma_wait3A_119 = tpu.memref_squeeze %dma_wait3A_118 : memref<1x100x128xf32, #tpu.memory_space<vmem>> -> memref<100x128xf32, #tpu.memory_space<vmem>>
      %dma_wait3A_120 = arith.constant 0 : i32
      %dma_wait3A_121 = tpu.memref_slice %arg8[%add3A_9, %dma_wait3A_120] : memref<10000x128xf32, #tpu.memory_space<vmem_shared>> -> memref<100x128xf32, #tpu.memory_space<vmem_shared>>
      %dma_wait3A_122 = arith.constant 0 : i32
      %dma_wait3A_123 = tpu.memref_slice %arg8[%add3A_9, %dma_wait3A_122] : memref<10000x128xf32, #tpu.memory_space<vmem_shared>> -> memref<100x128xf32, #tpu.memory_space<vmem_shared>>
      %dma_wait3A_124 = arith.constant 0 : i32
      %dma_wait3A_125 = arith.constant 0 : i32
      %dma_wait3A_126 = tpu.memref_slice %arg7[%run_scoped3A, %dma_wait3A_124, %dma_wait3A_125] : memref<3x100x128xf32, #tpu.memory_space<vmem>> -> memref<1x100x128xf32, #tpu.memory_space<vmem>>
      %dma_wait3A_127 = tpu.memref_squeeze %dma_wait3A_126 : memref<1x100x128xf32, #tpu.memory_space<vmem>> -> memref<100x128xf32, #tpu.memory_space<vmem>>
      tpu.wait_dma2 semaphore(%run_scoped3A_104 : memref<!tpu.dma_semaphore, #tpu.memory_space<semaphore_mem>>) src(%dma_wait3A_127 : memref<100x128xf32, #tpu.memory_space<vmem>>) dst(%dma_wait3A_123 : memref<100x128xf32, #tpu.memory_space<vmem_shared>>)
      tpu.yield
    }) : () -> ()
    %mul3A_10 = arith.constant 625 : i32
    %mul3A_11 = arith.muli %arg1, %mul3A_10 : i32
    %add3A_12 = arith.constant 100 : i32
    %add3A_13 = arith.addi %mul3A_11, %add3A_12 : i32
    %run_scoped3A_14 = arith.constant 0 : i32
    "tpu.region"() ({
      %run_scoped3A_104 = tpu.sem_alloc : memref<!tpu.dma_semaphore, #tpu.memory_space<semaphore_mem>>
      %dma_start3A_105 = arith.constant 0 : i32
      %dma_start3A_106 = arith.constant 0 : i32
      %dma_start3A_107 = tpu.memref_slice %arg7[%run_scoped3A_14, %dma_start3A_105, %dma_start3A_106] : memref<3x100x128xf32, #tpu.memory_space<vmem>> -> memref<1x100x128xf32, #tpu.memory_space<vmem>>
      %dma_start3A_108 = tpu.memref_squeeze %dma_start3A_107 : memref<1x100x128xf32, #tpu.memory_space<vmem>> -> memref<100x128xf32, #tpu.memory_space<vmem>>
      %dma_start3A_109 = arith.constant 0 : i32
      %dma_start3A_110 = tpu.memref_slice %arg8[%add3A_13, %dma_start3A_109] : memref<10000x128xf32, #tpu.memory_space<vmem_shared>> -> memref<100x128xf32, #tpu.memory_space<vmem_shared>>
      %dma_start3A_111 = arith.constant 0 : i32
      %dma_start3A_112 = tpu.memref_slice %arg8[%add3A_13, %dma_start3A_111] : memref<10000x128xf32, #tpu.memory_space<vmem_shared>> -> memref<100x128xf32, #tpu.memory_space<vmem_shared>>
      %dma_start3A_113 = arith.constant 0 : i32
      %dma_start3A_114 = arith.constant 0 : i32
      %dma_start3A_115 = tpu.memref_slice %arg7[%run_scoped3A_14, %dma_start3A_113, %dma_start3A_114] : memref<3x100x128xf32, #tpu.memory_space<vmem>> -> memref<1x100x128xf32, #tpu.memory_space<vmem>>
      %dma_start3A_116 = tpu.memref_squeeze %dma_start3A_115 : memref<1x100x128xf32, #tpu.memory_space<vmem>> -> memref<100x128xf32, #tpu.memory_space<vmem>>
      tpu.enqueue_dma source(%dma_start3A_116 : memref<100x128xf32, #tpu.memory_space<vmem>>) target(%dma_start3A_112 : memref<100x128xf32, #tpu.memory_space<vmem_shared>>) target_semaphore(%run_scoped3A_104 : memref<!tpu.dma_semaphore, #tpu.memory_space<semaphore_mem>>)
      %dma_wait3A = arith.constant 0 : i32
      %dma_wait3A_117 = arith.constant 0 : i32
      %dma_wait3A_118 = tpu.memref_slice %arg7[%run_scoped3A_14, %dma_wait3A, %dma_wait3A_117] : memref<3x100x128xf32, #tpu.memory_space<vmem>> -> memref<1x100x128xf32, #tpu.memory_space<vmem>>
      %dma_wait3A_119 = tpu.memref_squeeze %dma_wait3A_118 : memref<1x100x128xf32, #tpu.memory_space<vmem>> -> memref<100x128xf32, #tpu.memory_space<vmem>>
      %dma_wait3A_120 = arith.constant 0 : i32
      %dma_wait3A_121 = tpu.memref_slice %arg8[%add3A_13, %dma_wait3A_120] : memref<10000x128xf32, #tpu.memory_space<vmem_shared>> -> memref<100x128xf32, #tpu.memory_space<vmem_shared>>
      %dma_wait3A_122 = arith.constant 0 : i32
      %dma_wait3A_123 = tpu.memref_slice %arg8[%add3A_13, %dma_wait3A_122] : memref<10000x128xf32, #tpu.memory_space<vmem_shared>> -> memref<100x128xf32, #tpu.memory_space<vmem_shared>>
      %dma_wait3A_124 = arith.constant 0 : i32
      %dma_wait3A_125 = arith.constant 0 : i32
      %dma_wait3A_126 = tpu.memref_slice %arg7[%run_scoped3A_14, %dma_wait3A_124, %dma_wait3A_125] : memref<3x100x128xf32, #tpu.memory_space<vmem>> -> memref<1x100x128xf32, #tpu.memory_space<vmem>>
      %dma_wait3A_127 = tpu.memref_squeeze %dma_wait3A_126 : memref<1x100x128xf32, #tpu.memory_space<vmem>> -> memref<100x128xf32, #tpu.memory_space<vmem>>
      tpu.wait_dma2 semaphore(%run_scoped3A_104 : memref<!tpu.dma_semaphore, #tpu.memory_space<semaphore_mem>>) src(%dma_wait3A_127 : memref<100x128xf32, #tpu.memory_space<vmem>>) dst(%dma_wait3A_123 : memref<100x128xf32, #tpu.memory_space<vmem_shared>>)
      tpu.yield
    }) : () -> ()
    %mul3A_15 = arith.constant 625 : i32
    %mul3A_16 = arith.muli %arg1, %mul3A_15 : i32
    %add3A_17 = arith.constant 200 : i32
    %add3A_18 = arith.addi %mul3A_16, %add3A_17 : i32
    %run_scoped3A_19 = arith.constant 0 : i32
    "tpu.region"() ({
      %run_scoped3A_104 = tpu.sem_alloc : memref<!tpu.dma_semaphore, #tpu.memory_space<semaphore_mem>>
      %dma_start3A_105 = arith.constant 0 : i32
      %dma_start3A_106 = arith.constant 0 : i32
      %dma_start3A_107 = tpu.memref_slice %arg7[%run_scoped3A_19, %dma_start3A_105, %dma_start3A_106] : memref<3x100x128xf32, #tpu.memory_space<vmem>> -> memref<1x100x128xf32, #tpu.memory_space<vmem>>
      %dma_start3A_108 = tpu.memref_squeeze %dma_start3A_107 : memref<1x100x128xf32, #tpu.memory_space<vmem>> -> memref<100x128xf32, #tpu.memory_space<vmem>>
      %dma_start3A_109 = arith.constant 0 : i32
      %dma_start3A_110 = tpu.memref_slice %arg8[%add3A_18, %dma_start3A_109] : memref<10000x128xf32, #tpu.memory_space<vmem_shared>> -> memref<100x128xf32, #tpu.memory_space<vmem_shared>>
      %dma_start3A_111 = arith.constant 0 : i32
      %dma_start3A_112 = tpu.memref_slice %arg8[%add3A_18, %dma_start3A_111] : memref<10000x128xf32, #tpu.memory_space<vmem_shared>> -> memref<100x128xf32, #tpu.memory_space<vmem_shared>>
      %dma_start3A_113 = arith.constant 0 : i32
      %dma_start3A_114 = arith.constant 0 : i32
      %dma_start3A_115 = tpu.memref_slice %arg7[%run_scoped3A_19, %dma_start3A_113, %dma_start3A_114] : memref<3x100x128xf32, #tpu.memory_space<vmem>> -> memref<1x100x128xf32, #tpu.memory_space<vmem>>
      %dma_start3A_116 = tpu.memref_squeeze %dma_start3A_115 : memref<1x100x128xf32, #tpu.memory_space<vmem>> -> memref<100x128xf32, #tpu.memory_space<vmem>>
      tpu.enqueue_dma source(%dma_start3A_116 : memref<100x128xf32, #tpu.memory_space<vmem>>) target(%dma_start3A_112 : memref<100x128xf32, #tpu.memory_space<vmem_shared>>) target_semaphore(%run_scoped3A_104 : memref<!tpu.dma_semaphore, #tpu.memory_space<semaphore_mem>>)
      %dma_wait3A = arith.constant 0 : i32
      %dma_wait3A_117 = arith.constant 0 : i32
      %dma_wait3A_118 = tpu.memref_slice %arg7[%run_scoped3A_19, %dma_wait3A, %dma_wait3A_117] : memref<3x100x128xf32, #tpu.memory_space<vmem>> -> memref<1x100x128xf32, #tpu.memory_space<vmem>>
      %dma_wait3A_119 = tpu.memref_squeeze %dma_wait3A_118 : memref<1x100x128xf32, #tpu.memory_space<vmem>> -> memref<100x128xf32, #tpu.memory_space<vmem>>
      %dma_wait3A_120 = arith.constant 0 : i32
      %dma_wait3A_121 = tpu.memref_slice %arg8[%add3A_18, %dma_wait3A_120] : memref<10000x128xf32, #tpu.memory_space<vmem_shared>> -> memref<100x128xf32, #tpu.memory_space<vmem_shared>>
      %dma_wait3A_122 = arith.constant 0 : i32
      %dma_wait3A_123 = tpu.memref_slice %arg8[%add3A_18, %dma_wait3A_122] : memref<10000x128xf32, #tpu.memory_space<vmem_shared>> -> memref<100x128xf32, #tpu.memory_space<vmem_shared>>
      %dma_wait3A_124 = arith.constant 0 : i32
      %dma_wait3A_125 = arith.constant 0 : i32
      %dma_wait3A_126 = tpu.memref_slice %arg7[%run_scoped3A_19, %dma_wait3A_124, %dma_wait3A_125] : memref<3x100x128xf32, #tpu.memory_space<vmem>> -> memref<1x100x128xf32, #tpu.memory_space<vmem>>
      %dma_wait3A_127 = tpu.memref_squeeze %dma_wait3A_126 : memref<1x100x128xf32, #tpu.memory_space<vmem>> -> memref<100x128xf32, #tpu.memory_space<vmem>>
      tpu.wait_dma2 semaphore(%run_scoped3A_104 : memref<!tpu.dma_semaphore, #tpu.memory_space<semaphore_mem>>) src(%dma_wait3A_127 : memref<100x128xf32, #tpu.memory_space<vmem>>) dst(%dma_wait3A_123 : memref<100x128xf32, #tpu.memory_space<vmem_shared>>)
      tpu.yield
    }) : () -> ()
    %mul3A_20 = arith.constant 625 : i32
    %mul3A_21 = arith.muli %arg1, %mul3A_20 : i32
    %add3A_22 = arith.constant 300 : i32
    %add3A_23 = arith.addi %mul3A_21, %add3A_22 : i32
    %run_scoped3A_24 = arith.constant 0 : i32
    "tpu.region"() ({
      %run_scoped3A_104 = tpu.sem_alloc : memref<!tpu.dma_semaphore, #tpu.memory_space<semaphore_mem>>
      %dma_start3A_105 = arith.constant 0 : i32
      %dma_start3A_106 = arith.constant 0 : i32
      %dma_start3A_107 = tpu.memref_slice %arg7[%run_scoped3A_24, %dma_start3A_105, %dma_start3A_106] : memref<3x100x128xf32, #tpu.memory_space<vmem>> -> memref<1x100x128xf32, #tpu.memory_space<vmem>>
      %dma_start3A_108 = tpu.memref_squeeze %dma_start3A_107 : memref<1x100x128xf32, #tpu.memory_space<vmem>> -> memref<100x128xf32, #tpu.memory_space<vmem>>
      %dma_start3A_109 = arith.constant 0 : i32
      %dma_start3A_110 = tpu.memref_slice %arg8[%add3A_23, %dma_start3A_109] : memref<10000x128xf32, #tpu.memory_space<vmem_shared>> -> memref<100x128xf32, #tpu.memory_space<vmem_shared>>
      %dma_start3A_111 = arith.constant 0 : i32
      %dma_start3A_112 = tpu.memref_slice %arg8[%add3A_23, %dma_start3A_111] : memref<10000x128xf32, #tpu.memory_space<vmem_shared>> -> memref<100x128xf32, #tpu.memory_space<vmem_shared>>
      %dma_start3A_113 = arith.constant 0 : i32
      %dma_start3A_114 = arith.constant 0 : i32
      %dma_start3A_115 = tpu.memref_slice %arg7[%run_scoped3A_24, %dma_start3A_113, %dma_start3A_114] : memref<3x100x128xf32, #tpu.memory_space<vmem>> -> memref<1x100x128xf32, #tpu.memory_space<vmem>>
      %dma_start3A_116 = tpu.memref_squeeze %dma_start3A_115 : memref<1x100x128xf32, #tpu.memory_space<vmem>> -> memref<100x128xf32, #tpu.memory_space<vmem>>
      tpu.enqueue_dma source(%dma_start3A_116 : memref<100x128xf32, #tpu.memory_space<vmem>>) target(%dma_start3A_112 : memref<100x128xf32, #tpu.memory_space<vmem_shared>>) target_semaphore(%run_scoped3A_104 : memref<!tpu.dma_semaphore, #tpu.memory_space<semaphore_mem>>)
      %dma_wait3A = arith.constant 0 : i32
      %dma_wait3A_117 = arith.constant 0 : i32
      %dma_wait3A_118 = tpu.memref_slice %arg7[%run_scoped3A_24, %dma_wait3A, %dma_wait3A_117] : memref<3x100x128xf32, #tpu.memory_space<vmem>> -> memref<1x100x128xf32, #tpu.memory_space<vmem>>
      %dma_wait3A_119 = tpu.memref_squeeze %dma_wait3A_118 : memref<1x100x128xf32, #tpu.memory_space<vmem>> -> memref<100x128xf32, #tpu.memory_space<vmem>>
      %dma_wait3A_120 = arith.constant 0 : i32
      %dma_wait3A_121 = tpu.memref_slice %arg8[%add3A_23, %dma_wait3A_120] : memref<10000x128xf32, #tpu.memory_space<vmem_shared>> -> memref<100x128xf32, #tpu.memory_space<vmem_shared>>
      %dma_wait3A_122 = arith.constant 0 : i32
      %dma_wait3A_123 = tpu.memref_slice %arg8[%add3A_23, %dma_wait3A_122] : memref<10000x128xf32, #tpu.memory_space<vmem_shared>> -> memref<100x128xf32, #tpu.memory_space<vmem_shared>>
      %dma_wait3A_124 = arith.constant 0 : i32
      %dma_wait3A_125 = arith.constant 0 : i32
      %dma_wait3A_126 = tpu.memref_slice %arg7[%run_scoped3A_24, %dma_wait3A_124, %dma_wait3A_125] : memref<3x100x128xf32, #tpu.memory_space<vmem>> -> memref<1x100x128xf32, #tpu.memory_space<vmem>>
      %dma_wait3A_127 = tpu.memref_squeeze %dma_wait3A_126 : memref<1x100x128xf32, #tpu.memory_space<vmem>> -> memref<100x128xf32, #tpu.memory_space<vmem>>
      tpu.wait_dma2 semaphore(%run_scoped3A_104 : memref<!tpu.dma_semaphore, #tpu.memory_space<semaphore_mem>>) src(%dma_wait3A_127 : memref<100x128xf32, #tpu.memory_space<vmem>>) dst(%dma_wait3A_123 : memref<100x128xf32, #tpu.memory_space<vmem_shared>>)
      tpu.yield
    }) : () -> ()
    %mul3A_25 = arith.constant 625 : i32
    %mul3A_26 = arith.muli %arg1, %mul3A_25 : i32
    %add3A_27 = arith.constant 400 : i32
    %add3A_28 = arith.addi %mul3A_26, %add3A_27 : i32
    %run_scoped3A_29 = arith.constant 0 : i32
    "tpu.region"() ({
      %run_scoped3A_104 = tpu.sem_alloc : memref<!tpu.dma_semaphore, #tpu.memory_space<semaphore_mem>>
      %dma_start3A_105 = arith.constant 0 : i32
      %dma_start3A_106 = arith.constant 0 : i32
      %dma_start3A_107 = tpu.memref_slice %arg7[%run_scoped3A_29, %dma_start3A_105, %dma_start3A_106] : memref<3x100x128xf32, #tpu.memory_space<vmem>> -> memref<1x100x128xf32, #tpu.memory_space<vmem>>
      %dma_start3A_108 = tpu.memref_squeeze %dma_start3A_107 : memref<1x100x128xf32, #tpu.memory_space<vmem>> -> memref<100x128xf32, #tpu.memory_space<vmem>>
      %dma_start3A_109 = arith.constant 0 : i32
      %dma_start3A_110 = tpu.memref_slice %arg8[%add3A_28, %dma_start3A_109] : memref<10000x128xf32, #tpu.memory_space<vmem_shared>> -> memref<100x128xf32, #tpu.memory_space<vmem_shared>>
      %dma_start3A_111 = arith.constant 0 : i32
      %dma_start3A_112 = tpu.memref_slice %arg8[%add3A_28, %dma_start3A_111] : memref<10000x128xf32, #tpu.memory_space<vmem_shared>> -> memref<100x128xf32, #tpu.memory_space<vmem_shared>>
      %dma_start3A_113 = arith.constant 0 : i32
      %dma_start3A_114 = arith.constant 0 : i32
      %dma_start3A_115 = tpu.memref_slice %arg7[%run_scoped3A_29, %dma_start3A_113, %dma_start3A_114] : memref<3x100x128xf32, #tpu.memory_space<vmem>> -> memref<1x100x128xf32, #tpu.memory_space<vmem>>
      %dma_start3A_116 = tpu.memref_squeeze %dma_start3A_115 : memref<1x100x128xf32, #tpu.memory_space<vmem>> -> memref<100x128xf32, #tpu.memory_space<vmem>>
      tpu.enqueue_dma source(%dma_start3A_116 : memref<100x128xf32, #tpu.memory_space<vmem>>) target(%dma_start3A_112 : memref<100x128xf32, #tpu.memory_space<vmem_shared>>) target_semaphore(%run_scoped3A_104 : memref<!tpu.dma_semaphore, #tpu.memory_space<semaphore_mem>>)
      %dma_wait3A = arith.constant 0 : i32
      %dma_wait3A_117 = arith.constant 0 : i32
      %dma_wait3A_118 = tpu.memref_slice %arg7[%run_scoped3A_29, %dma_wait3A, %dma_wait3A_117] : memref<3x100x128xf32, #tpu.memory_space<vmem>> -> memref<1x100x128xf32, #tpu.memory_space<vmem>>
      %dma_wait3A_119 = tpu.memref_squeeze %dma_wait3A_118 : memref<1x100x128xf32, #tpu.memory_space<vmem>> -> memref<100x128xf32, #tpu.memory_space<vmem>>
      %dma_wait3A_120 = arith.constant 0 : i32
      %dma_wait3A_121 = tpu.memref_slice %arg8[%add3A_28, %dma_wait3A_120] : memref<10000x128xf32, #tpu.memory_space<vmem_shared>> -> memref<100x128xf32, #tpu.memory_space<vmem_shared>>
      %dma_wait3A_122 = arith.constant 0 : i32
      %dma_wait3A_123 = tpu.memref_slice %arg8[%add3A_28, %dma_wait3A_122] : memref<10000x128xf32, #tpu.memory_space<vmem_shared>> -> memref<100x128xf32, #tpu.memory_space<vmem_shared>>
      %dma_wait3A_124 = arith.constant 0 : i32
      %dma_wait3A_125 = arith.constant 0 : i32
      %dma_wait3A_126 = tpu.memref_slice %arg7[%run_scoped3A_29, %dma_wait3A_124, %dma_wait3A_125] : memref<3x100x128xf32, #tpu.memory_space<vmem>> -> memref<1x100x128xf32, #tpu.memory_space<vmem>>
      %dma_wait3A_127 = tpu.memref_squeeze %dma_wait3A_126 : memref<1x100x128xf32, #tpu.memory_space<vmem>> -> memref<100x128xf32, #tpu.memory_space<vmem>>
      tpu.wait_dma2 semaphore(%run_scoped3A_104 : memref<!tpu.dma_semaphore, #tpu.memory_space<semaphore_mem>>) src(%dma_wait3A_127 : memref<100x128xf32, #tpu.memory_space<vmem>>) dst(%dma_wait3A_123 : memref<100x128xf32, #tpu.memory_space<vmem_shared>>)
      tpu.yield
    }) : () -> ()
    %mul3A_30 = arith.constant 625 : i32
    %mul3A_31 = arith.muli %arg1, %mul3A_30 : i32
    %add3A_32 = arith.constant 500 : i32
    %add3A_33 = arith.addi %mul3A_31, %add3A_32 : i32
    %run_scoped3A_34 = arith.constant 0 : i32
    "tpu.region"() ({
      %run_scoped3A_104 = tpu.sem_alloc : memref<!tpu.dma_semaphore, #tpu.memory_space<semaphore_mem>>
      %dma_start3A_105 = arith.constant 0 : i32
      %dma_start3A_106 = arith.constant 0 : i32
      %dma_start3A_107 = tpu.memref_slice %arg7[%run_scoped3A_34, %dma_start3A_105, %dma_start3A_106] : memref<3x100x128xf32, #tpu.memory_space<vmem>> -> memref<1x100x128xf32, #tpu.memory_space<vmem>>
      %dma_start3A_108 = tpu.memref_squeeze %dma_start3A_107 : memref<1x100x128xf32, #tpu.memory_space<vmem>> -> memref<100x128xf32, #tpu.memory_space<vmem>>
      %dma_start3A_109 = arith.constant 0 : i32
      %dma_start3A_110 = tpu.memref_slice %arg8[%add3A_33, %dma_start3A_109] : memref<10000x128xf32, #tpu.memory_space<vmem_shared>> -> memref<100x128xf32, #tpu.memory_space<vmem_shared>>
      %dma_start3A_111 = arith.constant 0 : i32
      %dma_start3A_112 = tpu.memref_slice %arg8[%add3A_33, %dma_start3A_111] : memref<10000x128xf32, #tpu.memory_space<vmem_shared>> -> memref<100x128xf32, #tpu.memory_space<vmem_shared>>
      %dma_start3A_113 = arith.constant 0 : i32
      %dma_start3A_114 = arith.constant 0 : i32
      %dma_start3A_115 = tpu.memref_slice %arg7[%run_scoped3A_34, %dma_start3A_113, %dma_start3A_114] : memref<3x100x128xf32, #tpu.memory_space<vmem>> -> memref<1x100x128xf32, #tpu.memory_space<vmem>>
      %dma_start3A_116 = tpu.memref_squeeze %dma_start3A_115 : memref<1x100x128xf32, #tpu.memory_space<vmem>> -> memref<100x128xf32, #tpu.memory_space<vmem>>
      tpu.enqueue_dma source(%dma_start3A_116 : memref<100x128xf32, #tpu.memory_space<vmem>>) target(%dma_start3A_112 : memref<100x128xf32, #tpu.memory_space<vmem_shared>>) target_semaphore(%run_scoped3A_104 : memref<!tpu.dma_semaphore, #tpu.memory_space<semaphore_mem>>)
      %dma_wait3A = arith.constant 0 : i32
      %dma_wait3A_117 = arith.constant 0 : i32
      %dma_wait3A_118 = tpu.memref_slice %arg7[%run_scoped3A_34, %dma_wait3A, %dma_wait3A_117] : memref<3x100x128xf32, #tpu.memory_space<vmem>> -> memref<1x100x128xf32, #tpu.memory_space<vmem>>
      %dma_wait3A_119 = tpu.memref_squeeze %dma_wait3A_118 : memref<1x100x128xf32, #tpu.memory_space<vmem>> -> memref<100x128xf32, #tpu.memory_space<vmem>>
      %dma_wait3A_120 = arith.constant 0 : i32
      %dma_wait3A_121 = tpu.memref_slice %arg8[%add3A_33, %dma_wait3A_120] : memref<10000x128xf32, #tpu.memory_space<vmem_shared>> -> memref<100x128xf32, #tpu.memory_space<vmem_shared>>
      %dma_wait3A_122 = arith.constant 0 : i32
      %dma_wait3A_123 = tpu.memref_slice %arg8[%add3A_33, %dma_wait3A_122] : memref<10000x128xf32, #tpu.memory_space<vmem_shared>> -> memref<100x128xf32, #tpu.memory_space<vmem_shared>>
      %dma_wait3A_124 = arith.constant 0 : i32
      %dma_wait3A_125 = arith.constant 0 : i32
      %dma_wait3A_126 = tpu.memref_slice %arg7[%run_scoped3A_34, %dma_wait3A_124, %dma_wait3A_125] : memref<3x100x128xf32, #tpu.memory_space<vmem>> -> memref<1x100x128xf32, #tpu.memory_space<vmem>>
      %dma_wait3A_127 = tpu.memref_squeeze %dma_wait3A_126 : memref<1x100x128xf32, #tpu.memory_space<vmem>> -> memref<100x128xf32, #tpu.memory_space<vmem>>
      tpu.wait_dma2 semaphore(%run_scoped3A_104 : memref<!tpu.dma_semaphore, #tpu.memory_space<semaphore_mem>>) src(%dma_wait3A_127 : memref<100x128xf32, #tpu.memory_space<vmem>>) dst(%dma_wait3A_123 : memref<100x128xf32, #tpu.memory_space<vmem_shared>>)
      tpu.yield
    }) : () -> ()
    %mul3A_35 = arith.constant 625 : i32
    %mul3A_36 = arith.muli %arg1, %mul3A_35 : i32
    %add3A_37 = arith.constant 600 : i32
    %add3A_38 = arith.addi %mul3A_36, %add3A_37 : i32
    %run_scoped3A_39 = arith.constant 0 : i32
    "tpu.region"() ({
      %run_scoped3A_104 = tpu.sem_alloc : memref<!tpu.dma_semaphore, #tpu.memory_space<semaphore_mem>>
      %dma_start3A_105 = arith.constant 0 : i32
      %dma_start3A_106 = arith.constant 0 : i32
      %dma_start3A_107 = tpu.memref_slice %arg7[%run_scoped3A_39, %dma_start3A_105, %dma_start3A_106] : memref<3x100x128xf32, #tpu.memory_space<vmem>> -> memref<1x25x128xf32, #tpu.memory_space<vmem>>
      %dma_start3A_108 = tpu.memref_squeeze %dma_start3A_107 : memref<1x25x128xf32, #tpu.memory_space<vmem>> -> memref<25x128xf32, #tpu.memory_space<vmem>>
      %dma_start3A_109 = arith.constant 0 : i32
      %dma_start3A_110 = tpu.memref_slice %arg8[%add3A_38, %dma_start3A_109] : memref<10000x128xf32, #tpu.memory_space<vmem_shared>> -> memref<25x128xf32, #tpu.memory_space<vmem_shared>>
      %dma_start3A_111 = arith.constant 0 : i32
      %dma_start3A_112 = tpu.memref_slice %arg8[%add3A_38, %dma_start3A_111] : memref<10000x128xf32, #tpu.memory_space<vmem_shared>> -> memref<25x128xf32, #tpu.memory_space<vmem_shared>>
      %dma_start3A_113 = arith.constant 0 : i32
      %dma_start3A_114 = arith.constant 0 : i32
      %dma_start3A_115 = tpu.memref_slice %arg7[%run_scoped3A_39, %dma_start3A_113, %dma_start3A_114] : memref<3x100x128xf32, #tpu.memory_space<vmem>> -> memref<1x25x128xf32, #tpu.memory_space<vmem>>
      %dma_start3A_116 = tpu.memref_squeeze %dma_start3A_115 : memref<1x25x128xf32, #tpu.memory_space<vmem>> -> memref<25x128xf32, #tpu.memory_space<vmem>>
      tpu.enqueue_dma source(%dma_start3A_116 : memref<25x128xf32, #tpu.memory_space<vmem>>) target(%dma_start3A_112 : memref<25x128xf32, #tpu.memory_space<vmem_shared>>) target_semaphore(%run_scoped3A_104 : memref<!tpu.dma_semaphore, #tpu.memory_space<semaphore_mem>>)
      %dma_wait3A = arith.constant 0 : i32
      %dma_wait3A_117 = arith.constant 0 : i32
      %dma_wait3A_118 = tpu.memref_slice %arg7[%run_scoped3A_39, %dma_wait3A, %dma_wait3A_117] : memref<3x100x128xf32, #tpu.memory_space<vmem>> -> memref<1x25x128xf32, #tpu.memory_space<vmem>>
      %dma_wait3A_119 = tpu.memref_squeeze %dma_wait3A_118 : memref<1x25x128xf32, #tpu.memory_space<vmem>> -> memref<25x128xf32, #tpu.memory_space<vmem>>
      %dma_wait3A_120 = arith.constant 0 : i32
      %dma_wait3A_121 = tpu.memref_slice %arg8[%add3A_38, %dma_wait3A_120] : memref<10000x128xf32, #tpu.memory_space<vmem_shared>> -> memref<25x128xf32, #tpu.memory_space<vmem_shared>>
      %dma_wait3A_122 = arith.constant 0 : i32
      %dma_wait3A_123 = tpu.memref_slice %arg8[%add3A_38, %dma_wait3A_122] : memref<10000x128xf32, #tpu.memory_space<vmem_shared>> -> memref<25x128xf32, #tpu.memory_space<vmem_shared>>
      %dma_wait3A_124 = arith.constant 0 : i32
      %dma_wait3A_125 = arith.constant 0 : i32
      %dma_wait3A_126 = tpu.memref_slice %arg7[%run_scoped3A_39, %dma_wait3A_124, %dma_wait3A_125] : memref<3x100x128xf32, #tpu.memory_space<vmem>> -> memref<1x25x128xf32, #tpu.memory_space<vmem>>
      %dma_wait3A_127 = tpu.memref_squeeze %dma_wait3A_126 : memref<1x25x128xf32, #tpu.memory_space<vmem>> -> memref<25x128xf32, #tpu.memory_space<vmem>>
      tpu.wait_dma2 semaphore(%run_scoped3A_104 : memref<!tpu.dma_semaphore, #tpu.memory_space<semaphore_mem>>) src(%dma_wait3A_127 : memref<25x128xf32, #tpu.memory_space<vmem>>) dst(%dma_wait3A_123 : memref<25x128xf32, #tpu.memory_space<vmem_shared>>)
      tpu.yield
    }) : () -> ()
    %barrier3A = arith.constant 0 : index
    tpu.barrier barrier_id(%barrier3A)
    %run_scoped3A_40 = arith.constant 0 : i32
    %run_scoped3A_41 = arith.constant 0 : i32
    %run_scoped3A_42 = arith.constant 0 : i32
    "tpu.region"() ({
      %run_scoped3A_104 = tpu.sem_alloc : memref<!tpu.dma_semaphore, #tpu.memory_space<semaphore_mem>>
      %dma_start3A_105 = arith.constant 0 : i32
      %dma_start3A_106 = arith.constant 0 : i32
      %dma_start3A_107 = tpu.memref_slice %arg5[%run_scoped3A_42, %dma_start3A_105, %dma_start3A_106] : memref<2x5x100xi32, #tpu.memory_space<vmem>> -> memref<1x5x100xi32, #tpu.memory_space<vmem>>
      %dma_start3A_108 = tpu.memref_squeeze %dma_start3A_107 : memref<1x5x100xi32, #tpu.memory_space<vmem>> -> memref<5x100xi32, #tpu.memory_space<vmem>>
      %dma_start3A_109 = arith.constant 0 : i32
      %dma_start3A_110 = arith.constant 0 : i32
      %dma_start3A_111 = tpu.memref_slice %arg3[%run_scoped3A_40, %add3A, %run_scoped3A_41, %dma_start3A_109, %dma_start3A_110] : memref<2x32x20x5x100xi32, #tpu.memory_space<hbm>> -> memref<1x1x1x5x100xi32, #tpu.memory_space<hbm>>
      %dma_start3A_112 = tpu.memref_squeeze %dma_start3A_111 : memref<1x1x1x5x100xi32, #tpu.memory_space<hbm>> -> memref<5x100xi32, #tpu.memory_space<hbm>>
      %dma_start3A_113 = arith.constant 0 : i32
      %dma_start3A_114 = arith.constant 0 : i32
      %dma_start3A_115 = tpu.memref_slice %arg5[%run_scoped3A_42, %dma_start3A_113, %dma_start3A_114] : memref<2x5x100xi32, #tpu.memory_space<vmem>> -> memref<1x5x100xi32, #tpu.memory_space<vmem>>
      %dma_start3A_116 = tpu.memref_squeeze %dma_start3A_115 : memref<1x5x100xi32, #tpu.memory_space<vmem>> -> memref<5x100xi32, #tpu.memory_space<vmem>>
      %dma_start3A_117 = arith.constant 0 : i32
      %dma_start3A_118 = arith.constant 0 : i32
      %dma_start3A_119 = tpu.memref_slice %arg3[%run_scoped3A_40, %add3A, %run_scoped3A_41, %dma_start3A_117, %dma_start3A_118] : memref<2x32x20x5x100xi32, #tpu.memory_space<hbm>> -> memref<1x1x1x5x100xi32, #tpu.memory_space<hbm>>
      %dma_start3A_120 = tpu.memref_squeeze %dma_start3A_119 : memref<1x1x1x5x100xi32, #tpu.memory_space<hbm>> -> memref<5x100xi32, #tpu.memory_space<hbm>>
      tpu.enqueue_dma source(%dma_start3A_120 : memref<5x100xi32, #tpu.memory_space<hbm>>) target(%dma_start3A_116 : memref<5x100xi32, #tpu.memory_space<vmem>>) target_semaphore(%run_scoped3A_104 : memref<!tpu.dma_semaphore, #tpu.memory_space<semaphore_mem>>)
      %dma_wait3A = arith.constant 0 : i32
      %dma_wait3A_121 = arith.constant 0 : i32
      %dma_wait3A_122 = tpu.memref_slice %arg5[%run_scoped3A_42, %dma_wait3A, %dma_wait3A_121] : memref<2x5x100xi32, #tpu.memory_space<vmem>> -> memref<1x5x100xi32, #tpu.memory_space<vmem>>
      %dma_wait3A_123 = tpu.memref_squeeze %dma_wait3A_122 : memref<1x5x100xi32, #tpu.memory_space<vmem>> -> memref<5x100xi32, #tpu.memory_space<vmem>>
      %dma_wait3A_124 = arith.constant 0 : i32
      %dma_wait3A_125 = arith.constant 0 : i32
      %dma_wait3A_126 = tpu.memref_slice %arg3[%run_scoped3A_40, %add3A, %run_scoped3A_41, %dma_wait3A_124, %dma_wait3A_125] : memref<2x32x20x5x100xi32, #tpu.memory_space<hbm>> -> memref<1x1x1x5x100xi32, #tpu.memory_space<hbm>>
      %dma_wait3A_127 = tpu.memref_squeeze %dma_wait3A_126 : memref<1x1x1x5x100xi32, #tpu.memory_space<hbm>> -> memref<5x100xi32, #tpu.memory_space<hbm>>
      %dma_wait3A_128 = arith.constant 0 : i32
      %dma_wait3A_129 = arith.constant 0 : i32
      %dma_wait3A_130 = tpu.memref_slice %arg5[%run_scoped3A_42, %dma_wait3A_128, %dma_wait3A_129] : memref<2x5x100xi32, #tpu.memory_space<vmem>> -> memref<1x5x100xi32, #tpu.memory_space<vmem>>
      %dma_wait3A_131 = tpu.memref_squeeze %dma_wait3A_130 : memref<1x5x100xi32, #tpu.memory_space<vmem>> -> memref<5x100xi32, #tpu.memory_space<vmem>>
      %dma_wait3A_132 = arith.constant 0 : i32
      %dma_wait3A_133 = arith.constant 0 : i32
      %dma_wait3A_134 = tpu.memref_slice %arg3[%run_scoped3A_40, %add3A, %run_scoped3A_41, %dma_wait3A_132, %dma_wait3A_133] : memref<2x32x20x5x100xi32, #tpu.memory_space<hbm>> -> memref<1x1x1x5x100xi32, #tpu.memory_space<hbm>>
      %dma_wait3A_135 = tpu.memref_squeeze %dma_wait3A_134 : memref<1x1x1x5x100xi32, #tpu.memory_space<hbm>> -> memref<5x100xi32, #tpu.memory_space<hbm>>
      tpu.wait_dma2 semaphore(%run_scoped3A_104 : memref<!tpu.dma_semaphore, #tpu.memory_space<semaphore_mem>>) src(%dma_wait3A_135 : memref<5x100xi32, #tpu.memory_space<hbm>>) dst(%dma_wait3A_131 : memref<5x100xi32, #tpu.memory_space<vmem>>)
      tpu.yield
    }) : () -> ()
    %run_scoped3A_43 = arith.constant 1 : i32
    %run_scoped3A_44 = arith.constant 0 : i32
    %run_scoped3A_45 = arith.constant 0 : i32
    "tpu.region"() ({
      %run_scoped3A_104 = tpu.sem_alloc : memref<!tpu.dma_semaphore, #tpu.memory_space<semaphore_mem>>
      %dma_start3A_105 = arith.constant 0 : i32
      %dma_start3A_106 = arith.constant 0 : i32
      %dma_start3A_107 = tpu.memref_slice %arg6[%run_scoped3A_45, %dma_start3A_105, %dma_start3A_106] : memref<2x5x100xi32, #tpu.memory_space<vmem>> -> memref<1x5x100xi32, #tpu.memory_space<vmem>>
      %dma_start3A_108 = tpu.memref_squeeze %dma_start3A_107 : memref<1x5x100xi32, #tpu.memory_space<vmem>> -> memref<5x100xi32, #tpu.memory_space<vmem>>
      %dma_start3A_109 = arith.constant 0 : i32
      %dma_start3A_110 = arith.constant 0 : i32
      %dma_start3A_111 = tpu.memref_slice %arg3[%run_scoped3A_43, %add3A, %run_scoped3A_44, %dma_start3A_109, %dma_start3A_110] : memref<2x32x20x5x100xi32, #tpu.memory_space<hbm>> -> memref<1x1x1x5x100xi32, #tpu.memory_space<hbm>>
      %dma_start3A_112 = tpu.memref_squeeze %dma_start3A_111 : memref<1x1x1x5x100xi32, #tpu.memory_space<hbm>> -> memref<5x100xi32, #tpu.memory_space<hbm>>
      %dma_start3A_113 = arith.constant 0 : i32
      %dma_start3A_114 = arith.constant 0 : i32
      %dma_start3A_115 = tpu.memref_slice %arg6[%run_scoped3A_45, %dma_start3A_113, %dma_start3A_114] : memref<2x5x100xi32, #tpu.memory_space<vmem>> -> memref<1x5x100xi32, #tpu.memory_space<vmem>>
      %dma_start3A_116 = tpu.memref_squeeze %dma_start3A_115 : memref<1x5x100xi32, #tpu.memory_space<vmem>> -> memref<5x100xi32, #tpu.memory_space<vmem>>
      %dma_start3A_117 = arith.constant 0 : i32
      %dma_start3A_118 = arith.constant 0 : i32
      %dma_start3A_119 = tpu.memref_slice %arg3[%run_scoped3A_43, %add3A, %run_scoped3A_44, %dma_start3A_117, %dma_start3A_118] : memref<2x32x20x5x100xi32, #tpu.memory_space<hbm>> -> memref<1x1x1x5x100xi32, #tpu.memory_space<hbm>>
      %dma_start3A_120 = tpu.memref_squeeze %dma_start3A_119 : memref<1x1x1x5x100xi32, #tpu.memory_space<hbm>> -> memref<5x100xi32, #tpu.memory_space<hbm>>
      tpu.enqueue_dma source(%dma_start3A_120 : memref<5x100xi32, #tpu.memory_space<hbm>>) target(%dma_start3A_116 : memref<5x100xi32, #tpu.memory_space<vmem>>) target_semaphore(%run_scoped3A_104 : memref<!tpu.dma_semaphore, #tpu.memory_space<semaphore_mem>>)
      %dma_wait3A = arith.constant 0 : i32
      %dma_wait3A_121 = arith.constant 0 : i32
      %dma_wait3A_122 = tpu.memref_slice %arg6[%run_scoped3A_45, %dma_wait3A, %dma_wait3A_121] : memref<2x5x100xi32, #tpu.memory_space<vmem>> -> memref<1x5x100xi32, #tpu.memory_space<vmem>>
      %dma_wait3A_123 = tpu.memref_squeeze %dma_wait3A_122 : memref<1x5x100xi32, #tpu.memory_space<vmem>> -> memref<5x100xi32, #tpu.memory_space<vmem>>
      %dma_wait3A_124 = arith.constant 0 : i32
      %dma_wait3A_125 = arith.constant 0 : i32
      %dma_wait3A_126 = tpu.memref_slice %arg3[%run_scoped3A_43, %add3A, %run_scoped3A_44, %dma_wait3A_124, %dma_wait3A_125] : memref<2x32x20x5x100xi32, #tpu.memory_space<hbm>> -> memref<1x1x1x5x100xi32, #tpu.memory_space<hbm>>
      %dma_wait3A_127 = tpu.memref_squeeze %dma_wait3A_126 : memref<1x1x1x5x100xi32, #tpu.memory_space<hbm>> -> memref<5x100xi32, #tpu.memory_space<hbm>>
      %dma_wait3A_128 = arith.constant 0 : i32
      %dma_wait3A_129 = arith.constant 0 : i32
      %dma_wait3A_130 = tpu.memref_slice %arg6[%run_scoped3A_45, %dma_wait3A_128, %dma_wait3A_129] : memref<2x5x100xi32, #tpu.memory_space<vmem>> -> memref<1x5x100xi32, #tpu.memory_space<vmem>>
      %dma_wait3A_131 = tpu.memref_squeeze %dma_wait3A_130 : memref<1x5x100xi32, #tpu.memory_space<vmem>> -> memref<5x100xi32, #tpu.memory_space<vmem>>
      %dma_wait3A_132 = arith.constant 0 : i32
      %dma_wait3A_133 = arith.constant 0 : i32
      %dma_wait3A_134 = tpu.memref_slice %arg3[%run_scoped3A_43, %add3A, %run_scoped3A_44, %dma_wait3A_132, %dma_wait3A_133] : memref<2x32x20x5x100xi32, #tpu.memory_space<hbm>> -> memref<1x1x1x5x100xi32, #tpu.memory_space<hbm>>
      %dma_wait3A_135 = tpu.memref_squeeze %dma_wait3A_134 : memref<1x1x1x5x100xi32, #tpu.memory_space<hbm>> -> memref<5x100xi32, #tpu.memory_space<hbm>>
      tpu.wait_dma2 semaphore(%run_scoped3A_104 : memref<!tpu.dma_semaphore, #tpu.memory_space<semaphore_mem>>) src(%dma_wait3A_135 : memref<5x100xi32, #tpu.memory_space<hbm>>) dst(%dma_wait3A_131 : memref<5x100xi32, #tpu.memory_space<vmem>>)
      tpu.yield
    }) : () -> ()
    %run_scoped3A_46 = arith.constant 0 : i32
    %run_scoped3A_47 = arith.constant 1 : i32
    %run_scoped3A_48 = arith.constant 1 : i32
    "tpu.region"() ({
      %run_scoped3A_104 = tpu.sem_alloc : memref<!tpu.dma_semaphore, #tpu.memory_space<semaphore_mem>>
      %dma_start3A_105 = arith.constant 0 : i32
      %dma_start3A_106 = arith.constant 0 : i32
      %dma_start3A_107 = tpu.memref_slice %arg5[%run_scoped3A_48, %dma_start3A_105, %dma_start3A_106] : memref<2x5x100xi32, #tpu.memory_space<vmem>> -> memref<1x5x100xi32, #tpu.memory_space<vmem>>
      %dma_start3A_108 = tpu.memref_squeeze %dma_start3A_107 : memref<1x5x100xi32, #tpu.memory_space<vmem>> -> memref<5x100xi32, #tpu.memory_space<vmem>>
      %dma_start3A_109 = arith.constant 0 : i32
      %dma_start3A_110 = arith.constant 0 : i32
      %dma_start3A_111 = tpu.memref_slice %arg3[%run_scoped3A_46, %add3A, %run_scoped3A_47, %dma_start3A_109, %dma_start3A_110] : memref<2x32x20x5x100xi32, #tpu.memory_space<hbm>> -> memref<1x1x1x5x100xi32, #tpu.memory_space<hbm>>
      %dma_start3A_112 = tpu.memref_squeeze %dma_start3A_111 : memref<1x1x1x5x100xi32, #tpu.memory_space<hbm>> -> memref<5x100xi32, #tpu.memory_space<hbm>>
      %dma_start3A_113 = arith.constant 0 : i32
      %dma_start3A_114 = arith.constant 0 : i32
      %dma_start3A_115 = tpu.memref_slice %arg5[%run_scoped3A_48, %dma_start3A_113, %dma_start3A_114] : memref<2x5x100xi32, #tpu.memory_space<vmem>> -> memref<1x5x100xi32, #tpu.memory_space<vmem>>
      %dma_start3A_116 = tpu.memref_squeeze %dma_start3A_115 : memref<1x5x100xi32, #tpu.memory_space<vmem>> -> memref<5x100xi32, #tpu.memory_space<vmem>>
      %dma_start3A_117 = arith.constant 0 : i32
      %dma_start3A_118 = arith.constant 0 : i32
      %dma_start3A_119 = tpu.memref_slice %arg3[%run_scoped3A_46, %add3A, %run_scoped3A_47, %dma_start3A_117, %dma_start3A_118] : memref<2x32x20x5x100xi32, #tpu.memory_space<hbm>> -> memref<1x1x1x5x100xi32, #tpu.memory_space<hbm>>
      %dma_start3A_120 = tpu.memref_squeeze %dma_start3A_119 : memref<1x1x1x5x100xi32, #tpu.memory_space<hbm>> -> memref<5x100xi32, #tpu.memory_space<hbm>>
      tpu.enqueue_dma source(%dma_start3A_120 : memref<5x100xi32, #tpu.memory_space<hbm>>) target(%dma_start3A_116 : memref<5x100xi32, #tpu.memory_space<vmem>>) target_semaphore(%run_scoped3A_104 : memref<!tpu.dma_semaphore, #tpu.memory_space<semaphore_mem>>)
      %dma_wait3A = arith.constant 0 : i32
      %dma_wait3A_121 = arith.constant 0 : i32
      %dma_wait3A_122 = tpu.memref_slice %arg5[%run_scoped3A_48, %dma_wait3A, %dma_wait3A_121] : memref<2x5x100xi32, #tpu.memory_space<vmem>> -> memref<1x5x100xi32, #tpu.memory_space<vmem>>
      %dma_wait3A_123 = tpu.memref_squeeze %dma_wait3A_122 : memref<1x5x100xi32, #tpu.memory_space<vmem>> -> memref<5x100xi32, #tpu.memory_space<vmem>>
      %dma_wait3A_124 = arith.constant 0 : i32
      %dma_wait3A_125 = arith.constant 0 : i32
      %dma_wait3A_126 = tpu.memref_slice %arg3[%run_scoped3A_46, %add3A, %run_scoped3A_47, %dma_wait3A_124, %dma_wait3A_125] : memref<2x32x20x5x100xi32, #tpu.memory_space<hbm>> -> memref<1x1x1x5x100xi32, #tpu.memory_space<hbm>>
      %dma_wait3A_127 = tpu.memref_squeeze %dma_wait3A_126 : memref<1x1x1x5x100xi32, #tpu.memory_space<hbm>> -> memref<5x100xi32, #tpu.memory_space<hbm>>
      %dma_wait3A_128 = arith.constant 0 : i32
      %dma_wait3A_129 = arith.constant 0 : i32
      %dma_wait3A_130 = tpu.memref_slice %arg5[%run_scoped3A_48, %dma_wait3A_128, %dma_wait3A_129] : memref<2x5x100xi32, #tpu.memory_space<vmem>> -> memref<1x5x100xi32, #tpu.memory_space<vmem>>
      %dma_wait3A_131 = tpu.memref_squeeze %dma_wait3A_130 : memref<1x5x100xi32, #tpu.memory_space<vmem>> -> memref<5x100xi32, #tpu.memory_space<vmem>>
      %dma_wait3A_132 = arith.constant 0 : i32
      %dma_wait3A_133 = arith.constant 0 : i32
      %dma_wait3A_134 = tpu.memref_slice %arg3[%run_scoped3A_46, %add3A, %run_scoped3A_47, %dma_wait3A_132, %dma_wait3A_133] : memref<2x32x20x5x100xi32, #tpu.memory_space<hbm>> -> memref<1x1x1x5x100xi32, #tpu.memory_space<hbm>>
      %dma_wait3A_135 = tpu.memref_squeeze %dma_wait3A_134 : memref<1x1x1x5x100xi32, #tpu.memory_space<hbm>> -> memref<5x100xi32, #tpu.memory_space<hbm>>
      tpu.wait_dma2 semaphore(%run_scoped3A_104 : memref<!tpu.dma_semaphore, #tpu.memory_space<semaphore_mem>>) src(%dma_wait3A_135 : memref<5x100xi32, #tpu.memory_space<hbm>>) dst(%dma_wait3A_131 : memref<5x100xi32, #tpu.memory_space<vmem>>)
      tpu.yield
    }) : () -> ()
    %run_scoped3A_49 = arith.constant 1 : i32
    %run_scoped3A_50 = arith.constant 1 : i32
    %run_scoped3A_51 = arith.constant 1 : i32
    "tpu.region"() ({
      %run_scoped3A_104 = tpu.sem_alloc : memref<!tpu.dma_semaphore, #tpu.memory_space<semaphore_mem>>
      %dma_start3A_105 = arith.constant 0 : i32
      %dma_start3A_106 = arith.constant 0 : i32
      %dma_start3A_107 = tpu.memref_slice %arg6[%run_scoped3A_51, %dma_start3A_105, %dma_start3A_106] : memref<2x5x100xi32, #tpu.memory_space<vmem>> -> memref<1x5x100xi32, #tpu.memory_space<vmem>>
      %dma_start3A_108 = tpu.memref_squeeze %dma_start3A_107 : memref<1x5x100xi32, #tpu.memory_space<vmem>> -> memref<5x100xi32, #tpu.memory_space<vmem>>
      %dma_start3A_109 = arith.constant 0 : i32
      %dma_start3A_110 = arith.constant 0 : i32
      %dma_start3A_111 = tpu.memref_slice %arg3[%run_scoped3A_49, %add3A, %run_scoped3A_50, %dma_start3A_109, %dma_start3A_110] : memref<2x32x20x5x100xi32, #tpu.memory_space<hbm>> -> memref<1x1x1x5x100xi32, #tpu.memory_space<hbm>>
      %dma_start3A_112 = tpu.memref_squeeze %dma_start3A_111 : memref<1x1x1x5x100xi32, #tpu.memory_space<hbm>> -> memref<5x100xi32, #tpu.memory_space<hbm>>
      %dma_start3A_113 = arith.constant 0 : i32
      %dma_start3A_114 = arith.constant 0 : i32
      %dma_start3A_115 = tpu.memref_slice %arg6[%run_scoped3A_51, %dma_start3A_113, %dma_start3A_114] : memref<2x5x100xi32, #tpu.memory_space<vmem>> -> memref<1x5x100xi32, #tpu.memory_space<vmem>>
      %dma_start3A_116 = tpu.memref_squeeze %dma_start3A_115 : memref<1x5x100xi32, #tpu.memory_space<vmem>> -> memref<5x100xi32, #tpu.memory_space<vmem>>
      %dma_start3A_117 = arith.constant 0 : i32
      %dma_start3A_118 = arith.constant 0 : i32
      %dma_start3A_119 = tpu.memref_slice %arg3[%run_scoped3A_49, %add3A, %run_scoped3A_50, %dma_start3A_117, %dma_start3A_118] : memref<2x32x20x5x100xi32, #tpu.memory_space<hbm>> -> memref<1x1x1x5x100xi32, #tpu.memory_space<hbm>>
      %dma_start3A_120 = tpu.memref_squeeze %dma_start3A_119 : memref<1x1x1x5x100xi32, #tpu.memory_space<hbm>> -> memref<5x100xi32, #tpu.memory_space<hbm>>
      tpu.enqueue_dma source(%dma_start3A_120 : memref<5x100xi32, #tpu.memory_space<hbm>>) target(%dma_start3A_116 : memref<5x100xi32, #tpu.memory_space<vmem>>) target_semaphore(%run_scoped3A_104 : memref<!tpu.dma_semaphore, #tpu.memory_space<semaphore_mem>>)
      %dma_wait3A = arith.constant 0 : i32
      %dma_wait3A_121 = arith.constant 0 : i32
      %dma_wait3A_122 = tpu.memref_slice %arg6[%run_scoped3A_51, %dma_wait3A, %dma_wait3A_121] : memref<2x5x100xi32, #tpu.memory_space<vmem>> -> memref<1x5x100xi32, #tpu.memory_space<vmem>>
      %dma_wait3A_123 = tpu.memref_squeeze %dma_wait3A_122 : memref<1x5x100xi32, #tpu.memory_space<vmem>> -> memref<5x100xi32, #tpu.memory_space<vmem>>
      %dma_wait3A_124 = arith.constant 0 : i32
      %dma_wait3A_125 = arith.constant 0 : i32
      %dma_wait3A_126 = tpu.memref_slice %arg3[%run_scoped3A_49, %add3A, %run_scoped3A_50, %dma_wait3A_124, %dma_wait3A_125] : memref<2x32x20x5x100xi32, #tpu.memory_space<hbm>> -> memref<1x1x1x5x100xi32, #tpu.memory_space<hbm>>
      %dma_wait3A_127 = tpu.memref_squeeze %dma_wait3A_126 : memref<1x1x1x5x100xi32, #tpu.memory_space<hbm>> -> memref<5x100xi32, #tpu.memory_space<hbm>>
      %dma_wait3A_128 = arith.constant 0 : i32
      %dma_wait3A_129 = arith.constant 0 : i32
      %dma_wait3A_130 = tpu.memref_slice %arg6[%run_scoped3A_51, %dma_wait3A_128, %dma_wait3A_129] : memref<2x5x100xi32, #tpu.memory_space<vmem>> -> memref<1x5x100xi32, #tpu.memory_space<vmem>>
      %dma_wait3A_131 = tpu.memref_squeeze %dma_wait3A_130 : memref<1x5x100xi32, #tpu.memory_space<vmem>> -> memref<5x100xi32, #tpu.memory_space<vmem>>
      %dma_wait3A_132 = arith.constant 0 : i32
      %dma_wait3A_133 = arith.constant 0 : i32
      %dma_wait3A_134 = tpu.memref_slice %arg3[%run_scoped3A_49, %add3A, %run_scoped3A_50, %dma_wait3A_132, %dma_wait3A_133] : memref<2x32x20x5x100xi32, #tpu.memory_space<hbm>> -> memref<1x1x1x5x100xi32, #tpu.memory_space<hbm>>
      %dma_wait3A_135 = tpu.memref_squeeze %dma_wait3A_134 : memref<1x1x1x5x100xi32, #tpu.memory_space<hbm>> -> memref<5x100xi32, #tpu.memory_space<hbm>>
      tpu.wait_dma2 semaphore(%run_scoped3A_104 : memref<!tpu.dma_semaphore, #tpu.memory_space<semaphore_mem>>) src(%dma_wait3A_135 : memref<5x100xi32, #tpu.memory_space<hbm>>) dst(%dma_wait3A_131 : memref<5x100xi32, #tpu.memory_space<vmem>>)
      tpu.yield
    }) : () -> ()
    %div3A = arith.constant 0 : i32
    %div3A_52 = arith.constant 5 : i32
    %div3A_53 = arith.divsi %div3A, %div3A_52 : i32
    %rem3A = arith.constant 0 : i32
    %rem3A_54 = arith.constant 5 : i32
    %rem3A_55 = arith.remsi %rem3A, %rem3A_54 : i32
    %rem3A_56 = arith.constant 2 : i32
    %rem3A_57 = arith.remsi %div3A_53, %rem3A_56 : i32
    %rem3A_58 = arith.constant 0 : i32
    %rem3A_59 = arith.constant 3 : i32
    %rem3A_60 = arith.remsi %rem3A_58, %rem3A_59 : i32
    %dma_start3A = arith.constant 0 : i32
    %dma_start3A_61 = arith.constant 0 : i32
    %dma_start3A_62 = tpu.memref_slice %arg7[%rem3A_60, %dma_start3A, %dma_start3A_61] : memref<3x100x128xf32, #tpu.memory_space<vmem>> -> memref<1x100x128xf32, #tpu.memory_space<vmem>>
    %dma_start3A_63 = tpu.memref_squeeze %dma_start3A_62 : memref<1x100x128xf32, #tpu.memory_space<vmem>> -> memref<100x128xf32, #tpu.memory_space<vmem>>
    %dma_start3A_64 = arith.constant 0 : i32
    %dma_start3A_65 = tpu.memref_slice %arg5[%rem3A_57, %rem3A_55, %dma_start3A_64] : memref<2x5x100xi32, #tpu.memory_space<vmem>> -> memref<1x1x100xi32, #tpu.memory_space<vmem>>
    %dma_start3A_66 = tpu.memref_squeeze %dma_start3A_65 : memref<1x1x100xi32, #tpu.memory_space<vmem>> -> memref<100xi32, #tpu.memory_space<vmem>>
    %dma_start3A_67 = arith.constant 0 : i32
    %dma_start3A_68 = arith.constant 0 : i32
    %dma_start3A_69 = tpu.memref_slice %arg2[%dma_start3A_67, %dma_start3A_68] : memref<10000x128xf32, #tpu.memory_space<hbm>> -> memref<10000x128xf32, #tpu.memory_space<hbm>>
    tpu.enqueue_indirect_dma source(%dma_start3A_69 : memref<10000x128xf32, #tpu.memory_space<hbm>>) target(%dma_start3A_63 : memref<100x128xf32, #tpu.memory_space<vmem>>) offsets(%dma_start3A_66 : memref<100xi32, #tpu.memory_space<vmem>>) semaphore(%arg9 : memref<!tpu.dma_semaphore, #tpu.memory_space<semaphore_mem>>)
    %div3A_70 = arith.constant 1 : i32
    %div3A_71 = arith.constant 5 : i32
    %div3A_72 = arith.divsi %div3A_70, %div3A_71 : i32
    %rem3A_73 = arith.constant 1 : i32
    %rem3A_74 = arith.constant 5 : i32
    %rem3A_75 = arith.remsi %rem3A_73, %rem3A_74 : i32
    %rem3A_76 = arith.constant 2 : i32
    %rem3A_77 = arith.remsi %div3A_72, %rem3A_76 : i32
    %rem3A_78 = arith.constant 1 : i32
    %rem3A_79 = arith.constant 3 : i32
    %rem3A_80 = arith.remsi %rem3A_78, %rem3A_79 : i32
    %dma_start3A_81 = arith.constant 0 : i32
    %dma_start3A_82 = arith.constant 0 : i32
    %dma_start3A_83 = tpu.memref_slice %arg7[%rem3A_80, %dma_start3A_81, %dma_start3A_82] : memref<3x100x128xf32, #tpu.memory_space<vmem>> -> memref<1x100x128xf32, #tpu.memory_space<vmem>>
    %dma_start3A_84 = tpu.memref_squeeze %dma_start3A_83 : memref<1x100x128xf32, #tpu.memory_space<vmem>> -> memref<100x128xf32, #tpu.memory_space<vmem>>
    %dma_start3A_85 = arith.constant 0 : i32
    %dma_start3A_86 = tpu.memref_slice %arg5[%rem3A_77, %rem3A_75, %dma_start3A_85] : memref<2x5x100xi32, #tpu.memory_space<vmem>> -> memref<1x1x100xi32, #tpu.memory_space<vmem>>
    %dma_start3A_87 = tpu.memref_squeeze %dma_start3A_86 : memref<1x1x100xi32, #tpu.memory_space<vmem>> -> memref<100xi32, #tpu.memory_space<vmem>>
    %dma_start3A_88 = arith.constant 0 : i32
    %dma_start3A_89 = arith.constant 0 : i32
    %dma_start3A_90 = tpu.memref_slice %arg2[%dma_start3A_88, %dma_start3A_89] : memref<10000x128xf32, #tpu.memory_space<hbm>> -> memref<10000x128xf32, #tpu.memory_space<hbm>>
    tpu.enqueue_indirect_dma source(%dma_start3A_90 : memref<10000x128xf32, #tpu.memory_space<hbm>>) target(%dma_start3A_84 : memref<100x128xf32, #tpu.memory_space<vmem>>) offsets(%dma_start3A_87 : memref<100xi32, #tpu.memory_space<vmem>>) semaphore(%arg9 : memref<!tpu.dma_semaphore, #tpu.memory_space<semaphore_mem>>)
    %scan3A_91 = arith.constant 0 : i32
    %scan3A_92 = arith.constant 0 : i32
    %scan3A_93 = arith.constant 20 : i32
    %scan3A_94 = arith.addi %scan3A_92, %scan3A_93 : i32
    %scan3A_95 = arith.constant 1 : i32
    scf.for %scan3A_104 = %scan3A_92 to %scan3A_94 step %scan3A_95  : i32 {
      %ge3A = arith.constant 1 : i32
      %ge3A_105 = arith.cmpi sge, %scan3A_104, %ge3A : i32
      %lt3A_106 = arith.constant 19 : i32
      %lt3A_107 = arith.cmpi slt, %scan3A_104, %lt3A_106 : i32
      %and3A = arith.andi %ge3A_105, %lt3A_107 : i1
      %convert_element_type3A_108 = arith.extui %and3A : i1 to i32
      %cond3A_109 = arith.constant 0 : i32
      %cond3A_110 = arith.cmpi ne, %convert_element_type3A_108, %cond3A_109 : i32
      scf.if %cond3A_110 {
        %dma_wait3A_249 = arith.constant 0 : i32
        %dma_wait3A_250 = arith.constant 0 : i32
        %dma_wait3A_251 = arith.constant 0 : i32
        %dma_wait3A_252 = arith.constant 0 : i32
        %dma_wait3A_253 = arith.constant 0 : i32
        %dma_wait3A_254 = tpu.memref_slice %arg5[%dma_wait3A_251, %dma_wait3A_252, %dma_wait3A_253] : memref<2x5x100xi32, #tpu.memory_space<vmem>> -> memref<1x5x100xi32, #tpu.memory_space<vmem>>
        %dma_wait3A_255 = tpu.memref_squeeze %dma_wait3A_254 : memref<1x5x100xi32, #tpu.memory_space<vmem>> -> memref<5x100xi32, #tpu.memory_space<vmem>>
        %dma_wait3A_256 = arith.constant 0 : i32
        %dma_wait3A_257 = arith.constant 0 : i32
        %dma_wait3A_258 = tpu.memref_slice %arg3[%dma_wait3A_249, %add3A, %dma_wait3A_250, %dma_wait3A_256, %dma_wait3A_257] : memref<2x32x20x5x100xi32, #tpu.memory_space<hbm>> -> memref<1x1x1x5x100xi32, #tpu.memory_space<hbm>>
        %dma_wait3A_259 = tpu.memref_squeeze %dma_wait3A_258 : memref<1x1x1x5x100xi32, #tpu.memory_space<hbm>> -> memref<5x100xi32, #tpu.memory_space<hbm>>
        %dma_wait3A_260 = arith.constant 0 : i32
        %dma_wait3A_261 = arith.constant 0 : i32
        %dma_wait3A_262 = tpu.memref_slice %arg5[%dma_wait3A_251, %dma_wait3A_260, %dma_wait3A_261] : memref<2x5x100xi32, #tpu.memory_space<vmem>> -> memref<1x5x100xi32, #tpu.memory_space<vmem>>
        %dma_wait3A_263 = tpu.memref_squeeze %dma_wait3A_262 : memref<1x5x100xi32, #tpu.memory_space<vmem>> -> memref<5x100xi32, #tpu.memory_space<vmem>>
        %dma_wait3A_264 = arith.constant 0 : i32
        %dma_wait3A_265 = arith.constant 0 : i32
        %dma_wait3A_266 = tpu.memref_slice %arg3[%dma_wait3A_249, %add3A, %dma_wait3A_250, %dma_wait3A_264, %dma_wait3A_265] : memref<2x32x20x5x100xi32, #tpu.memory_space<hbm>> -> memref<1x1x1x5x100xi32, #tpu.memory_space<hbm>>
        %dma_wait3A_267 = tpu.memref_squeeze %dma_wait3A_266 : memref<1x1x1x5x100xi32, #tpu.memory_space<hbm>> -> memref<5x100xi32, #tpu.memory_space<hbm>>
        tpu.wait_dma2 semaphore(%arg10 : memref<!tpu.dma_semaphore, #tpu.memory_space<semaphore_mem>>) src(%dma_wait3A_267 : memref<5x100xi32, #tpu.memory_space<hbm>>) dst(%dma_wait3A_263 : memref<5x100xi32, #tpu.memory_space<vmem>>)
        %dma_wait3A_268 = arith.constant 1 : i32
        %dma_wait3A_269 = arith.constant 0 : i32
        %dma_wait3A_270 = arith.constant 0 : i32
        %dma_wait3A_271 = arith.constant 0 : i32
        %dma_wait3A_272 = arith.constant 0 : i32
        %dma_wait3A_273 = tpu.memref_slice %arg6[%dma_wait3A_270, %dma_wait3A_271, %dma_wait3A_272] : memref<2x5x100xi32, #tpu.memory_space<vmem>> -> memref<1x5x100xi32, #tpu.memory_space<vmem>>
        %dma_wait3A_274 = tpu.memref_squeeze %dma_wait3A_273 : memref<1x5x100xi32, #tpu.memory_space<vmem>> -> memref<5x100xi32, #tpu.memory_space<vmem>>
        %dma_wait3A_275 = arith.constant 0 : i32
        %dma_wait3A_276 = arith.constant 0 : i32
        %dma_wait3A_277 = tpu.memref_slice %arg3[%dma_wait3A_268, %add3A, %dma_wait3A_269, %dma_wait3A_275, %dma_wait3A_276] : memref<2x32x20x5x100xi32, #tpu.memory_space<hbm>> -> memref<1x1x1x5x100xi32, #tpu.memory_space<hbm>>
        %dma_wait3A_278 = tpu.memref_squeeze %dma_wait3A_277 : memref<1x1x1x5x100xi32, #tpu.memory_space<hbm>> -> memref<5x100xi32, #tpu.memory_space<hbm>>
        %dma_wait3A_279 = arith.constant 0 : i32
        %dma_wait3A_280 = arith.constant 0 : i32
        %dma_wait3A_281 = tpu.memref_slice %arg6[%dma_wait3A_270, %dma_wait3A_279, %dma_wait3A_280] : memref<2x5x100xi32, #tpu.memory_space<vmem>> -> memref<1x5x100xi32, #tpu.memory_space<vmem>>
        %dma_wait3A_282 = tpu.memref_squeeze %dma_wait3A_281 : memref<1x5x100xi32, #tpu.memory_space<vmem>> -> memref<5x100xi32, #tpu.memory_space<vmem>>
        %dma_wait3A_283 = arith.constant 0 : i32
        %dma_wait3A_284 = arith.constant 0 : i32
        %dma_wait3A_285 = tpu.memref_slice %arg3[%dma_wait3A_268, %add3A, %dma_wait3A_269, %dma_wait3A_283, %dma_wait3A_284] : memref<2x32x20x5x100xi32, #tpu.memory_space<hbm>> -> memref<1x1x1x5x100xi32, #tpu.memory_space<hbm>>
        %dma_wait3A_286 = tpu.memref_squeeze %dma_wait3A_285 : memref<1x1x1x5x100xi32, #tpu.memory_space<hbm>> -> memref<5x100xi32, #tpu.memory_space<hbm>>
        tpu.wait_dma2 semaphore(%arg10 : memref<!tpu.dma_semaphore, #tpu.memory_space<semaphore_mem>>) src(%dma_wait3A_286 : memref<5x100xi32, #tpu.memory_space<hbm>>) dst(%dma_wait3A_282 : memref<5x100xi32, #tpu.memory_space<vmem>>)
      } else {
      }
      %mul3A_111 = arith.constant 5 : i32
      %mul3A_112 = arith.muli %scan3A_104, %mul3A_111 : i32
      %add3A_113 = arith.constant 0 : i32
      %add3A_114 = arith.addi %mul3A_112, %add3A_113 : i32
      %add3A_115 = arith.constant 2 : i32
      %add3A_116 = arith.addi %add3A_114, %add3A_115 : i32
      %lt3A_117 = arith.constant 100 : i32
      %lt3A_118 = arith.cmpi slt, %add3A_116, %lt3A_117 : i32
      %convert_element_type3A_119 = arith.extui %lt3A_118 : i1 to i32
      %cond3A_120 = arith.constant 0 : i32
      %cond3A_121 = arith.cmpi ne, %convert_element_type3A_119, %cond3A_120 : i32
      scf.if %cond3A_121 {
        %div3A_249 = arith.constant 5 : i32
        %div3A_250 = arith.divsi %add3A_116, %div3A_249 : i32
        %rem3A_251 = arith.constant 5 : i32
        %rem3A_252 = arith.remsi %add3A_116, %rem3A_251 : i32
        %rem3A_253 = arith.constant 2 : i32
        %rem3A_254 = arith.remsi %div3A_250, %rem3A_253 : i32
        %rem3A_255 = arith.constant 3 : i32
        %rem3A_256 = arith.remsi %add3A_116, %rem3A_255 : i32
        %dma_start3A_257 = arith.constant 0 : i32
        %dma_start3A_258 = arith.constant 0 : i32
        %dma_start3A_259 = tpu.memref_slice %arg7[%rem3A_256, %dma_start3A_257, %dma_start3A_258] : memref<3x100x128xf32, #tpu.memory_space<vmem>> -> memref<1x100x128xf32, #tpu.memory_space<vmem>>
        %dma_start3A_260 = tpu.memref_squeeze %dma_start3A_259 : memref<1x100x128xf32, #tpu.memory_space<vmem>> -> memref<100x128xf32, #tpu.memory_space<vmem>>
        %dma_start3A_261 = arith.constant 0 : i32
        %dma_start3A_262 = tpu.memref_slice %arg5[%rem3A_254, %rem3A_252, %dma_start3A_261] : memref<2x5x100xi32, #tpu.memory_space<vmem>> -> memref<1x1x100xi32, #tpu.memory_space<vmem>>
        %dma_start3A_263 = tpu.memref_squeeze %dma_start3A_262 : memref<1x1x100xi32, #tpu.memory_space<vmem>> -> memref<100xi32, #tpu.memory_space<vmem>>
        %dma_start3A_264 = arith.constant 0 : i32
        %dma_start3A_265 = arith.constant 0 : i32
        %dma_start3A_266 = tpu.memref_slice %arg2[%dma_start3A_264, %dma_start3A_265] : memref<10000x128xf32, #tpu.memory_space<hbm>> -> memref<10000x128xf32, #tpu.memory_space<hbm>>
        tpu.enqueue_indirect_dma source(%dma_start3A_266 : memref<10000x128xf32, #tpu.memory_space<hbm>>) target(%dma_start3A_260 : memref<100x128xf32, #tpu.memory_space<vmem>>) offsets(%dma_start3A_263 : memref<100xi32, #tpu.memory_space<vmem>>) semaphore(%arg9 : memref<!tpu.dma_semaphore, #tpu.memory_space<semaphore_mem>>)
      } else {
      }
      %rem3A_122 = arith.constant 3 : i32
      %rem3A_123 = arith.remsi %add3A_114, %rem3A_122 : i32
      %dma_wait3A = arith.constant 0 : i32
      %dma_wait3A_124 = arith.constant 0 : i32
      %dma_wait3A_125 = arith.constant 0 : i32
      %dma_wait3A_126 = arith.constant 0 : i32
      %dma_wait3A_127 = tpu.memref_slice %arg7[%rem3A_123, %dma_wait3A_125, %dma_wait3A_126] : memref<3x100x128xf32, #tpu.memory_space<vmem>> -> memref<1x100x128xf32, #tpu.memory_space<vmem>>
      %dma_wait3A_128 = tpu.memref_squeeze %dma_wait3A_127 : memref<1x100x128xf32, #tpu.memory_space<vmem>> -> memref<100x128xf32, #tpu.memory_space<vmem>>
      %dma_wait3A_129 = arith.constant 0 : i32
      %dma_wait3A_130 = tpu.memref_slice %arg5[%dma_wait3A, %dma_wait3A_124, %dma_wait3A_129] : memref<2x5x100xi32, #tpu.memory_space<vmem>> -> memref<1x1x100xi32, #tpu.memory_space<vmem>>
      %dma_wait3A_131 = tpu.memref_squeeze %dma_wait3A_130 : memref<1x1x100xi32, #tpu.memory_space<vmem>> -> memref<100xi32, #tpu.memory_space<vmem>>
      %dma_wait3A_132 = arith.constant 0 : i32
      %dma_wait3A_133 = arith.constant 0 : i32
      %dma_wait3A_134 = tpu.memref_slice %arg2[%dma_wait3A_132, %dma_wait3A_133] : memref<10000x128xf32, #tpu.memory_space<hbm>> -> memref<10000x128xf32, #tpu.memory_space<hbm>>
      tpu.wait_indirect_dma semaphore(%arg9 : memref<!tpu.dma_semaphore, #tpu.memory_space<semaphore_mem>>) src(%dma_wait3A_134 : memref<10000x128xf32, #tpu.memory_space<hbm>>) dst(%dma_wait3A_128 : memref<100x128xf32, #tpu.memory_space<vmem>>)
      %rem3A_135 = arith.constant 2 : i32
      %rem3A_136 = arith.remsi %scan3A_104, %rem3A_135 : i32
      %run_scoped3A_137 = arith.constant 0 : i32
      "tpu.region"() ({
        %run_scoped3A_249 = tpu.sem_alloc : memref<!tpu.dma_semaphore, #tpu.memory_space<semaphore_mem>>
        %dma_start3A_250 = arith.constant 0 : i32
        %dma_start3A_251 = arith.constant 0 : i32
        %dma_start3A_252 = tpu.memref_slice %arg7[%rem3A_123, %dma_start3A_250, %dma_start3A_251] : memref<3x100x128xf32, #tpu.memory_space<vmem>> -> memref<1x100x128xf32, #tpu.memory_space<vmem>>
        %dma_start3A_253 = tpu.memref_squeeze %dma_start3A_252 : memref<1x100x128xf32, #tpu.memory_space<vmem>> -> memref<100x128xf32, #tpu.memory_space<vmem>>
        %dma_start3A_254 = arith.constant 0 : i32
        %dma_start3A_255 = tpu.memref_slice %arg6[%rem3A_136, %run_scoped3A_137, %dma_start3A_254] : memref<2x5x100xi32, #tpu.memory_space<vmem>> -> memref<1x1x100xi32, #tpu.memory_space<vmem>>
        %dma_start3A_256 = tpu.memref_squeeze %dma_start3A_255 : memref<1x1x100xi32, #tpu.memory_space<vmem>> -> memref<100xi32, #tpu.memory_space<vmem>>
        %dma_start3A_257 = arith.constant 0 : i32
        %dma_start3A_258 = arith.constant 0 : i32
        %dma_start3A_259 = tpu.memref_slice %arg8[%dma_start3A_257, %dma_start3A_258] : memref<10000x128xf32, #tpu.memory_space<vmem_shared>> -> memref<10000x128xf32, #tpu.memory_space<vmem_shared>>
        tpu.enqueue_indirect_dma source(%dma_start3A_253 : memref<100x128xf32, #tpu.memory_space<vmem>>) target(%dma_start3A_259 : memref<10000x128xf32, #tpu.memory_space<vmem_shared>>) offsets(%dma_start3A_256 : memref<100xi32, #tpu.memory_space<vmem>>) semaphore(%run_scoped3A_249 : memref<!tpu.dma_semaphore, #tpu.memory_space<semaphore_mem>>) {add = true}
        %dma_wait3A_260 = arith.constant 0 : i32
        %dma_wait3A_261 = arith.constant 0 : i32
        %dma_wait3A_262 = tpu.memref_slice %arg7[%rem3A_123, %dma_wait3A_260, %dma_wait3A_261] : memref<3x100x128xf32, #tpu.memory_space<vmem>> -> memref<1x100x128xf32, #tpu.memory_space<vmem>>
        %dma_wait3A_263 = tpu.memref_squeeze %dma_wait3A_262 : memref<1x100x128xf32, #tpu.memory_space<vmem>> -> memref<100x128xf32, #tpu.memory_space<vmem>>
        %dma_wait3A_264 = arith.constant 0 : i32
        %dma_wait3A_265 = tpu.memref_slice %arg6[%rem3A_136, %run_scoped3A_137, %dma_wait3A_264] : memref<2x5x100xi32, #tpu.memory_space<vmem>> -> memref<1x1x100xi32, #tpu.memory_space<vmem>>
        %dma_wait3A_266 = tpu.memref_squeeze %dma_wait3A_265 : memref<1x1x100xi32, #tpu.memory_space<vmem>> -> memref<100xi32, #tpu.memory_space<vmem>>
        %dma_wait3A_267 = arith.constant 0 : i32
        %dma_wait3A_268 = arith.constant 0 : i32
        %dma_wait3A_269 = tpu.memref_slice %arg8[%dma_wait3A_267, %dma_wait3A_268] : memref<10000x128xf32, #tpu.memory_space<vmem_shared>> -> memref<10000x128xf32, #tpu.memory_space<vmem_shared>>
        tpu.wait_indirect_dma semaphore(%run_scoped3A_249 : memref<!tpu.dma_semaphore, #tpu.memory_space<semaphore_mem>>) src(%dma_wait3A_263 : memref<100x128xf32, #tpu.memory_space<vmem>>) dst(%dma_wait3A_269 : memref<10000x128xf32, #tpu.memory_space<vmem_shared>>)
        tpu.yield
      }) : () -> ()
      %add3A_138 = arith.constant 1 : i32
      %add3A_139 = arith.addi %mul3A_112, %add3A_138 : i32
      %add3A_140 = arith.constant 2 : i32
      %add3A_141 = arith.addi %add3A_139, %add3A_140 : i32
      %lt3A_142 = arith.constant 100 : i32
      %lt3A_143 = arith.cmpi slt, %add3A_141, %lt3A_142 : i32
      %convert_element_type3A_144 = arith.extui %lt3A_143 : i1 to i32
      %cond3A_145 = arith.constant 0 : i32
      %cond3A_146 = arith.cmpi ne, %convert_element_type3A_144, %cond3A_145 : i32
      scf.if %cond3A_146 {
        %div3A_249 = arith.constant 5 : i32
        %div3A_250 = arith.divsi %add3A_141, %div3A_249 : i32
        %rem3A_251 = arith.constant 5 : i32
        %rem3A_252 = arith.remsi %add3A_141, %rem3A_251 : i32
        %rem3A_253 = arith.constant 2 : i32
        %rem3A_254 = arith.remsi %div3A_250, %rem3A_253 : i32
        %rem3A_255 = arith.constant 3 : i32
        %rem3A_256 = arith.remsi %add3A_141, %rem3A_255 : i32
        %dma_start3A_257 = arith.constant 0 : i32
        %dma_start3A_258 = arith.constant 0 : i32
        %dma_start3A_259 = tpu.memref_slice %arg7[%rem3A_256, %dma_start3A_257, %dma_start3A_258] : memref<3x100x128xf32, #tpu.memory_space<vmem>> -> memref<1x100x128xf32, #tpu.memory_space<vmem>>
        %dma_start3A_260 = tpu.memref_squeeze %dma_start3A_259 : memref<1x100x128xf32, #tpu.memory_space<vmem>> -> memref<100x128xf32, #tpu.memory_space<vmem>>
        %dma_start3A_261 = arith.constant 0 : i32
        %dma_start3A_262 = tpu.memref_slice %arg5[%rem3A_254, %rem3A_252, %dma_start3A_261] : memref<2x5x100xi32, #tpu.memory_space<vmem>> -> memref<1x1x100xi32, #tpu.memory_space<vmem>>
        %dma_start3A_263 = tpu.memref_squeeze %dma_start3A_262 : memref<1x1x100xi32, #tpu.memory_space<vmem>> -> memref<100xi32, #tpu.memory_space<vmem>>
        %dma_start3A_264 = arith.constant 0 : i32
        %dma_start3A_265 = arith.constant 0 : i32
        %dma_start3A_266 = tpu.memref_slice %arg2[%dma_start3A_264, %dma_start3A_265] : memref<10000x128xf32, #tpu.memory_space<hbm>> -> memref<10000x128xf32, #tpu.memory_space<hbm>>
        tpu.enqueue_indirect_dma source(%dma_start3A_266 : memref<10000x128xf32, #tpu.memory_space<hbm>>) target(%dma_start3A_260 : memref<100x128xf32, #tpu.memory_space<vmem>>) offsets(%dma_start3A_263 : memref<100xi32, #tpu.memory_space<vmem>>) semaphore(%arg9 : memref<!tpu.dma_semaphore, #tpu.memory_space<semaphore_mem>>)
      } else {
      }
      %rem3A_147 = arith.constant 3 : i32
      %rem3A_148 = arith.remsi %add3A_139, %rem3A_147 : i32
      %dma_wait3A_149 = arith.constant 0 : i32
      %dma_wait3A_150 = arith.constant 0 : i32
      %dma_wait3A_151 = arith.constant 0 : i32
      %dma_wait3A_152 = arith.constant 0 : i32
      %dma_wait3A_153 = tpu.memref_slice %arg7[%rem3A_148, %dma_wait3A_151, %dma_wait3A_152] : memref<3x100x128xf32, #tpu.memory_space<vmem>> -> memref<1x100x128xf32, #tpu.memory_space<vmem>>
      %dma_wait3A_154 = tpu.memref_squeeze %dma_wait3A_153 : memref<1x100x128xf32, #tpu.memory_space<vmem>> -> memref<100x128xf32, #tpu.memory_space<vmem>>
      %dma_wait3A_155 = arith.constant 0 : i32
      %dma_wait3A_156 = tpu.memref_slice %arg5[%dma_wait3A_149, %dma_wait3A_150, %dma_wait3A_155] : memref<2x5x100xi32, #tpu.memory_space<vmem>> -> memref<1x1x100xi32, #tpu.memory_space<vmem>>
      %dma_wait3A_157 = tpu.memref_squeeze %dma_wait3A_156 : memref<1x1x100xi32, #tpu.memory_space<vmem>> -> memref<100xi32, #tpu.memory_space<vmem>>
      %dma_wait3A_158 = arith.constant 0 : i32
      %dma_wait3A_159 = arith.constant 0 : i32
      %dma_wait3A_160 = tpu.memref_slice %arg2[%dma_wait3A_158, %dma_wait3A_159] : memref<10000x128xf32, #tpu.memory_space<hbm>> -> memref<10000x128xf32, #tpu.memory_space<hbm>>
      tpu.wait_indirect_dma semaphore(%arg9 : memref<!tpu.dma_semaphore, #tpu.memory_space<semaphore_mem>>) src(%dma_wait3A_160 : memref<10000x128xf32, #tpu.memory_space<hbm>>) dst(%dma_wait3A_154 : memref<100x128xf32, #tpu.memory_space<vmem>>)
      %rem3A_161 = arith.constant 2 : i32
      %rem3A_162 = arith.remsi %scan3A_104, %rem3A_161 : i32
      %run_scoped3A_163 = arith.constant 1 : i32
      "tpu.region"() ({
        %run_scoped3A_249 = tpu.sem_alloc : memref<!tpu.dma_semaphore, #tpu.memory_space<semaphore_mem>>
        %dma_start3A_250 = arith.constant 0 : i32
        %dma_start3A_251 = arith.constant 0 : i32
        %dma_start3A_252 = tpu.memref_slice %arg7[%rem3A_148, %dma_start3A_250, %dma_start3A_251] : memref<3x100x128xf32, #tpu.memory_space<vmem>> -> memref<1x100x128xf32, #tpu.memory_space<vmem>>
        %dma_start3A_253 = tpu.memref_squeeze %dma_start3A_252 : memref<1x100x128xf32, #tpu.memory_space<vmem>> -> memref<100x128xf32, #tpu.memory_space<vmem>>
        %dma_start3A_254 = arith.constant 0 : i32
        %dma_start3A_255 = tpu.memref_slice %arg6[%rem3A_162, %run_scoped3A_163, %dma_start3A_254] : memref<2x5x100xi32, #tpu.memory_space<vmem>> -> memref<1x1x100xi32, #tpu.memory_space<vmem>>
        %dma_start3A_256 = tpu.memref_squeeze %dma_start3A_255 : memref<1x1x100xi32, #tpu.memory_space<vmem>> -> memref<100xi32, #tpu.memory_space<vmem>>
        %dma_start3A_257 = arith.constant 0 : i32
        %dma_start3A_258 = arith.constant 0 : i32
        %dma_start3A_259 = tpu.memref_slice %arg8[%dma_start3A_257, %dma_start3A_258] : memref<10000x128xf32, #tpu.memory_space<vmem_shared>> -> memref<10000x128xf32, #tpu.memory_space<vmem_shared>>
        tpu.enqueue_indirect_dma source(%dma_start3A_253 : memref<100x128xf32, #tpu.memory_space<vmem>>) target(%dma_start3A_259 : memref<10000x128xf32, #tpu.memory_space<vmem_shared>>) offsets(%dma_start3A_256 : memref<100xi32, #tpu.memory_space<vmem>>) semaphore(%run_scoped3A_249 : memref<!tpu.dma_semaphore, #tpu.memory_space<semaphore_mem>>) {add = true}
        %dma_wait3A_260 = arith.constant 0 : i32
        %dma_wait3A_261 = arith.constant 0 : i32
        %dma_wait3A_262 = tpu.memref_slice %arg7[%rem3A_148, %dma_wait3A_260, %dma_wait3A_261] : memref<3x100x128xf32, #tpu.memory_space<vmem>> -> memref<1x100x128xf32, #tpu.memory_space<vmem>>
        %dma_wait3A_263 = tpu.memref_squeeze %dma_wait3A_262 : memref<1x100x128xf32, #tpu.memory_space<vmem>> -> memref<100x128xf32, #tpu.memory_space<vmem>>
        %dma_wait3A_264 = arith.constant 0 : i32
        %dma_wait3A_265 = tpu.memref_slice %arg6[%rem3A_162, %run_scoped3A_163, %dma_wait3A_264] : memref<2x5x100xi32, #tpu.memory_space<vmem>> -> memref<1x1x100xi32, #tpu.memory_space<vmem>>
        %dma_wait3A_266 = tpu.memref_squeeze %dma_wait3A_265 : memref<1x1x100xi32, #tpu.memory_space<vmem>> -> memref<100xi32, #tpu.memory_space<vmem>>
        %dma_wait3A_267 = arith.constant 0 : i32
        %dma_wait3A_268 = arith.constant 0 : i32
        %dma_wait3A_269 = tpu.memref_slice %arg8[%dma_wait3A_267, %dma_wait3A_268] : memref<10000x128xf32, #tpu.memory_space<vmem_shared>> -> memref<10000x128xf32, #tpu.memory_space<vmem_shared>>
        tpu.wait_indirect_dma semaphore(%run_scoped3A_249 : memref<!tpu.dma_semaphore, #tpu.memory_space<semaphore_mem>>) src(%dma_wait3A_263 : memref<100x128xf32, #tpu.memory_space<vmem>>) dst(%dma_wait3A_269 : memref<10000x128xf32, #tpu.memory_space<vmem_shared>>)
        tpu.yield
      }) : () -> ()
      %add3A_164 = arith.constant 2 : i32
      %add3A_165 = arith.addi %mul3A_112, %add3A_164 : i32
      %add3A_166 = arith.constant 2 : i32
      %add3A_167 = arith.addi %add3A_165, %add3A_166 : i32
      %lt3A_168 = arith.constant 100 : i32
      %lt3A_169 = arith.cmpi slt, %add3A_167, %lt3A_168 : i32
      %convert_element_type3A_170 = arith.extui %lt3A_169 : i1 to i32
      %cond3A_171 = arith.constant 0 : i32
      %cond3A_172 = arith.cmpi ne, %convert_element_type3A_170, %cond3A_171 : i32
      scf.if %cond3A_172 {
        %div3A_249 = arith.constant 5 : i32
        %div3A_250 = arith.divsi %add3A_167, %div3A_249 : i32
        %rem3A_251 = arith.constant 5 : i32
        %rem3A_252 = arith.remsi %add3A_167, %rem3A_251 : i32
        %rem3A_253 = arith.constant 2 : i32
        %rem3A_254 = arith.remsi %div3A_250, %rem3A_253 : i32
        %rem3A_255 = arith.constant 3 : i32
        %rem3A_256 = arith.remsi %add3A_167, %rem3A_255 : i32
        %dma_start3A_257 = arith.constant 0 : i32
        %dma_start3A_258 = arith.constant 0 : i32
        %dma_start3A_259 = tpu.memref_slice %arg7[%rem3A_256, %dma_start3A_257, %dma_start3A_258] : memref<3x100x128xf32, #tpu.memory_space<vmem>> -> memref<1x100x128xf32, #tpu.memory_space<vmem>>
        %dma_start3A_260 = tpu.memref_squeeze %dma_start3A_259 : memref<1x100x128xf32, #tpu.memory_space<vmem>> -> memref<100x128xf32, #tpu.memory_space<vmem>>
        %dma_start3A_261 = arith.constant 0 : i32
        %dma_start3A_262 = tpu.memref_slice %arg5[%rem3A_254, %rem3A_252, %dma_start3A_261] : memref<2x5x100xi32, #tpu.memory_space<vmem>> -> memref<1x1x100xi32, #tpu.memory_space<vmem>>
        %dma_start3A_263 = tpu.memref_squeeze %dma_start3A_262 : memref<1x1x100xi32, #tpu.memory_space<vmem>> -> memref<100xi32, #tpu.memory_space<vmem>>
        %dma_start3A_264 = arith.constant 0 : i32
        %dma_start3A_265 = arith.constant 0 : i32
        %dma_start3A_266 = tpu.memref_slice %arg2[%dma_start3A_264, %dma_start3A_265] : memref<10000x128xf32, #tpu.memory_space<hbm>> -> memref<10000x128xf32, #tpu.memory_space<hbm>>
        tpu.enqueue_indirect_dma source(%dma_start3A_266 : memref<10000x128xf32, #tpu.memory_space<hbm>>) target(%dma_start3A_260 : memref<100x128xf32, #tpu.memory_space<vmem>>) offsets(%dma_start3A_263 : memref<100xi32, #tpu.memory_space<vmem>>) semaphore(%arg9 : memref<!tpu.dma_semaphore, #tpu.memory_space<semaphore_mem>>)
      } else {
      }
      %rem3A_173 = arith.constant 3 : i32
      %rem3A_174 = arith.remsi %add3A_165, %rem3A_173 : i32
      %dma_wait3A_175 = arith.constant 0 : i32
      %dma_wait3A_176 = arith.constant 0 : i32
      %dma_wait3A_177 = arith.constant 0 : i32
      %dma_wait3A_178 = arith.constant 0 : i32
      %dma_wait3A_179 = tpu.memref_slice %arg7[%rem3A_174, %dma_wait3A_177, %dma_wait3A_178] : memref<3x100x128xf32, #tpu.memory_space<vmem>> -> memref<1x100x128xf32, #tpu.memory_space<vmem>>
      %dma_wait3A_180 = tpu.memref_squeeze %dma_wait3A_179 : memref<1x100x128xf32, #tpu.memory_space<vmem>> -> memref<100x128xf32, #tpu.memory_space<vmem>>
      %dma_wait3A_181 = arith.constant 0 : i32
      %dma_wait3A_182 = tpu.memref_slice %arg5[%dma_wait3A_175, %dma_wait3A_176, %dma_wait3A_181] : memref<2x5x100xi32, #tpu.memory_space<vmem>> -> memref<1x1x100xi32, #tpu.memory_space<vmem>>
      %dma_wait3A_183 = tpu.memref_squeeze %dma_wait3A_182 : memref<1x1x100xi32, #tpu.memory_space<vmem>> -> memref<100xi32, #tpu.memory_space<vmem>>
      %dma_wait3A_184 = arith.constant 0 : i32
      %dma_wait3A_185 = arith.constant 0 : i32
      %dma_wait3A_186 = tpu.memref_slice %arg2[%dma_wait3A_184, %dma_wait3A_185] : memref<10000x128xf32, #tpu.memory_space<hbm>> -> memref<10000x128xf32, #tpu.memory_space<hbm>>
      tpu.wait_indirect_dma semaphore(%arg9 : memref<!tpu.dma_semaphore, #tpu.memory_space<semaphore_mem>>) src(%dma_wait3A_186 : memref<10000x128xf32, #tpu.memory_space<hbm>>) dst(%dma_wait3A_180 : memref<100x128xf32, #tpu.memory_space<vmem>>)
      %rem3A_187 = arith.constant 2 : i32
      %rem3A_188 = arith.remsi %scan3A_104, %rem3A_187 : i32
      %run_scoped3A_189 = arith.constant 2 : i32
      "tpu.region"() ({
        %run_scoped3A_249 = tpu.sem_alloc : memref<!tpu.dma_semaphore, #tpu.memory_space<semaphore_mem>>
        %dma_start3A_250 = arith.constant 0 : i32
        %dma_start3A_251 = arith.constant 0 : i32
        %dma_start3A_252 = tpu.memref_slice %arg7[%rem3A_174, %dma_start3A_250, %dma_start3A_251] : memref<3x100x128xf32, #tpu.memory_space<vmem>> -> memref<1x100x128xf32, #tpu.memory_space<vmem>>
        %dma_start3A_253 = tpu.memref_squeeze %dma_start3A_252 : memref<1x100x128xf32, #tpu.memory_space<vmem>> -> memref<100x128xf32, #tpu.memory_space<vmem>>
        %dma_start3A_254 = arith.constant 0 : i32
        %dma_start3A_255 = tpu.memref_slice %arg6[%rem3A_188, %run_scoped3A_189, %dma_start3A_254] : memref<2x5x100xi32, #tpu.memory_space<vmem>> -> memref<1x1x100xi32, #tpu.memory_space<vmem>>
        %dma_start3A_256 = tpu.memref_squeeze %dma_start3A_255 : memref<1x1x100xi32, #tpu.memory_space<vmem>> -> memref<100xi32, #tpu.memory_space<vmem>>
        %dma_start3A_257 = arith.constant 0 : i32
        %dma_start3A_258 = arith.constant 0 : i32
        %dma_start3A_259 = tpu.memref_slice %arg8[%dma_start3A_257, %dma_start3A_258] : memref<10000x128xf32, #tpu.memory_space<vmem_shared>> -> memref<10000x128xf32, #tpu.memory_space<vmem_shared>>
        tpu.enqueue_indirect_dma source(%dma_start3A_253 : memref<100x128xf32, #tpu.memory_space<vmem>>) target(%dma_start3A_259 : memref<10000x128xf32, #tpu.memory_space<vmem_shared>>) offsets(%dma_start3A_256 : memref<100xi32, #tpu.memory_space<vmem>>) semaphore(%run_scoped3A_249 : memref<!tpu.dma_semaphore, #tpu.memory_space<semaphore_mem>>) {add = true}
        %dma_wait3A_260 = arith.constant 0 : i32
        %dma_wait3A_261 = arith.constant 0 : i32
        %dma_wait3A_262 = tpu.memref_slice %arg7[%rem3A_174, %dma_wait3A_260, %dma_wait3A_261] : memref<3x100x128xf32, #tpu.memory_space<vmem>> -> memref<1x100x128xf32, #tpu.memory_space<vmem>>
        %dma_wait3A_263 = tpu.memref_squeeze %dma_wait3A_262 : memref<1x100x128xf32, #tpu.memory_space<vmem>> -> memref<100x128xf32, #tpu.memory_space<vmem>>
        %dma_wait3A_264 = arith.constant 0 : i32
        %dma_wait3A_265 = tpu.memref_slice %arg6[%rem3A_188, %run_scoped3A_189, %dma_wait3A_264] : memref<2x5x100xi32, #tpu.memory_space<vmem>> -> memref<1x1x100xi32, #tpu.memory_space<vmem>>
        %dma_wait3A_266 = tpu.memref_squeeze %dma_wait3A_265 : memref<1x1x100xi32, #tpu.memory_space<vmem>> -> memref<100xi32, #tpu.memory_space<vmem>>
        %dma_wait3A_267 = arith.constant 0 : i32
        %dma_wait3A_268 = arith.constant 0 : i32
        %dma_wait3A_269 = tpu.memref_slice %arg8[%dma_wait3A_267, %dma_wait3A_268] : memref<10000x128xf32, #tpu.memory_space<vmem_shared>> -> memref<10000x128xf32, #tpu.memory_space<vmem_shared>>
        tpu.wait_indirect_dma semaphore(%run_scoped3A_249 : memref<!tpu.dma_semaphore, #tpu.memory_space<semaphore_mem>>) src(%dma_wait3A_263 : memref<100x128xf32, #tpu.memory_space<vmem>>) dst(%dma_wait3A_269 : memref<10000x128xf32, #tpu.memory_space<vmem_shared>>)
        tpu.yield
      }) : () -> ()
      %add3A_190 = arith.constant 3 : i32
      %add3A_191 = arith.addi %mul3A_112, %add3A_190 : i32
      %add3A_192 = arith.constant 2 : i32
      %add3A_193 = arith.addi %add3A_191, %add3A_192 : i32
      %lt3A_194 = arith.constant 100 : i32
      %lt3A_195 = arith.cmpi slt, %add3A_193, %lt3A_194 : i32
      %convert_element_type3A_196 = arith.extui %lt3A_195 : i1 to i32
      %cond3A_197 = arith.constant 0 : i32
      %cond3A_198 = arith.cmpi ne, %convert_element_type3A_196, %cond3A_197 : i32
      scf.if %cond3A_198 {
        %div3A_249 = arith.constant 5 : i32
        %div3A_250 = arith.divsi %add3A_193, %div3A_249 : i32
        %rem3A_251 = arith.constant 5 : i32
        %rem3A_252 = arith.remsi %add3A_193, %rem3A_251 : i32
        %rem3A_253 = arith.constant 2 : i32
        %rem3A_254 = arith.remsi %div3A_250, %rem3A_253 : i32
        %rem3A_255 = arith.constant 3 : i32
        %rem3A_256 = arith.remsi %add3A_193, %rem3A_255 : i32
        %dma_start3A_257 = arith.constant 0 : i32
        %dma_start3A_258 = arith.constant 0 : i32
        %dma_start3A_259 = tpu.memref_slice %arg7[%rem3A_256, %dma_start3A_257, %dma_start3A_258] : memref<3x100x128xf32, #tpu.memory_space<vmem>> -> memref<1x100x128xf32, #tpu.memory_space<vmem>>
        %dma_start3A_260 = tpu.memref_squeeze %dma_start3A_259 : memref<1x100x128xf32, #tpu.memory_space<vmem>> -> memref<100x128xf32, #tpu.memory_space<vmem>>
        %dma_start3A_261 = arith.constant 0 : i32
        %dma_start3A_262 = tpu.memref_slice %arg5[%rem3A_254, %rem3A_252, %dma_start3A_261] : memref<2x5x100xi32, #tpu.memory_space<vmem>> -> memref<1x1x100xi32, #tpu.memory_space<vmem>>
        %dma_start3A_263 = tpu.memref_squeeze %dma_start3A_262 : memref<1x1x100xi32, #tpu.memory_space<vmem>> -> memref<100xi32, #tpu.memory_space<vmem>>
        %dma_start3A_264 = arith.constant 0 : i32
        %dma_start3A_265 = arith.constant 0 : i32
        %dma_start3A_266 = tpu.memref_slice %arg2[%dma_start3A_264, %dma_start3A_265] : memref<10000x128xf32, #tpu.memory_space<hbm>> -> memref<10000x128xf32, #tpu.memory_space<hbm>>
        tpu.enqueue_indirect_dma source(%dma_start3A_266 : memref<10000x128xf32, #tpu.memory_space<hbm>>) target(%dma_start3A_260 : memref<100x128xf32, #tpu.memory_space<vmem>>) offsets(%dma_start3A_263 : memref<100xi32, #tpu.memory_space<vmem>>) semaphore(%arg9 : memref<!tpu.dma_semaphore, #tpu.memory_space<semaphore_mem>>)
      } else {
      }
      %rem3A_199 = arith.constant 3 : i32
      %rem3A_200 = arith.remsi %add3A_191, %rem3A_199 : i32
      %dma_wait3A_201 = arith.constant 0 : i32
      %dma_wait3A_202 = arith.constant 0 : i32
      %dma_wait3A_203 = arith.constant 0 : i32
      %dma_wait3A_204 = arith.constant 0 : i32
      %dma_wait3A_205 = tpu.memref_slice %arg7[%rem3A_200, %dma_wait3A_203, %dma_wait3A_204] : memref<3x100x128xf32, #tpu.memory_space<vmem>> -> memref<1x100x128xf32, #tpu.memory_space<vmem>>
      %dma_wait3A_206 = tpu.memref_squeeze %dma_wait3A_205 : memref<1x100x128xf32, #tpu.memory_space<vmem>> -> memref<100x128xf32, #tpu.memory_space<vmem>>
      %dma_wait3A_207 = arith.constant 0 : i32
      %dma_wait3A_208 = tpu.memref_slice %arg5[%dma_wait3A_201, %dma_wait3A_202, %dma_wait3A_207] : memref<2x5x100xi32, #tpu.memory_space<vmem>> -> memref<1x1x100xi32, #tpu.memory_space<vmem>>
      %dma_wait3A_209 = tpu.memref_squeeze %dma_wait3A_208 : memref<1x1x100xi32, #tpu.memory_space<vmem>> -> memref<100xi32, #tpu.memory_space<vmem>>
      %dma_wait3A_210 = arith.constant 0 : i32
      %dma_wait3A_211 = arith.constant 0 : i32
      %dma_wait3A_212 = tpu.memref_slice %arg2[%dma_wait3A_210, %dma_wait3A_211] : memref<10000x128xf32, #tpu.memory_space<hbm>> -> memref<10000x128xf32, #tpu.memory_space<hbm>>
      tpu.wait_indirect_dma semaphore(%arg9 : memref<!tpu.dma_semaphore, #tpu.memory_space<semaphore_mem>>) src(%dma_wait3A_212 : memref<10000x128xf32, #tpu.memory_space<hbm>>) dst(%dma_wait3A_206 : memref<100x128xf32, #tpu.memory_space<vmem>>)
      %rem3A_213 = arith.constant 2 : i32
      %rem3A_214 = arith.remsi %scan3A_104, %rem3A_213 : i32
      %run_scoped3A_215 = arith.constant 3 : i32
      "tpu.region"() ({
        %run_scoped3A_249 = tpu.sem_alloc : memref<!tpu.dma_semaphore, #tpu.memory_space<semaphore_mem>>
        %dma_start3A_250 = arith.constant 0 : i32
        %dma_start3A_251 = arith.constant 0 : i32
        %dma_start3A_252 = tpu.memref_slice %arg7[%rem3A_200, %dma_start3A_250, %dma_start3A_251] : memref<3x100x128xf32, #tpu.memory_space<vmem>> -> memref<1x100x128xf32, #tpu.memory_space<vmem>>
        %dma_start3A_253 = tpu.memref_squeeze %dma_start3A_252 : memref<1x100x128xf32, #tpu.memory_space<vmem>> -> memref<100x128xf32, #tpu.memory_space<vmem>>
        %dma_start3A_254 = arith.constant 0 : i32
        %dma_start3A_255 = tpu.memref_slice %arg6[%rem3A_214, %run_scoped3A_215, %dma_start3A_254] : memref<2x5x100xi32, #tpu.memory_space<vmem>> -> memref<1x1x100xi32, #tpu.memory_space<vmem>>
        %dma_start3A_256 = tpu.memref_squeeze %dma_start3A_255 : memref<1x1x100xi32, #tpu.memory_space<vmem>> -> memref<100xi32, #tpu.memory_space<vmem>>
        %dma_start3A_257 = arith.constant 0 : i32
        %dma_start3A_258 = arith.constant 0 : i32
        %dma_start3A_259 = tpu.memref_slice %arg8[%dma_start3A_257, %dma_start3A_258] : memref<10000x128xf32, #tpu.memory_space<vmem_shared>> -> memref<10000x128xf32, #tpu.memory_space<vmem_shared>>
        tpu.enqueue_indirect_dma source(%dma_start3A_253 : memref<100x128xf32, #tpu.memory_space<vmem>>) target(%dma_start3A_259 : memref<10000x128xf32, #tpu.memory_space<vmem_shared>>) offsets(%dma_start3A_256 : memref<100xi32, #tpu.memory_space<vmem>>) semaphore(%run_scoped3A_249 : memref<!tpu.dma_semaphore, #tpu.memory_space<semaphore_mem>>) {add = true}
        %dma_wait3A_260 = arith.constant 0 : i32
        %dma_wait3A_261 = arith.constant 0 : i32
        %dma_wait3A_262 = tpu.memref_slice %arg7[%rem3A_200, %dma_wait3A_260, %dma_wait3A_261] : memref<3x100x128xf32, #tpu.memory_space<vmem>> -> memref<1x100x128xf32, #tpu.memory_space<vmem>>
        %dma_wait3A_263 = tpu.memref_squeeze %dma_wait3A_262 : memref<1x100x128xf32, #tpu.memory_space<vmem>> -> memref<100x128xf32, #tpu.memory_space<vmem>>
        %dma_wait3A_264 = arith.constant 0 : i32
        %dma_wait3A_265 = tpu.memref_slice %arg6[%rem3A_214, %run_scoped3A_215, %dma_wait3A_264] : memref<2x5x100xi32, #tpu.memory_space<vmem>> -> memref<1x1x100xi32, #tpu.memory_space<vmem>>
        %dma_wait3A_266 = tpu.memref_squeeze %dma_wait3A_265 : memref<1x1x100xi32, #tpu.memory_space<vmem>> -> memref<100xi32, #tpu.memory_space<vmem>>
        %dma_wait3A_267 = arith.constant 0 : i32
        %dma_wait3A_268 = arith.constant 0 : i32
        %dma_wait3A_269 = tpu.memref_slice %arg8[%dma_wait3A_267, %dma_wait3A_268] : memref<10000x128xf32, #tpu.memory_space<vmem_shared>> -> memref<10000x128xf32, #tpu.memory_space<vmem_shared>>
        tpu.wait_indirect_dma semaphore(%run_scoped3A_249 : memref<!tpu.dma_semaphore, #tpu.memory_space<semaphore_mem>>) src(%dma_wait3A_263 : memref<100x128xf32, #tpu.memory_space<vmem>>) dst(%dma_wait3A_269 : memref<10000x128xf32, #tpu.memory_space<vmem_shared>>)
        tpu.yield
      }) : () -> ()
      %add3A_216 = arith.constant 4 : i32
      %add3A_217 = arith.addi %mul3A_112, %add3A_216 : i32
      %add3A_218 = arith.constant 2 : i32
      %add3A_219 = arith.addi %add3A_217, %add3A_218 : i32
      %lt3A_220 = arith.constant 100 : i32
      %lt3A_221 = arith.cmpi slt, %add3A_219, %lt3A_220 : i32
      %convert_element_type3A_222 = arith.extui %lt3A_221 : i1 to i32
      %cond3A_223 = arith.constant 0 : i32
      %cond3A_224 = arith.cmpi ne, %convert_element_type3A_222, %cond3A_223 : i32
      scf.if %cond3A_224 {
        %div3A_249 = arith.constant 5 : i32
        %div3A_250 = arith.divsi %add3A_219, %div3A_249 : i32
        %rem3A_251 = arith.constant 5 : i32
        %rem3A_252 = arith.remsi %add3A_219, %rem3A_251 : i32
        %rem3A_253 = arith.constant 2 : i32
        %rem3A_254 = arith.remsi %div3A_250, %rem3A_253 : i32
        %rem3A_255 = arith.constant 3 : i32
        %rem3A_256 = arith.remsi %add3A_219, %rem3A_255 : i32
        %dma_start3A_257 = arith.constant 0 : i32
        %dma_start3A_258 = arith.constant 0 : i32
        %dma_start3A_259 = tpu.memref_slice %arg7[%rem3A_256, %dma_start3A_257, %dma_start3A_258] : memref<3x100x128xf32, #tpu.memory_space<vmem>> -> memref<1x100x128xf32, #tpu.memory_space<vmem>>
        %dma_start3A_260 = tpu.memref_squeeze %dma_start3A_259 : memref<1x100x128xf32, #tpu.memory_space<vmem>> -> memref<100x128xf32, #tpu.memory_space<vmem>>
        %dma_start3A_261 = arith.constant 0 : i32
        %dma_start3A_262 = tpu.memref_slice %arg5[%rem3A_254, %rem3A_252, %dma_start3A_261] : memref<2x5x100xi32, #tpu.memory_space<vmem>> -> memref<1x1x100xi32, #tpu.memory_space<vmem>>
        %dma_start3A_263 = tpu.memref_squeeze %dma_start3A_262 : memref<1x1x100xi32, #tpu.memory_space<vmem>> -> memref<100xi32, #tpu.memory_space<vmem>>
        %dma_start3A_264 = arith.constant 0 : i32
        %dma_start3A_265 = arith.constant 0 : i32
        %dma_start3A_266 = tpu.memref_slice %arg2[%dma_start3A_264, %dma_start3A_265] : memref<10000x128xf32, #tpu.memory_space<hbm>> -> memref<10000x128xf32, #tpu.memory_space<hbm>>
        tpu.enqueue_indirect_dma source(%dma_start3A_266 : memref<10000x128xf32, #tpu.memory_space<hbm>>) target(%dma_start3A_260 : memref<100x128xf32, #tpu.memory_space<vmem>>) offsets(%dma_start3A_263 : memref<100xi32, #tpu.memory_space<vmem>>) semaphore(%arg9 : memref<!tpu.dma_semaphore, #tpu.memory_space<semaphore_mem>>)
      } else {
      }
      %rem3A_225 = arith.constant 3 : i32
      %rem3A_226 = arith.remsi %add3A_217, %rem3A_225 : i32
      %dma_wait3A_227 = arith.constant 0 : i32
      %dma_wait3A_228 = arith.constant 0 : i32
      %dma_wait3A_229 = arith.constant 0 : i32
      %dma_wait3A_230 = arith.constant 0 : i32
      %dma_wait3A_231 = tpu.memref_slice %arg7[%rem3A_226, %dma_wait3A_229, %dma_wait3A_230] : memref<3x100x128xf32, #tpu.memory_space<vmem>> -> memref<1x100x128xf32, #tpu.memory_space<vmem>>
      %dma_wait3A_232 = tpu.memref_squeeze %dma_wait3A_231 : memref<1x100x128xf32, #tpu.memory_space<vmem>> -> memref<100x128xf32, #tpu.memory_space<vmem>>
      %dma_wait3A_233 = arith.constant 0 : i32
      %dma_wait3A_234 = tpu.memref_slice %arg5[%dma_wait3A_227, %dma_wait3A_228, %dma_wait3A_233] : memref<2x5x100xi32, #tpu.memory_space<vmem>> -> memref<1x1x100xi32, #tpu.memory_space<vmem>>
      %dma_wait3A_235 = tpu.memref_squeeze %dma_wait3A_234 : memref<1x1x100xi32, #tpu.memory_space<vmem>> -> memref<100xi32, #tpu.memory_space<vmem>>
      %dma_wait3A_236 = arith.constant 0 : i32
      %dma_wait3A_237 = arith.constant 0 : i32
      %dma_wait3A_238 = tpu.memref_slice %arg2[%dma_wait3A_236, %dma_wait3A_237] : memref<10000x128xf32, #tpu.memory_space<hbm>> -> memref<10000x128xf32, #tpu.memory_space<hbm>>
      tpu.wait_indirect_dma semaphore(%arg9 : memref<!tpu.dma_semaphore, #tpu.memory_space<semaphore_mem>>) src(%dma_wait3A_238 : memref<10000x128xf32, #tpu.memory_space<hbm>>) dst(%dma_wait3A_232 : memref<100x128xf32, #tpu.memory_space<vmem>>)
      %rem3A_239 = arith.constant 2 : i32
      %rem3A_240 = arith.remsi %scan3A_104, %rem3A_239 : i32
      %run_scoped3A_241 = arith.constant 4 : i32
      "tpu.region"() ({
        %run_scoped3A_249 = tpu.sem_alloc : memref<!tpu.dma_semaphore, #tpu.memory_space<semaphore_mem>>
        %dma_start3A_250 = arith.constant 0 : i32
        %dma_start3A_251 = arith.constant 0 : i32
        %dma_start3A_252 = tpu.memref_slice %arg7[%rem3A_226, %dma_start3A_250, %dma_start3A_251] : memref<3x100x128xf32, #tpu.memory_space<vmem>> -> memref<1x100x128xf32, #tpu.memory_space<vmem>>
        %dma_start3A_253 = tpu.memref_squeeze %dma_start3A_252 : memref<1x100x128xf32, #tpu.memory_space<vmem>> -> memref<100x128xf32, #tpu.memory_space<vmem>>
        %dma_start3A_254 = arith.constant 0 : i32
        %dma_start3A_255 = tpu.memref_slice %arg6[%rem3A_240, %run_scoped3A_241, %dma_start3A_254] : memref<2x5x100xi32, #tpu.memory_space<vmem>> -> memref<1x1x100xi32, #tpu.memory_space<vmem>>
        %dma_start3A_256 = tpu.memref_squeeze %dma_start3A_255 : memref<1x1x100xi32, #tpu.memory_space<vmem>> -> memref<100xi32, #tpu.memory_space<vmem>>
        %dma_start3A_257 = arith.constant 0 : i32
        %dma_start3A_258 = arith.constant 0 : i32
        %dma_start3A_259 = tpu.memref_slice %arg8[%dma_start3A_257, %dma_start3A_258] : memref<10000x128xf32, #tpu.memory_space<vmem_shared>> -> memref<10000x128xf32, #tpu.memory_space<vmem_shared>>
        tpu.enqueue_indirect_dma source(%dma_start3A_253 : memref<100x128xf32, #tpu.memory_space<vmem>>) target(%dma_start3A_259 : memref<10000x128xf32, #tpu.memory_space<vmem_shared>>) offsets(%dma_start3A_256 : memref<100xi32, #tpu.memory_space<vmem>>) semaphore(%run_scoped3A_249 : memref<!tpu.dma_semaphore, #tpu.memory_space<semaphore_mem>>) {add = true}
        %dma_wait3A_260 = arith.constant 0 : i32
        %dma_wait3A_261 = arith.constant 0 : i32
        %dma_wait3A_262 = tpu.memref_slice %arg7[%rem3A_226, %dma_wait3A_260, %dma_wait3A_261] : memref<3x100x128xf32, #tpu.memory_space<vmem>> -> memref<1x100x128xf32, #tpu.memory_space<vmem>>
        %dma_wait3A_263 = tpu.memref_squeeze %dma_wait3A_262 : memref<1x100x128xf32, #tpu.memory_space<vmem>> -> memref<100x128xf32, #tpu.memory_space<vmem>>
        %dma_wait3A_264 = arith.constant 0 : i32
        %dma_wait3A_265 = tpu.memref_slice %arg6[%rem3A_240, %run_scoped3A_241, %dma_wait3A_264] : memref<2x5x100xi32, #tpu.memory_space<vmem>> -> memref<1x1x100xi32, #tpu.memory_space<vmem>>
        %dma_wait3A_266 = tpu.memref_squeeze %dma_wait3A_265 : memref<1x1x100xi32, #tpu.memory_space<vmem>> -> memref<100xi32, #tpu.memory_space<vmem>>
        %dma_wait3A_267 = arith.constant 0 : i32
        %dma_wait3A_268 = arith.constant 0 : i32
        %dma_wait3A_269 = tpu.memref_slice %arg8[%dma_wait3A_267, %dma_wait3A_268] : memref<10000x128xf32, #tpu.memory_space<vmem_shared>> -> memref<10000x128xf32, #tpu.memory_space<vmem_shared>>
        tpu.wait_indirect_dma semaphore(%run_scoped3A_249 : memref<!tpu.dma_semaphore, #tpu.memory_space<semaphore_mem>>) src(%dma_wait3A_263 : memref<100x128xf32, #tpu.memory_space<vmem>>) dst(%dma_wait3A_269 : memref<10000x128xf32, #tpu.memory_space<vmem_shared>>)
        tpu.yield
      }) : () -> ()
      %add3A_242 = arith.constant 2 : i32
      %add3A_243 = arith.addi %scan3A_104, %add3A_242 : i32
      %lt3A_244 = arith.constant 20 : i32
      %lt3A_245 = arith.cmpi slt, %add3A_243, %lt3A_244 : i32
      %convert_element_type3A_246 = arith.extui %lt3A_245 : i1 to i32
      %cond3A_247 = arith.constant 0 : i32
      %cond3A_248 = arith.cmpi ne, %convert_element_type3A_246, %cond3A_247 : i32
      scf.if %cond3A_248 {
        %add3A_249 = arith.constant 2 : i32
        %add3A_250 = arith.addi %scan3A_104, %add3A_249 : i32
        %rem3A_251 = arith.constant 2 : i32
        %rem3A_252 = arith.remsi %scan3A_104, %rem3A_251 : i32
        %dma_start3A_253 = arith.constant 0 : i32
        %dma_start3A_254 = arith.constant 0 : i32
        %dma_start3A_255 = arith.constant 0 : i32
        %dma_start3A_256 = tpu.memref_slice %arg5[%rem3A_252, %dma_start3A_254, %dma_start3A_255] : memref<2x5x100xi32, #tpu.memory_space<vmem>> -> memref<1x5x100xi32, #tpu.memory_space<vmem>>
        %dma_start3A_257 = tpu.memref_squeeze %dma_start3A_256 : memref<1x5x100xi32, #tpu.memory_space<vmem>> -> memref<5x100xi32, #tpu.memory_space<vmem>>
        %dma_start3A_258 = arith.constant 0 : i32
        %dma_start3A_259 = arith.constant 0 : i32
        %dma_start3A_260 = tpu.memref_slice %arg3[%dma_start3A_253, %add3A, %add3A_250, %dma_start3A_258, %dma_start3A_259] : memref<2x32x20x5x100xi32, #tpu.memory_space<hbm>> -> memref<1x1x1x5x100xi32, #tpu.memory_space<hbm>>
        %dma_start3A_261 = tpu.memref_squeeze %dma_start3A_260 : memref<1x1x1x5x100xi32, #tpu.memory_space<hbm>> -> memref<5x100xi32, #tpu.memory_space<hbm>>
        %dma_start3A_262 = arith.constant 0 : i32
        %dma_start3A_263 = arith.constant 0 : i32
        %dma_start3A_264 = tpu.memref_slice %arg5[%rem3A_252, %dma_start3A_262, %dma_start3A_263] : memref<2x5x100xi32, #tpu.memory_space<vmem>> -> memref<1x5x100xi32, #tpu.memory_space<vmem>>
        %dma_start3A_265 = tpu.memref_squeeze %dma_start3A_264 : memref<1x5x100xi32, #tpu.memory_space<vmem>> -> memref<5x100xi32, #tpu.memory_space<vmem>>
        %dma_start3A_266 = arith.constant 0 : i32
        %dma_start3A_267 = arith.constant 0 : i32
        %dma_start3A_268 = tpu.memref_slice %arg3[%dma_start3A_253, %add3A, %add3A_250, %dma_start3A_266, %dma_start3A_267] : memref<2x32x20x5x100xi32, #tpu.memory_space<hbm>> -> memref<1x1x1x5x100xi32, #tpu.memory_space<hbm>>
        %dma_start3A_269 = tpu.memref_squeeze %dma_start3A_268 : memref<1x1x1x5x100xi32, #tpu.memory_space<hbm>> -> memref<5x100xi32, #tpu.memory_space<hbm>>
        tpu.enqueue_dma source(%dma_start3A_269 : memref<5x100xi32, #tpu.memory_space<hbm>>) target(%dma_start3A_265 : memref<5x100xi32, #tpu.memory_space<vmem>>) target_semaphore(%arg10 : memref<!tpu.dma_semaphore, #tpu.memory_space<semaphore_mem>>)
        %add3A_270 = arith.constant 2 : i32
        %add3A_271 = arith.addi %scan3A_104, %add3A_270 : i32
        %rem3A_272 = arith.constant 2 : i32
        %rem3A_273 = arith.remsi %scan3A_104, %rem3A_272 : i32
        %dma_start3A_274 = arith.constant 1 : i32
        %dma_start3A_275 = arith.constant 0 : i32
        %dma_start3A_276 = arith.constant 0 : i32
        %dma_start3A_277 = tpu.memref_slice %arg6[%rem3A_273, %dma_start3A_275, %dma_start3A_276] : memref<2x5x100xi32, #tpu.memory_space<vmem>> -> memref<1x5x100xi32, #tpu.memory_space<vmem>>
        %dma_start3A_278 = tpu.memref_squeeze %dma_start3A_277 : memref<1x5x100xi32, #tpu.memory_space<vmem>> -> memref<5x100xi32, #tpu.memory_space<vmem>>
        %dma_start3A_279 = arith.constant 0 : i32
        %dma_start3A_280 = arith.constant 0 : i32
        %dma_start3A_281 = tpu.memref_slice %arg3[%dma_start3A_274, %add3A, %add3A_271, %dma_start3A_279, %dma_start3A_280] : memref<2x32x20x5x100xi32, #tpu.memory_space<hbm>> -> memref<1x1x1x5x100xi32, #tpu.memory_space<hbm>>
        %dma_start3A_282 = tpu.memref_squeeze %dma_start3A_281 : memref<1x1x1x5x100xi32, #tpu.memory_space<hbm>> -> memref<5x100xi32, #tpu.memory_space<hbm>>
        %dma_start3A_283 = arith.constant 0 : i32
        %dma_start3A_284 = arith.constant 0 : i32
        %dma_start3A_285 = tpu.memref_slice %arg6[%rem3A_273, %dma_start3A_283, %dma_start3A_284] : memref<2x5x100xi32, #tpu.memory_space<vmem>> -> memref<1x5x100xi32, #tpu.memory_space<vmem>>
        %dma_start3A_286 = tpu.memref_squeeze %dma_start3A_285 : memref<1x5x100xi32, #tpu.memory_space<vmem>> -> memref<5x100xi32, #tpu.memory_space<vmem>>
        %dma_start3A_287 = arith.constant 0 : i32
        %dma_start3A_288 = arith.constant 0 : i32
        %dma_start3A_289 = tpu.memref_slice %arg3[%dma_start3A_274, %add3A, %add3A_271, %dma_start3A_287, %dma_start3A_288] : memref<2x32x20x5x100xi32, #tpu.memory_space<hbm>> -> memref<1x1x1x5x100xi32, #tpu.memory_space<hbm>>
        %dma_start3A_290 = tpu.memref_squeeze %dma_start3A_289 : memref<1x1x1x5x100xi32, #tpu.memory_space<hbm>> -> memref<5x100xi32, #tpu.memory_space<hbm>>
        tpu.enqueue_dma source(%dma_start3A_290 : memref<5x100xi32, #tpu.memory_space<hbm>>) target(%dma_start3A_286 : memref<5x100xi32, #tpu.memory_space<vmem>>) target_semaphore(%arg10 : memref<!tpu.dma_semaphore, #tpu.memory_space<semaphore_mem>>)
      } else {
      }
    }
    %scan3A_96 = arith.constant 20 : i32
    %barrier3A_97 = arith.constant 0 : index
    tpu.barrier barrier_id(%barrier3A_97)
    %lt3A = arith.constant 15 : i32
    %lt3A_98 = arith.cmpi slt, %arg1, %lt3A : i32
    %convert_element_type3A = arith.extui %lt3A_98 : i1 to i32
    %cond3A = arith.constant 0 : i32
    %cond3A_99 = arith.cmpi ne, %convert_element_type3A, %cond3A : i32
    scf.if %cond3A_99 {
      %mul3A_104 = arith.constant 624 : i32
      %mul3A_105 = arith.muli %arg1, %mul3A_104 : i32
      %mul3A_106 = arith.constant 624 : i32
      %mul3A_107 = arith.muli %arg1, %mul3A_106 : i32
      "tpu.region"() ({
        %run_scoped3A_108 = tpu.sem_alloc : memref<!tpu.dma_semaphore, #tpu.memory_space<semaphore_mem>>
        %dma_start3A_109 = arith.constant 0 : i32
        %dma_start3A_110 = tpu.memref_slice %arg4[%arg0, %mul3A_107, %dma_start3A_109] : memref<2x10000x128xf32, #tpu.memory_space<hbm>> -> memref<1x624x128xf32, #tpu.memory_space<hbm>>
        %dma_start3A_111 = tpu.memref_squeeze %dma_start3A_110 : memref<1x624x128xf32, #tpu.memory_space<hbm>> -> memref<624x128xf32, #tpu.memory_space<hbm>>
        %dma_start3A_112 = arith.constant 0 : i32
        %dma_start3A_113 = tpu.memref_slice %arg8[%mul3A_105, %dma_start3A_112] : memref<10000x128xf32, #tpu.memory_space<vmem_shared>> -> memref<624x128xf32, #tpu.memory_space<vmem_shared>>
        tpu.enqueue_dma source(%dma_start3A_113 : memref<624x128xf32, #tpu.memory_space<vmem_shared>>) target(%dma_start3A_111 : memref<624x128xf32, #tpu.memory_space<hbm>>) target_semaphore(%run_scoped3A_108 : memref<!tpu.dma_semaphore, #tpu.memory_space<semaphore_mem>>)
        %dma_wait3A = arith.constant 0 : i32
        %dma_wait3A_114 = tpu.memref_slice %arg4[%arg0, %mul3A_107, %dma_wait3A] : memref<2x10000x128xf32, #tpu.memory_space<hbm>> -> memref<1x624x128xf32, #tpu.memory_space<hbm>>
        %dma_wait3A_115 = tpu.memref_squeeze %dma_wait3A_114 : memref<1x624x128xf32, #tpu.memory_space<hbm>> -> memref<624x128xf32, #tpu.memory_space<hbm>>
        %dma_wait3A_116 = arith.constant 0 : i32
        %dma_wait3A_117 = tpu.memref_slice %arg8[%mul3A_105, %dma_wait3A_116] : memref<10000x128xf32, #tpu.memory_space<vmem_shared>> -> memref<624x128xf32, #tpu.memory_space<vmem_shared>>
        tpu.wait_dma2 semaphore(%run_scoped3A_108 : memref<!tpu.dma_semaphore, #tpu.memory_space<semaphore_mem>>) src(%dma_wait3A_117 : memref<624x128xf32, #tpu.memory_space<vmem_shared>>) dst(%dma_wait3A_115 : memref<624x128xf32, #tpu.memory_space<hbm>>)
        tpu.yield
      }) : () -> ()
    } else {
    }
    %eq3A = arith.constant 15 : i32
    %eq3A_100 = arith.cmpi eq, %arg1, %eq3A : i32
    %convert_element_type3A_101 = arith.extui %eq3A_100 : i1 to i32
    %cond3A_102 = arith.constant 0 : i32
    %cond3A_103 = arith.cmpi ne, %convert_element_type3A_101, %cond3A_102 : i32
    scf.if %cond3A_103 {
      "tpu.region"() ({
        %run_scoped3A_104 = tpu.sem_alloc : memref<!tpu.dma_semaphore, #tpu.memory_space<semaphore_mem>>
        %dma_start3A_105 = arith.constant 9360 : i32
        %dma_start3A_106 = arith.constant 0 : i32
        %dma_start3A_107 = tpu.memref_slice %arg4[%arg0, %dma_start3A_105, %dma_start3A_106] : memref<2x10000x128xf32, #tpu.memory_space<hbm>> -> memref<1x640x128xf32, #tpu.memory_space<hbm>>
        %dma_start3A_108 = tpu.memref_squeeze %dma_start3A_107 : memref<1x640x128xf32, #tpu.memory_space<hbm>> -> memref<640x128xf32, #tpu.memory_space<hbm>>
        %dma_start3A_109 = arith.constant 9360 : i32
        %dma_start3A_110 = arith.constant 0 : i32
        %dma_start3A_111 = tpu.memref_slice %arg8[%dma_start3A_109, %dma_start3A_110] : memref<10000x128xf32, #tpu.memory_space<vmem_shared>> -> memref<640x128xf32, #tpu.memory_space<vmem_shared>>
        tpu.enqueue_dma source(%dma_start3A_111 : memref<640x128xf32, #tpu.memory_space<vmem_shared>>) target(%dma_start3A_108 : memref<640x128xf32, #tpu.memory_space<hbm>>) target_semaphore(%run_scoped3A_104 : memref<!tpu.dma_semaphore, #tpu.memory_space<semaphore_mem>>)
        %dma_wait3A = arith.constant 9360 : i32
        %dma_wait3A_112 = arith.constant 0 : i32
        %dma_wait3A_113 = tpu.memref_slice %arg4[%arg0, %dma_wait3A, %dma_wait3A_112] : memref<2x10000x128xf32, #tpu.memory_space<hbm>> -> memref<1x640x128xf32, #tpu.memory_space<hbm>>
        %dma_wait3A_114 = tpu.memref_squeeze %dma_wait3A_113 : memref<1x640x128xf32, #tpu.memory_space<hbm>> -> memref<640x128xf32, #tpu.memory_space<hbm>>
        %dma_wait3A_115 = arith.constant 9360 : i32
        %dma_wait3A_116 = arith.constant 0 : i32
        %dma_wait3A_117 = tpu.memref_slice %arg8[%dma_wait3A_115, %dma_wait3A_116] : memref<10000x128xf32, #tpu.memory_space<vmem_shared>> -> memref<640x128xf32, #tpu.memory_space<vmem_shared>>
        tpu.wait_dma2 semaphore(%run_scoped3A_104 : memref<!tpu.dma_semaphore, #tpu.memory_space<semaphore_mem>>) src(%dma_wait3A_117 : memref<640x128xf32, #tpu.memory_space<vmem_shared>>) dst(%dma_wait3A_114 : memref<640x128xf32, #tpu.memory_space<hbm>>)
        tpu.yield
      }) : () -> ()
    } else {
    }
    return
  }
}

module attributes {stable_mosaic.version = 14 : i64} {
  func.func @_enc_body(%arg0: i32, %arg1: memref<2000x128xf32, #tpu.memory_space<vmem>>, %arg2: memref<128x128xf32, #tpu.memory_space<vmem>>, %arg3: memref<1x128xf32, #tpu.memory_space<vmem>>, %arg4: memref<2000x128xf32, #tpu.memory_space<vmem>>) attributes {dimension_semantics = [#tpu.dimension_semantics<arbitrary>], iteration_bounds = array<i64: 5>, scalar_prefetch = 0 : i64, scratch_operands = 0 : i64, tpu.core_type = #tpu.core_type<tc>, window_params = [{transform_indices = @transform_0, window_bounds = array<i64: 2000, 128>}, {pipeline_mode = #tpu.pipeline_mode<synchronous>, transform_indices = @transform_1, window_bounds = array<i64: 128, 128>}, {pipeline_mode = #tpu.pipeline_mode<synchronous>, transform_indices = @transform_2, window_bounds = array<i64: 1, 128>}, {transform_indices = @transform_3, window_bounds = array<i64: 2000, 128>}]} {
    %get3A = arith.constant 0 : index
    %get3A_0 = arith.constant 0 : index
    %get3A_1 = vector.load %arg1[%get3A, %get3A_0] : memref<2000x128xf32, #tpu.memory_space<vmem>>, vector<2000x128xf32>
    %get3A_2 = arith.constant 0 : index
    %get3A_3 = arith.constant 0 : index
    %get3A_4 = vector.load %arg2[%get3A_2, %get3A_3] : memref<128x128xf32, #tpu.memory_space<vmem>>, vector<128x128xf32>
    %dot_general3A = arith.constant dense<0.000000e+00> : vector<2000x128xf32>
    %dot_general3A_5 = tpu.matmul %get3A_1, %get3A_4, %dot_general3A {dimension_numbers = #tpu.dot_dimension_numbers<[1], [0], [0], [1], [0, 0, 1, 1], [], []>, transpose_lhs_hint = false} : vector<2000x128xf32>, vector<128x128xf32>, vector<2000x128xf32> -> vector<2000x128xf32>
    %get3A_6 = arith.constant 0 : index
    %get3A_7 = arith.constant 0 : index
    %get3A_8 = vector.load %arg3[%get3A_6, %get3A_7] : memref<1x128xf32, #tpu.memory_space<vmem>>, vector<1x128xf32>
    %add3A = vector.broadcast %get3A_8 : vector<1x128xf32> to vector<2000x128xf32>
    %add3A_9 = arith.addf %dot_general3A_5, %add3A : vector<2000x128xf32>
    %swap3A = arith.constant 0 : index
    %swap3A_10 = arith.constant 0 : index
    %swap3A_11 = vector.load %arg4[%swap3A, %swap3A_10] : memref<2000x128xf32, #tpu.memory_space<vmem>>, vector<2000x128xf32>
    tpu.vector_store %arg4[%swap3A, %swap3A_10], %add3A_9 {strides = array<i32>} : memref<2000x128xf32, #tpu.memory_space<vmem>>, vector<2000x128xf32>,
    return
  }
  func.func @transform_0(%arg0: i32) -> (i32, i32) {
    %c0_i32 = arith.constant 0 : i32
    %c0_i32_0 = arith.constant 0 : i32
    return %arg0, %c0_i32 : i32, i32
  }
  func.func @transform_1(%arg0: i32) -> (i32, i32) {
    %c0_i32 = arith.constant 0 : i32
    %c0_i32_0 = arith.constant 0 : i32
    %c0_i32_1 = arith.constant 0 : i32
    return %c0_i32, %c0_i32_0 : i32, i32
  }
  func.func @transform_2(%arg0: i32) -> (i32, i32) {
    %c0_i32 = arith.constant 0 : i32
    %c0_i32_0 = arith.constant 0 : i32
    %c0_i32_1 = arith.constant 0 : i32
    return %c0_i32, %c0_i32_0 : i32, i32
  }
  func.func @transform_3(%arg0: i32) -> (i32, i32) {
    %c0_i32 = arith.constant 0 : i32
    %c0_i32_0 = arith.constant 0 : i32
    return %arg0, %c0_i32 : i32, i32
  }
}

module attributes {stable_mosaic.version = 14 : i64} {
  func.func @_self_body(%arg0: i32, %arg1: memref<2000x128xf32, #tpu.memory_space<vmem>>, %arg2: memref<128x128xf32, #tpu.memory_space<vmem>>, %arg3: memref<1x128xf32, #tpu.memory_space<vmem>>, %arg4: memref<2000x128xf32, #tpu.memory_space<vmem>>) attributes {dimension_semantics = [#tpu.dimension_semantics<arbitrary>], iteration_bounds = array<i64: 5>, scalar_prefetch = 0 : i64, scratch_operands = 0 : i64, tpu.core_type = #tpu.core_type<tc>, window_params = [{transform_indices = @transform_0, window_bounds = array<i64: 2000, 128>}, {pipeline_mode = #tpu.pipeline_mode<synchronous>, transform_indices = @transform_1, window_bounds = array<i64: 128, 128>}, {pipeline_mode = #tpu.pipeline_mode<synchronous>, transform_indices = @transform_2, window_bounds = array<i64: 1, 128>}, {transform_indices = @transform_3, window_bounds = array<i64: 2000, 128>}]} {
    %get3A = arith.constant 0 : index
    %get3A_0 = arith.constant 0 : index
    %get3A_1 = vector.load %arg1[%get3A, %get3A_0] : memref<2000x128xf32, #tpu.memory_space<vmem>>, vector<2000x128xf32>
    %get3A_2 = arith.constant 0 : index
    %get3A_3 = arith.constant 0 : index
    %get3A_4 = vector.load %arg2[%get3A_2, %get3A_3] : memref<128x128xf32, #tpu.memory_space<vmem>>, vector<128x128xf32>
    %dot_general3A = arith.constant dense<0.000000e+00> : vector<2000x128xf32>
    %dot_general3A_5 = tpu.matmul %get3A_1, %get3A_4, %dot_general3A {dimension_numbers = #tpu.dot_dimension_numbers<[1], [0], [0], [1], [0, 0, 1, 1], [], []>, transpose_lhs_hint = false} : vector<2000x128xf32>, vector<128x128xf32>, vector<2000x128xf32> -> vector<2000x128xf32>
    %get3A_6 = arith.constant 0 : index
    %get3A_7 = arith.constant 0 : index
    %get3A_8 = vector.load %arg3[%get3A_6, %get3A_7] : memref<1x128xf32, #tpu.memory_space<vmem>>, vector<1x128xf32>
    %add3A = vector.broadcast %get3A_8 : vector<1x128xf32> to vector<2000x128xf32>
    %add3A_9 = arith.addf %dot_general3A_5, %add3A : vector<2000x128xf32>
    %swap3A = arith.constant 0 : index
    %swap3A_10 = arith.constant 0 : index
    %swap3A_11 = vector.load %arg4[%swap3A, %swap3A_10] : memref<2000x128xf32, #tpu.memory_space<vmem>>, vector<2000x128xf32>
    tpu.vector_store %arg4[%swap3A, %swap3A_10], %add3A_9 {strides = array<i32>} : memref<2000x128xf32, #tpu.memory_space<vmem>>, vector<2000x128xf32>,
    return
  }
  func.func @transform_0(%arg0: i32) -> (i32, i32) {
    %c0_i32 = arith.constant 0 : i32
    %c0_i32_0 = arith.constant 0 : i32
    return %arg0, %c0_i32 : i32, i32
  }
  func.func @transform_1(%arg0: i32) -> (i32, i32) {
    %c0_i32 = arith.constant 0 : i32
    %c0_i32_0 = arith.constant 0 : i32
    %c0_i32_1 = arith.constant 0 : i32
    return %c0_i32, %c0_i32_0 : i32, i32
  }
  func.func @transform_2(%arg0: i32) -> (i32, i32) {
    %c0_i32 = arith.constant 0 : i32
    %c0_i32_0 = arith.constant 0 : i32
    %c0_i32_1 = arith.constant 0 : i32
    return %c0_i32, %c0_i32_0 : i32, i32
  }
  func.func @transform_3(%arg0: i32) -> (i32, i32) {
    %c0_i32 = arith.constant 0 : i32
    %c0_i32_0 = arith.constant 0 : i32
    return %arg0, %c0_i32 : i32, i32
  }
}

module attributes {stable_mosaic.version = 14 : i64} {
  func.func @_combine_body(%arg0: i32, %arg1: memref<2000x128xf32, #tpu.memory_space<vmem>>, %arg2: memref<2x2000x128xf32, #tpu.memory_space<vmem>>, %arg3: memref<128x128xf32, #tpu.memory_space<vmem>>, %arg4: memref<2000x128xf32, #tpu.memory_space<vmem>>) attributes {dimension_semantics = [#tpu.dimension_semantics<arbitrary>], iteration_bounds = array<i64: 5>, scalar_prefetch = 0 : i64, scratch_operands = 0 : i64, tpu.core_type = #tpu.core_type<tc>, window_params = [{transform_indices = @transform_0, window_bounds = array<i64: 2000, 128>}, {transform_indices = @transform_1, window_bounds = array<i64: 2, 2000, 128>}, {pipeline_mode = #tpu.pipeline_mode<synchronous>, transform_indices = @transform_2, window_bounds = array<i64: 128, 128>}, {transform_indices = @transform_3, window_bounds = array<i64: 2000, 128>}]} {
    %get3A = arith.constant 0 : index
    %get3A_0 = arith.constant 0 : index
    %get3A_1 = arith.constant 0 : index
    %get3A_2 = vector.load %arg2[%get3A, %get3A_0, %get3A_1] : memref<2x2000x128xf32, #tpu.memory_space<vmem>>, vector<1x2000x128xf32>
    %get3A_3 = vector.shape_cast %get3A_2 : vector<1x2000x128xf32> to vector<2000x128xf32>
    %get3A_4 = arith.constant 1 : index
    %get3A_5 = arith.constant 0 : index
    %get3A_6 = arith.constant 0 : index
    %get3A_7 = vector.load %arg2[%get3A_4, %get3A_5, %get3A_6] : memref<2x2000x128xf32, #tpu.memory_space<vmem>>, vector<1x2000x128xf32>
    %get3A_8 = vector.shape_cast %get3A_7 : vector<1x2000x128xf32> to vector<2000x128xf32>
    %add3A = arith.addf %get3A_3, %get3A_8 : vector<2000x128xf32>
    %get3A_9 = arith.constant 0 : index
    %get3A_10 = arith.constant 0 : index
    %get3A_11 = vector.load %arg1[%get3A_9, %get3A_10] : memref<2000x128xf32, #tpu.memory_space<vmem>>, vector<2000x128xf32>
    %get3A_12 = arith.constant 0 : index
    %get3A_13 = arith.constant 0 : index
    %get3A_14 = vector.load %arg3[%get3A_12, %get3A_13] : memref<128x128xf32, #tpu.memory_space<vmem>>, vector<128x128xf32>
    %dot_general3A = arith.constant dense<0.000000e+00> : vector<2000x128xf32>
    %dot_general3A_15 = tpu.matmul %add3A, %get3A_14, %dot_general3A {dimension_numbers = #tpu.dot_dimension_numbers<[1], [0], [0], [1], [0, 0, 1, 1], [], []>, transpose_lhs_hint = false} : vector<2000x128xf32>, vector<128x128xf32>, vector<2000x128xf32> -> vector<2000x128xf32>
    %add3A_16 = arith.addf %get3A_11, %dot_general3A_15 : vector<2000x128xf32>
    %max3A = arith.constant 0.000000e+00 : f32
    %max3A_17 = vector.broadcast %max3A : f32 to vector<2000x128xf32>
    %max3A_18 = arith.maximumf %add3A_16, %max3A_17 : vector<2000x128xf32>
    %swap3A = arith.constant 0 : index
    %swap3A_19 = arith.constant 0 : index
    %swap3A_20 = vector.load %arg4[%swap3A, %swap3A_19] : memref<2000x128xf32, #tpu.memory_space<vmem>>, vector<2000x128xf32>
    tpu.vector_store %arg4[%swap3A, %swap3A_19], %max3A_18 {strides = array<i32>} : memref<2000x128xf32, #tpu.memory_space<vmem>>, vector<2000x128xf32>,
    return
  }
  func.func @transform_0(%arg0: i32) -> (i32, i32) {
    %c0_i32 = arith.constant 0 : i32
    %c0_i32_0 = arith.constant 0 : i32
    return %arg0, %c0_i32 : i32, i32
  }
  func.func @transform_1(%arg0: i32) -> (i32, i32, i32) {
    %c0_i32 = arith.constant 0 : i32
    %c0_i32_0 = arith.constant 0 : i32
    %c0_i32_1 = arith.constant 0 : i32
    return %c0_i32, %arg0, %c0_i32_0 : i32, i32, i32
  }
  func.func @transform_2(%arg0: i32) -> (i32, i32) {
    %c0_i32 = arith.constant 0 : i32
    %c0_i32_0 = arith.constant 0 : i32
    %c0_i32_1 = arith.constant 0 : i32
    return %c0_i32, %c0_i32_0 : i32, i32
  }
  func.func @transform_3(%arg0: i32) -> (i32, i32) {
    %c0_i32 = arith.constant 0 : i32
    %c0_i32_0 = arith.constant 0 : i32
    return %arg0, %c0_i32 : i32, i32
  }
}

module attributes {stable_mosaic.version = 14 : i64} {
  func.func @_last_body(%arg0: i32, %arg1: memref<2000x128xf32, #tpu.memory_space<vmem>>, %arg2: memref<2x2000x128xf32, #tpu.memory_space<vmem>>, %arg3: memref<128x128xf32, #tpu.memory_space<vmem>>, %arg4: memref<1x1x2000xi32, #tpu.memory_space<vmem>>, %arg5: memref<128x10xf32, #tpu.memory_space<vmem>>, %arg6: memref<1x10xf32, #tpu.memory_space<vmem>>, %arg7: memref<64x10xf32, #tpu.memory_space<vmem>>) attributes {dimension_semantics = [#tpu.dimension_semantics<arbitrary>], iteration_bounds = array<i64: 5>, scalar_prefetch = 0 : i64, scratch_operands = 0 : i64, tpu.core_type = #tpu.core_type<tc>, window_params = [{transform_indices = @transform_0, window_bounds = array<i64: 2000, 128>}, {transform_indices = @transform_1, window_bounds = array<i64: 2, 2000, 128>}, {pipeline_mode = #tpu.pipeline_mode<synchronous>, transform_indices = @transform_2, window_bounds = array<i64: 128, 128>}, {transform_indices = @transform_3, window_bounds = array<i64: 1, 1, 2000>}, {pipeline_mode = #tpu.pipeline_mode<synchronous>, transform_indices = @transform_4, window_bounds = array<i64: 128, 10>}, {pipeline_mode = #tpu.pipeline_mode<synchronous>, transform_indices = @transform_5, window_bounds = array<i64: 1, 10>}, {pipeline_mode = #tpu.pipeline_mode<synchronous>, transform_indices = @transform_6, window_bounds = array<i64: 64, 10>}]} {
    %get3A = arith.constant 0 : index
    %get3A_0 = arith.constant 0 : index
    %get3A_1 = arith.constant 0 : index
    %get3A_2 = vector.load %arg2[%get3A, %get3A_0, %get3A_1] : memref<2x2000x128xf32, #tpu.memory_space<vmem>>, vector<1x2000x128xf32>
    %get3A_3 = vector.shape_cast %get3A_2 : vector<1x2000x128xf32> to vector<2000x128xf32>
    %get3A_4 = arith.constant 1 : index
    %get3A_5 = arith.constant 0 : index
    %get3A_6 = arith.constant 0 : index
    %get3A_7 = vector.load %arg2[%get3A_4, %get3A_5, %get3A_6] : memref<2x2000x128xf32, #tpu.memory_space<vmem>>, vector<1x2000x128xf32>
    %get3A_8 = vector.shape_cast %get3A_7 : vector<1x2000x128xf32> to vector<2000x128xf32>
    %add3A = arith.addf %get3A_3, %get3A_8 : vector<2000x128xf32>
    %get3A_9 = arith.constant 0 : index
    %get3A_10 = arith.constant 0 : index
    %get3A_11 = vector.load %arg1[%get3A_9, %get3A_10] : memref<2000x128xf32, #tpu.memory_space<vmem>>, vector<2000x128xf32>
    %get3A_12 = arith.constant 0 : index
    %get3A_13 = arith.constant 0 : index
    %get3A_14 = vector.load %arg3[%get3A_12, %get3A_13] : memref<128x128xf32, #tpu.memory_space<vmem>>, vector<128x128xf32>
    %dot_general3A = arith.constant dense<0.000000e+00> : vector<2000x128xf32>
    %dot_general3A_15 = tpu.matmul %add3A, %get3A_14, %dot_general3A {dimension_numbers = #tpu.dot_dimension_numbers<[1], [0], [0], [1], [0, 0, 1, 1], [], []>, transpose_lhs_hint = false} : vector<2000x128xf32>, vector<128x128xf32>, vector<2000x128xf32> -> vector<2000x128xf32>
    %add3A_16 = arith.addf %get3A_11, %dot_general3A_15 : vector<2000x128xf32>
    %get3A_17 = arith.constant 0 : index
    %get3A_18 = arith.constant 0 : index
    %get3A_19 = arith.constant 0 : index
    %get3A_20 = vector.load %arg4[%get3A_17, %get3A_18, %get3A_19] : memref<1x1x2000xi32, #tpu.memory_space<vmem>>, vector<1x1x2000xi32>
    %get3A_21 = vector.shape_cast %get3A_20 : vector<1x1x2000xi32> to vector<1x2000xi32>
    %iota3A = tpu.iota {dimensions = array<i32: 0>} : vector<64x2000xi32>
    %eq3A = vector.broadcast %get3A_21 : vector<1x2000xi32> to vector<64x2000xi32>
    %eq3A_22 = arith.cmpi eq, %iota3A, %eq3A : vector<64x2000xi32>
    %convert_element_type3A = arith.extui %eq3A_22 : vector<64x2000xi1> to vector<64x2000xi32>
    %convert_element_type3A_23 = arith.sitofp %convert_element_type3A : vector<64x2000xi32> to vector<64x2000xf32>
    %dot_general3A_24 = arith.constant dense<0.000000e+00> : vector<64x128xf32>
    %dot_general3A_25 = tpu.matmul %convert_element_type3A_23, %add3A_16, %dot_general3A_24 {dimension_numbers = #tpu.dot_dimension_numbers<[1], [0], [0], [1], [0, 0, 1, 1], [], []>, transpose_lhs_hint = false} : vector<64x2000xf32>, vector<2000x128xf32>, vector<64x128xf32> -> vector<64x128xf32>
    %get3A_26 = arith.constant 0 : index
    %get3A_27 = arith.constant 0 : index
    %get3A_28 = vector.load %arg5[%get3A_26, %get3A_27] : memref<128x10xf32, #tpu.memory_space<vmem>>, vector<128x10xf32>
    %dot_general3A_29 = arith.constant dense<0.000000e+00> : vector<64x10xf32>
    %dot_general3A_30 = tpu.matmul %dot_general3A_25, %get3A_28, %dot_general3A_29 {dimension_numbers = #tpu.dot_dimension_numbers<[1], [0], [0], [1], [0, 0, 1, 1], [], []>, transpose_lhs_hint = false} : vector<64x128xf32>, vector<128x10xf32>, vector<64x10xf32> -> vector<64x10xf32>
    %eq3A_31 = arith.constant 0 : i32
    %eq3A_32 = arith.cmpi eq, %arg0, %eq3A_31 : i32
    %convert_element_type3A_33 = arith.extui %eq3A_32 : i1 to i32
    %cond3A = arith.constant 0 : i32
    %cond3A_34 = arith.cmpi ne, %convert_element_type3A_33, %cond3A : i32
    scf.if %cond3A_34 {
      %get3A_39 = arith.constant 0 : index
      %get3A_40 = arith.constant 0 : index
      %get3A_41 = vector.load %arg6[%get3A_39, %get3A_40] : memref<1x10xf32, #tpu.memory_space<vmem>>, vector<1x10xf32>
      %add3A_42 = vector.broadcast %get3A_41 : vector<1x10xf32> to vector<64x10xf32>
      %add3A_43 = arith.addf %dot_general3A_30, %add3A_42 : vector<64x10xf32>
      %swap3A = arith.constant 0 : index
      %swap3A_44 = arith.constant 0 : index
      %swap3A_45 = vector.load %arg7[%swap3A, %swap3A_44] : memref<64x10xf32, #tpu.memory_space<vmem>>, vector<64x10xf32>
      tpu.vector_store %arg7[%swap3A, %swap3A_44], %add3A_43 {strides = array<i32>} : memref<64x10xf32, #tpu.memory_space<vmem>>, vector<64x10xf32>,
    } else {
    }
    %gt3A = arith.constant 0 : i32
    %gt3A_35 = arith.cmpi sgt, %arg0, %gt3A : i32
    %convert_element_type3A_36 = arith.extui %gt3A_35 : i1 to i32
    %cond3A_37 = arith.constant 0 : i32
    %cond3A_38 = arith.cmpi ne, %convert_element_type3A_36, %cond3A_37 : i32
    scf.if %cond3A_38 {
      %get3A_39 = arith.constant 0 : index
      %get3A_40 = arith.constant 0 : index
      %get3A_41 = vector.load %arg7[%get3A_39, %get3A_40] : memref<64x10xf32, #tpu.memory_space<vmem>>, vector<64x10xf32>
      %add3A_42 = arith.addf %get3A_41, %dot_general3A_30 : vector<64x10xf32>
      %swap3A = arith.constant 0 : index
      %swap3A_43 = arith.constant 0 : index
      %swap3A_44 = vector.load %arg7[%swap3A, %swap3A_43] : memref<64x10xf32, #tpu.memory_space<vmem>>, vector<64x10xf32>
      tpu.vector_store %arg7[%swap3A, %swap3A_43], %add3A_42 {strides = array<i32>} : memref<64x10xf32, #tpu.memory_space<vmem>>, vector<64x10xf32>,
    } else {
    }
    return
  }
  func.func @transform_0(%arg0: i32) -> (i32, i32) {
    %c0_i32 = arith.constant 0 : i32
    %c0_i32_0 = arith.constant 0 : i32
    return %arg0, %c0_i32 : i32, i32
  }
  func.func @transform_1(%arg0: i32) -> (i32, i32, i32) {
    %c0_i32 = arith.constant 0 : i32
    %c0_i32_0 = arith.constant 0 : i32
    %c0_i32_1 = arith.constant 0 : i32
    return %c0_i32, %arg0, %c0_i32_0 : i32, i32, i32
  }
  func.func @transform_2(%arg0: i32) -> (i32, i32) {
    %c0_i32 = arith.constant 0 : i32
    %c0_i32_0 = arith.constant 0 : i32
    %c0_i32_1 = arith.constant 0 : i32
    return %c0_i32, %c0_i32_0 : i32, i32
  }
  func.func @transform_3(%arg0: i32) -> (i32, i32, i32) {
    %c0_i32 = arith.constant 0 : i32
    %c0_i32_0 = arith.constant 0 : i32
    %c0_i32_1 = arith.constant 0 : i32
    return %arg0, %c0_i32, %c0_i32_0 : i32, i32, i32
  }
  func.func @transform_4(%arg0: i32) -> (i32, i32) {
    %c0_i32 = arith.constant 0 : i32
    %c0_i32_0 = arith.constant 0 : i32
    %c0_i32_1 = arith.constant 0 : i32
    return %c0_i32, %c0_i32_0 : i32, i32
  }
  func.func @transform_5(%arg0: i32) -> (i32, i32) {
    %c0_i32 = arith.constant 0 : i32
    %c0_i32_0 = arith.constant 0 : i32
    %c0_i32_1 = arith.constant 0 : i32
    return %c0_i32, %c0_i32_0 : i32, i32
  }
  func.func @transform_6(%arg0: i32) -> (i32, i32) {
    %c0_i32 = arith.constant 0 : i32
    %c0_i32_0 = arith.constant 0 : i32
    %c0_i32_1 = arith.constant 0 : i32
    return %c0_i32, %c0_i32_0 : i32, i32
  }
}

</mosaic_0001>

<sc_bundles>
// kernel: kernel.12.cloned.1.call-start
scs
__scs_entry_jumppad:
0x0: {  	(pc) =	sbr.rel $0x88, $3  }
0x1: {  	(tag) =	ssettag $0x0;
	lr =	simm.s32 $0x1  }
0x2: {  	[smem:$0x3F91] =	sst lr;
	_ =	strace $0xD0000000  }
0x3: {  	_ = 	snop  }
0x4: {  	_ = 	snop  }
0x5: {  	_ = 	snop  }
0x6: {  	_ = 	snop  }
0x7: {  	_ = 	snop  }
__scs_overlays_trampoline_lowered:
0x8: {  	[smem:$0x3FA0] =	sst s0  }
0x9: {  	[smem:$0x3FA1] =	sst s1  }
0xa: {  	[smem:$0x3FA2] =	sst s2  }
0xb: {  	[smem:$0x3FA3] =	sst s3  }
0xc: {  	[smem:$0x3FA4] =	sst s4  }
0xd: {  	[smem:$0x3FA5] =	sst s5  }
0xe: {  	[smem:$0x3FA6] =	sst s6  }
0xf: {  	[smem:$0x3FA7] =	sst s7  }
0x10: {  	[smem:$0x3FA8] =	sst s8  }
0x11: {  	[smem:$0x3FA9] =	sst s9;
	s0 =	simm.s32 @!p0 $0x0  }
0x12: {  	s1 =	sld [smem:$0x3F8F];
	s0 =	simm.s32 @p0 $0x1  }
0x13: {  	[smem:$0x3FAA] =	sst s0;
	s0 =	simm.s32 @!p1 $0x0  }
0x14: {  	s2 =	sld [smem:$0x3F8E];
	s0 =	simm.s32 @p1 $0x1  }
0x15: {  	[smem:$0x3FAB] =	sst s0;
	s0 =	simm.s32 @!p2 $0x0  }
0x16: {  	s3 =	sld [smem:$0x3FDB];
	s0 =	simm.s32 @p2 $0x1  }
0x17: {  	s4 =	simm.s32 $0x1BF5;
	[smem:$0x3FAD] =	sst s0  }
0x18: {  	s0 =	sld [smem:$0x3F90];
	_ =	swait.ge [sflag:s4], $0x0  }
0x19: {  	s7 =	sld [smem:$0x3F91]  }
0x1a: {  	s8 =	sadd.s32 $0xFFFFE003, lr  }
0x1b: {  	s9 =	sadd.s32 $0xFFFFFEF7, lr;
	s5 =	simm.s32 $0xFFFFFFFF;
	p2 =	slt.u32 s8, $0xFFFFF086  }
0x1c: {  	p1 =	slt.u32 s9, $0xF7A;
	s5 =	simm.s32 @!p2 $0x0  }
0x1d: {  	s5 =	simm.s32 @p1 $0x1;
	p0 =	seq.s32 s7, s2  }
0x1e: {  	s7 =	smul.u32 @!p0 $0xF7A, s2;
	p2 =	seq.s32 @!p0 s5, $0x0  }
0x1f: {  	s9 =	smul.u32 $0xF7A, s1;
	s8 =	simm.s32 @!p0 $0x1BF5;
	p2 =	por !p2, p0  }
0x20: {  	[sflag:s8] =	ssyncset.s32 @!p0 $0xFFFFF086;
	s6 =	sadd.s32 @!p0 s3, s7;
	s7 =	simm.s32 @!p0 $0x108  }
0x21: {  	s3 =	sadd.s32 s3, s9;
	s6 =	sadd.s32 @!p0 $0x88, s6;
	s7 =	simm.s32 @p2 $0x1082  }
0x22: {  	[simem:s7], [sflag:s8] =	dma.local @!p0 [hbm:s6], $0xF7A  }
0x23: {  	s9 =	sor.u32 $0xD0000000, s2;
	s6 =	simm.s32 $0x108;
	_ =	swait.ge @!p0 [sflag:s8], $0x0  }
0x24: {  	s3 =	sadd.s32 $0x88, s3;
	s6 =	simm.s32 @!p1 $0x1082;
	[sflag:s4] =	ssyncset.s32 $0xFFFFF086  }
0x25: {  	[simem:s6], [sflag:s4] =	dma.local [hbm:s3], $0xF7A  }
0x26: {  	[smem:$0x3F91] =	sst s1;
	(tag) =	ssettag s2;
	_ =	strace s9  }
0x27: {  	s1 =	sld [smem:$0x3FA1]  }
0x28: {  	s2 =	sld [smem:$0x3FA2]  }
0x29: {  	s4 =	sld [smem:$0x3FA4]  }
0x2a: {  	p0 =	seq.s32 s5, $0x0;
	s5 =	sld [smem:$0x3FA5]  }
0x2b: {  	s6 =	sld [smem:$0x3FA6]  }
0x2c: {  	s7 =	sld [smem:$0x3FA7]  }
0x2d: {  	s3 =	simm.s32 $0x108;
	s8 =	sld [smem:$0x3FA8]  }
0x2e: {  	s3 =	simm.s32 @!p0 $0x1082;
	s9 =	sld [smem:$0x3FA9]  }
0x2f: {  	lr =	sadd.s32 s0, s3;
	s0 =	sld [smem:$0x3FA0]  }
0x30: {  	s3 =	sld [smem:$0x3FA3]  }
0x31: {  	[smem:$0x3FAC] =	sst s10  }
0x32: {  	s10 =	sld [smem:$0x3FAA];
	_ =	sdelay $0x3  }
0x33: {  	p0 =	seq.s32 s10, $0x1;
	s10 =	sld [smem:$0x3FAC];
	_ =	sdelay $0x3  }
0x34: {  	[smem:$0x3FAC] =	sst s10  }
0x35: {  	s10 =	sld [smem:$0x3FAB];
	_ =	sdelay $0x3  }
0x36: {  	p1 =	seq.s32 s10, $0x1;
	s10 =	sld [smem:$0x3FAC];
	_ =	sdelay $0x3  }
0x37: {  	[smem:$0x3FAC] =	sst s10  }
0x38: {  	s10 =	sld [smem:$0x3FAD]  }
0x39: {  	_ = 	snop;
	(pc) =	sbr.ind lr, $3  }
0x3a: {  	_ = 	snop  }
0x3b: {  	_ = 	snop  }
0x3c: {  	p2 =	seq.s32 s10, $0x1;
	s10 =	sld [smem:$0x3FAC]  }
0x3d: {  	_ =	shalt  }
0x3e: {  	_ =	shalt  }
0x3f: {  	_ =	shalt  }
0x40: {  	_ =	shalt  }
0x41: {  	_ =	shalt  }
0x42: {  	_ =	shalt  }
0x43: {  	_ =	shalt  }
0x44: {  	_ =	shalt  }
0x45: {  	_ =	shalt  }
0x46: {  	_ =	shalt  }
0x47: {  	_ =	shalt  }
0x48: {  	_ =	shalt  }
0x49: {  	_ =	shalt  }
0x4a: {  	_ =	shalt  }
0x4b: {  	_ =	shalt  }
0x4c: {  	_ =	shalt  }
0x4d: {  	_ =	shalt  }
0x4e: {  	_ =	shalt  }
0x4f: {  	_ =	shalt  }
0x50: {  	_ =	shalt  }
0x51: {  	_ =	shalt  }
0x52: {  	_ =	shalt  }
0x53: {  	_ =	shalt  }
0x54: {  	_ =	shalt  }
0x55: {  	_ =	shalt  }
0x56: {  	_ =	shalt  }
0x57: {  	_ =	shalt  }
0x58: {  	_ =	shalt  }
0x59: {  	_ =	shalt  }
0x5a: {  	_ =	shalt  }
0x5b: {  	_ =	shalt  }
0x5c: {  	_ =	shalt  }
0x5d: {  	_ =	shalt  }
0x5e: {  	_ =	shalt  }
0x5f: {  	_ =	shalt  }
0x60: {  	_ =	shalt  }
0x61: {  	_ =	shalt  }
0x62: {  	_ =	shalt  }
0x63: {  	_ =	shalt  }
0x64: {  	_ =	shalt  }
0x65: {  	_ =	shalt  }
0x66: {  	_ =	shalt  }
0x67: {  	_ =	shalt  }
0x68: {  	_ =	shalt  }
0x69: {  	_ =	shalt  }
0x6a: {  	_ =	shalt  }
0x6b: {  	_ =	shalt  }
0x6c: {  	_ =	shalt  }
0x6d: {  	_ =	shalt  }
0x6e: {  	_ =	shalt  }
0x6f: {  	_ =	shalt  }
0x70: {  	_ =	shalt  }
0x71: {  	_ =	shalt  }
0x72: {  	_ =	shalt  }
0x73: {  	_ =	shalt  }
0x74: {  	_ =	shalt  }
0x75: {  	_ =	shalt  }
0x76: {  	_ =	shalt  }
0x77: {  	_ =	shalt  }
0x78: {  	_ =	shalt  }
0x79: {  	_ =	shalt  }
0x7a: {  	_ =	shalt  }
0x7b: {  	_ =	shalt  }
0x7c: {  	_ =	shalt  }
0x7d: {  	_ =	shalt  }
0x7e: {  	_ =	shalt  }
0x7f: {  	_ =	shalt  }
0x80: {  	_ =	shalt  }
0x81: {  	_ =	shalt  }
0x82: {  	_ =	shalt  }
0x83: {  	_ =	shalt  }
0x84: {  	_ =	shalt  }
0x85: {  	_ =	shalt  }
0x86: {  	_ =	shalt  }
0x87: {  	_ =	shalt  }
.Lfunc_end0:
.L_simem_size_0:
called_computation_lowered:
.L_overlay_start_0:
0x88: {  	s2 =	sld [smem:$0x3FD9]  }
0x89: {  	s3 =	sld [smem:$0x3FFE];
	_ =	sdelay $0x1  }
0x8a: {  	s1 =	srdreg.scid  }
0x8b: {  	s0 =	sand.u32 $0x1, s1  }
0x8c: {  	s16 =	sshll.u32 s0, $0xA;
	s2 =	sadd.s32 s3, s2  }
0x8d: {  	s2 =	sadd.s32 s2, s16  }
0x8e: {  	[smem:$0x3FB8] =	sst s2  }
0x8f: {  	_ = 	snop  }
0x90: {  	(tm) =	ssettm $0x1  }
0x91: {  	s17 =	sld [smem:$0x3FFB];
	_ =	sdelay $0x3  }
0x92: {  	_ =	strace s17  }
0x93: {  	s2 =	sld [smem:$0x3FFC];
	_ =	sdelay $0x3  }
0x94: {  	_ =	strace s2  }
0x95: {  	s2 =	sld [smem:$0x3FFD];
	_ =	sdelay $0x3  }
0x96: {  	_ =	strace s2  }
0x97: {  	_ =	strace $0x8FFFFFFF  }
0x98: {  	s18 =	sld [smem:$0x3FDB];
	_ =	sdelay $0x1  }
0x99: {  	s19 =	simm.s32 $_scs_section_size  }
0x9a: {  	s4 =	simm.s32 $_size__tile_overlayer_lowered;
	s5 =	simm.s32 $_tile_overlayer_lowered  }
0x9b: {  	s22 =	simm.s32 $0x1BFF;
	s21 =	sshll.u32 s5, $0x1;
	s2 =	sadd.s32 s19, s18  }
0x9c: {  	s6 =	simm.s32 $0x0;
	s20 =	sshll.u32 s4, $0x1;
	s4 =	sadd.s32 s21, s2  }
0x9d: {  	[timem:s6], [sflag:s22] =	dma.local [hbm:s4], s20  }
0x9e: {  	_ =	swait.ge [sflag:s22], s20  }
0x9f: {  	s3 =	ssub.s32 $0x0, s20;
	[sflag:s22] =	ssyncset.done $0x0  }
0xa0: {  	[sflag:s22] =	ssyncadd.s32 s3;
	_ =	sdelay $0x1  }
0xa1: {  	s23 =	simm.s32 $0x1B8B  }
0xa2: {  	_ =	swait.ge [sflag:s23], $0x1  }
0xa3: {  	[sflag:s23] =	ssyncset.done $0x0  }
0xa4: {  	s25 =	simm.s32 $0x1B8E;
	s24 =	sld [smem:$0x3FFE];
	[sflag:s23] =	ssyncadd.s32 $0xFFFFFFFF  }
0xa5: {  	s26 =	simm.s32 $execute0_lowered;
	[smem:$0x3FD2] =	sst s25  }
0xa6: {  	s4 =	sshll.u32 s26, $0x1;
	_ =	strace $0x80000046;
	[dreg:$0x1] =	wrdreg $0xFFFFFFFF  }
0xa7: {  	s28 =	simm.s32 $_size_execute0_lowered;
	s2 =	sadd.s32 s2, s4;
	[dreg:$0x0] =	wrdreg $0x0  }
0xa8: {  	s4 =	sshll.u32 s28, $0x1;
	[dreg:$0x2] =	wrdreg s2  }
0xa9: {  	[dreg:$0x3] =	wrdreg s4  }
0xaa: {  	[dreg:$0x4] =	wrdreg $0xC0  }
0xab: {  	_ =	task [dreg:s6], $0x5FFFF  }
0xac: {  	[dreg:$0x1] =	wrdreg $0xFFFFFFFF  }
0xad: {  	[dreg:$0x0] =	wrdreg $0x60  }
0xae: {  	[dreg:$0x2] =	wrdreg s24  }
0xaf: {  	[dreg:$0x3] =	wrdreg $0xAC000  }
0xb0: {  	[dreg:$0x4] =	wrdreg $0x9  }
0xb1: {  	_ =	task.clear_ibuf [dreg:s6], $0x5FFFF;
	_ =	strace $0x90000046  }
0xb2: {  	s29 =	simm.s32 $0x9;
	_ =	strace $0x80000048  }
0xb3: {  	_ =	swait.ge [sflag:s29], $0x1  }
0xb4: {  	[sflag:s29] =	ssyncadd.s32 $0xFFFFFFFF  }
0xb5: {  	_ =	strace $0x90000048  }
0xb6: {  	_ =	sfence  }
0xb7: {  	s30 =	sld [smem:$0x0];
	_ =	sdelay $0x2  }
0xb8: {  	s31 =	sshll.u32 s1, $0xD;
	s1 =	sshrl.u32 s1, $0x2  }
0xb9: {  	s3 =	sand.u32 $0x4000, s31;
	s1 =	sadd.s32 s1, s30  }
0xba: {  	s0 =	sor.u32 s3, s0;
	s1 =	sshll.u32 s1, $0x11  }
0xbb: {  	s0 =	sor.u32 s1, s0  }
0xbc: {  	s0 =	sadd.s32 $0x8F2B, s0  }
0xbd: {  	[sflag:s0] =	ssyncadd.remote.s32 $0x1  }
0xbe: {  	_ =	sfence.sel $0xFFFF  }
0xbf: {  	[dreg:$0x0] =	wrdreg $0xFFFFFFFF;
	(pc) =	sbr.abs _section_cstart, $3  }
0xc0: {  	[dreg:$0x1] =	wrdreg $0xFFFFFFFF  }
0xc1: {  	_ =	task.clear_ibuf [dreg:s6], $0x2FFFF;
	_ =	strace $0x9FFFFFFF  }
0xc2: {  	(tm) =	ssettm $0x7FFFFFFF  }
0xc3: {  	_ =	shalt  }
tec
execute0_lowered:
.L_overlay_start_1:
0x0: {  	(tag) =	ssettag $0x1  }
0x1: {  	s0 =	rddreg [dreg:$0x0]  }
0x2: {  	s23 =	rddreg [dreg:$0x1]  }
0x3: {  	s9 =	simm.s32 $0x0;
	s1 =	srdreg.scid;
	s8 =	stileid.u32  }
0x4: {  	[smem:$0x7FF] =	sst s9;
	s19 =	sadd.s32 $0x2BC00, s0;
	s2 =	smul.u32 $0x4E200, s8  }
0x5: {  	s1 =	sand.u32 $0x1, s1;
	s3 =	sadd.s32 $0x3C00, s0;
	s15 =	smul.u32 $0x13800, s8  }
0x6: {  	s0 =	sadd.s32 $0x52E00, s0;
	s21 =	smul.u32 $0x5000, s8;
	_ =	strace $0x80000047  }
0x7: {  	s4 =	sshll.u32 s1, $0x4;
	s5 =	ssub.s32 $0x2, s1;
	s12 =	smul.u32 $0x138800, s1  }
0x8: {  	s1 =	smul.u32 $0x50000, s1;
	s4 =	sor.u32 s8, s4;
	s2 =	sshrl.u32 s2, $0x2  }
0x9: {  	s6 =	sshrl.u32 s5, $0x1;
	s10 =	sadd.s32 s2, s23;
	s30 =	smul.u32 $0x5000, s4  }
0xa: {  	s31 =	ssub.s32 s5, s6;
	s11 =	sadd.s32 $0x3200, s10;
	[dreg:$0x10] =	wrdreg s10  }
0xb: {  	s6 =	sadd.s32 s15, s12;
	s13 =	sadd.s32 $0x6400, s10;
	[dreg:$0x11] =	wrdreg s11  }
0xc: {  	s1 =	sadd.s32 s21, s1;
	s14 =	sadd.s32 $0x9600, s10;
	[dreg:$0x12] =	wrdreg s13  }
0xd: {  	s5 =	sshrl.u32 s12, $0x3;
	s7 =	sadd.s32 $0xC800, s10;
	[dreg:$0x13] =	wrdreg s14  }
0xe: {  	s18 =	sadd.s32 $0x12C00, s10;
	s6 =	sshrl.u32 s6, $0x3;
	[dreg:$0x14] =	wrdreg s7  }
0xf: {  	s26 =	sadd.s32 $0xA0800, s1;
	s31 =	smax.u32 s31, $0x1;
	[dreg:$0x17] =	wrdreg s18  }
0x10: {  	s1 =	sor.u32 $0x800, s1;
	s11 =	sadd.s32 $0xFA00, s10;
	[dreg:$0x1d] =	wrdreg s31  }
0x11: {  	s2 =	sshrl.u32 s30, $0x3;
	s25 =	sadd.s32 s0, s6;
	[dreg:$0x15] =	wrdreg s11  }
0x12: {  	s0 =	sadd.s32 s0, s5;
	s17 =	sadd.s32 s3, s2;
	[dreg:$0x1b] =	wrdreg s25  }
0x13: {  	s6 =	sshrl.u32 s26, $0x3;
	s0 =	sadd.s32 $0x24900, s0;
	[dreg:$0x16] =	wrdreg s17  }
0x14: {  	s1 =	sshrl.u32 s1, $0x3;
	s28 =	sadd.s32 s6, s3;
	[dreg:$0x1c] =	wrdreg s0  }
0x15: {  	s16 =	smul.u32 $0x4E000, s8;
	s30 =	sadd.s32 s1, s3;
	[dreg:$0x4] =	wrdreg s28  }
0x16: {  	p0 =	seq.s32 s8, $0xF;
	s20 =	sadd.s32 $0x14000, s17;
	[dreg:$0x3] =	wrdreg s30  }
0x17: {  	s7 =	sshrl.u32 s16, $0x2;
	s22 =	sadd.s32 $0x80, s17;
	[dreg:$0x18] =	wrdreg s20  }
0x18: {  	s1 =	sadd.s32 $0x124800, s23;
	s24 =	sadd.s32 $0x14080, s17;
	[dreg:$0x19] =	wrdreg s22  }
0x19: {  	s2 =	sadd.s32 s7, s23;
	s0 =	sshrl.u32 @p0 s1, $0x3;
	[dreg:$0x1a] =	wrdreg s24  }
0x1a: {  	s29 =	simm.s32 $0x1;
	[dreg:$0x1e] =	wrdreg s0;
	s0 =	sshrl.u32 @!p0 s2, $0x3  }
0x1b: {  	v0 =	vimm.f32 $0.0e+00;
	s21 =	simm.s32 $0x64;
	s26 =	simm.s32 $0x3;
	[dreg:$0x1f] =	wrdreg s0  }
.LBB2_1:
0x1c: {  	[dreg:$0xf] =	wrdreg s9;
	s0 =	simm.s32 $0x0;
	s1 =	simm.s32 $0x200  }
.LBB2_2:
0x1d: {  	p1 =	sne.s32 s1, $0xC600;
	[tilespmem:s0+$0x1070] =	vst v0  }
0x1e: {  	[tilespmem:s0+$0x1000] =	vst v0  }
0x1f: {  	[tilespmem:s0+$0x1010] =	vst v0  }
.Ltmp0:
0x20: {  	[tilespmem:s0+$0x1020] =	vst v0;
	(pc) =	sbr.rel @p1 .LBB2_2-.Ltmp0, $4  }
0x21: {  	[tilespmem:s0+$0x1030] =	vst v0  }
0x22: {  	[tilespmem:s0+$0x1040] =	vst v0  }
0x23: {  	[tilespmem:s0+$0x1050] =	vst v0  }
0x24: {  	[tilespmem:s0+$0x1060] =	vst v0;
	s0 =	sshra.s32 s1, $0x2;
	s1 =	sadd.s32 $0x200, s1  }
0x25: {  	[tilespmem:s0+$0x1070] =	vst v0  }
0x26: {  	[tilespmem:s0+$0x1000] =	vst v0  }
0x27: {  	[tilespmem:s0+$0x1010] =	vst v0  }
0x28: {  	[tilespmem:s0+$0x1020] =	vst v0  }
0x29: {  	[tilespmem:s0+$0x1030] =	vst v0  }
0x2a: {  	[tilespmem:s0+$0x1040] =	vst v0  }
0x2b: {  	[tilespmem:s0+$0x1050] =	vst v0  }
0x2c: {  	[tilespmem:s0+$0x1060] =	vst v0;
	s25 =	rddreg [dreg:$0x10];
	s1 =	simm.s32 $0x1000  }
0x2d: {  	[spmem:s25] =	stream.linear.scatter [tilespmem:s1], [sflag:$0x3], $0x3200, $0x38;
	[tilespmem:$0x1E480] =	vst v63  }
0x2e: {  	_ =	swait.ge [sflag:s26], $0x3200  }
0x2f: {  	[sflag:s26] =	ssyncset.done $0x0  }
0x30: {  	s2 =	rddreg [dreg:$0x11];
	[sflag:s26] =	ssyncadd.s32 $0xFFFFCE00  }
0x31: {  	[spmem:s2] =	stream.linear.scatter [tilespmem:s1], [sflag:$0x3], $0x3200, $0x38;
	[tilespmem:$0x1E480] =	vst v63  }
0x32: {  	_ =	swait.ge [sflag:s26], $0x3200  }
0x33: {  	[sflag:s26] =	ssyncset.done $0x0  }
0x34: {  	s3 =	rddreg [dreg:$0x12];
	[sflag:s26] =	ssyncadd.s32 $0xFFFFCE00  }
0x35: {  	[spmem:s3] =	stream.linear.scatter [tilespmem:s1], [sflag:$0x3], $0x3200, $0x38;
	[tilespmem:$0x1E480] =	vst v63  }
0x36: {  	_ =	swait.ge [sflag:s26], $0x3200  }
0x37: {  	[sflag:s26] =	ssyncset.done $0x0  }
0x38: {  	s4 =	rddreg [dreg:$0x13];
	[sflag:s26] =	ssyncadd.s32 $0xFFFFCE00  }
0x39: {  	[spmem:s4] =	stream.linear.scatter [tilespmem:s1], [sflag:$0x3], $0x3200, $0x38;
	[tilespmem:$0x1E480] =	vst v63  }
0x3a: {  	_ =	swait.ge [sflag:s26], $0x3200  }
0x3b: {  	[sflag:s26] =	ssyncset.done $0x0  }
0x3c: {  	s5 =	rddreg [dreg:$0x14];
	[sflag:s26] =	ssyncadd.s32 $0xFFFFCE00  }
0x3d: {  	[spmem:s5] =	stream.linear.scatter [tilespmem:s1], [sflag:$0x3], $0x3200, $0x38;
	[tilespmem:$0x1E480] =	vst v63  }
0x3e: {  	_ =	swait.ge [sflag:s26], $0x3200  }
0x3f: {  	[sflag:s26] =	ssyncset.done $0x0  }
0x40: {  	s6 =	rddreg [dreg:$0x15];
	[sflag:s26] =	ssyncadd.s32 $0xFFFFCE00  }
0x41: {  	[spmem:s6] =	stream.linear.scatter [tilespmem:s1], [sflag:$0x3], $0x3200, $0x38;
	[tilespmem:$0x1E480] =	vst v63  }
0x42: {  	_ =	swait.ge [sflag:s26], $0x3200  }
0x43: {  	[sflag:s26] =	ssyncset.done $0x0  }
0x44: {  	s7 =	rddreg [dreg:$0x17];
	[sflag:s26] =	ssyncadd.s32 $0xFFFFCE00  }
0x45: {  	[spmem:s7] =	stream.linear.scatter [tilespmem:s1], [sflag:$0x3], $0xC80, $0x38;
	[tilespmem:$0x1E480] =	vst v63  }
0x46: {  	_ =	swait.ge [sflag:s26], $0xC80  }
0x47: {  	s30 =	simm.s32 $0x0;
	s11 =	simm.s32 $0x400;
	[sflag:s26] =	ssyncset.done $0x0  }
0x48: {  	s13 =	simm.s32 $0xC00;
	s14 =	simm.s32 $0x80;
	[sflag:s26] =	ssyncadd.s32 $0xFFFFF380  }
0x49: {  	s15 =	simm.s32 $0x4400;
	p2 =	por $0x1, $0x1;
	[bflag:$0x0] =	sbarrier.arrive $0xFFFF  }
0x4a: {  	p1 =	por $0x0, $0x0;
	s28 =	simm.s32 $0x100;
	s8 =	rddreg [dreg:$0x16]  }
0x4b: {  	[tilespmem:s30], [sflag:$0x3] =	stream.linear.gather [hbm4b:s8+s30], $0x280, $0x38;
	[tilespmem:$0x1E480] =	vst v63  }
0x4c: {  	p4 =	por $0x0, $0x0;
	p3 =	por @!p2 $0x0, $0x0;
	_ =	swait.ge [sflag:s26], $0x280  }
0x4d: {  	p5 =	por @!p4 $0x0, $0x0;
	p3 =	por p3, p2;
	[sflag:s26] =	ssyncset.done $0x0  }
0x4e: {  	s2 =	simm.s32 $0x800;
	s9 =	rddreg [dreg:$0x18];
	[sflag:s26] =	ssyncadd.s32 $0xFFFFFD80  }
0x4f: {  	[tilespmem:s2], [sflag:$0x3] =	stream.linear.gather [hbm4b:s9+s30], $0x280, $0x38;
	[tilespmem:$0x1E480] =	vst v63  }
0x50: {  	p2 =	por p1, p1;
	s2 =	smul.u32 $0x5, s30;
	_ =	swait.ge [sflag:s26], $0x280  }
0x51: {  	s3 =	sand.u32 $0x1000, s30;
	[sflag:s26] =	ssyncset.done $0x0;
	s10 =	rddreg [dreg:$0x19]  }
0x52: {  	s16 =	sadd.s32 $0x4, s2;
	s4 =	sadd.s32 @!p1 $0x5, s2;
	s9 =	sand.u32 $0xFF, s2  }
0x53: {  	[sflag:s26] =	ssyncadd.s32 $0xFFFFFD80;
	s17 =	sand.u32 $0xFF, s16;
	s9 =	smul.u32 $0xAB, s9  }
0x54: {  	[tilespmem:s11], [sflag:$0x3] =	stream.linear.gather [hbm4b:s10+s30], $0x280, $0x38;
	[tilespmem:$0x1E480] =	vst v63  }
0x55: {  	s5 =	sadd.s32 $0x2, s2;
	s7 =	sand.u32 @!p1 $0xFF, s4;
	s6 =	smul.u32 $0xAB, s17  }
0x56: {  	s8 =	sand.u32 $0xFF, s5;
	s7 =	smul.u32 @!p1 $0xAB, s7;
	s10 =	sadd.s32 $0x1, s2  }
0x57: {  	s0 =	sshrl.u32 s3, $0x2;
	s8 =	smul.u32 $0xAB, s8;
	s11 =	sand.u32 $0xFF, s10  }
0x58: {  	s3 =	sxor.u32 @!p1 $0x1000, s3;
	s9 =	sshrl.u32 s9, $0x9;
	s11 =	smul.u32 $0xAB, s11  }
0x59: {  	s17 =	sor.u32 $0x180, s0;
	s8 =	sshrl.u32 s8, $0x9;
	s9 =	smul.u32 $0x3, s9  }
0x5a: {  	_ =	swait.ge [sflag:s26], $0x280;
	s7 =	sshrl.u32 @!p1 s7, $0x9;
	s8 =	smul.u32 $0x3, s8  }
0x5b: {  	[sflag:s26] =	ssyncset.done $0x0;
	s6 =	sshrl.u32 s6, $0x9;
	s7 =	smul.u32 @!p1 $0x3, s7  }
0x5c: {  	s12 =	rddreg [dreg:$0x1a];
	[sflag:s26] =	ssyncadd.s32 $0xFFFFFD80;
	s6 =	smul.u32 $0x3, s6  }
0x5d: {  	[tilespmem:s13], [sflag:$0x3] =	stream.linear.gather [hbm4b:s12+s30], $0x280, $0x38;
	[tilespmem:$0x1E480] =	vst v63  }
0x5e: {  	s12 =	sadd.s32 $0x3, s2;
	s11 =	sshrl.u32 s11, $0x9;
	s9 =	ssub.s32 s2, s9  }
0x5f: {  	_ =	swait.ge [sflag:s26], $0x280;
	s13 =	sand.u32 $0xFF, s12;
	s5 =	ssub.s32 s5, s8  }
0x60: {  	s11 =	smul.u32 $0x3, s11;
	s9 =	sand.u32 $0xFF, s9;
	s4 =	ssub.s32 @!p1 s4, s7  }
0x61: {  	[sflag:s26] =	ssyncset.done $0x0;
	s18 =	smul.u32 $0xAB, s13;
	s5 =	sand.u32 $0xFF, s5  }
0x62: {  	s13 =	sshrl.u32 @!p1 s3, $0x2;
	s3 =	sadd.s32 @!p1 $0x6, s2;
	s20 =	smul.u32 $0xD000, s9  }
0x63: {  	s4 =	sand.u32 @!p1 $0xFF, s4;
	[sflag:s26] =	ssyncadd.s32 $0xFFFFFD80;
	s5 =	smul.u32 $0xD000, s5  }
0x64: {  	s10 =	ssub.s32 s10, s11;
	s9 =	sand.u32 @!p1 $0xFF, s3;
	s4 =	smul.u32 @!p2 $0xD000, s4  }
0x65: {  	[tilespmem:s1], [sflag:$0x1] =	stream.indirect.gather [hbm4b:s19+s21], $0x80, s30, s21, $0xb8;
	[tilespmem:$0x1E480] =	vst v63  }
0x66: {  	s8 =	sshrl.u32 s18, $0x9;
	s22 =	sshrl.u32 s20, $0x2;
	s10 =	sand.u32 $0xFF, s10  }
0x67: {  	s1 =	ssub.s32 s16, s6;
	s8 =	smul.u32 $0x3, s8;
	s5 =	sshrl.u32 s5, $0x2  }
0x68: {  	s10 =	smul.u32 $0xD000, s10;
	s4 =	sshrl.u32 @!p2 s4, $0x2;
	s1 =	sand.u32 $0xFF, s1  }
0x69: {  	[tilespmem:s15], [sflag:$0x1] =	stream.indirect.gather [hbm4b:s19+s21], $0x80, s14, s21, $0xb8;
	[tilespmem:$0x1E480] =	vst v63  }
0x6a: {  	s24 =	ssub.s32 s12, s8;
	s8 =	smul.u32 @!p1 $0xAB, s9;
	s9 =	simm.s32 @!p3 $0x2  }
0x6b: {  	s14 =	simm.s32 $0x80;
	s2 =	sand.u32 $0xFF, s24;
	_ =	swait.ge @!p3 [sflag:s9], $0x280  }
0x6c: {  	[dreg:$0x5] =	wrdreg s13;
	s25 =	smul.u32 $0xD000, s2;
	s2 =	sshrl.u32 @!p1 s8, $0x9  }
0x6d: {  	[sflag:s9] =	ssyncset.done @!p3 $0x0;
	s7 =	smul.u32 @!p1 $0x3, s2;
	s2 =	sadd.s32 @!p1 $0x80, s13  }
0x6e: {  	s1 =	smul.u32 $0xD000, s1;
	[sflag:s9] =	ssyncadd.s32 @!p3 $0xFFFFFD80;
	[dreg:$0x7] =	wrdreg s2  }
0x6f: {  	s15 =	sadd.s32 $0x1000, s22;
	s22 =	sor.u32 $0x200, s0;
	_ =	swait.ge @!p3 [sflag:s9], $0x280  }
0x70: {  	s11 =	sadd.s32 @!p2 $0x1000, s4;
	s12 =	simm.s32 $0x400;
	[sflag:s9] =	ssyncset.done @!p3 $0x0  }
0x71: {  	s13 =	sor.u32 $0x100, s0;
	s2 =	sadd.s32 $0x1000, s5;
	[sflag:s9] =	ssyncadd.s32 @!p3 $0xFFFFFD80  }
0x72: {  	[tilespmem:s2], [sflag:$0x1] =	stream.indirect.gather [hbm4b:s19+s21], $0x80, s13, s21, $0xb8;
	[tilespmem:$0x1E480] =	vst v63  }
0x73: {  	s3 =	ssub.s32 @!p2 s3, s7;
	s7 =	sand.u32 $0x400, s30;
	_ =	swait.ge [sflag:s29], $0x3200  }
0x74: {  	s18 =	sshrl.u32 s10, $0x2;
	s6 =	sadd.s32 @!p2 $0x980, s7;
	[sflag:s29] =	ssyncset.done $0x0  }
0x75: {  	s13 =	sor.u32 $0x800, s7;
	[dreg:$0x8] =	wrdreg s6;
	[sflag:s29] =	ssyncadd.s32 $0xFFFFCE00  }
0x76: {  	[spmem:s23] =	stream.indirect.scatter.add.f32 [tilespmem:s15], [sflag:$0x3], $0x80, s13, s21, $0xb8;
	[tilespmem:$0x1E480] =	vst v63  }
0x77: {  	s1 =	sshrl.u32 s1, $0x2;
	s20 =	sadd.s32 $0x1000, s18;
	_ =	swait.ge [sflag:s26], $0x3200  }
0x78: {  	s8 =	simm.s32 $0x1000;
	s16 =	sshrl.u32 s25, $0x2;
	[sflag:s26] =	ssyncset.done $0x0  }
0x79: {  	s0 =	simm.s32 $0x1;
	s16 =	sadd.s32 $0x1000, s16;
	[sflag:s26] =	ssyncadd.s32 $0xFFFFCE00  }
0x7a: {  	[tilespmem:s16], [sflag:$0x1] =	stream.indirect.gather [hbm4b:s19+s21], $0x80, s17, s21, $0xb8;
	[tilespmem:$0x1E480] =	vst v63  }
0x7b: {  	p1 =	por $0x0, $0x0;
	s5 =	simm.s32 @!p2 $0x3;
	_ =	swait.ge [sflag:s29], $0x3200  }
0x7c: {  	s3 =	sand.u32 @!p2 $0xFF, s3;
	s24 =	sor.u32 $0x880, s7;
	[sflag:s29] =	ssyncset.done $0x0  }
0x7d: {  	s25 =	sor.u32 $0x900, s7;
	s18 =	sadd.s32 $0xA00, s7;
	[sflag:s29] =	ssyncadd.s32 $0xFFFFCE00  }
0x7e: {  	[spmem:s23] =	stream.indirect.scatter.add.f32 [tilespmem:s20], [sflag:$0x3], $0x80, s24, s21, $0xb8;
	[tilespmem:$0x1E480] =	vst v63  }
0x7f: {  	s3 =	smul.u32 @!p2 $0xD000, s3;
	p3 =	por $0x0, $0x0;
	_ =	swait.ge [sflag:s26], $0x3200  }
0x80: {  	s9 =	smul.u32 $0x5, s0;
	s10 =	simm.s32 @!p3 $0x0;
	[sflag:s26] =	ssyncset.done $0x0  }
0x81: {  	s3 =	sshrl.u32 @!p2 s3, $0x2;
	s17 =	sadd.s32 $0x1000, s1;
	[sflag:s26] =	ssyncadd.s32 $0xFFFFCE00  }
0x82: {  	[tilespmem:s17], [sflag:$0x1] =	stream.indirect.gather [hbm4b:s19+s21], $0x80, s22, s21, $0xb8;
	[tilespmem:$0x1E480] =	vst v63  }
0x83: {  	s31 =	sand.u32 $0xFF, s9;
	s15 =	sadd.s32 @!p2 $0x1000, s3;
	_ =	swait.ge [sflag:s29], $0x3200  }
0x84: {  	s3 =	sand.u32 $0x1000, s8;
	s1 =	simm.s32 @!p2 $0x1;
	[sflag:s29] =	ssyncset.done $0x0  }
0x85: {  	s24 =	simm.s32 @!p2 $0x64;
	s20 =	simm.s32 @p2 $0x1;
	[sflag:s29] =	ssyncadd.s32 $0xFFFFCE00  }
0x86: {  	[spmem:s23] =	stream.indirect.scatter.add.f32 [tilespmem:s2], [sflag:$0x3], $0x80, s25, s21, $0xb8;
	[tilespmem:$0x1E480] =	vst v63  }
0x87: {  	s22 =	sxor.u32 @!p1 $0x1000, s3;
	s25 =	sshrl.u32 s3, $0x2;
	_ =	swait.ge [sflag:s26], $0x3200  }
.LBB2_4:
0x88: {  	[dreg:$0xe] =	wrdreg s14  }
0x89: {  	[dreg:$0xd] =	wrdreg s13  }
0x8a: {  	[dreg:$0xc] =	wrdreg s10  }
0x8b: {  	[dreg:$0x6] =	wrdreg s12  }
0x8c: {  	s10 =	smov.u32 s30;
	s30 =	sadd.s32 $0x2, s9;
	s3 =	sadd.s32 $0x4, s9  }
0x8d: {  	s21 =	simm.s32 @p2 $0x3;
	s2 =	smov.u32 s28;
	s12 =	smov.u32 s0  }
0x8e: {  	s13 =	simm.s32 @p2 $0x64;
	s4 =	sadd.s32 $0x3, s9;
	s6 =	sadd.s32 $0x1, s9  }
0x8f: {  	[sflag:s26] =	ssyncset.done $0x0;
	s26 =	sadd.s32 @!p1 $0x5, s9;
	s29 =	smov.u32 s19  }
0x90: {  	p4 =	por p5, p4;
	s28 =	sadd.s32 $0x80, s28;
	[dreg:$0xa] =	wrdreg s3  }
0x91: {  	s0 =	sadd.s32 $0x1, s0;
	s8 =	sadd.s32 $0x1000, s8;
	[dreg:$0xb] =	wrdreg s2  }
0x92: {  	[dreg:$0x9] =	wrdreg s12;
	s14 =	sand.u32 $0xFF, s30;
	s3 =	sand.u32 $0xFF, s3  }
0x93: {  	s12 =	simm.s32 $0x3;
	s19 =	sand.u32 @!p1 $0xFF, s26;
	s3 =	smul.u32 $0xAB, s3  }
0x94: {  	s2 =	sadd.s32 @p2 $0x980, s7;
	[sflag:s12] =	ssyncadd.s32 $0xFFFFCE00;
	s19 =	smul.u32 @!p1 $0xAB, s19  }
0x95: {  	s12 =	sand.u32 $0xFF, s6;
	s14 =	smul.u32 $0xAB, s14;
	_ =	swait.ge @p2 [sflag:s20], $0x3200  }
0x96: {  	p6 =	sne.s32 s28, $0xA00;
	s12 =	smul.u32 $0xAB, s12;
	[sflag:s20] =	ssyncset.done @p2 $0x0  }
0x97: {  	s3 =	sshrl.u32 s3, $0x9;
	s14 =	sshrl.u32 s14, $0x9;
	[sflag:s20] =	ssyncadd.s32 @p2 $0xFFFFCE00  }
0x98: {  	s12 =	sshrl.u32 s12, $0x9;
	s20 =	sshrl.u32 @!p1 s19, $0x9;
	s3 =	smul.u32 $0x3, s3  }
0x99: {  	[spmem:s23] =	stream.indirect.scatter.add.f32 @p2 [tilespmem:s16], [sflag:$0x3], $0x80, s2, s13, $0xb8;
	[tilespmem:$0x1E480] =	vst v63  }
0x9a: {  	s19 =	smov.u32 s29;
	s29 =	simm.s32 $0x1;
	s13 =	smul.u32 $0xAB, s31  }
0x9b: {  	s12 =	smul.u32 $0x3, s12;
	s31 =	sshrl.u32 @!p1 s22, $0x2;
	_ =	swait.ge @p2 [sflag:s21], $0x3200  }
0x9c: {  	s22 =	sand.u32 $0xFF, s4;
	[sflag:s21] =	ssyncset.done @p2 $0x0;
	s2 =	sshrl.u32 s13, $0x9  }
0x9d: {  	s13 =	rddreg [dreg:$0x5];
	s6 =	ssub.s32 s6, s12;
	s12 =	smul.u32 $0xAB, s22  }
0x9e: {  	[sflag:s21] =	ssyncadd.s32 @p2 $0xFFFFCE00;
	s21 =	simm.s32 $0x64;
	s2 =	smul.u32 $0x3, s2  }
0x9f: {  	[tilespmem:s11], [sflag:$0x1] =	stream.indirect.gather @!p2 [hbm4b:s19+s24], $0x80, s13, s24, $0xb8;
	[tilespmem:$0x1E480] =	vst v63  }
0xa0: {  	s6 =	sand.u32 $0xFF, s6;
	s11 =	smul.u32 $0x3, s14;
	_ =	swait.ge @!p2 [sflag:s1], $0x3200  }
0xa1: {  	s13 =	sshrl.u32 s12, $0x9;
	s2 =	ssub.s32 s9, s2;
	[sflag:s1] =	ssyncset.done @!p2 $0x0  }
0xa2: {  	s11 =	ssub.s32 s30, s11;
	[sflag:s1] =	ssyncadd.s32 @!p2 $0xFFFFCE00;
	s1 =	rddreg [dreg:$0x8]  }
0xa3: {  	[spmem:s23] =	stream.indirect.scatter.add.f32 @!p2 [tilespmem:s16], [sflag:$0x3], $0x80, s1, s24, $0xb8;
	[tilespmem:$0x1E480] =	vst v63  }
0xa4: {  	s2 =	sand.u32 $0xFF, s2;
	s11 =	sand.u32 $0xFF, s11;
	_ =	swait.ge @!p2 [sflag:s5], $0x3200  }
0xa5: {  	s2 =	smul.u32 $0xD000, s2;
	s1 =	sadd.s32 @!p1 $0x6, s9;
	[sflag:s5] =	ssyncset.done @!p2 $0x0  }
0xa6: {  	s14 =	smul.u32 $0xD000, s11;
	[sflag:s5] =	ssyncadd.s32 @!p2 $0xFFFFCE00;
	s5 =	rddreg [dreg:$0x7]  }
0xa7: {  	[tilespmem:s15], [sflag:$0x1] =	stream.indirect.gather @!p2 [hbm4b:s19+s24], $0x80, s5, s24, $0xb8;
	[tilespmem:$0x1E480] =	vst v63  }
0xa8: {  	s9 =	simm.s32 @!p4 $0x2;
	s15 =	smul.u32 $0x3, s13;
	_ =	swait.ge [sflag:s29], $0x3200  }
0xa9: {  	s11 =	sshrl.u32 s14, $0x2;
	s5 =	sshrl.u32 s2, $0x2;
	[sflag:s29] =	ssyncset.done $0x0  }
0xaa: {  	p2 =	por p1, p1;
	s16 =	ssub.s32 s4, s15;
	[sflag:s29] =	ssyncadd.s32 $0xFFFFCE00  }
0xab: {  	[spmem:s23] =	stream.indirect.scatter.add.f32 [tilespmem:s17], [sflag:$0x3], $0x80, s18, s21, $0xb8;
	[tilespmem:$0x1E480] =	vst v63  }
0xac: {  	s4 =	sand.u32 @!p1 $0xFF, s1;
	s15 =	sadd.s32 @!p1 $0x80, s31;
	s17 =	simm.s32 $0x3  }
0xad: {  	s13 =	smul.u32 @!p1 $0xAB, s4;
	_ =	swait.ge [sflag:s17], $0x3200;
	[dreg:$0x5] =	wrdreg s31  }
0xae: {  	s5 =	sadd.s32 $0x1000, s5;
	s4 =	smul.u32 @!p1 $0x3, s20;
	[dreg:$0x7] =	wrdreg s15  }
0xaf: {  	s2 =	sand.u32 $0xFF, s16;
	s18 =	simm.s32 $0x3;
	s12 =	rddreg [dreg:$0x3]  }
0xb0: {  	s2 =	smul.u32 $0xD000, s2;
	s15 =	ssub.s32 @!p1 s26, s4;
	s14 =	rddreg [dreg:$0x4]  }
0xb1: {  	s26 =	simm.s32 $0x3;
	s4 =	smul.u32 $0xD000, s6;
	s20 =	rddreg [dreg:$0x6]  }
0xb2: {  	s6 =	sshrl.u32 @!p1 s13, $0x9;
	s17 =	sor.u32 $0x100, s25;
	s22 =	rddreg [dreg:$0xe]  }
0xb3: {  	[sflag:s18] =	ssyncset.done $0x0;
	s24 =	rddreg [dreg:$0xb];
	s6 =	smul.u32 @!p1 $0x3, s6  }
0xb4: {  	s2 =	sshrl.u32 s2, $0x2;
	s18 =	sor.u32 $0x180, s25;
	s12 =	sadd.s32 @!p3 s10, s12  }
0xb5: {  	[sflag:s26] =	ssyncadd.s32 $0xFFFFCE00;
	s13 =	sadd.s32 @!p3 s10, s14;
	s10 =	rddreg [dreg:$0xc]  }
0xb6: {  	[tilespmem:s7], [sflag:$0x2] =	stream.linear.gather @!p3 [hbm4b:s12+s10], $0x280, $0x38;
	[tilespmem:$0x1E480] =	vst v63  }
0xb7: {  	s30 =	smov.u32 s22;
	s14 =	smov.u32 s24;
	s7 =	rddreg [dreg:$0xd]  }
0xb8: {  	[tilespmem:s7], [sflag:$0x2] =	stream.linear.gather @!p3 [hbm4b:s13+s10], $0x280, $0x38;
	[tilespmem:$0x1E480] =	vst v63  }
0xb9: {  	s4 =	sshrl.u32 s4, $0x2;
	s22 =	sor.u32 $0x200, s25;
	_ =	swait.ge @!p4 [sflag:s9], $0x280  }
0xba: {  	s24 =	simm.s32 @!p2 $0x64;
	s1 =	ssub.s32 @!p2 s1, s6;
	[sflag:s9] =	ssyncset.done @!p4 $0x0  }
0xbb: {  	s12 =	sadd.s32 $0x400, s20;
	s1 =	sand.u32 @!p2 $0xFF, s1;
	[sflag:s9] =	ssyncadd.s32 @!p4 $0xFFFFFD80  }
0xbc: {  	s7 =	sand.u32 @!p1 $0xFF, s15;
	s1 =	smul.u32 @!p2 $0xD000, s1;
	_ =	swait.ge @!p4 [sflag:s9], $0x280  }
0xbd: {  	s7 =	smul.u32 @!p2 $0xD000, s7;
	s16 =	rddreg [dreg:$0xa];
	[sflag:s9] =	ssyncset.done @!p4 $0x0  }
0xbe: {  	s6 =	ssub.s32 s16, s3;
	s3 =	sadd.s32 $0x1000, s11;
	[sflag:s9] =	ssyncadd.s32 @!p4 $0xFFFFFD80  }
0xbf: {  	[tilespmem:s3], [sflag:$0x1] =	stream.indirect.gather [hbm4b:s19+s21], $0x80, s17, s21, $0xb8;
	[tilespmem:$0x1E480] =	vst v63  }
0xc0: {  	s10 =	sshrl.u32 @!p2 s7, $0x2;
	s7 =	sand.u32 $0x400, s20;
	_ =	swait.ge [sflag:s29], $0x3200  }
0xc1: {  	s1 =	sshrl.u32 @!p2 s1, $0x2;
	s9 =	sadd.s32 @!p2 $0x980, s7;
	[sflag:s29] =	ssyncset.done $0x0  }
0xc2: {  	s13 =	sor.u32 $0x800, s7;
	[dreg:$0x8] =	wrdreg s9;
	[sflag:s29] =	ssyncadd.s32 $0xFFFFCE00  }
0xc3: {  	[spmem:s23] =	stream.indirect.scatter.add.f32 [tilespmem:s5], [sflag:$0x3], $0x80, s13, s21, $0xb8;
	[tilespmem:$0x1E480] =	vst v63  }
0xc4: {  	p1 =	seq.s32 s14, $0x980;
	s15 =	sadd.s32 @!p2 $0x1000, s1;
	_ =	swait.ge [sflag:s26], $0x3200  }
0xc5: {  	s20 =	sadd.s32 $0x1000, s4;
	s1 =	simm.s32 @!p2 $0x1;
	[sflag:s26] =	ssyncset.done $0x0  }
0xc6: {  	s25 =	sor.u32 $0x880, s7;
	s16 =	sadd.s32 $0x1000, s2;
	[sflag:s26] =	ssyncadd.s32 $0xFFFFCE00  }
0xc7: {  	[tilespmem:s16], [sflag:$0x1] =	stream.indirect.gather [hbm4b:s19+s21], $0x80, s18, s21, $0xb8;
	[tilespmem:$0x1E480] =	vst v63  }
0xc8: {  	s11 =	sadd.s32 @!p2 $0x1000, s10;
	s6 =	sand.u32 $0xFF, s6;
	_ =	swait.ge [sflag:s29], $0x3200  }
0xc9: {  	p4 =	seq.s32 s0, $0x0;
	s6 =	smul.u32 $0xD000, s6;
	[sflag:s29] =	ssyncset.done $0x0  }
0xca: {  	s2 =	sand.u32 $0x1000, s8;
	s9 =	smul.u32 $0x5, s0;
	[sflag:s29] =	ssyncadd.s32 $0xFFFFCE00  }
0xcb: {  	[spmem:s23] =	stream.indirect.scatter.add.f32 [tilespmem:s20], [sflag:$0x3], $0x80, s25, s21, $0xb8;
	[tilespmem:$0x1E480] =	vst v63  }
0xcc: {  	p5 =	seq.s32 @!p4 s0, $0x13;
	s6 =	sshrl.u32 s6, $0x2;
	_ =	swait.ge [sflag:s26], $0x3200  }
0xcd: {  	s31 =	sand.u32 $0xFF, s9;
	s17 =	sadd.s32 $0x1000, s6;
	[sflag:s26] =	ssyncset.done $0x0  }
0xce: {  	s6 =	sor.u32 $0x900, s7;
	s18 =	sadd.s32 $0xA00, s7;
	[sflag:s26] =	ssyncadd.s32 $0xFFFFCE00  }
0xcf: {  	[tilespmem:s17], [sflag:$0x1] =	stream.indirect.gather [hbm4b:s19+s21], $0x80, s22, s21, $0xb8;
	[tilespmem:$0x1E480] =	vst v63  }
.Ltmp1:
0xd0: {  	s5 =	rddreg [dreg:$0x9];
	_ =	swait.ge [sflag:s29], $0x3200;
	(pc) =	sbr.rel @p6 .LBB2_4-.Ltmp1, $4  }
0xd1: {  	s20 =	simm.s32 @p2 $0x1;
	s25 =	sshrl.u32 s2, $0x2;
	[sflag:s29] =	ssyncset.done $0x0  }
0xd2: {  	p3 =	sgt.u32 s5, $0x11;
	s5 =	simm.s32 @!p2 $0x3;
	[sflag:s29] =	ssyncadd.s32 $0xFFFFCE00  }
0xd3: {  	[spmem:s23] =	stream.indirect.scatter.add.f32 [tilespmem:s3], [sflag:$0x3], $0x80, s6, s21, $0xb8;
	[tilespmem:$0x1E480] =	vst v63  }
0xd4: {  	s10 =	simm.s32 @!p3 $0x0;
	s22 =	sxor.u32 @!p1 $0x1000, s2;
	_ =	swait.ge [sflag:s26], $0x3200  }
0xd5: {  	[sflag:s26] =	ssyncset.done $0x0  }
0xd6: {  	[sflag:s26] =	ssyncadd.s32 $0xFFFFCE00  }
0xd7: {  	_ =	swait.ge @p2 [sflag:s20], $0x3200  }
0xd8: {  	[sflag:s20] =	ssyncset.done @p2 $0x0  }
0xd9: {  	s2 =	sadd.s32 @p2 $0x980, s7;
	s3 =	simm.s32 @p2 $0x64;
	[sflag:s20] =	ssyncadd.s32 @p2 $0xFFFFCE00  }
0xda: {  	[spmem:s23] =	stream.indirect.scatter.add.f32 @p2 [tilespmem:s16], [sflag:$0x3], $0x80, s2, s3, $0xb8;
	[tilespmem:$0x1E480] =	vst v63  }
0xdb: {  	s2 =	simm.s32 @p2 $0x3  }
0xdc: {  	_ =	swait.ge @p2 [sflag:s2], $0x3200  }
0xdd: {  	[sflag:s2] =	ssyncset.done @p2 $0x0  }
0xde: {  	[sflag:s2] =	ssyncadd.s32 @p2 $0xFFFFCE00;
	s2 =	rddreg [dreg:$0x5]  }
0xdf: {  	[tilespmem:s11], [sflag:$0x1] =	stream.indirect.gather @!p2 [hbm4b:s19+s24], $0x80, s2, s24, $0xb8;
	[tilespmem:$0x1E480] =	vst v63  }
0xe0: {  	_ =	swait.ge @!p2 [sflag:s1], $0x3200  }
0xe1: {  	[sflag:s1] =	ssyncset.done @!p2 $0x0  }
0xe2: {  	[sflag:s1] =	ssyncadd.s32 @!p2 $0xFFFFCE00;
	s1 =	rddreg [dreg:$0x8]  }
0xe3: {  	[spmem:s23] =	stream.indirect.scatter.add.f32 @!p2 [tilespmem:s16], [sflag:$0x3], $0x80, s1, s24, $0xb8;
	[tilespmem:$0x1E480] =	vst v63  }
0xe4: {  	_ =	swait.ge @!p2 [sflag:s5], $0x3200  }
0xe5: {  	[sflag:s5] =	ssyncset.done @!p2 $0x0  }
0xe6: {  	s1 =	rddreg [dreg:$0x7];
	[sflag:s5] =	ssyncadd.s32 @!p2 $0xFFFFCE00  }
0xe7: {  	[tilespmem:s15], [sflag:$0x1] =	stream.indirect.gather @!p2 [hbm4b:s19+s24], $0x80, s1, s24, $0xb8;
	[tilespmem:$0x1E480] =	vst v63  }
0xe8: {  	s4 =	sadd.s32 $0x4, s9;
	s6 =	sadd.s32 $0x3, s9;
	_ =	swait.ge [sflag:s29], $0x3200  }
0xe9: {  	s28 =	sor.u32 $0x100, s25;
	s15 =	sadd.s32 $0x2, s9;
	[sflag:s29] =	ssyncset.done $0x0  }
0xea: {  	p2 =	por p5, p4;
	s24 =	sand.u32 $0xFF, s6;
	[sflag:s29] =	ssyncadd.s32 $0xFFFFCE00  }
0xeb: {  	[spmem:s23] =	stream.indirect.scatter.add.f32 [tilespmem:s17], [sflag:$0x3], $0x80, s18, s21, $0xb8;
	[tilespmem:$0x1E480] =	vst v63  }
0xec: {  	s16 =	sand.u32 $0xFF, s15;
	s8 =	simm.s32 @!p2 $0x2;
	s17 =	smul.u32 $0xAB, s31  }
0xed: {  	s2 =	smul.u32 $0xAB, s24;
	s18 =	sadd.s32 $0x1, s9;
	_ =	swait.ge [sflag:s26], $0x3200  }
0xee: {  	s1 =	rddreg [dreg:$0x3];
	[sflag:s26] =	ssyncset.done $0x0;
	s5 =	sshrl.u32 s17, $0x9  }
0xef: {  	s1 =	sadd.s32 @!p3 s30, s1;
	[sflag:s26] =	ssyncadd.s32 $0xFFFFCE00;
	s5 =	smul.u32 $0x3, s5  }
0xf0: {  	[tilespmem:s7], [sflag:$0x2] =	stream.linear.gather @!p3 [hbm4b:s1+s10], $0x280, $0x38;
	[tilespmem:$0x1E480] =	vst v63  }
0xf1: {  	s20 =	sand.u32 $0xFF, s18;
	s3 =	rddreg [dreg:$0x4];
	s1 =	smul.u32 $0xAB, s16  }
0xf2: {  	s31 =	sshrl.u32 s2, $0x9;
	s3 =	sadd.s32 @!p3 s30, s3;
	s30 =	smul.u32 $0xAB, s20  }
0xf3: {  	s2 =	sand.u32 $0x400, s12;
	s7 =	smul.u32 $0x3, s31;
	s1 =	sshrl.u32 s1, $0x9  }
0xf4: {  	s12 =	sand.u32 $0xFF, s4;
	s17 =	sor.u32 $0x180, s25;
	s1 =	smul.u32 $0x3, s1  }
0xf5: {  	[tilespmem:s13], [sflag:$0x2] =	stream.linear.gather @!p3 [hbm4b:s3+s10], $0x280, $0x38;
	[tilespmem:$0x1E480] =	vst v63  }
0xf6: {  	s5 =	ssub.s32 s9, s5;
	_ =	swait.ge @!p2 [sflag:s8], $0x280;
	s1 =	ssub.s32 s15, s1  }
0xf7: {  	s5 =	sand.u32 $0xFF, s5;
	[sflag:s8] =	ssyncset.done @!p2 $0x0;
	s1 =	sand.u32 $0xFF, s1  }
0xf8: {  	s6 =	ssub.s32 s6, s7;
	[sflag:s8] =	ssyncadd.s32 @!p2 $0xFFFFFD80;
	s1 =	smul.u32 $0xD000, s1  }
0xf9: {  	s5 =	smul.u32 $0xD000, s5;
	s6 =	sand.u32 $0xFF, s6;
	_ =	swait.ge @!p2 [sflag:s8], $0x280  }
0xfa: {  	s6 =	smul.u32 $0xD000, s6;
	[sflag:s8] =	ssyncset.done @!p2 $0x0;
	s1 =	sshrl.u32 s1, $0x2  }
0xfb: {  	s5 =	sshrl.u32 s5, $0x2;
	[sflag:s8] =	ssyncadd.s32 @!p2 $0xFFFFFD80;
	s10 =	sadd.s32 $0x1000, s1  }
0xfc: {  	[tilespmem:s10], [sflag:$0x1] =	stream.indirect.gather [hbm4b:s19+s21], $0x80, s28, s21, $0xb8;
	[tilespmem:$0x1E480] =	vst v63  }
0xfd: {  	s11 =	sadd.s32 $0x1000, s5;
	s5 =	sor.u32 $0x800, s2;
	_ =	swait.ge [sflag:s29], $0x3200  }
0xfe: {  	s8 =	smul.u32 $0xAB, s12;
	s1 =	sshrl.u32 s30, $0x9;
	[sflag:s29] =	ssyncset.done $0x0  }
0xff: {  	s16 =	sshrl.u32 s6, $0x2;
	s1 =	smul.u32 $0x3, s1;
	[sflag:s29] =	ssyncadd.s32 $0xFFFFCE00  }
0x100: {  	[spmem:s23] =	stream.indirect.scatter.add.f32 [tilespmem:s11], [sflag:$0x3], $0x80, s5, s21, $0xb8;
	[tilespmem:$0x1E480] =	vst v63  }
0x101: {  	s13 =	sshrl.u32 s8, $0x9;
	s1 =	ssub.s32 s18, s1;
	_ =	swait.ge [sflag:s26], $0x3200  }
0x102: {  	s3 =	smul.u32 $0x3, s13;
	s1 =	sand.u32 $0xFF, s1;
	[sflag:s26] =	ssyncset.done $0x0  }
0x103: {  	s15 =	smul.u32 $0xD000, s1;
	s1 =	sadd.s32 $0x1000, s16;
	[sflag:s26] =	ssyncadd.s32 $0xFFFFCE00  }
0x104: {  	[tilespmem:s1], [sflag:$0x1] =	stream.indirect.gather [hbm4b:s19+s21], $0x80, s17, s21, $0xb8;
	[tilespmem:$0x1E480] =	vst v63  }
0x105: {  	s20 =	sor.u32 $0x880, s2;
	s3 =	ssub.s32 s4, s3;
	_ =	swait.ge [sflag:s29], $0x3200  }
0x106: {  	s3 =	sand.u32 $0xFF, s3;
	s18 =	sshrl.u32 s15, $0x2;
	[sflag:s29] =	ssyncset.done $0x0  }
0x107: {  	s3 =	smul.u32 $0xD000, s3;
	s4 =	sadd.s32 $0x1000, s18;
	[sflag:s29] =	ssyncadd.s32 $0xFFFFCE00  }
0x108: {  	[spmem:s23] =	stream.indirect.scatter.add.f32 [tilespmem:s4], [sflag:$0x3], $0x80, s20, s21, $0xb8;
	[tilespmem:$0x1E480] =	vst v63  }
0x109: {  	_ =	swait.ge [sflag:s26], $0x3200  }
0x10a: {  	s3 =	sshrl.u32 s3, $0x2;
	[sflag:s26] =	ssyncset.done $0x0  }
0x10b: {  	s24 =	sor.u32 $0x200, s25;
	s3 =	sadd.s32 $0x1000, s3;
	[sflag:s26] =	ssyncadd.s32 $0xFFFFCE00  }
0x10c: {  	[tilespmem:s3], [sflag:$0x1] =	stream.indirect.gather [hbm4b:s19+s21], $0x80, s24, s21, $0xb8;
	[tilespmem:$0x1E480] =	vst v63  }
0x10d: {  	s4 =	sadd.s32 @!p1 $0x5, s9;
	_ =	swait.ge [sflag:s29], $0x3200  }
0x10e: {  	s6 =	sand.u32 @!p1 $0xFF, s4;
	[sflag:s29] =	ssyncset.done $0x0  }
0x10f: {  	s25 =	sor.u32 $0x900, s2;
	s6 =	smul.u32 @!p1 $0xAB, s6;
	[sflag:s29] =	ssyncadd.s32 $0xFFFFCE00  }
0x110: {  	[spmem:s23] =	stream.indirect.scatter.add.f32 [tilespmem:s10], [sflag:$0x3], $0x80, s25, s21, $0xb8;
	[tilespmem:$0x1E480] =	vst v63  }
0x111: {  	s6 =	sshrl.u32 @!p1 s6, $0x9;
	_ =	swait.ge [sflag:s26], $0x3200  }
0x112: {  	p2 =	por p1, p1;
	s6 =	smul.u32 @!p1 $0x3, s6;
	[sflag:s26] =	ssyncset.done $0x0  }
0x113: {  	s7 =	simm.s32 @p2 $0x1;
	[sflag:s26] =	ssyncadd.s32 $0xFFFFCE00  }
0x114: {  	s4 =	ssub.s32 @!p1 s4, s6;
	_ =	swait.ge @p2 [sflag:s7], $0x3200  }
0x115: {  	s6 =	sadd.s32 @p2 $0x980, s2;
	s4 =	sand.u32 @!p1 $0xFF, s4;
	[sflag:s7] =	ssyncset.done @p2 $0x0  }
0x116: {  	s4 =	smul.u32 @!p2 $0xD000, s4;
	[sflag:s7] =	ssyncadd.s32 @p2 $0xFFFFCE00;
	s7 =	simm.s32 @p2 $0x64  }
0x117: {  	[spmem:s23] =	stream.indirect.scatter.add.f32 @p2 [tilespmem:s1], [sflag:$0x3], $0x80, s6, s7, $0xb8;
	[tilespmem:$0x1E480] =	vst v63  }
0x118: {  	s6 =	simm.s32 @p2 $0x3  }
0x119: {  	s8 =	sadd.s32 @!p1 $0x6, s9;
	s4 =	sshrl.u32 @!p2 s4, $0x2;
	_ =	swait.ge @p2 [sflag:s6], $0x3200  }
0x11a: {  	s9 =	sand.u32 @!p1 $0xFF, s8;
	s4 =	sadd.s32 @!p2 $0x1000, s4;
	[sflag:s6] =	ssyncset.done @p2 $0x0  }
0x11b: {  	s7 =	sshrl.u32 @!p1 s22, $0x2;
	[sflag:s6] =	ssyncadd.s32 @p2 $0xFFFFCE00;
	s6 =	simm.s32 @!p2 $0x64  }
0x11c: {  	[tilespmem:s4], [sflag:$0x1] =	stream.indirect.gather @!p2 [hbm4b:s19+s6], $0x80, s7, s6, $0xb8;
	[tilespmem:$0x1E480] =	vst v63  }
0x11d: {  	s4 =	smul.u32 @!p1 $0xAB, s9;
	s9 =	simm.s32 @!p2 $0x1  }
0x11e: {  	_ =	swait.ge @!p2 [sflag:s9], $0x3200  }
0x11f: {  	s4 =	sshrl.u32 @!p1 s4, $0x9;
	[sflag:s9] =	ssyncset.done @!p2 $0x0  }
0x120: {  	s4 =	smul.u32 @!p1 $0x3, s4;
	[sflag:s9] =	ssyncadd.s32 @!p2 $0xFFFFCE00;
	s9 =	sadd.s32 @!p2 $0x980, s2  }
0x121: {  	[spmem:s23] =	stream.indirect.scatter.add.f32 @!p2 [tilespmem:s1], [sflag:$0x3], $0x80, s9, s6, $0xb8;
	[tilespmem:$0x1E480] =	vst v63  }
0x122: {  	s1 =	ssub.s32 @!p2 s8, s4  }
0x123: {  	s1 =	sand.u32 @!p2 $0xFF, s1  }
0x124: {  	s4 =	simm.s32 @!p2 $0x3;
	s1 =	smul.u32 @!p2 $0xD000, s1  }
0x125: {  	_ =	swait.ge @!p2 [sflag:s4], $0x3200  }
0x126: {  	[sflag:s4] =	ssyncset.done @!p2 $0x0;
	s1 =	sshrl.u32 @!p2 s1, $0x2  }
0x127: {  	[sflag:s4] =	ssyncadd.s32 @!p2 $0xFFFFCE00;
	s4 =	sadd.s32 @!p1 $0x80, s7;
	s1 =	sadd.s32 @!p2 $0x1000, s1  }
0x128: {  	[tilespmem:s1], [sflag:$0x1] =	stream.indirect.gather @!p2 [hbm4b:s19+s6], $0x80, s4, s6, $0xb8;
	[tilespmem:$0x1E480] =	vst v63  }
0x129: {  	_ =	swait.ge [sflag:s29], $0x3200  }
0x12a: {  	[sflag:s29] =	ssyncset.done $0x0  }
0x12b: {  	s28 =	sadd.s32 $0xA00, s2;
	[sflag:s29] =	ssyncadd.s32 $0xFFFFCE00  }
0x12c: {  	[spmem:s23] =	stream.indirect.scatter.add.f32 [tilespmem:s3], [sflag:$0x3], $0x80, s28, s21, $0xb8;
	[tilespmem:$0x1E480] =	vst v63  }
0x12d: {  	p1 =	sgt.u32 s0, $0x11;
	_ =	swait.ge [sflag:s26], $0x3200  }
0x12e: {  	s3 =	simm.s32 @!p1 $0x0;
	s1 =	rddreg [dreg:$0x3];
	[sflag:s26] =	ssyncset.done $0x0  }
0x12f: {  	s0 =	rddreg [dreg:$0x4];
	s1 =	sadd.s32 @!p1 s14, s1;
	[sflag:s26] =	ssyncadd.s32 $0xFFFFCE00  }
0x130: {  	[tilespmem:s2], [sflag:$0x2] =	stream.linear.gather @!p1 [hbm4b:s1+s3], $0x280, $0x38;
	[tilespmem:$0x1E480] =	vst v63  }
0x131: {  	s0 =	sadd.s32 @!p1 s14, s0  }
0x132: {  	[tilespmem:s5], [sflag:$0x2] =	stream.linear.gather @!p1 [hbm4b:s0+s3], $0x280, $0x38;
	[tilespmem:$0x1E480] =	vst v63  }
0x133: {  	[bflag:$0x0] =	sbarrier.arrive $0xFFFF  }
0x134: {  	s1 =	rddreg [dreg:$0x1c]  }
0x135: {  	s0 =	simm.s32 @p0 $0x1FC3;
	s2 =	rddreg [dreg:$0x1e]  }
0x136: {  	[hbm:s1], [sflag:s0] =	dma.local @p0 [spmem:s2], $0x2800  }
0x137: {  	s0 =	simm.s32 @p0 $0x3  }
0x138: {  	s1 =	stileid.u32;
	_ =	swait.ge @p0 [sflag:s0], $0x2800  }
0x139: {  	s1 =	sshll.u32 @!p0 s1, $0x6;
	[sflag:s0] =	ssyncset.done @p0 $0x0;
	s2 =	rddreg [dreg:$0x1f]  }
0x13a: {  	[sflag:s0] =	ssyncadd.s32 @p0 $0xFFFFD800;
	s0 =	sor.u32 @!p0 $0x1C03, s1;
	s1 =	rddreg [dreg:$0x1b]  }
0x13b: {  	[hbm:s1], [sflag:s0] =	dma.local @!p0 [spmem:s2], $0x2700  }
0x13c: {  	s0 =	simm.s32 @!p0 $0x3  }
0x13d: {  	_ =	swait.ge @!p0 [sflag:s0], $0x2700  }
0x13e: {  	s30 =	rddreg [dreg:$0xf]  }
0x13f: {  	s31 =	rddreg [dreg:$0x1d];
	s9 =	sadd.s32 $0x1, s30  }
0x140: {  	p1 =	sne.s32 s9, s31  }
.Ltmp2:
0x141: {  	_ = 	snop;
	(pc) =	sbr.rel @p1 .LBB2_1-.Ltmp2, $3  }
0x142: {  	_ =	sdelay $0x1  }
0x143: {  	[sflag:s0] =	ssyncset.done @!p0 $0x0  }
0x144: {  	[sflag:s0] =	ssyncadd.s32 @!p0 $0xFFFFD900  }
0x145: {  	_ =	sfence.sel $0x180000  }
0x146: {  	[bflag:$0x0] =	sbarrier.arrive $0xFFFF  }
0x147: {  	_ =	strace $0x90000047  }
0x148: {  	s0 =	stileid.u32;
	[bflag:$0x2] =	sbarrier.arrive $0xFFFF  }
0x149: {  	p0 =	sne.s32 s0, $0x0;
	s0 =	rddreg [dreg:$0x2]  }
0x14a: {  	s0 =	sadd.s32 @!p0 $0x100000, s0  }
0x14b: {  	[sflag:s0] =	ssyncadd.tile.s32 @!p0 $0x1;
	_ =	shalt  }
.Lfunc_end2:
_tile_overlayer_lowered:
.L_overlay_start_2:
0x14c: {  	(tag) =	ssettag $0x2  }
0x14d: {  	s0 =	rddreg [dreg:$0x0];
	s2 =	stileid.u32  }
0x14e: {  	s1 =	rddreg [dreg:$0x1];
	p0 =	sne.s32 s2, $0x0  }
0x14f: {  	s3 =	rddreg [dreg:$0x2];
	[bflag:$0x3] =	sbarrier.arrive $0xFFFF;
	s2 =	simm.s32 @!p0 $0x1C03  }
0x150: {  	[timem:s3], [sflag:s2] =	dma.local @!p0 [hbm:s0], s1  }
0x151: {  	s0 =	simm.s32 @!p0 $0x3  }
0x152: {  	_ =	swait.ge @!p0 [sflag:s0], s1  }
0x153: {  	s1 =	ssub.s32 @!p0 $0x0, s1;
	[sflag:s0] =	ssyncset.done @!p0 $0x0  }
0x154: {  	[sflag:s0] =	ssyncadd.s32 @!p0 s1  }
0x155: {  	[bflag:$0x3] =	sbarrier.arrive $0xFFFF  }
0x156: {  	_ =	shalt  }

// kernel: kernel.15.cloned.1.call-start
scs
__scs_entry_jumppad:
0x0: {  	(pc) =	sbr.rel $0x88, $3  }
0x1: {  	(tag) =	ssettag $0x0;
	lr =	simm.s32 $0x1  }
0x2: {  	[smem:$0x3F91] =	sst lr;
	_ =	strace $0xD0000000  }
0x3: {  	_ = 	snop  }
0x4: {  	_ = 	snop  }
0x5: {  	_ = 	snop  }
0x6: {  	_ = 	snop  }
0x7: {  	_ = 	snop  }
__scs_overlays_trampoline_lowered:
0x8: {  	[smem:$0x3FA0] =	sst s0  }
0x9: {  	[smem:$0x3FA1] =	sst s1  }
0xa: {  	[smem:$0x3FA2] =	sst s2  }
0xb: {  	[smem:$0x3FA3] =	sst s3  }
0xc: {  	[smem:$0x3FA4] =	sst s4  }
0xd: {  	[smem:$0x3FA5] =	sst s5  }
0xe: {  	[smem:$0x3FA6] =	sst s6  }
0xf: {  	[smem:$0x3FA7] =	sst s7  }
0x10: {  	[smem:$0x3FA8] =	sst s8  }
0x11: {  	[smem:$0x3FA9] =	sst s9;
	s0 =	simm.s32 @!p0 $0x0  }
0x12: {  	s1 =	sld [smem:$0x3F8F];
	s0 =	simm.s32 @p0 $0x1  }
0x13: {  	[smem:$0x3FAA] =	sst s0;
	s0 =	simm.s32 @!p1 $0x0  }
0x14: {  	s2 =	sld [smem:$0x3F8E];
	s0 =	simm.s32 @p1 $0x1  }
0x15: {  	[smem:$0x3FAB] =	sst s0;
	s0 =	simm.s32 @!p2 $0x0  }
0x16: {  	s3 =	sld [smem:$0x3FDB];
	s0 =	simm.s32 @p2 $0x1  }
0x17: {  	s4 =	simm.s32 $0x1BF5;
	[smem:$0x3FAD] =	sst s0  }
0x18: {  	s0 =	sld [smem:$0x3F90];
	_ =	swait.ge [sflag:s4], $0x0  }
0x19: {  	s7 =	sld [smem:$0x3F91]  }
0x1a: {  	s8 =	sadd.s32 $0xFFFFE003, lr  }
0x1b: {  	s9 =	sadd.s32 $0xFFFFFEF7, lr;
	s5 =	simm.s32 $0xFFFFFFFF;
	p2 =	slt.u32 s8, $0xFFFFF086  }
0x1c: {  	p1 =	slt.u32 s9, $0xF7A;
	s5 =	simm.s32 @!p2 $0x0  }
0x1d: {  	s5 =	simm.s32 @p1 $0x1;
	p0 =	seq.s32 s7, s2  }
0x1e: {  	s7 =	smul.u32 @!p0 $0xF7A, s2;
	p2 =	seq.s32 @!p0 s5, $0x0  }
0x1f: {  	s9 =	smul.u32 $0xF7A, s1;
	s8 =	simm.s32 @!p0 $0x1BF5;
	p2 =	por !p2, p0  }
0x20: {  	[sflag:s8] =	ssyncset.s32 @!p0 $0xFFFFF086;
	s6 =	sadd.s32 @!p0 s3, s7;
	s7 =	simm.s32 @!p0 $0x108  }
0x21: {  	s3 =	sadd.s32 s3, s9;
	s6 =	sadd.s32 @!p0 $0x88, s6;
	s7 =	simm.s32 @p2 $0x1082  }
0x22: {  	[simem:s7], [sflag:s8] =	dma.local @!p0 [hbm:s6], $0xF7A  }
0x23: {  	s9 =	sor.u32 $0xD0000000, s2;
	s6 =	simm.s32 $0x108;
	_ =	swait.ge @!p0 [sflag:s8], $0x0  }
0x24: {  	s3 =	sadd.s32 $0x88, s3;
	s6 =	simm.s32 @!p1 $0x1082;
	[sflag:s4] =	ssyncset.s32 $0xFFFFF086  }
0x25: {  	[simem:s6], [sflag:s4] =	dma.local [hbm:s3], $0xF7A  }
0x26: {  	[smem:$0x3F91] =	sst s1;
	(tag) =	ssettag s2;
	_ =	strace s9  }
0x27: {  	s1 =	sld [smem:$0x3FA1]  }
0x28: {  	s2 =	sld [smem:$0x3FA2]  }
0x29: {  	s4 =	sld [smem:$0x3FA4]  }
0x2a: {  	p0 =	seq.s32 s5, $0x0;
	s5 =	sld [smem:$0x3FA5]  }
0x2b: {  	s6 =	sld [smem:$0x3FA6]  }
0x2c: {  	s7 =	sld [smem:$0x3FA7]  }
0x2d: {  	s3 =	simm.s32 $0x108;
	s8 =	sld [smem:$0x3FA8]  }
0x2e: {  	s3 =	simm.s32 @!p0 $0x1082;
	s9 =	sld [smem:$0x3FA9]  }
0x2f: {  	lr =	sadd.s32 s0, s3;
	s0 =	sld [smem:$0x3FA0]  }
0x30: {  	s3 =	sld [smem:$0x3FA3]  }
0x31: {  	[smem:$0x3FAC] =	sst s10  }
0x32: {  	s10 =	sld [smem:$0x3FAA];
	_ =	sdelay $0x3  }
0x33: {  	p0 =	seq.s32 s10, $0x1;
	s10 =	sld [smem:$0x3FAC];
	_ =	sdelay $0x3  }
0x34: {  	[smem:$0x3FAC] =	sst s10  }
0x35: {  	s10 =	sld [smem:$0x3FAB];
	_ =	sdelay $0x3  }
0x36: {  	p1 =	seq.s32 s10, $0x1;
	s10 =	sld [smem:$0x3FAC];
	_ =	sdelay $0x3  }
0x37: {  	[smem:$0x3FAC] =	sst s10  }
0x38: {  	s10 =	sld [smem:$0x3FAD]  }
0x39: {  	_ = 	snop;
	(pc) =	sbr.ind lr, $3  }
0x3a: {  	_ = 	snop  }
0x3b: {  	_ = 	snop  }
0x3c: {  	p2 =	seq.s32 s10, $0x1;
	s10 =	sld [smem:$0x3FAC]  }
0x3d: {  	_ =	shalt  }
0x3e: {  	_ =	shalt  }
0x3f: {  	_ =	shalt  }
0x40: {  	_ =	shalt  }
0x41: {  	_ =	shalt  }
0x42: {  	_ =	shalt  }
0x43: {  	_ =	shalt  }
0x44: {  	_ =	shalt  }
0x45: {  	_ =	shalt  }
0x46: {  	_ =	shalt  }
0x47: {  	_ =	shalt  }
0x48: {  	_ =	shalt  }
0x49: {  	_ =	shalt  }
0x4a: {  	_ =	shalt  }
0x4b: {  	_ =	shalt  }
0x4c: {  	_ =	shalt  }
0x4d: {  	_ =	shalt  }
0x4e: {  	_ =	shalt  }
0x4f: {  	_ =	shalt  }
0x50: {  	_ =	shalt  }
0x51: {  	_ =	shalt  }
0x52: {  	_ =	shalt  }
0x53: {  	_ =	shalt  }
0x54: {  	_ =	shalt  }
0x55: {  	_ =	shalt  }
0x56: {  	_ =	shalt  }
0x57: {  	_ =	shalt  }
0x58: {  	_ =	shalt  }
0x59: {  	_ =	shalt  }
0x5a: {  	_ =	shalt  }
0x5b: {  	_ =	shalt  }
0x5c: {  	_ =	shalt  }
0x5d: {  	_ =	shalt  }
0x5e: {  	_ =	shalt  }
0x5f: {  	_ =	shalt  }
0x60: {  	_ =	shalt  }
0x61: {  	_ =	shalt  }
0x62: {  	_ =	shalt  }
0x63: {  	_ =	shalt  }
0x64: {  	_ =	shalt  }
0x65: {  	_ =	shalt  }
0x66: {  	_ =	shalt  }
0x67: {  	_ =	shalt  }
0x68: {  	_ =	shalt  }
0x69: {  	_ =	shalt  }
0x6a: {  	_ =	shalt  }
0x6b: {  	_ =	shalt  }
0x6c: {  	_ =	shalt  }
0x6d: {  	_ =	shalt  }
0x6e: {  	_ =	shalt  }
0x6f: {  	_ =	shalt  }
0x70: {  	_ =	shalt  }
0x71: {  	_ =	shalt  }
0x72: {  	_ =	shalt  }
0x73: {  	_ =	shalt  }
0x74: {  	_ =	shalt  }
0x75: {  	_ =	shalt  }
0x76: {  	_ =	shalt  }
0x77: {  	_ =	shalt  }
0x78: {  	_ =	shalt  }
0x79: {  	_ =	shalt  }
0x7a: {  	_ =	shalt  }
0x7b: {  	_ =	shalt  }
0x7c: {  	_ =	shalt  }
0x7d: {  	_ =	shalt  }
0x7e: {  	_ =	shalt  }
0x7f: {  	_ =	shalt  }
0x80: {  	_ =	shalt  }
0x81: {  	_ =	shalt  }
0x82: {  	_ =	shalt  }
0x83: {  	_ =	shalt  }
0x84: {  	_ =	shalt  }
0x85: {  	_ =	shalt  }
0x86: {  	_ =	shalt  }
0x87: {  	_ =	shalt  }
.Lfunc_end0:
.L_simem_size_0:
called_computation.1_lowered:
.L_overlay_start_0:
0x88: {  	s2 =	sld [smem:$0x3FD9]  }
0x89: {  	s3 =	sld [smem:$0x3FFE];
	_ =	sdelay $0x1  }
0x8a: {  	s1 =	srdreg.scid  }
0x8b: {  	s0 =	sand.u32 $0x1, s1  }
0x8c: {  	s16 =	sshll.u32 s0, $0xA;
	s2 =	sadd.s32 s3, s2  }
0x8d: {  	s2 =	sadd.s32 s2, s16  }
0x8e: {  	[smem:$0x3FB8] =	sst s2  }
0x8f: {  	_ = 	snop  }
0x90: {  	(tm) =	ssettm $0x1  }
0x91: {  	s17 =	sld [smem:$0x3FFB];
	_ =	sdelay $0x3  }
0x92: {  	_ =	strace s17  }
0x93: {  	s2 =	sld [smem:$0x3FFC];
	_ =	sdelay $0x3  }
0x94: {  	_ =	strace s2  }
0x95: {  	s2 =	sld [smem:$0x3FFD];
	_ =	sdelay $0x3  }
0x96: {  	_ =	strace s2  }
0x97: {  	_ =	strace $0x8FFFFFFF  }
0x98: {  	s18 =	sld [smem:$0x3FDB];
	_ =	sdelay $0x1  }
0x99: {  	s19 =	simm.s32 $_scs_section_size  }
0x9a: {  	s4 =	simm.s32 $_size__tile_overlayer_lowered;
	s5 =	simm.s32 $_tile_overlayer_lowered  }
0x9b: {  	s22 =	simm.s32 $0x1BFF;
	s21 =	sshll.u32 s5, $0x1;
	s2 =	sadd.s32 s19, s18  }
0x9c: {  	s6 =	simm.s32 $0x0;
	s20 =	sshll.u32 s4, $0x1;
	s4 =	sadd.s32 s21, s2  }
0x9d: {  	[timem:s6], [sflag:s22] =	dma.local [hbm:s4], s20  }
0x9e: {  	_ =	swait.ge [sflag:s22], s20  }
0x9f: {  	s3 =	ssub.s32 $0x0, s20;
	[sflag:s22] =	ssyncset.done $0x0  }
0xa0: {  	[sflag:s22] =	ssyncadd.s32 s3;
	_ =	sdelay $0x1  }
0xa1: {  	s23 =	simm.s32 $0x1B8B  }
0xa2: {  	_ =	swait.ge [sflag:s23], $0x1  }
0xa3: {  	[sflag:s23] =	ssyncset.done $0x0  }
0xa4: {  	s25 =	simm.s32 $0x1B8E;
	s24 =	sld [smem:$0x3FFE];
	[sflag:s23] =	ssyncadd.s32 $0xFFFFFFFF  }
0xa5: {  	s26 =	simm.s32 $execute0_lowered;
	[smem:$0x3FD2] =	sst s25  }
0xa6: {  	s4 =	sshll.u32 s26, $0x1;
	_ =	strace $0x80000049;
	[dreg:$0x1] =	wrdreg $0xFFFFFFFF  }
0xa7: {  	s28 =	simm.s32 $_size_execute0_lowered;
	s2 =	sadd.s32 s2, s4;
	[dreg:$0x0] =	wrdreg $0x0  }
0xa8: {  	s4 =	sshll.u32 s28, $0x1;
	[dreg:$0x2] =	wrdreg s2  }
0xa9: {  	[dreg:$0x3] =	wrdreg s4  }
0xaa: {  	[dreg:$0x4] =	wrdreg $0xC0  }
0xab: {  	_ =	task [dreg:s6], $0x5FFFF  }
0xac: {  	[dreg:$0x1] =	wrdreg $0xFFFFFFFF  }
0xad: {  	[dreg:$0x0] =	wrdreg $0x60  }
0xae: {  	[dreg:$0x2] =	wrdreg s24  }
0xaf: {  	[dreg:$0x3] =	wrdreg $0xAC000  }
0xb0: {  	[dreg:$0x4] =	wrdreg $0x9  }
0xb1: {  	_ =	task.clear_ibuf [dreg:s6], $0x5FFFF;
	_ =	strace $0x90000049  }
0xb2: {  	s29 =	simm.s32 $0x9;
	_ =	strace $0x8000004B  }
0xb3: {  	_ =	swait.ge [sflag:s29], $0x1  }
0xb4: {  	[sflag:s29] =	ssyncadd.s32 $0xFFFFFFFF  }
0xb5: {  	_ =	strace $0x9000004B  }
0xb6: {  	_ =	sfence  }
0xb7: {  	s30 =	sld [smem:$0x0];
	_ =	sdelay $0x2  }
0xb8: {  	s31 =	sshll.u32 s1, $0xD;
	s1 =	sshrl.u32 s1, $0x2  }
0xb9: {  	s3 =	sand.u32 $0x4000, s31;
	s1 =	sadd.s32 s1, s30  }
0xba: {  	s0 =	sor.u32 s3, s0;
	s1 =	sshll.u32 s1, $0x11  }
0xbb: {  	s0 =	sor.u32 s1, s0  }
0xbc: {  	s0 =	sadd.s32 $0x8F2B, s0  }
0xbd: {  	[sflag:s0] =	ssyncadd.remote.s32 $0x1  }
0xbe: {  	_ =	sfence.sel $0xFFFF  }
0xbf: {  	[dreg:$0x0] =	wrdreg $0xFFFFFFFF;
	(pc) =	sbr.abs _section_cstart, $3  }
0xc0: {  	[dreg:$0x1] =	wrdreg $0xFFFFFFFF  }
0xc1: {  	_ =	task.clear_ibuf [dreg:s6], $0x2FFFF;
	_ =	strace $0x9FFFFFFF  }
0xc2: {  	(tm) =	ssettm $0x7FFFFFFF  }
0xc3: {  	_ =	shalt  }
tec
execute0_lowered:
.L_overlay_start_1:
0x0: {  	(tag) =	ssettag $0x1  }
0x1: {  	s0 =	rddreg [dreg:$0x0]  }
0x2: {  	s23 =	rddreg [dreg:$0x1]  }
0x3: {  	s9 =	simm.s32 $0x0;
	s1 =	srdreg.scid;
	s8 =	stileid.u32  }
0x4: {  	[smem:$0x7FF] =	sst s9;
	s19 =	sadd.s32 $0x2BC00, s0;
	s2 =	smul.u32 $0x4E200, s8  }
0x5: {  	s1 =	sand.u32 $0x1, s1;
	s3 =	sadd.s32 $0x3C00, s0;
	s15 =	smul.u32 $0x13800, s8  }
0x6: {  	s0 =	sadd.s32 $0x52E00, s0;
	s21 =	smul.u32 $0x5000, s8;
	_ =	strace $0x8000004A  }
0x7: {  	s4 =	sshll.u32 s1, $0x4;
	s5 =	ssub.s32 $0x2, s1;
	s12 =	smul.u32 $0x138800, s1  }
0x8: {  	s1 =	smul.u32 $0x50000, s1;
	s4 =	sor.u32 s8, s4;
	s2 =	sshrl.u32 s2, $0x2  }
0x9: {  	s6 =	sshrl.u32 s5, $0x1;
	s10 =	sadd.s32 s2, s23;
	s30 =	smul.u32 $0x5000, s4  }
0xa: {  	s31 =	ssub.s32 s5, s6;
	s11 =	sadd.s32 $0x3200, s10;
	[dreg:$0x10] =	wrdreg s10  }
0xb: {  	s6 =	sadd.s32 s15, s12;
	s13 =	sadd.s32 $0x6400, s10;
	[dreg:$0x11] =	wrdreg s11  }
0xc: {  	s1 =	sadd.s32 s21, s1;
	s14 =	sadd.s32 $0x9600, s10;
	[dreg:$0x12] =	wrdreg s13  }
0xd: {  	s5 =	sshrl.u32 s12, $0x3;
	s7 =	sadd.s32 $0xC800, s10;
	[dreg:$0x13] =	wrdreg s14  }
0xe: {  	s18 =	sadd.s32 $0x12C00, s10;
	s6 =	sshrl.u32 s6, $0x3;
	[dreg:$0x14] =	wrdreg s7  }
0xf: {  	s26 =	sadd.s32 $0xA0800, s1;
	s31 =	smax.u32 s31, $0x1;
	[dreg:$0x17] =	wrdreg s18  }
0x10: {  	s1 =	sor.u32 $0x800, s1;
	s11 =	sadd.s32 $0xFA00, s10;
	[dreg:$0x1d] =	wrdreg s31  }
0x11: {  	s2 =	sshrl.u32 s30, $0x3;
	s25 =	sadd.s32 s0, s6;
	[dreg:$0x15] =	wrdreg s11  }
0x12: {  	s0 =	sadd.s32 s0, s5;
	s17 =	sadd.s32 s3, s2;
	[dreg:$0x1b] =	wrdreg s25  }
0x13: {  	s6 =	sshrl.u32 s26, $0x3;
	s0 =	sadd.s32 $0x24900, s0;
	[dreg:$0x16] =	wrdreg s17  }
0x14: {  	s1 =	sshrl.u32 s1, $0x3;
	s28 =	sadd.s32 s6, s3;
	[dreg:$0x1c] =	wrdreg s0  }
0x15: {  	s16 =	smul.u32 $0x4E000, s8;
	s30 =	sadd.s32 s1, s3;
	[dreg:$0x4] =	wrdreg s28  }
0x16: {  	p0 =	seq.s32 s8, $0xF;
	s20 =	sadd.s32 $0x14000, s17;
	[dreg:$0x3] =	wrdreg s30  }
0x17: {  	s7 =	sshrl.u32 s16, $0x2;
	s22 =	sadd.s32 $0x80, s17;
	[dreg:$0x18] =	wrdreg s20  }
0x18: {  	s1 =	sadd.s32 $0x124800, s23;
	s24 =	sadd.s32 $0x14080, s17;
	[dreg:$0x19] =	wrdreg s22  }
0x19: {  	s2 =	sadd.s32 s7, s23;
	s0 =	sshrl.u32 @p0 s1, $0x3;
	[dreg:$0x1a] =	wrdreg s24  }
0x1a: {  	s29 =	simm.s32 $0x1;
	[dreg:$0x1e] =	wrdreg s0;
	s0 =	sshrl.u32 @!p0 s2, $0x3  }
0x1b: {  	v0 =	vimm.f32 $0.0e+00;
	s21 =	simm.s32 $0x64;
	s26 =	simm.s32 $0x3;
	[dreg:$0x1f] =	wrdreg s0  }
.LBB2_1:
0x1c: {  	[dreg:$0xf] =	wrdreg s9;
	s0 =	simm.s32 $0x0;
	s1 =	simm.s32 $0x200  }
.LBB2_2:
0x1d: {  	p1 =	sne.s32 s1, $0xC600;
	[tilespmem:s0+$0x1070] =	vst v0  }
0x1e: {  	[tilespmem:s0+$0x1000] =	vst v0  }
0x1f: {  	[tilespmem:s0+$0x1010] =	vst v0  }
.Ltmp0:
0x20: {  	[tilespmem:s0+$0x1020] =	vst v0;
	(pc) =	sbr.rel @p1 .LBB2_2-.Ltmp0, $4  }
0x21: {  	[tilespmem:s0+$0x1030] =	vst v0  }
0x22: {  	[tilespmem:s0+$0x1040] =	vst v0  }
0x23: {  	[tilespmem:s0+$0x1050] =	vst v0  }
0x24: {  	[tilespmem:s0+$0x1060] =	vst v0;
	s0 =	sshra.s32 s1, $0x2;
	s1 =	sadd.s32 $0x200, s1  }
0x25: {  	[tilespmem:s0+$0x1070] =	vst v0  }
0x26: {  	[tilespmem:s0+$0x1000] =	vst v0  }
0x27: {  	[tilespmem:s0+$0x1010] =	vst v0  }
0x28: {  	[tilespmem:s0+$0x1020] =	vst v0  }
0x29: {  	[tilespmem:s0+$0x1030] =	vst v0  }
0x2a: {  	[tilespmem:s0+$0x1040] =	vst v0  }
0x2b: {  	[tilespmem:s0+$0x1050] =	vst v0  }
0x2c: {  	[tilespmem:s0+$0x1060] =	vst v0;
	s25 =	rddreg [dreg:$0x10];
	s1 =	simm.s32 $0x1000  }
0x2d: {  	[spmem:s25] =	stream.linear.scatter [tilespmem:s1], [sflag:$0x3], $0x3200, $0x38;
	[tilespmem:$0x1E480] =	vst v63  }
0x2e: {  	_ =	swait.ge [sflag:s26], $0x3200  }
0x2f: {  	[sflag:s26] =	ssyncset.done $0x0  }
0x30: {  	s2 =	rddreg [dreg:$0x11];
	[sflag:s26] =	ssyncadd.s32 $0xFFFFCE00  }
0x31: {  	[spmem:s2] =	stream.linear.scatter [tilespmem:s1], [sflag:$0x3], $0x3200, $0x38;
	[tilespmem:$0x1E480] =	vst v63  }
0x32: {  	_ =	swait.ge [sflag:s26], $0x3200  }
0x33: {  	[sflag:s26] =	ssyncset.done $0x0  }
0x34: {  	s3 =	rddreg [dreg:$0x12];
	[sflag:s26] =	ssyncadd.s32 $0xFFFFCE00  }
0x35: {  	[spmem:s3] =	stream.linear.scatter [tilespmem:s1], [sflag:$0x3], $0x3200, $0x38;
	[tilespmem:$0x1E480] =	vst v63  }
0x36: {  	_ =	swait.ge [sflag:s26], $0x3200  }
0x37: {  	[sflag:s26] =	ssyncset.done $0x0  }
0x38: {  	s4 =	rddreg [dreg:$0x13];
	[sflag:s26] =	ssyncadd.s32 $0xFFFFCE00  }
0x39: {  	[spmem:s4] =	stream.linear.scatter [tilespmem:s1], [sflag:$0x3], $0x3200, $0x38;
	[tilespmem:$0x1E480] =	vst v63  }
0x3a: {  	_ =	swait.ge [sflag:s26], $0x3200  }
0x3b: {  	[sflag:s26] =	ssyncset.done $0x0  }
0x3c: {  	s5 =	rddreg [dreg:$0x14];
	[sflag:s26] =	ssyncadd.s32 $0xFFFFCE00  }
0x3d: {  	[spmem:s5] =	stream.linear.scatter [tilespmem:s1], [sflag:$0x3], $0x3200, $0x38;
	[tilespmem:$0x1E480] =	vst v63  }
0x3e: {  	_ =	swait.ge [sflag:s26], $0x3200  }
0x3f: {  	[sflag:s26] =	ssyncset.done $0x0  }
0x40: {  	s6 =	rddreg [dreg:$0x15];
	[sflag:s26] =	ssyncadd.s32 $0xFFFFCE00  }
0x41: {  	[spmem:s6] =	stream.linear.scatter [tilespmem:s1], [sflag:$0x3], $0x3200, $0x38;
	[tilespmem:$0x1E480] =	vst v63  }
0x42: {  	_ =	swait.ge [sflag:s26], $0x3200  }
0x43: {  	[sflag:s26] =	ssyncset.done $0x0  }
0x44: {  	s7 =	rddreg [dreg:$0x17];
	[sflag:s26] =	ssyncadd.s32 $0xFFFFCE00  }
0x45: {  	[spmem:s7] =	stream.linear.scatter [tilespmem:s1], [sflag:$0x3], $0xC80, $0x38;
	[tilespmem:$0x1E480] =	vst v63  }
0x46: {  	_ =	swait.ge [sflag:s26], $0xC80  }
0x47: {  	s30 =	simm.s32 $0x0;
	s11 =	simm.s32 $0x400;
	[sflag:s26] =	ssyncset.done $0x0  }
0x48: {  	s13 =	simm.s32 $0xC00;
	s14 =	simm.s32 $0x80;
	[sflag:s26] =	ssyncadd.s32 $0xFFFFF380  }
0x49: {  	s15 =	simm.s32 $0x4400;
	p2 =	por $0x1, $0x1;
	[bflag:$0x0] =	sbarrier.arrive $0xFFFF  }
0x4a: {  	p1 =	por $0x0, $0x0;
	s28 =	simm.s32 $0x100;
	s8 =	rddreg [dreg:$0x16]  }
0x4b: {  	[tilespmem:s30], [sflag:$0x3] =	stream.linear.gather [hbm4b:s8+s30], $0x280, $0x38;
	[tilespmem:$0x1E480] =	vst v63  }
0x4c: {  	p4 =	por $0x0, $0x0;
	p3 =	por @!p2 $0x0, $0x0;
	_ =	swait.ge [sflag:s26], $0x280  }
0x4d: {  	p5 =	por @!p4 $0x0, $0x0;
	p3 =	por p3, p2;
	[sflag:s26] =	ssyncset.done $0x0  }
0x4e: {  	s2 =	simm.s32 $0x800;
	s9 =	rddreg [dreg:$0x18];
	[sflag:s26] =	ssyncadd.s32 $0xFFFFFD80  }
0x4f: {  	[tilespmem:s2], [sflag:$0x3] =	stream.linear.gather [hbm4b:s9+s30], $0x280, $0x38;
	[tilespmem:$0x1E480] =	vst v63  }
0x50: {  	p2 =	por p1, p1;
	s2 =	smul.u32 $0x5, s30;
	_ =	swait.ge [sflag:s26], $0x280  }
0x51: {  	s3 =	sand.u32 $0x1000, s30;
	[sflag:s26] =	ssyncset.done $0x0;
	s10 =	rddreg [dreg:$0x19]  }
0x52: {  	s16 =	sadd.s32 $0x4, s2;
	s4 =	sadd.s32 @!p1 $0x5, s2;
	s9 =	sand.u32 $0xFF, s2  }
0x53: {  	[sflag:s26] =	ssyncadd.s32 $0xFFFFFD80;
	s17 =	sand.u32 $0xFF, s16;
	s9 =	smul.u32 $0xAB, s9  }
0x54: {  	[tilespmem:s11], [sflag:$0x3] =	stream.linear.gather [hbm4b:s10+s30], $0x280, $0x38;
	[tilespmem:$0x1E480] =	vst v63  }
0x55: {  	s5 =	sadd.s32 $0x2, s2;
	s7 =	sand.u32 @!p1 $0xFF, s4;
	s6 =	smul.u32 $0xAB, s17  }
0x56: {  	s8 =	sand.u32 $0xFF, s5;
	s7 =	smul.u32 @!p1 $0xAB, s7;
	s10 =	sadd.s32 $0x1, s2  }
0x57: {  	s0 =	sshrl.u32 s3, $0x2;
	s8 =	smul.u32 $0xAB, s8;
	s11 =	sand.u32 $0xFF, s10  }
0x58: {  	s3 =	sxor.u32 @!p1 $0x1000, s3;
	s9 =	sshrl.u32 s9, $0x9;
	s11 =	smul.u32 $0xAB, s11  }
0x59: {  	s17 =	sor.u32 $0x180, s0;
	s8 =	sshrl.u32 s8, $0x9;
	s9 =	smul.u32 $0x3, s9  }
0x5a: {  	_ =	swait.ge [sflag:s26], $0x280;
	s7 =	sshrl.u32 @!p1 s7, $0x9;
	s8 =	smul.u32 $0x3, s8  }
0x5b: {  	[sflag:s26] =	ssyncset.done $0x0;
	s6 =	sshrl.u32 s6, $0x9;
	s7 =	smul.u32 @!p1 $0x3, s7  }
0x5c: {  	s12 =	rddreg [dreg:$0x1a];
	[sflag:s26] =	ssyncadd.s32 $0xFFFFFD80;
	s6 =	smul.u32 $0x3, s6  }
0x5d: {  	[tilespmem:s13], [sflag:$0x3] =	stream.linear.gather [hbm4b:s12+s30], $0x280, $0x38;
	[tilespmem:$0x1E480] =	vst v63  }
0x5e: {  	s12 =	sadd.s32 $0x3, s2;
	s11 =	sshrl.u32 s11, $0x9;
	s9 =	ssub.s32 s2, s9  }
0x5f: {  	_ =	swait.ge [sflag:s26], $0x280;
	s13 =	sand.u32 $0xFF, s12;
	s5 =	ssub.s32 s5, s8  }
0x60: {  	s11 =	smul.u32 $0x3, s11;
	s9 =	sand.u32 $0xFF, s9;
	s4 =	ssub.s32 @!p1 s4, s7  }
0x61: {  	[sflag:s26] =	ssyncset.done $0x0;
	s18 =	smul.u32 $0xAB, s13;
	s5 =	sand.u32 $0xFF, s5  }
0x62: {  	s13 =	sshrl.u32 @!p1 s3, $0x2;
	s3 =	sadd.s32 @!p1 $0x6, s2;
	s20 =	smul.u32 $0xD000, s9  }
0x63: {  	s4 =	sand.u32 @!p1 $0xFF, s4;
	[sflag:s26] =	ssyncadd.s32 $0xFFFFFD80;
	s5 =	smul.u32 $0xD000, s5  }
0x64: {  	s10 =	ssub.s32 s10, s11;
	s9 =	sand.u32 @!p1 $0xFF, s3;
	s4 =	smul.u32 @!p2 $0xD000, s4  }
0x65: {  	[tilespmem:s1], [sflag:$0x1] =	stream.indirect.gather [hbm4b:s19+s21], $0x80, s30, s21, $0xb8;
	[tilespmem:$0x1E480] =	vst v63  }
0x66: {  	s8 =	sshrl.u32 s18, $0x9;
	s22 =	sshrl.u32 s20, $0x2;
	s10 =	sand.u32 $0xFF, s10  }
0x67: {  	s1 =	ssub.s32 s16, s6;
	s8 =	smul.u32 $0x3, s8;
	s5 =	sshrl.u32 s5, $0x2  }
0x68: {  	s10 =	smul.u32 $0xD000, s10;
	s4 =	sshrl.u32 @!p2 s4, $0x2;
	s1 =	sand.u32 $0xFF, s1  }
0x69: {  	[tilespmem:s15], [sflag:$0x1] =	stream.indirect.gather [hbm4b:s19+s21], $0x80, s14, s21, $0xb8;
	[tilespmem:$0x1E480] =	vst v63  }
0x6a: {  	s24 =	ssub.s32 s12, s8;
	s8 =	smul.u32 @!p1 $0xAB, s9;
	s9 =	simm.s32 @!p3 $0x2  }
0x6b: {  	s14 =	simm.s32 $0x80;
	s2 =	sand.u32 $0xFF, s24;
	_ =	swait.ge @!p3 [sflag:s9], $0x280  }
0x6c: {  	[dreg:$0x5] =	wrdreg s13;
	s25 =	smul.u32 $0xD000, s2;
	s2 =	sshrl.u32 @!p1 s8, $0x9  }
0x6d: {  	[sflag:s9] =	ssyncset.done @!p3 $0x0;
	s7 =	smul.u32 @!p1 $0x3, s2;
	s2 =	sadd.s32 @!p1 $0x80, s13  }
0x6e: {  	s1 =	smul.u32 $0xD000, s1;
	[sflag:s9] =	ssyncadd.s32 @!p3 $0xFFFFFD80;
	[dreg:$0x7] =	wrdreg s2  }
0x6f: {  	s15 =	sadd.s32 $0x1000, s22;
	s22 =	sor.u32 $0x200, s0;
	_ =	swait.ge @!p3 [sflag:s9], $0x280  }
0x70: {  	s11 =	sadd.s32 @!p2 $0x1000, s4;
	s12 =	simm.s32 $0x400;
	[sflag:s9] =	ssyncset.done @!p3 $0x0  }
0x71: {  	s13 =	sor.u32 $0x100, s0;
	s2 =	sadd.s32 $0x1000, s5;
	[sflag:s9] =	ssyncadd.s32 @!p3 $0xFFFFFD80  }
0x72: {  	[tilespmem:s2], [sflag:$0x1] =	stream.indirect.gather [hbm4b:s19+s21], $0x80, s13, s21, $0xb8;
	[tilespmem:$0x1E480] =	vst v63  }
0x73: {  	s3 =	ssub.s32 @!p2 s3, s7;
	s7 =	sand.u32 $0x400, s30;
	_ =	swait.ge [sflag:s29], $0x3200  }
0x74: {  	s18 =	sshrl.u32 s10, $0x2;
	s6 =	sadd.s32 @!p2 $0x980, s7;
	[sflag:s29] =	ssyncset.done $0x0  }
0x75: {  	s13 =	sor.u32 $0x800, s7;
	[dreg:$0x8] =	wrdreg s6;
	[sflag:s29] =	ssyncadd.s32 $0xFFFFCE00  }
0x76: {  	[spmem:s23] =	stream.indirect.scatter.add.f32 [tilespmem:s15], [sflag:$0x3], $0x80, s13, s21, $0xb8;
	[tilespmem:$0x1E480] =	vst v63  }
0x77: {  	s1 =	sshrl.u32 s1, $0x2;
	s20 =	sadd.s32 $0x1000, s18;
	_ =	swait.ge [sflag:s26], $0x3200  }
0x78: {  	s8 =	simm.s32 $0x1000;
	s16 =	sshrl.u32 s25, $0x2;
	[sflag:s26] =	ssyncset.done $0x0  }
0x79: {  	s0 =	simm.s32 $0x1;
	s16 =	sadd.s32 $0x1000, s16;
	[sflag:s26] =	ssyncadd.s32 $0xFFFFCE00  }
0x7a: {  	[tilespmem:s16], [sflag:$0x1] =	stream.indirect.gather [hbm4b:s19+s21], $0x80, s17, s21, $0xb8;
	[tilespmem:$0x1E480] =	vst v63  }
0x7b: {  	p1 =	por $0x0, $0x0;
	s5 =	simm.s32 @!p2 $0x3;
	_ =	swait.ge [sflag:s29], $0x3200  }
0x7c: {  	s3 =	sand.u32 @!p2 $0xFF, s3;
	s24 =	sor.u32 $0x880, s7;
	[sflag:s29] =	ssyncset.done $0x0  }
0x7d: {  	s25 =	sor.u32 $0x900, s7;
	s18 =	sadd.s32 $0xA00, s7;
	[sflag:s29] =	ssyncadd.s32 $0xFFFFCE00  }
0x7e: {  	[spmem:s23] =	stream.indirect.scatter.add.f32 [tilespmem:s20], [sflag:$0x3], $0x80, s24, s21, $0xb8;
	[tilespmem:$0x1E480] =	vst v63  }
0x7f: {  	s3 =	smul.u32 @!p2 $0xD000, s3;
	p3 =	por $0x0, $0x0;
	_ =	swait.ge [sflag:s26], $0x3200  }
0x80: {  	s9 =	smul.u32 $0x5, s0;
	s10 =	simm.s32 @!p3 $0x0;
	[sflag:s26] =	ssyncset.done $0x0  }
0x81: {  	s3 =	sshrl.u32 @!p2 s3, $0x2;
	s17 =	sadd.s32 $0x1000, s1;
	[sflag:s26] =	ssyncadd.s32 $0xFFFFCE00  }
0x82: {  	[tilespmem:s17], [sflag:$0x1] =	stream.indirect.gather [hbm4b:s19+s21], $0x80, s22, s21, $0xb8;
	[tilespmem:$0x1E480] =	vst v63  }
0x83: {  	s31 =	sand.u32 $0xFF, s9;
	s15 =	sadd.s32 @!p2 $0x1000, s3;
	_ =	swait.ge [sflag:s29], $0x3200  }
0x84: {  	s3 =	sand.u32 $0x1000, s8;
	s1 =	simm.s32 @!p2 $0x1;
	[sflag:s29] =	ssyncset.done $0x0  }
0x85: {  	s24 =	simm.s32 @!p2 $0x64;
	s20 =	simm.s32 @p2 $0x1;
	[sflag:s29] =	ssyncadd.s32 $0xFFFFCE00  }
0x86: {  	[spmem:s23] =	stream.indirect.scatter.add.f32 [tilespmem:s2], [sflag:$0x3], $0x80, s25, s21, $0xb8;
	[tilespmem:$0x1E480] =	vst v63  }
0x87: {  	s22 =	sxor.u32 @!p1 $0x1000, s3;
	s25 =	sshrl.u32 s3, $0x2;
	_ =	swait.ge [sflag:s26], $0x3200  }
.LBB2_4:
0x88: {  	[dreg:$0xe] =	wrdreg s14  }
0x89: {  	[dreg:$0xd] =	wrdreg s13  }
0x8a: {  	[dreg:$0xc] =	wrdreg s10  }
0x8b: {  	[dreg:$0x6] =	wrdreg s12  }
0x8c: {  	s10 =	smov.u32 s30;
	s30 =	sadd.s32 $0x2, s9;
	s3 =	sadd.s32 $0x4, s9  }
0x8d: {  	s21 =	simm.s32 @p2 $0x3;
	s2 =	smov.u32 s28;
	s12 =	smov.u32 s0  }
0x8e: {  	s13 =	simm.s32 @p2 $0x64;
	s4 =	sadd.s32 $0x3, s9;
	s6 =	sadd.s32 $0x1, s9  }
0x8f: {  	[sflag:s26] =	ssyncset.done $0x0;
	s26 =	sadd.s32 @!p1 $0x5, s9;
	s29 =	smov.u32 s19  }
0x90: {  	p4 =	por p5, p4;
	s28 =	sadd.s32 $0x80, s28;
	[dreg:$0xa] =	wrdreg s3  }
0x91: {  	s0 =	sadd.s32 $0x1, s0;
	s8 =	sadd.s32 $0x1000, s8;
	[dreg:$0xb] =	wrdreg s2  }
0x92: {  	[dreg:$0x9] =	wrdreg s12;
	s14 =	sand.u32 $0xFF, s30;
	s3 =	sand.u32 $0xFF, s3  }
0x93: {  	s12 =	simm.s32 $0x3;
	s19 =	sand.u32 @!p1 $0xFF, s26;
	s3 =	smul.u32 $0xAB, s3  }
0x94: {  	s2 =	sadd.s32 @p2 $0x980, s7;
	[sflag:s12] =	ssyncadd.s32 $0xFFFFCE00;
	s19 =	smul.u32 @!p1 $0xAB, s19  }
0x95: {  	s12 =	sand.u32 $0xFF, s6;
	s14 =	smul.u32 $0xAB, s14;
	_ =	swait.ge @p2 [sflag:s20], $0x3200  }
0x96: {  	p6 =	sne.s32 s28, $0xA00;
	s12 =	smul.u32 $0xAB, s12;
	[sflag:s20] =	ssyncset.done @p2 $0x0  }
0x97: {  	s3 =	sshrl.u32 s3, $0x9;
	s14 =	sshrl.u32 s14, $0x9;
	[sflag:s20] =	ssyncadd.s32 @p2 $0xFFFFCE00  }
0x98: {  	s12 =	sshrl.u32 s12, $0x9;
	s20 =	sshrl.u32 @!p1 s19, $0x9;
	s3 =	smul.u32 $0x3, s3  }
0x99: {  	[spmem:s23] =	stream.indirect.scatter.add.f32 @p2 [tilespmem:s16], [sflag:$0x3], $0x80, s2, s13, $0xb8;
	[tilespmem:$0x1E480] =	vst v63  }
0x9a: {  	s19 =	smov.u32 s29;
	s29 =	simm.s32 $0x1;
	s13 =	smul.u32 $0xAB, s31  }
0x9b: {  	s12 =	smul.u32 $0x3, s12;
	s31 =	sshrl.u32 @!p1 s22, $0x2;
	_ =	swait.ge @p2 [sflag:s21], $0x3200  }
0x9c: {  	s22 =	sand.u32 $0xFF, s4;
	[sflag:s21] =	ssyncset.done @p2 $0x0;
	s2 =	sshrl.u32 s13, $0x9  }
0x9d: {  	s13 =	rddreg [dreg:$0x5];
	s6 =	ssub.s32 s6, s12;
	s12 =	smul.u32 $0xAB, s22  }
0x9e: {  	[sflag:s21] =	ssyncadd.s32 @p2 $0xFFFFCE00;
	s21 =	simm.s32 $0x64;
	s2 =	smul.u32 $0x3, s2  }
0x9f: {  	[tilespmem:s11], [sflag:$0x1] =	stream.indirect.gather @!p2 [hbm4b:s19+s24], $0x80, s13, s24, $0xb8;
	[tilespmem:$0x1E480] =	vst v63  }
0xa0: {  	s6 =	sand.u32 $0xFF, s6;
	s11 =	smul.u32 $0x3, s14;
	_ =	swait.ge @!p2 [sflag:s1], $0x3200  }
0xa1: {  	s13 =	sshrl.u32 s12, $0x9;
	s2 =	ssub.s32 s9, s2;
	[sflag:s1] =	ssyncset.done @!p2 $0x0  }
0xa2: {  	s11 =	ssub.s32 s30, s11;
	[sflag:s1] =	ssyncadd.s32 @!p2 $0xFFFFCE00;
	s1 =	rddreg [dreg:$0x8]  }
0xa3: {  	[spmem:s23] =	stream.indirect.scatter.add.f32 @!p2 [tilespmem:s16], [sflag:$0x3], $0x80, s1, s24, $0xb8;
	[tilespmem:$0x1E480] =	vst v63  }
0xa4: {  	s2 =	sand.u32 $0xFF, s2;
	s11 =	sand.u32 $0xFF, s11;
	_ =	swait.ge @!p2 [sflag:s5], $0x3200  }
0xa5: {  	s2 =	smul.u32 $0xD000, s2;
	s1 =	sadd.s32 @!p1 $0x6, s9;
	[sflag:s5] =	ssyncset.done @!p2 $0x0  }
0xa6: {  	s14 =	smul.u32 $0xD000, s11;
	[sflag:s5] =	ssyncadd.s32 @!p2 $0xFFFFCE00;
	s5 =	rddreg [dreg:$0x7]  }
0xa7: {  	[tilespmem:s15], [sflag:$0x1] =	stream.indirect.gather @!p2 [hbm4b:s19+s24], $0x80, s5, s24, $0xb8;
	[tilespmem:$0x1E480] =	vst v63  }
0xa8: {  	s9 =	simm.s32 @!p4 $0x2;
	s15 =	smul.u32 $0x3, s13;
	_ =	swait.ge [sflag:s29], $0x3200  }
0xa9: {  	s11 =	sshrl.u32 s14, $0x2;
	s5 =	sshrl.u32 s2, $0x2;
	[sflag:s29] =	ssyncset.done $0x0  }
0xaa: {  	p2 =	por p1, p1;
	s16 =	ssub.s32 s4, s15;
	[sflag:s29] =	ssyncadd.s32 $0xFFFFCE00  }
0xab: {  	[spmem:s23] =	stream.indirect.scatter.add.f32 [tilespmem:s17], [sflag:$0x3], $0x80, s18, s21, $0xb8;
	[tilespmem:$0x1E480] =	vst v63  }
0xac: {  	s4 =	sand.u32 @!p1 $0xFF, s1;
	s15 =	sadd.s32 @!p1 $0x80, s31;
	s17 =	simm.s32 $0x3  }
0xad: {  	s13 =	smul.u32 @!p1 $0xAB, s4;
	_ =	swait.ge [sflag:s17], $0x3200;
	[dreg:$0x5] =	wrdreg s31  }
0xae: {  	s5 =	sadd.s32 $0x1000, s5;
	s4 =	smul.u32 @!p1 $0x3, s20;
	[dreg:$0x7] =	wrdreg s15  }
0xaf: {  	s2 =	sand.u32 $0xFF, s16;
	s18 =	simm.s32 $0x3;
	s12 =	rddreg [dreg:$0x3]  }
0xb0: {  	s2 =	smul.u32 $0xD000, s2;
	s15 =	ssub.s32 @!p1 s26, s4;
	s14 =	rddreg [dreg:$0x4]  }
0xb1: {  	s26 =	simm.s32 $0x3;
	s4 =	smul.u32 $0xD000, s6;
	s20 =	rddreg [dreg:$0x6]  }
0xb2: {  	s6 =	sshrl.u32 @!p1 s13, $0x9;
	s17 =	sor.u32 $0x100, s25;
	s22 =	rddreg [dreg:$0xe]  }
0xb3: {  	[sflag:s18] =	ssyncset.done $0x0;
	s24 =	rddreg [dreg:$0xb];
	s6 =	smul.u32 @!p1 $0x3, s6  }
0xb4: {  	s2 =	sshrl.u32 s2, $0x2;
	s18 =	sor.u32 $0x180, s25;
	s12 =	sadd.s32 @!p3 s10, s12  }
0xb5: {  	[sflag:s26] =	ssyncadd.s32 $0xFFFFCE00;
	s13 =	sadd.s32 @!p3 s10, s14;
	s10 =	rddreg [dreg:$0xc]  }
0xb6: {  	[tilespmem:s7], [sflag:$0x2] =	stream.linear.gather @!p3 [hbm4b:s12+s10], $0x280, $0x38;
	[tilespmem:$0x1E480] =	vst v63  }
0xb7: {  	s30 =	smov.u32 s22;
	s14 =	smov.u32 s24;
	s7 =	rddreg [dreg:$0xd]  }
0xb8: {  	[tilespmem:s7], [sflag:$0x2] =	stream.linear.gather @!p3 [hbm4b:s13+s10], $0x280, $0x38;
	[tilespmem:$0x1E480] =	vst v63  }
0xb9: {  	s4 =	sshrl.u32 s4, $0x2;
	s22 =	sor.u32 $0x200, s25;
	_ =	swait.ge @!p4 [sflag:s9], $0x280  }
0xba: {  	s24 =	simm.s32 @!p2 $0x64;
	s1 =	ssub.s32 @!p2 s1, s6;
	[sflag:s9] =	ssyncset.done @!p4 $0x0  }
0xbb: {  	s12 =	sadd.s32 $0x400, s20;
	s1 =	sand.u32 @!p2 $0xFF, s1;
	[sflag:s9] =	ssyncadd.s32 @!p4 $0xFFFFFD80  }
0xbc: {  	s7 =	sand.u32 @!p1 $0xFF, s15;
	s1 =	smul.u32 @!p2 $0xD000, s1;
	_ =	swait.ge @!p4 [sflag:s9], $0x280  }
0xbd: {  	s7 =	smul.u32 @!p2 $0xD000, s7;
	s16 =	rddreg [dreg:$0xa];
	[sflag:s9] =	ssyncset.done @!p4 $0x0  }
0xbe: {  	s6 =	ssub.s32 s16, s3;
	s3 =	sadd.s32 $0x1000, s11;
	[sflag:s9] =	ssyncadd.s32 @!p4 $0xFFFFFD80  }
0xbf: {  	[tilespmem:s3], [sflag:$0x1] =	stream.indirect.gather [hbm4b:s19+s21], $0x80, s17, s21, $0xb8;
	[tilespmem:$0x1E480] =	vst v63  }
0xc0: {  	s10 =	sshrl.u32 @!p2 s7, $0x2;
	s7 =	sand.u32 $0x400, s20;
	_ =	swait.ge [sflag:s29], $0x3200  }
0xc1: {  	s1 =	sshrl.u32 @!p2 s1, $0x2;
	s9 =	sadd.s32 @!p2 $0x980, s7;
	[sflag:s29] =	ssyncset.done $0x0  }
0xc2: {  	s13 =	sor.u32 $0x800, s7;
	[dreg:$0x8] =	wrdreg s9;
	[sflag:s29] =	ssyncadd.s32 $0xFFFFCE00  }
0xc3: {  	[spmem:s23] =	stream.indirect.scatter.add.f32 [tilespmem:s5], [sflag:$0x3], $0x80, s13, s21, $0xb8;
	[tilespmem:$0x1E480] =	vst v63  }
0xc4: {  	p1 =	seq.s32 s14, $0x980;
	s15 =	sadd.s32 @!p2 $0x1000, s1;
	_ =	swait.ge [sflag:s26], $0x3200  }
0xc5: {  	s20 =	sadd.s32 $0x1000, s4;
	s1 =	simm.s32 @!p2 $0x1;
	[sflag:s26] =	ssyncset.done $0x0  }
0xc6: {  	s25 =	sor.u32 $0x880, s7;
	s16 =	sadd.s32 $0x1000, s2;
	[sflag:s26] =	ssyncadd.s32 $0xFFFFCE00  }
0xc7: {  	[tilespmem:s16], [sflag:$0x1] =	stream.indirect.gather [hbm4b:s19+s21], $0x80, s18, s21, $0xb8;
	[tilespmem:$0x1E480] =	vst v63  }
0xc8: {  	s11 =	sadd.s32 @!p2 $0x1000, s10;
	s6 =	sand.u32 $0xFF, s6;
	_ =	swait.ge [sflag:s29], $0x3200  }
0xc9: {  	p4 =	seq.s32 s0, $0x0;
	s6 =	smul.u32 $0xD000, s6;
	[sflag:s29] =	ssyncset.done $0x0  }
0xca: {  	s2 =	sand.u32 $0x1000, s8;
	s9 =	smul.u32 $0x5, s0;
	[sflag:s29] =	ssyncadd.s32 $0xFFFFCE00  }
0xcb: {  	[spmem:s23] =	stream.indirect.scatter.add.f32 [tilespmem:s20], [sflag:$0x3], $0x80, s25, s21, $0xb8;
	[tilespmem:$0x1E480] =	vst v63  }
0xcc: {  	p5 =	seq.s32 @!p4 s0, $0x13;
	s6 =	sshrl.u32 s6, $0x2;
	_ =	swait.ge [sflag:s26], $0x3200  }
0xcd: {  	s31 =	sand.u32 $0xFF, s9;
	s17 =	sadd.s32 $0x1000, s6;
	[sflag:s26] =	ssyncset.done $0x0  }
0xce: {  	s6 =	sor.u32 $0x900, s7;
	s18 =	sadd.s32 $0xA00, s7;
	[sflag:s26] =	ssyncadd.s32 $0xFFFFCE00  }
0xcf: {  	[tilespmem:s17], [sflag:$0x1] =	stream.indirect.gather [hbm4b:s19+s21], $0x80, s22, s21, $0xb8;
	[tilespmem:$0x1E480] =	vst v63  }
.Ltmp1:
0xd0: {  	s5 =	rddreg [dreg:$0x9];
	_ =	swait.ge [sflag:s29], $0x3200;
	(pc) =	sbr.rel @p6 .LBB2_4-.Ltmp1, $4  }
0xd1: {  	s20 =	simm.s32 @p2 $0x1;
	s25 =	sshrl.u32 s2, $0x2;
	[sflag:s29] =	ssyncset.done $0x0  }
0xd2: {  	p3 =	sgt.u32 s5, $0x11;
	s5 =	simm.s32 @!p2 $0x3;
	[sflag:s29] =	ssyncadd.s32 $0xFFFFCE00  }
0xd3: {  	[spmem:s23] =	stream.indirect.scatter.add.f32 [tilespmem:s3], [sflag:$0x3], $0x80, s6, s21, $0xb8;
	[tilespmem:$0x1E480] =	vst v63  }
0xd4: {  	s10 =	simm.s32 @!p3 $0x0;
	s22 =	sxor.u32 @!p1 $0x1000, s2;
	_ =	swait.ge [sflag:s26], $0x3200  }
0xd5: {  	[sflag:s26] =	ssyncset.done $0x0  }
0xd6: {  	[sflag:s26] =	ssyncadd.s32 $0xFFFFCE00  }
0xd7: {  	_ =	swait.ge @p2 [sflag:s20], $0x3200  }
0xd8: {  	[sflag:s20] =	ssyncset.done @p2 $0x0  }
0xd9: {  	s2 =	sadd.s32 @p2 $0x980, s7;
	s3 =	simm.s32 @p2 $0x64;
	[sflag:s20] =	ssyncadd.s32 @p2 $0xFFFFCE00  }
0xda: {  	[spmem:s23] =	stream.indirect.scatter.add.f32 @p2 [tilespmem:s16], [sflag:$0x3], $0x80, s2, s3, $0xb8;
	[tilespmem:$0x1E480] =	vst v63  }
0xdb: {  	s2 =	simm.s32 @p2 $0x3  }
0xdc: {  	_ =	swait.ge @p2 [sflag:s2], $0x3200  }
0xdd: {  	[sflag:s2] =	ssyncset.done @p2 $0x0  }
0xde: {  	[sflag:s2] =	ssyncadd.s32 @p2 $0xFFFFCE00;
	s2 =	rddreg [dreg:$0x5]  }
0xdf: {  	[tilespmem:s11], [sflag:$0x1] =	stream.indirect.gather @!p2 [hbm4b:s19+s24], $0x80, s2, s24, $0xb8;
	[tilespmem:$0x1E480] =	vst v63  }
0xe0: {  	_ =	swait.ge @!p2 [sflag:s1], $0x3200  }
0xe1: {  	[sflag:s1] =	ssyncset.done @!p2 $0x0  }
0xe2: {  	[sflag:s1] =	ssyncadd.s32 @!p2 $0xFFFFCE00;
	s1 =	rddreg [dreg:$0x8]  }
0xe3: {  	[spmem:s23] =	stream.indirect.scatter.add.f32 @!p2 [tilespmem:s16], [sflag:$0x3], $0x80, s1, s24, $0xb8;
	[tilespmem:$0x1E480] =	vst v63  }
0xe4: {  	_ =	swait.ge @!p2 [sflag:s5], $0x3200  }
0xe5: {  	[sflag:s5] =	ssyncset.done @!p2 $0x0  }
0xe6: {  	s1 =	rddreg [dreg:$0x7];
	[sflag:s5] =	ssyncadd.s32 @!p2 $0xFFFFCE00  }
0xe7: {  	[tilespmem:s15], [sflag:$0x1] =	stream.indirect.gather @!p2 [hbm4b:s19+s24], $0x80, s1, s24, $0xb8;
	[tilespmem:$0x1E480] =	vst v63  }
0xe8: {  	s4 =	sadd.s32 $0x4, s9;
	s6 =	sadd.s32 $0x3, s9;
	_ =	swait.ge [sflag:s29], $0x3200  }
0xe9: {  	s28 =	sor.u32 $0x100, s25;
	s15 =	sadd.s32 $0x2, s9;
	[sflag:s29] =	ssyncset.done $0x0  }
0xea: {  	p2 =	por p5, p4;
	s24 =	sand.u32 $0xFF, s6;
	[sflag:s29] =	ssyncadd.s32 $0xFFFFCE00  }
0xeb: {  	[spmem:s23] =	stream.indirect.scatter.add.f32 [tilespmem:s17], [sflag:$0x3], $0x80, s18, s21, $0xb8;
	[tilespmem:$0x1E480] =	vst v63  }
0xec: {  	s16 =	sand.u32 $0xFF, s15;
	s8 =	simm.s32 @!p2 $0x2;
	s17 =	smul.u32 $0xAB, s31  }
0xed: {  	s2 =	smul.u32 $0xAB, s24;
	s18 =	sadd.s32 $0x1, s9;
	_ =	swait.ge [sflag:s26], $0x3200  }
0xee: {  	s1 =	rddreg [dreg:$0x3];
	[sflag:s26] =	ssyncset.done $0x0;
	s5 =	sshrl.u32 s17, $0x9  }
0xef: {  	s1 =	sadd.s32 @!p3 s30, s1;
	[sflag:s26] =	ssyncadd.s32 $0xFFFFCE00;
	s5 =	smul.u32 $0x3, s5  }
0xf0: {  	[tilespmem:s7], [sflag:$0x2] =	stream.linear.gather @!p3 [hbm4b:s1+s10], $0x280, $0x38;
	[tilespmem:$0x1E480] =	vst v63  }
0xf1: {  	s20 =	sand.u32 $0xFF, s18;
	s3 =	rddreg [dreg:$0x4];
	s1 =	smul.u32 $0xAB, s16  }
0xf2: {  	s31 =	sshrl.u32 s2, $0x9;
	s3 =	sadd.s32 @!p3 s30, s3;
	s30 =	smul.u32 $0xAB, s20  }
0xf3: {  	s2 =	sand.u32 $0x400, s12;
	s7 =	smul.u32 $0x3, s31;
	s1 =	sshrl.u32 s1, $0x9  }
0xf4: {  	s12 =	sand.u32 $0xFF, s4;
	s17 =	sor.u32 $0x180, s25;
	s1 =	smul.u32 $0x3, s1  }
0xf5: {  	[tilespmem:s13], [sflag:$0x2] =	stream.linear.gather @!p3 [hbm4b:s3+s10], $0x280, $0x38;
	[tilespmem:$0x1E480] =	vst v63  }
0xf6: {  	s5 =	ssub.s32 s9, s5;
	_ =	swait.ge @!p2 [sflag:s8], $0x280;
	s1 =	ssub.s32 s15, s1  }
0xf7: {  	s5 =	sand.u32 $0xFF, s5;
	[sflag:s8] =	ssyncset.done @!p2 $0x0;
	s1 =	sand.u32 $0xFF, s1  }
0xf8: {  	s6 =	ssub.s32 s6, s7;
	[sflag:s8] =	ssyncadd.s32 @!p2 $0xFFFFFD80;
	s1 =	smul.u32 $0xD000, s1  }
0xf9: {  	s5 =	smul.u32 $0xD000, s5;
	s6 =	sand.u32 $0xFF, s6;
	_ =	swait.ge @!p2 [sflag:s8], $0x280  }
0xfa: {  	s6 =	smul.u32 $0xD000, s6;
	[sflag:s8] =	ssyncset.done @!p2 $0x0;
	s1 =	sshrl.u32 s1, $0x2  }
0xfb: {  	s5 =	sshrl.u32 s5, $0x2;
	[sflag:s8] =	ssyncadd.s32 @!p2 $0xFFFFFD80;
	s10 =	sadd.s32 $0x1000, s1  }
0xfc: {  	[tilespmem:s10], [sflag:$0x1] =	stream.indirect.gather [hbm4b:s19+s21], $0x80, s28, s21, $0xb8;
	[tilespmem:$0x1E480] =	vst v63  }
0xfd: {  	s11 =	sadd.s32 $0x1000, s5;
	s5 =	sor.u32 $0x800, s2;
	_ =	swait.ge [sflag:s29], $0x3200  }
0xfe: {  	s8 =	smul.u32 $0xAB, s12;
	s1 =	sshrl.u32 s30, $0x9;
	[sflag:s29] =	ssyncset.done $0x0  }
0xff: {  	s16 =	sshrl.u32 s6, $0x2;
	s1 =	smul.u32 $0x3, s1;
	[sflag:s29] =	ssyncadd.s32 $0xFFFFCE00  }
0x100: {  	[spmem:s23] =	stream.indirect.scatter.add.f32 [tilespmem:s11], [sflag:$0x3], $0x80, s5, s21, $0xb8;
	[tilespmem:$0x1E480] =	vst v63  }
0x101: {  	s13 =	sshrl.u32 s8, $0x9;
	s1 =	ssub.s32 s18, s1;
	_ =	swait.ge [sflag:s26], $0x3200  }
0x102: {  	s3 =	smul.u32 $0x3, s13;
	s1 =	sand.u32 $0xFF, s1;
	[sflag:s26] =	ssyncset.done $0x0  }
0x103: {  	s15 =	smul.u32 $0xD000, s1;
	s1 =	sadd.s32 $0x1000, s16;
	[sflag:s26] =	ssyncadd.s32 $0xFFFFCE00  }
0x104: {  	[tilespmem:s1], [sflag:$0x1] =	stream.indirect.gather [hbm4b:s19+s21], $0x80, s17, s21, $0xb8;
	[tilespmem:$0x1E480] =	vst v63  }
0x105: {  	s20 =	sor.u32 $0x880, s2;
	s3 =	ssub.s32 s4, s3;
	_ =	swait.ge [sflag:s29], $0x3200  }
0x106: {  	s3 =	sand.u32 $0xFF, s3;
	s18 =	sshrl.u32 s15, $0x2;
	[sflag:s29] =	ssyncset.done $0x0  }
0x107: {  	s3 =	smul.u32 $0xD000, s3;
	s4 =	sadd.s32 $0x1000, s18;
	[sflag:s29] =	ssyncadd.s32 $0xFFFFCE00  }
0x108: {  	[spmem:s23] =	stream.indirect.scatter.add.f32 [tilespmem:s4], [sflag:$0x3], $0x80, s20, s21, $0xb8;
	[tilespmem:$0x1E480] =	vst v63  }
0x109: {  	_ =	swait.ge [sflag:s26], $0x3200  }
0x10a: {  	s3 =	sshrl.u32 s3, $0x2;
	[sflag:s26] =	ssyncset.done $0x0  }
0x10b: {  	s24 =	sor.u32 $0x200, s25;
	s3 =	sadd.s32 $0x1000, s3;
	[sflag:s26] =	ssyncadd.s32 $0xFFFFCE00  }
0x10c: {  	[tilespmem:s3], [sflag:$0x1] =	stream.indirect.gather [hbm4b:s19+s21], $0x80, s24, s21, $0xb8;
	[tilespmem:$0x1E480] =	vst v63  }
0x10d: {  	s4 =	sadd.s32 @!p1 $0x5, s9;
	_ =	swait.ge [sflag:s29], $0x3200  }
0x10e: {  	s6 =	sand.u32 @!p1 $0xFF, s4;
	[sflag:s29] =	ssyncset.done $0x0  }
0x10f: {  	s25 =	sor.u32 $0x900, s2;
	s6 =	smul.u32 @!p1 $0xAB, s6;
	[sflag:s29] =	ssyncadd.s32 $0xFFFFCE00  }
0x110: {  	[spmem:s23] =	stream.indirect.scatter.add.f32 [tilespmem:s10], [sflag:$0x3], $0x80, s25, s21, $0xb8;
	[tilespmem:$0x1E480] =	vst v63  }
0x111: {  	s6 =	sshrl.u32 @!p1 s6, $0x9;
	_ =	swait.ge [sflag:s26], $0x3200  }
0x112: {  	p2 =	por p1, p1;
	s6 =	smul.u32 @!p1 $0x3, s6;
	[sflag:s26] =	ssyncset.done $0x0  }
0x113: {  	s7 =	simm.s32 @p2 $0x1;
	[sflag:s26] =	ssyncadd.s32 $0xFFFFCE00  }
0x114: {  	s4 =	ssub.s32 @!p1 s4, s6;
	_ =	swait.ge @p2 [sflag:s7], $0x3200  }
0x115: {  	s6 =	sadd.s32 @p2 $0x980, s2;
	s4 =	sand.u32 @!p1 $0xFF, s4;
	[sflag:s7] =	ssyncset.done @p2 $0x0  }
0x116: {  	s4 =	smul.u32 @!p2 $0xD000, s4;
	[sflag:s7] =	ssyncadd.s32 @p2 $0xFFFFCE00;
	s7 =	simm.s32 @p2 $0x64  }
0x117: {  	[spmem:s23] =	stream.indirect.scatter.add.f32 @p2 [tilespmem:s1], [sflag:$0x3], $0x80, s6, s7, $0xb8;
	[tilespmem:$0x1E480] =	vst v63  }
0x118: {  	s6 =	simm.s32 @p2 $0x3  }
0x119: {  	s8 =	sadd.s32 @!p1 $0x6, s9;
	s4 =	sshrl.u32 @!p2 s4, $0x2;
	_ =	swait.ge @p2 [sflag:s6], $0x3200  }
0x11a: {  	s9 =	sand.u32 @!p1 $0xFF, s8;
	s4 =	sadd.s32 @!p2 $0x1000, s4;
	[sflag:s6] =	ssyncset.done @p2 $0x0  }
0x11b: {  	s7 =	sshrl.u32 @!p1 s22, $0x2;
	[sflag:s6] =	ssyncadd.s32 @p2 $0xFFFFCE00;
	s6 =	simm.s32 @!p2 $0x64  }
0x11c: {  	[tilespmem:s4], [sflag:$0x1] =	stream.indirect.gather @!p2 [hbm4b:s19+s6], $0x80, s7, s6, $0xb8;
	[tilespmem:$0x1E480] =	vst v63  }
0x11d: {  	s4 =	smul.u32 @!p1 $0xAB, s9;
	s9 =	simm.s32 @!p2 $0x1  }
0x11e: {  	_ =	swait.ge @!p2 [sflag:s9], $0x3200  }
0x11f: {  	s4 =	sshrl.u32 @!p1 s4, $0x9;
	[sflag:s9] =	ssyncset.done @!p2 $0x0  }
0x120: {  	s4 =	smul.u32 @!p1 $0x3, s4;
	[sflag:s9] =	ssyncadd.s32 @!p2 $0xFFFFCE00;
	s9 =	sadd.s32 @!p2 $0x980, s2  }
0x121: {  	[spmem:s23] =	stream.indirect.scatter.add.f32 @!p2 [tilespmem:s1], [sflag:$0x3], $0x80, s9, s6, $0xb8;
	[tilespmem:$0x1E480] =	vst v63  }
0x122: {  	s1 =	ssub.s32 @!p2 s8, s4  }
0x123: {  	s1 =	sand.u32 @!p2 $0xFF, s1  }
0x124: {  	s4 =	simm.s32 @!p2 $0x3;
	s1 =	smul.u32 @!p2 $0xD000, s1  }
0x125: {  	_ =	swait.ge @!p2 [sflag:s4], $0x3200  }
0x126: {  	[sflag:s4] =	ssyncset.done @!p2 $0x0;
	s1 =	sshrl.u32 @!p2 s1, $0x2  }
0x127: {  	[sflag:s4] =	ssyncadd.s32 @!p2 $0xFFFFCE00;
	s4 =	sadd.s32 @!p1 $0x80, s7;
	s1 =	sadd.s32 @!p2 $0x1000, s1  }
0x128: {  	[tilespmem:s1], [sflag:$0x1] =	stream.indirect.gather @!p2 [hbm4b:s19+s6], $0x80, s4, s6, $0xb8;
	[tilespmem:$0x1E480] =	vst v63  }
0x129: {  	_ =	swait.ge [sflag:s29], $0x3200  }
0x12a: {  	[sflag:s29] =	ssyncset.done $0x0  }
0x12b: {  	s28 =	sadd.s32 $0xA00, s2;
	[sflag:s29] =	ssyncadd.s32 $0xFFFFCE00  }
0x12c: {  	[spmem:s23] =	stream.indirect.scatter.add.f32 [tilespmem:s3], [sflag:$0x3], $0x80, s28, s21, $0xb8;
	[tilespmem:$0x1E480] =	vst v63  }
0x12d: {  	p1 =	sgt.u32 s0, $0x11;
	_ =	swait.ge [sflag:s26], $0x3200  }
0x12e: {  	s3 =	simm.s32 @!p1 $0x0;
	s1 =	rddreg [dreg:$0x3];
	[sflag:s26] =	ssyncset.done $0x0  }
0x12f: {  	s0 =	rddreg [dreg:$0x4];
	s1 =	sadd.s32 @!p1 s14, s1;
	[sflag:s26] =	ssyncadd.s32 $0xFFFFCE00  }
0x130: {  	[tilespmem:s2], [sflag:$0x2] =	stream.linear.gather @!p1 [hbm4b:s1+s3], $0x280, $0x38;
	[tilespmem:$0x1E480] =	vst v63  }
0x131: {  	s0 =	sadd.s32 @!p1 s14, s0  }
0x132: {  	[tilespmem:s5], [sflag:$0x2] =	stream.linear.gather @!p1 [hbm4b:s0+s3], $0x280, $0x38;
	[tilespmem:$0x1E480] =	vst v63  }
0x133: {  	[bflag:$0x0] =	sbarrier.arrive $0xFFFF  }
0x134: {  	s1 =	rddreg [dreg:$0x1c]  }
0x135: {  	s0 =	simm.s32 @p0 $0x1FC3;
	s2 =	rddreg [dreg:$0x1e]  }
0x136: {  	[hbm:s1], [sflag:s0] =	dma.local @p0 [spmem:s2], $0x2800  }
0x137: {  	s0 =	simm.s32 @p0 $0x3  }
0x138: {  	s1 =	stileid.u32;
	_ =	swait.ge @p0 [sflag:s0], $0x2800  }
0x139: {  	s1 =	sshll.u32 @!p0 s1, $0x6;
	[sflag:s0] =	ssyncset.done @p0 $0x0;
	s2 =	rddreg [dreg:$0x1f]  }
0x13a: {  	[sflag:s0] =	ssyncadd.s32 @p0 $0xFFFFD800;
	s0 =	sor.u32 @!p0 $0x1C03, s1;
	s1 =	rddreg [dreg:$0x1b]  }
0x13b: {  	[hbm:s1], [sflag:s0] =	dma.local @!p0 [spmem:s2], $0x2700  }
0x13c: {  	s0 =	simm.s32 @!p0 $0x3  }
0x13d: {  	_ =	swait.ge @!p0 [sflag:s0], $0x2700  }
0x13e: {  	s30 =	rddreg [dreg:$0xf]  }
0x13f: {  	s31 =	rddreg [dreg:$0x1d];
	s9 =	sadd.s32 $0x1, s30  }
0x140: {  	p1 =	sne.s32 s9, s31  }
.Ltmp2:
0x141: {  	_ = 	snop;
	(pc) =	sbr.rel @p1 .LBB2_1-.Ltmp2, $3  }
0x142: {  	_ =	sdelay $0x1  }
0x143: {  	[sflag:s0] =	ssyncset.done @!p0 $0x0  }
0x144: {  	[sflag:s0] =	ssyncadd.s32 @!p0 $0xFFFFD900  }
0x145: {  	_ =	sfence.sel $0x180000  }
0x146: {  	[bflag:$0x0] =	sbarrier.arrive $0xFFFF  }
0x147: {  	_ =	strace $0x9000004A  }
0x148: {  	s0 =	stileid.u32;
	[bflag:$0x2] =	sbarrier.arrive $0xFFFF  }
0x149: {  	p0 =	sne.s32 s0, $0x0;
	s0 =	rddreg [dreg:$0x2]  }
0x14a: {  	s0 =	sadd.s32 @!p0 $0x100000, s0  }
0x14b: {  	[sflag:s0] =	ssyncadd.tile.s32 @!p0 $0x1;
	_ =	shalt  }
.Lfunc_end2:
_tile_overlayer_lowered:
.L_overlay_start_2:
0x14c: {  	(tag) =	ssettag $0x2  }
0x14d: {  	s0 =	rddreg [dreg:$0x0];
	s2 =	stileid.u32  }
0x14e: {  	s1 =	rddreg [dreg:$0x1];
	p0 =	sne.s32 s2, $0x0  }
0x14f: {  	s3 =	rddreg [dreg:$0x2];
	[bflag:$0x3] =	sbarrier.arrive $0xFFFF;
	s2 =	simm.s32 @!p0 $0x1C03  }
0x150: {  	[timem:s3], [sflag:s2] =	dma.local @!p0 [hbm:s0], s1  }
0x151: {  	s0 =	simm.s32 @!p0 $0x3  }
0x152: {  	_ =	swait.ge @!p0 [sflag:s0], s1  }
0x153: {  	s1 =	ssub.s32 @!p0 $0x0, s1;
	[sflag:s0] =	ssyncset.done @!p0 $0x0  }
0x154: {  	[sflag:s0] =	ssyncadd.s32 @!p0 s1  }
0x155: {  	[bflag:$0x3] =	sbarrier.arrive $0xFFFF  }
0x156: {  	_ =	shalt  }

// kernel: kernel.18.cloned.1.call-start
scs
__scs_entry_jumppad:
0x0: {  	(pc) =	sbr.rel $0x88, $3  }
0x1: {  	(tag) =	ssettag $0x0;
	lr =	simm.s32 $0x1  }
0x2: {  	[smem:$0x3F91] =	sst lr;
	_ =	strace $0xD0000000  }
0x3: {  	_ = 	snop  }
0x4: {  	_ = 	snop  }
0x5: {  	_ = 	snop  }
0x6: {  	_ = 	snop  }
0x7: {  	_ = 	snop  }
__scs_overlays_trampoline_lowered:
0x8: {  	[smem:$0x3FA0] =	sst s0  }
0x9: {  	[smem:$0x3FA1] =	sst s1  }
0xa: {  	[smem:$0x3FA2] =	sst s2  }
0xb: {  	[smem:$0x3FA3] =	sst s3  }
0xc: {  	[smem:$0x3FA4] =	sst s4  }
0xd: {  	[smem:$0x3FA5] =	sst s5  }
0xe: {  	[smem:$0x3FA6] =	sst s6  }
0xf: {  	[smem:$0x3FA7] =	sst s7  }
0x10: {  	[smem:$0x3FA8] =	sst s8  }
0x11: {  	[smem:$0x3FA9] =	sst s9;
	s0 =	simm.s32 @!p0 $0x0  }
0x12: {  	s1 =	sld [smem:$0x3F8F];
	s0 =	simm.s32 @p0 $0x1  }
0x13: {  	[smem:$0x3FAA] =	sst s0;
	s0 =	simm.s32 @!p1 $0x0  }
0x14: {  	s2 =	sld [smem:$0x3F8E];
	s0 =	simm.s32 @p1 $0x1  }
0x15: {  	[smem:$0x3FAB] =	sst s0;
	s0 =	simm.s32 @!p2 $0x0  }
0x16: {  	s3 =	sld [smem:$0x3FDB];
	s0 =	simm.s32 @p2 $0x1  }
0x17: {  	s4 =	simm.s32 $0x1BF5;
	[smem:$0x3FAD] =	sst s0  }
0x18: {  	s0 =	sld [smem:$0x3F90];
	_ =	swait.ge [sflag:s4], $0x0  }
0x19: {  	s7 =	sld [smem:$0x3F91]  }
0x1a: {  	s8 =	sadd.s32 $0xFFFFE003, lr  }
0x1b: {  	s9 =	sadd.s32 $0xFFFFFEF7, lr;
	s5 =	simm.s32 $0xFFFFFFFF;
	p2 =	slt.u32 s8, $0xFFFFF086  }
0x1c: {  	p1 =	slt.u32 s9, $0xF7A;
	s5 =	simm.s32 @!p2 $0x0  }
0x1d: {  	s5 =	simm.s32 @p1 $0x1;
	p0 =	seq.s32 s7, s2  }
0x1e: {  	s7 =	smul.u32 @!p0 $0xF7A, s2;
	p2 =	seq.s32 @!p0 s5, $0x0  }
0x1f: {  	s9 =	smul.u32 $0xF7A, s1;
	s8 =	simm.s32 @!p0 $0x1BF5;
	p2 =	por !p2, p0  }
0x20: {  	[sflag:s8] =	ssyncset.s32 @!p0 $0xFFFFF086;
	s6 =	sadd.s32 @!p0 s3, s7;
	s7 =	simm.s32 @!p0 $0x108  }
0x21: {  	s3 =	sadd.s32 s3, s9;
	s6 =	sadd.s32 @!p0 $0x88, s6;
	s7 =	simm.s32 @p2 $0x1082  }
0x22: {  	[simem:s7], [sflag:s8] =	dma.local @!p0 [hbm:s6], $0xF7A  }
0x23: {  	s9 =	sor.u32 $0xD0000000, s2;
	s6 =	simm.s32 $0x108;
	_ =	swait.ge @!p0 [sflag:s8], $0x0  }
0x24: {  	s3 =	sadd.s32 $0x88, s3;
	s6 =	simm.s32 @!p1 $0x1082;
	[sflag:s4] =	ssyncset.s32 $0xFFFFF086  }
0x25: {  	[simem:s6], [sflag:s4] =	dma.local [hbm:s3], $0xF7A  }
0x26: {  	[smem:$0x3F91] =	sst s1;
	(tag) =	ssettag s2;
	_ =	strace s9  }
0x27: {  	s1 =	sld [smem:$0x3FA1]  }
0x28: {  	s2 =	sld [smem:$0x3FA2]  }
0x29: {  	s4 =	sld [smem:$0x3FA4]  }
0x2a: {  	p0 =	seq.s32 s5, $0x0;
	s5 =	sld [smem:$0x3FA5]  }
0x2b: {  	s6 =	sld [smem:$0x3FA6]  }
0x2c: {  	s7 =	sld [smem:$0x3FA7]  }
0x2d: {  	s3 =	simm.s32 $0x108;
	s8 =	sld [smem:$0x3FA8]  }
0x2e: {  	s3 =	simm.s32 @!p0 $0x1082;
	s9 =	sld [smem:$0x3FA9]  }
0x2f: {  	lr =	sadd.s32 s0, s3;
	s0 =	sld [smem:$0x3FA0]  }
0x30: {  	s3 =	sld [smem:$0x3FA3]  }
0x31: {  	[smem:$0x3FAC] =	sst s10  }
0x32: {  	s10 =	sld [smem:$0x3FAA];
	_ =	sdelay $0x3  }
0x33: {  	p0 =	seq.s32 s10, $0x1;
	s10 =	sld [smem:$0x3FAC];
	_ =	sdelay $0x3  }
0x34: {  	[smem:$0x3FAC] =	sst s10  }
0x35: {  	s10 =	sld [smem:$0x3FAB];
	_ =	sdelay $0x3  }
0x36: {  	p1 =	seq.s32 s10, $0x1;
	s10 =	sld [smem:$0x3FAC];
	_ =	sdelay $0x3  }
0x37: {  	[smem:$0x3FAC] =	sst s10  }
0x38: {  	s10 =	sld [smem:$0x3FAD]  }
0x39: {  	_ = 	snop;
	(pc) =	sbr.ind lr, $3  }
0x3a: {  	_ = 	snop  }
0x3b: {  	_ = 	snop  }
0x3c: {  	p2 =	seq.s32 s10, $0x1;
	s10 =	sld [smem:$0x3FAC]  }
0x3d: {  	_ =	shalt  }
0x3e: {  	_ =	shalt  }
0x3f: {  	_ =	shalt  }
0x40: {  	_ =	shalt  }
0x41: {  	_ =	shalt  }
0x42: {  	_ =	shalt  }
0x43: {  	_ =	shalt  }
0x44: {  	_ =	shalt  }
0x45: {  	_ =	shalt  }
0x46: {  	_ =	shalt  }
0x47: {  	_ =	shalt  }
0x48: {  	_ =	shalt  }
0x49: {  	_ =	shalt  }
0x4a: {  	_ =	shalt  }
0x4b: {  	_ =	shalt  }
0x4c: {  	_ =	shalt  }
0x4d: {  	_ =	shalt  }
0x4e: {  	_ =	shalt  }
0x4f: {  	_ =	shalt  }
0x50: {  	_ =	shalt  }
0x51: {  	_ =	shalt  }
0x52: {  	_ =	shalt  }
0x53: {  	_ =	shalt  }
0x54: {  	_ =	shalt  }
0x55: {  	_ =	shalt  }
0x56: {  	_ =	shalt  }
0x57: {  	_ =	shalt  }
0x58: {  	_ =	shalt  }
0x59: {  	_ =	shalt  }
0x5a: {  	_ =	shalt  }
0x5b: {  	_ =	shalt  }
0x5c: {  	_ =	shalt  }
0x5d: {  	_ =	shalt  }
0x5e: {  	_ =	shalt  }
0x5f: {  	_ =	shalt  }
0x60: {  	_ =	shalt  }
0x61: {  	_ =	shalt  }
0x62: {  	_ =	shalt  }
0x63: {  	_ =	shalt  }
0x64: {  	_ =	shalt  }
0x65: {  	_ =	shalt  }
0x66: {  	_ =	shalt  }
0x67: {  	_ =	shalt  }
0x68: {  	_ =	shalt  }
0x69: {  	_ =	shalt  }
0x6a: {  	_ =	shalt  }
0x6b: {  	_ =	shalt  }
0x6c: {  	_ =	shalt  }
0x6d: {  	_ =	shalt  }
0x6e: {  	_ =	shalt  }
0x6f: {  	_ =	shalt  }
0x70: {  	_ =	shalt  }
0x71: {  	_ =	shalt  }
0x72: {  	_ =	shalt  }
0x73: {  	_ =	shalt  }
0x74: {  	_ =	shalt  }
0x75: {  	_ =	shalt  }
0x76: {  	_ =	shalt  }
0x77: {  	_ =	shalt  }
0x78: {  	_ =	shalt  }
0x79: {  	_ =	shalt  }
0x7a: {  	_ =	shalt  }
0x7b: {  	_ =	shalt  }
0x7c: {  	_ =	shalt  }
0x7d: {  	_ =	shalt  }
0x7e: {  	_ =	shalt  }
0x7f: {  	_ =	shalt  }
0x80: {  	_ =	shalt  }
0x81: {  	_ =	shalt  }
0x82: {  	_ =	shalt  }
0x83: {  	_ =	shalt  }
0x84: {  	_ =	shalt  }
0x85: {  	_ =	shalt  }
0x86: {  	_ =	shalt  }
0x87: {  	_ =	shalt  }
.Lfunc_end0:
.L_simem_size_0:
called_computation.2_lowered:
.L_overlay_start_0:
0x88: {  	s2 =	sld [smem:$0x3FD9]  }
0x89: {  	s3 =	sld [smem:$0x3FFE];
	_ =	sdelay $0x1  }
0x8a: {  	s1 =	srdreg.scid  }
0x8b: {  	s0 =	sand.u32 $0x1, s1  }
0x8c: {  	s16 =	sshll.u32 s0, $0xA;
	s2 =	sadd.s32 s3, s2  }
0x8d: {  	s2 =	sadd.s32 s2, s16  }
0x8e: {  	[smem:$0x3FB8] =	sst s2  }
0x8f: {  	_ = 	snop  }
0x90: {  	(tm) =	ssettm $0x1  }
0x91: {  	s17 =	sld [smem:$0x3FFB];
	_ =	sdelay $0x3  }
0x92: {  	_ =	strace s17  }
0x93: {  	s2 =	sld [smem:$0x3FFC];
	_ =	sdelay $0x3  }
0x94: {  	_ =	strace s2  }
0x95: {  	s2 =	sld [smem:$0x3FFD];
	_ =	sdelay $0x3  }
0x96: {  	_ =	strace s2  }
0x97: {  	_ =	strace $0x8FFFFFFF  }
0x98: {  	s18 =	sld [smem:$0x3FDB];
	_ =	sdelay $0x1  }
0x99: {  	s19 =	simm.s32 $_scs_section_size  }
0x9a: {  	s4 =	simm.s32 $_size__tile_overlayer_lowered;
	s5 =	simm.s32 $_tile_overlayer_lowered  }
0x9b: {  	s22 =	simm.s32 $0x1BFF;
	s21 =	sshll.u32 s5, $0x1;
	s2 =	sadd.s32 s19, s18  }
0x9c: {  	s6 =	simm.s32 $0x0;
	s20 =	sshll.u32 s4, $0x1;
	s4 =	sadd.s32 s21, s2  }
0x9d: {  	[timem:s6], [sflag:s22] =	dma.local [hbm:s4], s20  }
0x9e: {  	_ =	swait.ge [sflag:s22], s20  }
0x9f: {  	s3 =	ssub.s32 $0x0, s20;
	[sflag:s22] =	ssyncset.done $0x0  }
0xa0: {  	[sflag:s22] =	ssyncadd.s32 s3;
	_ =	sdelay $0x1  }
0xa1: {  	s23 =	simm.s32 $0x1B8B  }
0xa2: {  	_ =	swait.ge [sflag:s23], $0x1  }
0xa3: {  	[sflag:s23] =	ssyncset.done $0x0  }
0xa4: {  	s25 =	simm.s32 $0x1B8E;
	s24 =	sld [smem:$0x3FFE];
	[sflag:s23] =	ssyncadd.s32 $0xFFFFFFFF  }
0xa5: {  	s26 =	simm.s32 $execute0_lowered;
	[smem:$0x3FD2] =	sst s25  }
0xa6: {  	s4 =	sshll.u32 s26, $0x1;
	_ =	strace $0x8000004C;
	[dreg:$0x1] =	wrdreg $0xFFFFFFFF  }
0xa7: {  	s28 =	simm.s32 $_size_execute0_lowered;
	s2 =	sadd.s32 s2, s4;
	[dreg:$0x0] =	wrdreg $0x0  }
0xa8: {  	s4 =	sshll.u32 s28, $0x1;
	[dreg:$0x2] =	wrdreg s2  }
0xa9: {  	[dreg:$0x3] =	wrdreg s4  }
0xaa: {  	[dreg:$0x4] =	wrdreg $0xC0  }
0xab: {  	_ =	task [dreg:s6], $0x5FFFF  }
0xac: {  	[dreg:$0x1] =	wrdreg $0xFFFFFFFF  }
0xad: {  	[dreg:$0x0] =	wrdreg $0x60  }
0xae: {  	[dreg:$0x2] =	wrdreg s24  }
0xaf: {  	[dreg:$0x3] =	wrdreg $0xAC000  }
0xb0: {  	[dreg:$0x4] =	wrdreg $0x9  }
0xb1: {  	_ =	task.clear_ibuf [dreg:s6], $0x5FFFF;
	_ =	strace $0x9000004C  }
0xb2: {  	s29 =	simm.s32 $0x9;
	_ =	strace $0x8000004E  }
0xb3: {  	_ =	swait.ge [sflag:s29], $0x1  }
0xb4: {  	[sflag:s29] =	ssyncadd.s32 $0xFFFFFFFF  }
0xb5: {  	_ =	strace $0x9000004E  }
0xb6: {  	_ =	sfence  }
0xb7: {  	s30 =	sld [smem:$0x0];
	_ =	sdelay $0x2  }
0xb8: {  	s31 =	sshll.u32 s1, $0xD;
	s1 =	sshrl.u32 s1, $0x2  }
0xb9: {  	s3 =	sand.u32 $0x4000, s31;
	s1 =	sadd.s32 s1, s30  }
0xba: {  	s0 =	sor.u32 s3, s0;
	s1 =	sshll.u32 s1, $0x11  }
0xbb: {  	s0 =	sor.u32 s1, s0  }
0xbc: {  	s0 =	sadd.s32 $0x8F2B, s0  }
0xbd: {  	[sflag:s0] =	ssyncadd.remote.s32 $0x1  }
0xbe: {  	_ =	sfence.sel $0xFFFF  }
0xbf: {  	[dreg:$0x0] =	wrdreg $0xFFFFFFFF;
	(pc) =	sbr.abs _section_cstart, $3  }
0xc0: {  	[dreg:$0x1] =	wrdreg $0xFFFFFFFF  }
0xc1: {  	_ =	task.clear_ibuf [dreg:s6], $0x2FFFF;
	_ =	strace $0x9FFFFFFF  }
0xc2: {  	(tm) =	ssettm $0x7FFFFFFF  }
0xc3: {  	_ =	shalt  }
tec
execute0_lowered:
.L_overlay_start_1:
0x0: {  	(tag) =	ssettag $0x1  }
0x1: {  	s0 =	rddreg [dreg:$0x0]  }
0x2: {  	s23 =	rddreg [dreg:$0x1]  }
0x3: {  	s9 =	simm.s32 $0x0;
	s1 =	srdreg.scid;
	s8 =	stileid.u32  }
0x4: {  	[smem:$0x7FF] =	sst s9;
	s19 =	sadd.s32 $0x2BC00, s0;
	s2 =	smul.u32 $0x4E200, s8  }
0x5: {  	s1 =	sand.u32 $0x1, s1;
	s3 =	sadd.s32 $0x3C00, s0;
	s15 =	smul.u32 $0x13800, s8  }
0x6: {  	s0 =	sadd.s32 $0x52E00, s0;
	s21 =	smul.u32 $0x5000, s8;
	_ =	strace $0x8000004D  }
0x7: {  	s4 =	sshll.u32 s1, $0x4;
	s5 =	ssub.s32 $0x2, s1;
	s12 =	smul.u32 $0x138800, s1  }
0x8: {  	s1 =	smul.u32 $0x50000, s1;
	s4 =	sor.u32 s8, s4;
	s2 =	sshrl.u32 s2, $0x2  }
0x9: {  	s6 =	sshrl.u32 s5, $0x1;
	s10 =	sadd.s32 s2, s23;
	s30 =	smul.u32 $0x5000, s4  }
0xa: {  	s31 =	ssub.s32 s5, s6;
	s11 =	sadd.s32 $0x3200, s10;
	[dreg:$0x10] =	wrdreg s10  }
0xb: {  	s6 =	sadd.s32 s15, s12;
	s13 =	sadd.s32 $0x6400, s10;
	[dreg:$0x11] =	wrdreg s11  }
0xc: {  	s1 =	sadd.s32 s21, s1;
	s14 =	sadd.s32 $0x9600, s10;
	[dreg:$0x12] =	wrdreg s13  }
0xd: {  	s5 =	sshrl.u32 s12, $0x3;
	s7 =	sadd.s32 $0xC800, s10;
	[dreg:$0x13] =	wrdreg s14  }
0xe: {  	s18 =	sadd.s32 $0x12C00, s10;
	s6 =	sshrl.u32 s6, $0x3;
	[dreg:$0x14] =	wrdreg s7  }
0xf: {  	s26 =	sadd.s32 $0xA0800, s1;
	s31 =	smax.u32 s31, $0x1;
	[dreg:$0x17] =	wrdreg s18  }
0x10: {  	s1 =	sor.u32 $0x800, s1;
	s11 =	sadd.s32 $0xFA00, s10;
	[dreg:$0x1d] =	wrdreg s31  }
0x11: {  	s2 =	sshrl.u32 s30, $0x3;
	s25 =	sadd.s32 s0, s6;
	[dreg:$0x15] =	wrdreg s11  }
0x12: {  	s0 =	sadd.s32 s0, s5;
	s17 =	sadd.s32 s3, s2;
	[dreg:$0x1b] =	wrdreg s25  }
0x13: {  	s6 =	sshrl.u32 s26, $0x3;
	s0 =	sadd.s32 $0x24900, s0;
	[dreg:$0x16] =	wrdreg s17  }
0x14: {  	s1 =	sshrl.u32 s1, $0x3;
	s28 =	sadd.s32 s6, s3;
	[dreg:$0x1c] =	wrdreg s0  }
0x15: {  	s16 =	smul.u32 $0x4E000, s8;
	s30 =	sadd.s32 s1, s3;
	[dreg:$0x4] =	wrdreg s28  }
0x16: {  	p0 =	seq.s32 s8, $0xF;
	s20 =	sadd.s32 $0x14000, s17;
	[dreg:$0x3] =	wrdreg s30  }
0x17: {  	s7 =	sshrl.u32 s16, $0x2;
	s22 =	sadd.s32 $0x80, s17;
	[dreg:$0x18] =	wrdreg s20  }
0x18: {  	s1 =	sadd.s32 $0x124800, s23;
	s24 =	sadd.s32 $0x14080, s17;
	[dreg:$0x19] =	wrdreg s22  }
0x19: {  	s2 =	sadd.s32 s7, s23;
	s0 =	sshrl.u32 @p0 s1, $0x3;
	[dreg:$0x1a] =	wrdreg s24  }
0x1a: {  	s29 =	simm.s32 $0x1;
	[dreg:$0x1e] =	wrdreg s0;
	s0 =	sshrl.u32 @!p0 s2, $0x3  }
0x1b: {  	v0 =	vimm.f32 $0.0e+00;
	s21 =	simm.s32 $0x64;
	s26 =	simm.s32 $0x3;
	[dreg:$0x1f] =	wrdreg s0  }
.LBB2_1:
0x1c: {  	[dreg:$0xf] =	wrdreg s9;
	s0 =	simm.s32 $0x0;
	s1 =	simm.s32 $0x200  }
.LBB2_2:
0x1d: {  	p1 =	sne.s32 s1, $0xC600;
	[tilespmem:s0+$0x1070] =	vst v0  }
0x1e: {  	[tilespmem:s0+$0x1000] =	vst v0  }
0x1f: {  	[tilespmem:s0+$0x1010] =	vst v0  }
.Ltmp0:
0x20: {  	[tilespmem:s0+$0x1020] =	vst v0;
	(pc) =	sbr.rel @p1 .LBB2_2-.Ltmp0, $4  }
0x21: {  	[tilespmem:s0+$0x1030] =	vst v0  }
0x22: {  	[tilespmem:s0+$0x1040] =	vst v0  }
0x23: {  	[tilespmem:s0+$0x1050] =	vst v0  }
0x24: {  	[tilespmem:s0+$0x1060] =	vst v0;
	s0 =	sshra.s32 s1, $0x2;
	s1 =	sadd.s32 $0x200, s1  }
0x25: {  	[tilespmem:s0+$0x1070] =	vst v0  }
0x26: {  	[tilespmem:s0+$0x1000] =	vst v0  }
0x27: {  	[tilespmem:s0+$0x1010] =	vst v0  }
0x28: {  	[tilespmem:s0+$0x1020] =	vst v0  }
0x29: {  	[tilespmem:s0+$0x1030] =	vst v0  }
0x2a: {  	[tilespmem:s0+$0x1040] =	vst v0  }
0x2b: {  	[tilespmem:s0+$0x1050] =	vst v0  }
0x2c: {  	[tilespmem:s0+$0x1060] =	vst v0;
	s25 =	rddreg [dreg:$0x10];
	s1 =	simm.s32 $0x1000  }
0x2d: {  	[spmem:s25] =	stream.linear.scatter [tilespmem:s1], [sflag:$0x3], $0x3200, $0x38;
	[tilespmem:$0x1E480] =	vst v63  }
0x2e: {  	_ =	swait.ge [sflag:s26], $0x3200  }
0x2f: {  	[sflag:s26] =	ssyncset.done $0x0  }
0x30: {  	s2 =	rddreg [dreg:$0x11];
	[sflag:s26] =	ssyncadd.s32 $0xFFFFCE00  }
0x31: {  	[spmem:s2] =	stream.linear.scatter [tilespmem:s1], [sflag:$0x3], $0x3200, $0x38;
	[tilespmem:$0x1E480] =	vst v63  }
0x32: {  	_ =	swait.ge [sflag:s26], $0x3200  }
0x33: {  	[sflag:s26] =	ssyncset.done $0x0  }
0x34: {  	s3 =	rddreg [dreg:$0x12];
	[sflag:s26] =	ssyncadd.s32 $0xFFFFCE00  }
0x35: {  	[spmem:s3] =	stream.linear.scatter [tilespmem:s1], [sflag:$0x3], $0x3200, $0x38;
	[tilespmem:$0x1E480] =	vst v63  }
0x36: {  	_ =	swait.ge [sflag:s26], $0x3200  }
0x37: {  	[sflag:s26] =	ssyncset.done $0x0  }
0x38: {  	s4 =	rddreg [dreg:$0x13];
	[sflag:s26] =	ssyncadd.s32 $0xFFFFCE00  }
0x39: {  	[spmem:s4] =	stream.linear.scatter [tilespmem:s1], [sflag:$0x3], $0x3200, $0x38;
	[tilespmem:$0x1E480] =	vst v63  }
0x3a: {  	_ =	swait.ge [sflag:s26], $0x3200  }
0x3b: {  	[sflag:s26] =	ssyncset.done $0x0  }
0x3c: {  	s5 =	rddreg [dreg:$0x14];
	[sflag:s26] =	ssyncadd.s32 $0xFFFFCE00  }
0x3d: {  	[spmem:s5] =	stream.linear.scatter [tilespmem:s1], [sflag:$0x3], $0x3200, $0x38;
	[tilespmem:$0x1E480] =	vst v63  }
0x3e: {  	_ =	swait.ge [sflag:s26], $0x3200  }
0x3f: {  	[sflag:s26] =	ssyncset.done $0x0  }
0x40: {  	s6 =	rddreg [dreg:$0x15];
	[sflag:s26] =	ssyncadd.s32 $0xFFFFCE00  }
0x41: {  	[spmem:s6] =	stream.linear.scatter [tilespmem:s1], [sflag:$0x3], $0x3200, $0x38;
	[tilespmem:$0x1E480] =	vst v63  }
0x42: {  	_ =	swait.ge [sflag:s26], $0x3200  }
0x43: {  	[sflag:s26] =	ssyncset.done $0x0  }
0x44: {  	s7 =	rddreg [dreg:$0x17];
	[sflag:s26] =	ssyncadd.s32 $0xFFFFCE00  }
0x45: {  	[spmem:s7] =	stream.linear.scatter [tilespmem:s1], [sflag:$0x3], $0xC80, $0x38;
	[tilespmem:$0x1E480] =	vst v63  }
0x46: {  	_ =	swait.ge [sflag:s26], $0xC80  }
0x47: {  	s30 =	simm.s32 $0x0;
	s11 =	simm.s32 $0x400;
	[sflag:s26] =	ssyncset.done $0x0  }
0x48: {  	s13 =	simm.s32 $0xC00;
	s14 =	simm.s32 $0x80;
	[sflag:s26] =	ssyncadd.s32 $0xFFFFF380  }
0x49: {  	s15 =	simm.s32 $0x4400;
	p2 =	por $0x1, $0x1;
	[bflag:$0x0] =	sbarrier.arrive $0xFFFF  }
0x4a: {  	p1 =	por $0x0, $0x0;
	s28 =	simm.s32 $0x100;
	s8 =	rddreg [dreg:$0x16]  }
0x4b: {  	[tilespmem:s30], [sflag:$0x3] =	stream.linear.gather [hbm4b:s8+s30], $0x280, $0x38;
	[tilespmem:$0x1E480] =	vst v63  }
0x4c: {  	p4 =	por $0x0, $0x0;
	p3 =	por @!p2 $0x0, $0x0;
	_ =	swait.ge [sflag:s26], $0x280  }
0x4d: {  	p5 =	por @!p4 $0x0, $0x0;
	p3 =	por p3, p2;
	[sflag:s26] =	ssyncset.done $0x0  }
0x4e: {  	s2 =	simm.s32 $0x800;
	s9 =	rddreg [dreg:$0x18];
	[sflag:s26] =	ssyncadd.s32 $0xFFFFFD80  }
0x4f: {  	[tilespmem:s2], [sflag:$0x3] =	stream.linear.gather [hbm4b:s9+s30], $0x280, $0x38;
	[tilespmem:$0x1E480] =	vst v63  }
0x50: {  	p2 =	por p1, p1;
	s2 =	smul.u32 $0x5, s30;
	_ =	swait.ge [sflag:s26], $0x280  }
0x51: {  	s3 =	sand.u32 $0x1000, s30;
	[sflag:s26] =	ssyncset.done $0x0;
	s10 =	rddreg [dreg:$0x19]  }
0x52: {  	s16 =	sadd.s32 $0x4, s2;
	s4 =	sadd.s32 @!p1 $0x5, s2;
	s9 =	sand.u32 $0xFF, s2  }
0x53: {  	[sflag:s26] =	ssyncadd.s32 $0xFFFFFD80;
	s17 =	sand.u32 $0xFF, s16;
	s9 =	smul.u32 $0xAB, s9  }
0x54: {  	[tilespmem:s11], [sflag:$0x3] =	stream.linear.gather [hbm4b:s10+s30], $0x280, $0x38;
	[tilespmem:$0x1E480] =	vst v63  }
0x55: {  	s5 =	sadd.s32 $0x2, s2;
	s7 =	sand.u32 @!p1 $0xFF, s4;
	s6 =	smul.u32 $0xAB, s17  }
0x56: {  	s8 =	sand.u32 $0xFF, s5;
	s7 =	smul.u32 @!p1 $0xAB, s7;
	s10 =	sadd.s32 $0x1, s2  }
0x57: {  	s0 =	sshrl.u32 s3, $0x2;
	s8 =	smul.u32 $0xAB, s8;
	s11 =	sand.u32 $0xFF, s10  }
0x58: {  	s3 =	sxor.u32 @!p1 $0x1000, s3;
	s9 =	sshrl.u32 s9, $0x9;
	s11 =	smul.u32 $0xAB, s11  }
0x59: {  	s17 =	sor.u32 $0x180, s0;
	s8 =	sshrl.u32 s8, $0x9;
	s9 =	smul.u32 $0x3, s9  }
0x5a: {  	_ =	swait.ge [sflag:s26], $0x280;
	s7 =	sshrl.u32 @!p1 s7, $0x9;
	s8 =	smul.u32 $0x3, s8  }
0x5b: {  	[sflag:s26] =	ssyncset.done $0x0;
	s6 =	sshrl.u32 s6, $0x9;
	s7 =	smul.u32 @!p1 $0x3, s7  }
0x5c: {  	s12 =	rddreg [dreg:$0x1a];
	[sflag:s26] =	ssyncadd.s32 $0xFFFFFD80;
	s6 =	smul.u32 $0x3, s6  }
0x5d: {  	[tilespmem:s13], [sflag:$0x3] =	stream.linear.gather [hbm4b:s12+s30], $0x280, $0x38;
	[tilespmem:$0x1E480] =	vst v63  }
0x5e: {  	s12 =	sadd.s32 $0x3, s2;
	s11 =	sshrl.u32 s11, $0x9;
	s9 =	ssub.s32 s2, s9  }
0x5f: {  	_ =	swait.ge [sflag:s26], $0x280;
	s13 =	sand.u32 $0xFF, s12;
	s5 =	ssub.s32 s5, s8  }
0x60: {  	s11 =	smul.u32 $0x3, s11;
	s9 =	sand.u32 $0xFF, s9;
	s4 =	ssub.s32 @!p1 s4, s7  }
0x61: {  	[sflag:s26] =	ssyncset.done $0x0;
	s18 =	smul.u32 $0xAB, s13;
	s5 =	sand.u32 $0xFF, s5  }
0x62: {  	s13 =	sshrl.u32 @!p1 s3, $0x2;
	s3 =	sadd.s32 @!p1 $0x6, s2;
	s20 =	smul.u32 $0xD000, s9  }
0x63: {  	s4 =	sand.u32 @!p1 $0xFF, s4;
	[sflag:s26] =	ssyncadd.s32 $0xFFFFFD80;
	s5 =	smul.u32 $0xD000, s5  }
0x64: {  	s10 =	ssub.s32 s10, s11;
	s9 =	sand.u32 @!p1 $0xFF, s3;
	s4 =	smul.u32 @!p2 $0xD000, s4  }
0x65: {  	[tilespmem:s1], [sflag:$0x1] =	stream.indirect.gather [hbm4b:s19+s21], $0x80, s30, s21, $0xb8;
	[tilespmem:$0x1E480] =	vst v63  }
0x66: {  	s8 =	sshrl.u32 s18, $0x9;
	s22 =	sshrl.u32 s20, $0x2;
	s10 =	sand.u32 $0xFF, s10  }
0x67: {  	s1 =	ssub.s32 s16, s6;
	s8 =	smul.u32 $0x3, s8;
	s5 =	sshrl.u32 s5, $0x2  }
0x68: {  	s10 =	smul.u32 $0xD000, s10;
	s4 =	sshrl.u32 @!p2 s4, $0x2;
	s1 =	sand.u32 $0xFF, s1  }
0x69: {  	[tilespmem:s15], [sflag:$0x1] =	stream.indirect.gather [hbm4b:s19+s21], $0x80, s14, s21, $0xb8;
	[tilespmem:$0x1E480] =	vst v63  }
0x6a: {  	s24 =	ssub.s32 s12, s8;
	s8 =	smul.u32 @!p1 $0xAB, s9;
	s9 =	simm.s32 @!p3 $0x2  }
0x6b: {  	s14 =	simm.s32 $0x80;
	s2 =	sand.u32 $0xFF, s24;
	_ =	swait.ge @!p3 [sflag:s9], $0x280  }
0x6c: {  	[dreg:$0x5] =	wrdreg s13;
	s25 =	smul.u32 $0xD000, s2;
	s2 =	sshrl.u32 @!p1 s8, $0x9  }
0x6d: {  	[sflag:s9] =	ssyncset.done @!p3 $0x0;
	s7 =	smul.u32 @!p1 $0x3, s2;
	s2 =	sadd.s32 @!p1 $0x80, s13  }
0x6e: {  	s1 =	smul.u32 $0xD000, s1;
	[sflag:s9] =	ssyncadd.s32 @!p3 $0xFFFFFD80;
	[dreg:$0x7] =	wrdreg s2  }
0x6f: {  	s15 =	sadd.s32 $0x1000, s22;
	s22 =	sor.u32 $0x200, s0;
	_ =	swait.ge @!p3 [sflag:s9], $0x280  }
0x70: {  	s11 =	sadd.s32 @!p2 $0x1000, s4;
	s12 =	simm.s32 $0x400;
	[sflag:s9] =	ssyncset.done @!p3 $0x0  }
0x71: {  	s13 =	sor.u32 $0x100, s0;
	s2 =	sadd.s32 $0x1000, s5;
	[sflag:s9] =	ssyncadd.s32 @!p3 $0xFFFFFD80  }
0x72: {  	[tilespmem:s2], [sflag:$0x1] =	stream.indirect.gather [hbm4b:s19+s21], $0x80, s13, s21, $0xb8;
	[tilespmem:$0x1E480] =	vst v63  }
0x73: {  	s3 =	ssub.s32 @!p2 s3, s7;
	s7 =	sand.u32 $0x400, s30;
	_ =	swait.ge [sflag:s29], $0x3200  }
0x74: {  	s18 =	sshrl.u32 s10, $0x2;
	s6 =	sadd.s32 @!p2 $0x980, s7;
	[sflag:s29] =	ssyncset.done $0x0  }
0x75: {  	s13 =	sor.u32 $0x800, s7;
	[dreg:$0x8] =	wrdreg s6;
	[sflag:s29] =	ssyncadd.s32 $0xFFFFCE00  }
0x76: {  	[spmem:s23] =	stream.indirect.scatter.add.f32 [tilespmem:s15], [sflag:$0x3], $0x80, s13, s21, $0xb8;
	[tilespmem:$0x1E480] =	vst v63  }
0x77: {  	s1 =	sshrl.u32 s1, $0x2;
	s20 =	sadd.s32 $0x1000, s18;
	_ =	swait.ge [sflag:s26], $0x3200  }
0x78: {  	s8 =	simm.s32 $0x1000;
	s16 =	sshrl.u32 s25, $0x2;
	[sflag:s26] =	ssyncset.done $0x0  }
0x79: {  	s0 =	simm.s32 $0x1;
	s16 =	sadd.s32 $0x1000, s16;
	[sflag:s26] =	ssyncadd.s32 $0xFFFFCE00  }
0x7a: {  	[tilespmem:s16], [sflag:$0x1] =	stream.indirect.gather [hbm4b:s19+s21], $0x80, s17, s21, $0xb8;
	[tilespmem:$0x1E480] =	vst v63  }
0x7b: {  	p1 =	por $0x0, $0x0;
	s5 =	simm.s32 @!p2 $0x3;
	_ =	swait.ge [sflag:s29], $0x3200  }
0x7c: {  	s3 =	sand.u32 @!p2 $0xFF, s3;
	s24 =	sor.u32 $0x880, s7;
	[sflag:s29] =	ssyncset.done $0x0  }
0x7d: {  	s25 =	sor.u32 $0x900, s7;
	s18 =	sadd.s32 $0xA00, s7;
	[sflag:s29] =	ssyncadd.s32 $0xFFFFCE00  }
0x7e: {  	[spmem:s23] =	stream.indirect.scatter.add.f32 [tilespmem:s20], [sflag:$0x3], $0x80, s24, s21, $0xb8;
	[tilespmem:$0x1E480] =	vst v63  }
0x7f: {  	s3 =	smul.u32 @!p2 $0xD000, s3;
	p3 =	por $0x0, $0x0;
	_ =	swait.ge [sflag:s26], $0x3200  }
0x80: {  	s9 =	smul.u32 $0x5, s0;
	s10 =	simm.s32 @!p3 $0x0;
	[sflag:s26] =	ssyncset.done $0x0  }
0x81: {  	s3 =	sshrl.u32 @!p2 s3, $0x2;
	s17 =	sadd.s32 $0x1000, s1;
	[sflag:s26] =	ssyncadd.s32 $0xFFFFCE00  }
0x82: {  	[tilespmem:s17], [sflag:$0x1] =	stream.indirect.gather [hbm4b:s19+s21], $0x80, s22, s21, $0xb8;
	[tilespmem:$0x1E480] =	vst v63  }
0x83: {  	s31 =	sand.u32 $0xFF, s9;
	s15 =	sadd.s32 @!p2 $0x1000, s3;
	_ =	swait.ge [sflag:s29], $0x3200  }
0x84: {  	s3 =	sand.u32 $0x1000, s8;
	s1 =	simm.s32 @!p2 $0x1;
	[sflag:s29] =	ssyncset.done $0x0  }
0x85: {  	s24 =	simm.s32 @!p2 $0x64;
	s20 =	simm.s32 @p2 $0x1;
	[sflag:s29] =	ssyncadd.s32 $0xFFFFCE00  }
0x86: {  	[spmem:s23] =	stream.indirect.scatter.add.f32 [tilespmem:s2], [sflag:$0x3], $0x80, s25, s21, $0xb8;
	[tilespmem:$0x1E480] =	vst v63  }
0x87: {  	s22 =	sxor.u32 @!p1 $0x1000, s3;
	s25 =	sshrl.u32 s3, $0x2;
	_ =	swait.ge [sflag:s26], $0x3200  }
.LBB2_4:
0x88: {  	[dreg:$0xe] =	wrdreg s14  }
0x89: {  	[dreg:$0xd] =	wrdreg s13  }
0x8a: {  	[dreg:$0xc] =	wrdreg s10  }
0x8b: {  	[dreg:$0x6] =	wrdreg s12  }
0x8c: {  	s10 =	smov.u32 s30;
	s30 =	sadd.s32 $0x2, s9;
	s3 =	sadd.s32 $0x4, s9  }
0x8d: {  	s21 =	simm.s32 @p2 $0x3;
	s2 =	smov.u32 s28;
	s12 =	smov.u32 s0  }
0x8e: {  	s13 =	simm.s32 @p2 $0x64;
	s4 =	sadd.s32 $0x3, s9;
	s6 =	sadd.s32 $0x1, s9  }
0x8f: {  	[sflag:s26] =	ssyncset.done $0x0;
	s26 =	sadd.s32 @!p1 $0x5, s9;
	s29 =	smov.u32 s19  }
0x90: {  	p4 =	por p5, p4;
	s28 =	sadd.s32 $0x80, s28;
	[dreg:$0xa] =	wrdreg s3  }
0x91: {  	s0 =	sadd.s32 $0x1, s0;
	s8 =	sadd.s32 $0x1000, s8;
	[dreg:$0xb] =	wrdreg s2  }
0x92: {  	[dreg:$0x9] =	wrdreg s12;
	s14 =	sand.u32 $0xFF, s30;
	s3 =	sand.u32 $0xFF, s3  }
0x93: {  	s12 =	simm.s32 $0x3;
	s19 =	sand.u32 @!p1 $0xFF, s26;
	s3 =	smul.u32 $0xAB, s3  }
0x94: {  	s2 =	sadd.s32 @p2 $0x980, s7;
	[sflag:s12] =	ssyncadd.s32 $0xFFFFCE00;
	s19 =	smul.u32 @!p1 $0xAB, s19  }
0x95: {  	s12 =	sand.u32 $0xFF, s6;
	s14 =	smul.u32 $0xAB, s14;
	_ =	swait.ge @p2 [sflag:s20], $0x3200  }
0x96: {  	p6 =	sne.s32 s28, $0xA00;
	s12 =	smul.u32 $0xAB, s12;
	[sflag:s20] =	ssyncset.done @p2 $0x0  }
0x97: {  	s3 =	sshrl.u32 s3, $0x9;
	s14 =	sshrl.u32 s14, $0x9;
	[sflag:s20] =	ssyncadd.s32 @p2 $0xFFFFCE00  }
0x98: {  	s12 =	sshrl.u32 s12, $0x9;
	s20 =	sshrl.u32 @!p1 s19, $0x9;
	s3 =	smul.u32 $0x3, s3  }
0x99: {  	[spmem:s23] =	stream.indirect.scatter.add.f32 @p2 [tilespmem:s16], [sflag:$0x3], $0x80, s2, s13, $0xb8;
	[tilespmem:$0x1E480] =	vst v63  }
0x9a: {  	s19 =	smov.u32 s29;
	s29 =	simm.s32 $0x1;
	s13 =	smul.u32 $0xAB, s31  }
0x9b: {  	s12 =	smul.u32 $0x3, s12;
	s31 =	sshrl.u32 @!p1 s22, $0x2;
	_ =	swait.ge @p2 [sflag:s21], $0x3200  }
0x9c: {  	s22 =	sand.u32 $0xFF, s4;
	[sflag:s21] =	ssyncset.done @p2 $0x0;
	s2 =	sshrl.u32 s13, $0x9  }
0x9d: {  	s13 =	rddreg [dreg:$0x5];
	s6 =	ssub.s32 s6, s12;
	s12 =	smul.u32 $0xAB, s22  }
0x9e: {  	[sflag:s21] =	ssyncadd.s32 @p2 $0xFFFFCE00;
	s21 =	simm.s32 $0x64;
	s2 =	smul.u32 $0x3, s2  }
0x9f: {  	[tilespmem:s11], [sflag:$0x1] =	stream.indirect.gather @!p2 [hbm4b:s19+s24], $0x80, s13, s24, $0xb8;
	[tilespmem:$0x1E480] =	vst v63  }
0xa0: {  	s6 =	sand.u32 $0xFF, s6;
	s11 =	smul.u32 $0x3, s14;
	_ =	swait.ge @!p2 [sflag:s1], $0x3200  }
0xa1: {  	s13 =	sshrl.u32 s12, $0x9;
	s2 =	ssub.s32 s9, s2;
	[sflag:s1] =	ssyncset.done @!p2 $0x0  }
0xa2: {  	s11 =	ssub.s32 s30, s11;
	[sflag:s1] =	ssyncadd.s32 @!p2 $0xFFFFCE00;
	s1 =	rddreg [dreg:$0x8]  }
0xa3: {  	[spmem:s23] =	stream.indirect.scatter.add.f32 @!p2 [tilespmem:s16], [sflag:$0x3], $0x80, s1, s24, $0xb8;
	[tilespmem:$0x1E480] =	vst v63  }
0xa4: {  	s2 =	sand.u32 $0xFF, s2;
	s11 =	sand.u32 $0xFF, s11;
	_ =	swait.ge @!p2 [sflag:s5], $0x3200  }
0xa5: {  	s2 =	smul.u32 $0xD000, s2;
	s1 =	sadd.s32 @!p1 $0x6, s9;
	[sflag:s5] =	ssyncset.done @!p2 $0x0  }
0xa6: {  	s14 =	smul.u32 $0xD000, s11;
	[sflag:s5] =	ssyncadd.s32 @!p2 $0xFFFFCE00;
	s5 =	rddreg [dreg:$0x7]  }
0xa7: {  	[tilespmem:s15], [sflag:$0x1] =	stream.indirect.gather @!p2 [hbm4b:s19+s24], $0x80, s5, s24, $0xb8;
	[tilespmem:$0x1E480] =	vst v63  }
0xa8: {  	s9 =	simm.s32 @!p4 $0x2;
	s15 =	smul.u32 $0x3, s13;
	_ =	swait.ge [sflag:s29], $0x3200  }
0xa9: {  	s11 =	sshrl.u32 s14, $0x2;
	s5 =	sshrl.u32 s2, $0x2;
	[sflag:s29] =	ssyncset.done $0x0  }
0xaa: {  	p2 =	por p1, p1;
	s16 =	ssub.s32 s4, s15;
	[sflag:s29] =	ssyncadd.s32 $0xFFFFCE00  }
0xab: {  	[spmem:s23] =	stream.indirect.scatter.add.f32 [tilespmem:s17], [sflag:$0x3], $0x80, s18, s21, $0xb8;
	[tilespmem:$0x1E480] =	vst v63  }
0xac: {  	s4 =	sand.u32 @!p1 $0xFF, s1;
	s15 =	sadd.s32 @!p1 $0x80, s31;
	s17 =	simm.s32 $0x3  }
0xad: {  	s13 =	smul.u32 @!p1 $0xAB, s4;
	_ =	swait.ge [sflag:s17], $0x3200;
	[dreg:$0x5] =	wrdreg s31  }
0xae: {  	s5 =	sadd.s32 $0x1000, s5;
	s4 =	smul.u32 @!p1 $0x3, s20;
	[dreg:$0x7] =	wrdreg s15  }
0xaf: {  	s2 =	sand.u32 $0xFF, s16;
	s18 =	simm.s32 $0x3;
	s12 =	rddreg [dreg:$0x3]  }
0xb0: {  	s2 =	smul.u32 $0xD000, s2;
	s15 =	ssub.s32 @!p1 s26, s4;
	s14 =	rddreg [dreg:$0x4]  }
0xb1: {  	s26 =	simm.s32 $0x3;
	s4 =	smul.u32 $0xD000, s6;
	s20 =	rddreg [dreg:$0x6]  }
0xb2: {  	s6 =	sshrl.u32 @!p1 s13, $0x9;
	s17 =	sor.u32 $0x100, s25;
	s22 =	rddreg [dreg:$0xe]  }
0xb3: {  	[sflag:s18] =	ssyncset.done $0x0;
	s24 =	rddreg [dreg:$0xb];
	s6 =	smul.u32 @!p1 $0x3, s6  }
0xb4: {  	s2 =	sshrl.u32 s2, $0x2;
	s18 =	sor.u32 $0x180, s25;
	s12 =	sadd.s32 @!p3 s10, s12  }
0xb5: {  	[sflag:s26] =	ssyncadd.s32 $0xFFFFCE00;
	s13 =	sadd.s32 @!p3 s10, s14;
	s10 =	rddreg [dreg:$0xc]  }
0xb6: {  	[tilespmem:s7], [sflag:$0x2] =	stream.linear.gather @!p3 [hbm4b:s12+s10], $0x280, $0x38;
	[tilespmem:$0x1E480] =	vst v63  }
0xb7: {  	s30 =	smov.u32 s22;
	s14 =	smov.u32 s24;
	s7 =	rddreg [dreg:$0xd]  }
0xb8: {  	[tilespmem:s7], [sflag:$0x2] =	stream.linear.gather @!p3 [hbm4b:s13+s10], $0x280, $0x38;
	[tilespmem:$0x1E480] =	vst v63  }
0xb9: {  	s4 =	sshrl.u32 s4, $0x2;
	s22 =	sor.u32 $0x200, s25;
	_ =	swait.ge @!p4 [sflag:s9], $0x280  }
0xba: {  	s24 =	simm.s32 @!p2 $0x64;
	s1 =	ssub.s32 @!p2 s1, s6;
	[sflag:s9] =	ssyncset.done @!p4 $0x0  }
0xbb: {  	s12 =	sadd.s32 $0x400, s20;
	s1 =	sand.u32 @!p2 $0xFF, s1;
	[sflag:s9] =	ssyncadd.s32 @!p4 $0xFFFFFD80  }
0xbc: {  	s7 =	sand.u32 @!p1 $0xFF, s15;
	s1 =	smul.u32 @!p2 $0xD000, s1;
	_ =	swait.ge @!p4 [sflag:s9], $0x280  }
0xbd: {  	s7 =	smul.u32 @!p2 $0xD000, s7;
	s16 =	rddreg [dreg:$0xa];
	[sflag:s9] =	ssyncset.done @!p4 $0x0  }
0xbe: {  	s6 =	ssub.s32 s16, s3;
	s3 =	sadd.s32 $0x1000, s11;
	[sflag:s9] =	ssyncadd.s32 @!p4 $0xFFFFFD80  }
0xbf: {  	[tilespmem:s3], [sflag:$0x1] =	stream.indirect.gather [hbm4b:s19+s21], $0x80, s17, s21, $0xb8;
	[tilespmem:$0x1E480] =	vst v63  }
0xc0: {  	s10 =	sshrl.u32 @!p2 s7, $0x2;
	s7 =	sand.u32 $0x400, s20;
	_ =	swait.ge [sflag:s29], $0x3200  }
0xc1: {  	s1 =	sshrl.u32 @!p2 s1, $0x2;
	s9 =	sadd.s32 @!p2 $0x980, s7;
	[sflag:s29] =	ssyncset.done $0x0  }
0xc2: {  	s13 =	sor.u32 $0x800, s7;
	[dreg:$0x8] =	wrdreg s9;
	[sflag:s29] =	ssyncadd.s32 $0xFFFFCE00  }
0xc3: {  	[spmem:s23] =	stream.indirect.scatter.add.f32 [tilespmem:s5], [sflag:$0x3], $0x80, s13, s21, $0xb8;
	[tilespmem:$0x1E480] =	vst v63  }
0xc4: {  	p1 =	seq.s32 s14, $0x980;
	s15 =	sadd.s32 @!p2 $0x1000, s1;
	_ =	swait.ge [sflag:s26], $0x3200  }
0xc5: {  	s20 =	sadd.s32 $0x1000, s4;
	s1 =	simm.s32 @!p2 $0x1;
	[sflag:s26] =	ssyncset.done $0x0  }
0xc6: {  	s25 =	sor.u32 $0x880, s7;
	s16 =	sadd.s32 $0x1000, s2;
	[sflag:s26] =	ssyncadd.s32 $0xFFFFCE00  }
0xc7: {  	[tilespmem:s16], [sflag:$0x1] =	stream.indirect.gather [hbm4b:s19+s21], $0x80, s18, s21, $0xb8;
	[tilespmem:$0x1E480] =	vst v63  }
0xc8: {  	s11 =	sadd.s32 @!p2 $0x1000, s10;
	s6 =	sand.u32 $0xFF, s6;
	_ =	swait.ge [sflag:s29], $0x3200  }
0xc9: {  	p4 =	seq.s32 s0, $0x0;
	s6 =	smul.u32 $0xD000, s6;
	[sflag:s29] =	ssyncset.done $0x0  }
0xca: {  	s2 =	sand.u32 $0x1000, s8;
	s9 =	smul.u32 $0x5, s0;
	[sflag:s29] =	ssyncadd.s32 $0xFFFFCE00  }
0xcb: {  	[spmem:s23] =	stream.indirect.scatter.add.f32 [tilespmem:s20], [sflag:$0x3], $0x80, s25, s21, $0xb8;
	[tilespmem:$0x1E480] =	vst v63  }
0xcc: {  	p5 =	seq.s32 @!p4 s0, $0x13;
	s6 =	sshrl.u32 s6, $0x2;
	_ =	swait.ge [sflag:s26], $0x3200  }
0xcd: {  	s31 =	sand.u32 $0xFF, s9;
	s17 =	sadd.s32 $0x1000, s6;
	[sflag:s26] =	ssyncset.done $0x0  }
0xce: {  	s6 =	sor.u32 $0x900, s7;
	s18 =	sadd.s32 $0xA00, s7;
	[sflag:s26] =	ssyncadd.s32 $0xFFFFCE00  }
0xcf: {  	[tilespmem:s17], [sflag:$0x1] =	stream.indirect.gather [hbm4b:s19+s21], $0x80, s22, s21, $0xb8;
	[tilespmem:$0x1E480] =	vst v63  }
.Ltmp1:
0xd0: {  	s5 =	rddreg [dreg:$0x9];
	_ =	swait.ge [sflag:s29], $0x3200;
	(pc) =	sbr.rel @p6 .LBB2_4-.Ltmp1, $4  }
0xd1: {  	s20 =	simm.s32 @p2 $0x1;
	s25 =	sshrl.u32 s2, $0x2;
	[sflag:s29] =	ssyncset.done $0x0  }
0xd2: {  	p3 =	sgt.u32 s5, $0x11;
	s5 =	simm.s32 @!p2 $0x3;
	[sflag:s29] =	ssyncadd.s32 $0xFFFFCE00  }
0xd3: {  	[spmem:s23] =	stream.indirect.scatter.add.f32 [tilespmem:s3], [sflag:$0x3], $0x80, s6, s21, $0xb8;
	[tilespmem:$0x1E480] =	vst v63  }
0xd4: {  	s10 =	simm.s32 @!p3 $0x0;
	s22 =	sxor.u32 @!p1 $0x1000, s2;
	_ =	swait.ge [sflag:s26], $0x3200  }
0xd5: {  	[sflag:s26] =	ssyncset.done $0x0  }
0xd6: {  	[sflag:s26] =	ssyncadd.s32 $0xFFFFCE00  }
0xd7: {  	_ =	swait.ge @p2 [sflag:s20], $0x3200  }
0xd8: {  	[sflag:s20] =	ssyncset.done @p2 $0x0  }
0xd9: {  	s2 =	sadd.s32 @p2 $0x980, s7;
	s3 =	simm.s32 @p2 $0x64;
	[sflag:s20] =	ssyncadd.s32 @p2 $0xFFFFCE00  }
0xda: {  	[spmem:s23] =	stream.indirect.scatter.add.f32 @p2 [tilespmem:s16], [sflag:$0x3], $0x80, s2, s3, $0xb8;
	[tilespmem:$0x1E480] =	vst v63  }
0xdb: {  	s2 =	simm.s32 @p2 $0x3  }
0xdc: {  	_ =	swait.ge @p2 [sflag:s2], $0x3200  }
0xdd: {  	[sflag:s2] =	ssyncset.done @p2 $0x0  }
0xde: {  	[sflag:s2] =	ssyncadd.s32 @p2 $0xFFFFCE00;
	s2 =	rddreg [dreg:$0x5]  }
0xdf: {  	[tilespmem:s11], [sflag:$0x1] =	stream.indirect.gather @!p2 [hbm4b:s19+s24], $0x80, s2, s24, $0xb8;
	[tilespmem:$0x1E480] =	vst v63  }
0xe0: {  	_ =	swait.ge @!p2 [sflag:s1], $0x3200  }
0xe1: {  	[sflag:s1] =	ssyncset.done @!p2 $0x0  }
0xe2: {  	[sflag:s1] =	ssyncadd.s32 @!p2 $0xFFFFCE00;
	s1 =	rddreg [dreg:$0x8]  }
0xe3: {  	[spmem:s23] =	stream.indirect.scatter.add.f32 @!p2 [tilespmem:s16], [sflag:$0x3], $0x80, s1, s24, $0xb8;
	[tilespmem:$0x1E480] =	vst v63  }
0xe4: {  	_ =	swait.ge @!p2 [sflag:s5], $0x3200  }
0xe5: {  	[sflag:s5] =	ssyncset.done @!p2 $0x0  }
0xe6: {  	s1 =	rddreg [dreg:$0x7];
	[sflag:s5] =	ssyncadd.s32 @!p2 $0xFFFFCE00  }
0xe7: {  	[tilespmem:s15], [sflag:$0x1] =	stream.indirect.gather @!p2 [hbm4b:s19+s24], $0x80, s1, s24, $0xb8;
	[tilespmem:$0x1E480] =	vst v63  }
0xe8: {  	s4 =	sadd.s32 $0x4, s9;
	s6 =	sadd.s32 $0x3, s9;
	_ =	swait.ge [sflag:s29], $0x3200  }
0xe9: {  	s28 =	sor.u32 $0x100, s25;
	s15 =	sadd.s32 $0x2, s9;
	[sflag:s29] =	ssyncset.done $0x0  }
0xea: {  	p2 =	por p5, p4;
	s24 =	sand.u32 $0xFF, s6;
	[sflag:s29] =	ssyncadd.s32 $0xFFFFCE00  }
0xeb: {  	[spmem:s23] =	stream.indirect.scatter.add.f32 [tilespmem:s17], [sflag:$0x3], $0x80, s18, s21, $0xb8;
	[tilespmem:$0x1E480] =	vst v63  }
0xec: {  	s16 =	sand.u32 $0xFF, s15;
	s8 =	simm.s32 @!p2 $0x2;
	s17 =	smul.u32 $0xAB, s31  }
0xed: {  	s2 =	smul.u32 $0xAB, s24;
	s18 =	sadd.s32 $0x1, s9;
	_ =	swait.ge [sflag:s26], $0x3200  }
0xee: {  	s1 =	rddreg [dreg:$0x3];
	[sflag:s26] =	ssyncset.done $0x0;
	s5 =	sshrl.u32 s17, $0x9  }
0xef: {  	s1 =	sadd.s32 @!p3 s30, s1;
	[sflag:s26] =	ssyncadd.s32 $0xFFFFCE00;
	s5 =	smul.u32 $0x3, s5  }
0xf0: {  	[tilespmem:s7], [sflag:$0x2] =	stream.linear.gather @!p3 [hbm4b:s1+s10], $0x280, $0x38;
	[tilespmem:$0x1E480] =	vst v63  }
0xf1: {  	s20 =	sand.u32 $0xFF, s18;
	s3 =	rddreg [dreg:$0x4];
	s1 =	smul.u32 $0xAB, s16  }
0xf2: {  	s31 =	sshrl.u32 s2, $0x9;
	s3 =	sadd.s32 @!p3 s30, s3;
	s30 =	smul.u32 $0xAB, s20  }
0xf3: {  	s2 =	sand.u32 $0x400, s12;
	s7 =	smul.u32 $0x3, s31;
	s1 =	sshrl.u32 s1, $0x9  }
0xf4: {  	s12 =	sand.u32 $0xFF, s4;
	s17 =	sor.u32 $0x180, s25;
	s1 =	smul.u32 $0x3, s1  }
0xf5: {  	[tilespmem:s13], [sflag:$0x2] =	stream.linear.gather @!p3 [hbm4b:s3+s10], $0x280, $0x38;
	[tilespmem:$0x1E480] =	vst v63  }
0xf6: {  	s5 =	ssub.s32 s9, s5;
	_ =	swait.ge @!p2 [sflag:s8], $0x280;
	s1 =	ssub.s32 s15, s1  }
0xf7: {  	s5 =	sand.u32 $0xFF, s5;
	[sflag:s8] =	ssyncset.done @!p2 $0x0;
	s1 =	sand.u32 $0xFF, s1  }
0xf8: {  	s6 =	ssub.s32 s6, s7;
	[sflag:s8] =	ssyncadd.s32 @!p2 $0xFFFFFD80;
	s1 =	smul.u32 $0xD000, s1  }
0xf9: {  	s5 =	smul.u32 $0xD000, s5;
	s6 =	sand.u32 $0xFF, s6;
	_ =	swait.ge @!p2 [sflag:s8], $0x280  }
0xfa: {  	s6 =	smul.u32 $0xD000, s6;
	[sflag:s8] =	ssyncset.done @!p2 $0x0;
	s1 =	sshrl.u32 s1, $0x2  }
0xfb: {  	s5 =	sshrl.u32 s5, $0x2;
	[sflag:s8] =	ssyncadd.s32 @!p2 $0xFFFFFD80;
	s10 =	sadd.s32 $0x1000, s1  }
0xfc: {  	[tilespmem:s10], [sflag:$0x1] =	stream.indirect.gather [hbm4b:s19+s21], $0x80, s28, s21, $0xb8;
	[tilespmem:$0x1E480] =	vst v63  }
0xfd: {  	s11 =	sadd.s32 $0x1000, s5;
	s5 =	sor.u32 $0x800, s2;
	_ =	swait.ge [sflag:s29], $0x3200  }
0xfe: {  	s8 =	smul.u32 $0xAB, s12;
	s1 =	sshrl.u32 s30, $0x9;
	[sflag:s29] =	ssyncset.done $0x0  }
0xff: {  	s16 =	sshrl.u32 s6, $0x2;
	s1 =	smul.u32 $0x3, s1;
	[sflag:s29] =	ssyncadd.s32 $0xFFFFCE00  }
0x100: {  	[spmem:s23] =	stream.indirect.scatter.add.f32 [tilespmem:s11], [sflag:$0x3], $0x80, s5, s21, $0xb8;
	[tilespmem:$0x1E480] =	vst v63  }
0x101: {  	s13 =	sshrl.u32 s8, $0x9;
	s1 =	ssub.s32 s18, s1;
	_ =	swait.ge [sflag:s26], $0x3200  }
0x102: {  	s3 =	smul.u32 $0x3, s13;
	s1 =	sand.u32 $0xFF, s1;
	[sflag:s26] =	ssyncset.done $0x0  }
0x103: {  	s15 =	smul.u32 $0xD000, s1;
	s1 =	sadd.s32 $0x1000, s16;
	[sflag:s26] =	ssyncadd.s32 $0xFFFFCE00  }
0x104: {  	[tilespmem:s1], [sflag:$0x1] =	stream.indirect.gather [hbm4b:s19+s21], $0x80, s17, s21, $0xb8;
	[tilespmem:$0x1E480] =	vst v63  }
0x105: {  	s20 =	sor.u32 $0x880, s2;
	s3 =	ssub.s32 s4, s3;
	_ =	swait.ge [sflag:s29], $0x3200  }
0x106: {  	s3 =	sand.u32 $0xFF, s3;
	s18 =	sshrl.u32 s15, $0x2;
	[sflag:s29] =	ssyncset.done $0x0  }
0x107: {  	s3 =	smul.u32 $0xD000, s3;
	s4 =	sadd.s32 $0x1000, s18;
	[sflag:s29] =	ssyncadd.s32 $0xFFFFCE00  }
0x108: {  	[spmem:s23] =	stream.indirect.scatter.add.f32 [tilespmem:s4], [sflag:$0x3], $0x80, s20, s21, $0xb8;
	[tilespmem:$0x1E480] =	vst v63  }
0x109: {  	_ =	swait.ge [sflag:s26], $0x3200  }
0x10a: {  	s3 =	sshrl.u32 s3, $0x2;
	[sflag:s26] =	ssyncset.done $0x0  }
0x10b: {  	s24 =	sor.u32 $0x200, s25;
	s3 =	sadd.s32 $0x1000, s3;
	[sflag:s26] =	ssyncadd.s32 $0xFFFFCE00  }
0x10c: {  	[tilespmem:s3], [sflag:$0x1] =	stream.indirect.gather [hbm4b:s19+s21], $0x80, s24, s21, $0xb8;
	[tilespmem:$0x1E480] =	vst v63  }
0x10d: {  	s4 =	sadd.s32 @!p1 $0x5, s9;
	_ =	swait.ge [sflag:s29], $0x3200  }
0x10e: {  	s6 =	sand.u32 @!p1 $0xFF, s4;
	[sflag:s29] =	ssyncset.done $0x0  }
0x10f: {  	s25 =	sor.u32 $0x900, s2;
	s6 =	smul.u32 @!p1 $0xAB, s6;
	[sflag:s29] =	ssyncadd.s32 $0xFFFFCE00  }
0x110: {  	[spmem:s23] =	stream.indirect.scatter.add.f32 [tilespmem:s10], [sflag:$0x3], $0x80, s25, s21, $0xb8;
	[tilespmem:$0x1E480] =	vst v63  }
0x111: {  	s6 =	sshrl.u32 @!p1 s6, $0x9;
	_ =	swait.ge [sflag:s26], $0x3200  }
0x112: {  	p2 =	por p1, p1;
	s6 =	smul.u32 @!p1 $0x3, s6;
	[sflag:s26] =	ssyncset.done $0x0  }
0x113: {  	s7 =	simm.s32 @p2 $0x1;
	[sflag:s26] =	ssyncadd.s32 $0xFFFFCE00  }
0x114: {  	s4 =	ssub.s32 @!p1 s4, s6;
	_ =	swait.ge @p2 [sflag:s7], $0x3200  }
0x115: {  	s6 =	sadd.s32 @p2 $0x980, s2;
	s4 =	sand.u32 @!p1 $0xFF, s4;
	[sflag:s7] =	ssyncset.done @p2 $0x0  }
0x116: {  	s4 =	smul.u32 @!p2 $0xD000, s4;
	[sflag:s7] =	ssyncadd.s32 @p2 $0xFFFFCE00;
	s7 =	simm.s32 @p2 $0x64  }
0x117: {  	[spmem:s23] =	stream.indirect.scatter.add.f32 @p2 [tilespmem:s1], [sflag:$0x3], $0x80, s6, s7, $0xb8;
	[tilespmem:$0x1E480] =	vst v63  }
0x118: {  	s6 =	simm.s32 @p2 $0x3  }
0x119: {  	s8 =	sadd.s32 @!p1 $0x6, s9;
	s4 =	sshrl.u32 @!p2 s4, $0x2;
	_ =	swait.ge @p2 [sflag:s6], $0x3200  }
0x11a: {  	s9 =	sand.u32 @!p1 $0xFF, s8;
	s4 =	sadd.s32 @!p2 $0x1000, s4;
	[sflag:s6] =	ssyncset.done @p2 $0x0  }
0x11b: {  	s7 =	sshrl.u32 @!p1 s22, $0x2;
	[sflag:s6] =	ssyncadd.s32 @p2 $0xFFFFCE00;
	s6 =	simm.s32 @!p2 $0x64  }
0x11c: {  	[tilespmem:s4], [sflag:$0x1] =	stream.indirect.gather @!p2 [hbm4b:s19+s6], $0x80, s7, s6, $0xb8;
	[tilespmem:$0x1E480] =	vst v63  }
0x11d: {  	s4 =	smul.u32 @!p1 $0xAB, s9;
	s9 =	simm.s32 @!p2 $0x1  }
0x11e: {  	_ =	swait.ge @!p2 [sflag:s9], $0x3200  }
0x11f: {  	s4 =	sshrl.u32 @!p1 s4, $0x9;
	[sflag:s9] =	ssyncset.done @!p2 $0x0  }
0x120: {  	s4 =	smul.u32 @!p1 $0x3, s4;
	[sflag:s9] =	ssyncadd.s32 @!p2 $0xFFFFCE00;
	s9 =	sadd.s32 @!p2 $0x980, s2  }
0x121: {  	[spmem:s23] =	stream.indirect.scatter.add.f32 @!p2 [tilespmem:s1], [sflag:$0x3], $0x80, s9, s6, $0xb8;
	[tilespmem:$0x1E480] =	vst v63  }
0x122: {  	s1 =	ssub.s32 @!p2 s8, s4  }
0x123: {  	s1 =	sand.u32 @!p2 $0xFF, s1  }
0x124: {  	s4 =	simm.s32 @!p2 $0x3;
	s1 =	smul.u32 @!p2 $0xD000, s1  }
0x125: {  	_ =	swait.ge @!p2 [sflag:s4], $0x3200  }
0x126: {  	[sflag:s4] =	ssyncset.done @!p2 $0x0;
	s1 =	sshrl.u32 @!p2 s1, $0x2  }
0x127: {  	[sflag:s4] =	ssyncadd.s32 @!p2 $0xFFFFCE00;
	s4 =	sadd.s32 @!p1 $0x80, s7;
	s1 =	sadd.s32 @!p2 $0x1000, s1  }
0x128: {  	[tilespmem:s1], [sflag:$0x1] =	stream.indirect.gather @!p2 [hbm4b:s19+s6], $0x80, s4, s6, $0xb8;
	[tilespmem:$0x1E480] =	vst v63  }
0x129: {  	_ =	swait.ge [sflag:s29], $0x3200  }
0x12a: {  	[sflag:s29] =	ssyncset.done $0x0  }
0x12b: {  	s28 =	sadd.s32 $0xA00, s2;
	[sflag:s29] =	ssyncadd.s32 $0xFFFFCE00  }
0x12c: {  	[spmem:s23] =	stream.indirect.scatter.add.f32 [tilespmem:s3], [sflag:$0x3], $0x80, s28, s21, $0xb8;
	[tilespmem:$0x1E480] =	vst v63  }
0x12d: {  	p1 =	sgt.u32 s0, $0x11;
	_ =	swait.ge [sflag:s26], $0x3200  }
0x12e: {  	s3 =	simm.s32 @!p1 $0x0;
	s1 =	rddreg [dreg:$0x3];
	[sflag:s26] =	ssyncset.done $0x0  }
0x12f: {  	s0 =	rddreg [dreg:$0x4];
	s1 =	sadd.s32 @!p1 s14, s1;
	[sflag:s26] =	ssyncadd.s32 $0xFFFFCE00  }
0x130: {  	[tilespmem:s2], [sflag:$0x2] =	stream.linear.gather @!p1 [hbm4b:s1+s3], $0x280, $0x38;
	[tilespmem:$0x1E480] =	vst v63  }
0x131: {  	s0 =	sadd.s32 @!p1 s14, s0  }
0x132: {  	[tilespmem:s5], [sflag:$0x2] =	stream.linear.gather @!p1 [hbm4b:s0+s3], $0x280, $0x38;
	[tilespmem:$0x1E480] =	vst v63  }
0x133: {  	[bflag:$0x0] =	sbarrier.arrive $0xFFFF  }
0x134: {  	s1 =	rddreg [dreg:$0x1c]  }
0x135: {  	s0 =	simm.s32 @p0 $0x1FC3;
	s2 =	rddreg [dreg:$0x1e]  }
0x136: {  	[hbm:s1], [sflag:s0] =	dma.local @p0 [spmem:s2], $0x2800  }
0x137: {  	s0 =	simm.s32 @p0 $0x3  }
0x138: {  	s1 =	stileid.u32;
	_ =	swait.ge @p0 [sflag:s0], $0x2800  }
0x139: {  	s1 =	sshll.u32 @!p0 s1, $0x6;
	[sflag:s0] =	ssyncset.done @p0 $0x0;
	s2 =	rddreg [dreg:$0x1f]  }
0x13a: {  	[sflag:s0] =	ssyncadd.s32 @p0 $0xFFFFD800;
	s0 =	sor.u32 @!p0 $0x1C03, s1;
	s1 =	rddreg [dreg:$0x1b]  }
0x13b: {  	[hbm:s1], [sflag:s0] =	dma.local @!p0 [spmem:s2], $0x2700  }
0x13c: {  	s0 =	simm.s32 @!p0 $0x3  }
0x13d: {  	_ =	swait.ge @!p0 [sflag:s0], $0x2700  }
0x13e: {  	s30 =	rddreg [dreg:$0xf]  }
0x13f: {  	s31 =	rddreg [dreg:$0x1d];
	s9 =	sadd.s32 $0x1, s30  }
0x140: {  	p1 =	sne.s32 s9, s31  }
.Ltmp2:
0x141: {  	_ = 	snop;
	(pc) =	sbr.rel @p1 .LBB2_1-.Ltmp2, $3  }
0x142: {  	_ =	sdelay $0x1  }
0x143: {  	[sflag:s0] =	ssyncset.done @!p0 $0x0  }
0x144: {  	[sflag:s0] =	ssyncadd.s32 @!p0 $0xFFFFD900  }
0x145: {  	_ =	sfence.sel $0x180000  }
0x146: {  	[bflag:$0x0] =	sbarrier.arrive $0xFFFF  }
0x147: {  	_ =	strace $0x9000004D  }
0x148: {  	s0 =	stileid.u32;
	[bflag:$0x2] =	sbarrier.arrive $0xFFFF  }
0x149: {  	p0 =	sne.s32 s0, $0x0;
	s0 =	rddreg [dreg:$0x2]  }
0x14a: {  	s0 =	sadd.s32 @!p0 $0x100000, s0  }
0x14b: {  	[sflag:s0] =	ssyncadd.tile.s32 @!p0 $0x1;
	_ =	shalt  }
.Lfunc_end2:
_tile_overlayer_lowered:
.L_overlay_start_2:
0x14c: {  	(tag) =	ssettag $0x2  }
0x14d: {  	s0 =	rddreg [dreg:$0x0];
	s2 =	stileid.u32  }
0x14e: {  	s1 =	rddreg [dreg:$0x1];
	p0 =	sne.s32 s2, $0x0  }
0x14f: {  	s3 =	rddreg [dreg:$0x2];
	[bflag:$0x3] =	sbarrier.arrive $0xFFFF;
	s2 =	simm.s32 @!p0 $0x1C03  }
0x150: {  	[timem:s3], [sflag:s2] =	dma.local @!p0 [hbm:s0], s1  }
0x151: {  	s0 =	simm.s32 @!p0 $0x3  }
0x152: {  	_ =	swait.ge @!p0 [sflag:s0], s1  }
0x153: {  	s1 =	ssub.s32 @!p0 $0x0, s1;
	[sflag:s0] =	ssyncset.done @!p0 $0x0  }
0x154: {  	[sflag:s0] =	ssyncadd.s32 @!p0 s1  }
0x155: {  	[bflag:$0x3] =	sbarrier.arrive $0xFFFF  }
0x156: {  	_ =	shalt  }

</sc_bundles>
